<compile_context>
chip_gen: v7x
topology: tpu7x:2x2x1
jax: 0.10.2.dev20260603
libtpu: 0.0.44.dev20260713+nightly
codegen_flags: <defaults>
</compile_context>

<pallas_src>
import functools

import jax
import jax.numpy as jnp
from jax import lax
from jax.experimental import pallas as pl
from jax.experimental.pallas import tpu as pltpu
from jax.experimental.pallas import tpu_sc as plsc

_N = 10000
_E = 160000
_D = 128
_NC = 2
_NS = 16
_NW = _NC * _NS
_K = 32
_NBLK = _E // _K
_MAXB = -(-_NBLK // _NW)
_NBUF = 3
_STEPS = _MAXB + _NBUF - 1
_NPAD = 10112
_RPT = _NPAD // _NS
_ZCH = 32
_VL = 30720
_VPT = _VL // _NS
_ZVB = 640

_L16 = (16,)


def _rsqrt(x):
    i = plsc.bitcast(x, jnp.int32)
    y = plsc.bitcast(jnp.int32(0x5F3759DF) - (i >> 1), jnp.float32)
    for _ in range(3):
        y = y * (1.5 - 0.5 * x * y * y)
    return y


def _make_sc_kernel():
    mesh = plsc.VectorSubcoreMesh(core_axis_name="c", subcore_axis_name="s")

    @functools.partial(
        pl.kernel,
        out_type=[
            jax.ShapeDtypeStruct((_NC, _NPAD, _D), jnp.float32),
            jax.ShapeDtypeStruct((_NC * _VL,), jnp.float32),
        ],
        mesh=mesh,
        compiler_params=pltpu.CompilerParams(needs_layout_passes=False),
        scratch_types=[
            pltpu.VMEM((_NBUF, _K), jnp.int32),
            pltpu.VMEM((_NBUF, _K, _D), jnp.float32),
            pltpu.VMEM((_NBUF, _K, _D), jnp.float32),
            pltpu.VMEM((_NBUF, 3 * _K), jnp.float32),
            pltpu.VMEM((_NBUF, 3 * _K), jnp.float32),
            pltpu.VMEM((_NBUF * 3, _K), jnp.int32),
            pltpu.VMEM((_K,), jnp.float32),
            pltpu.VMEM((_ZVB,), jnp.float32),
            pltpu.VMEM_SHARED((_NPAD, _D), jnp.float32),
            pltpu.VMEM_SHARED((_VL,), jnp.float32),
            pltpu.SemaphoreType.DMA((_NBUF,)),
            pltpu.SemaphoreType.DMA((_NBUF,)),
            pltpu.SemaphoreType.DMA((_NBUF,)),
            pltpu.SemaphoreType.DMA((_NBUF,)),
        ],
    )
    def sc_kernel(feat_hbm, idx_hbm, fij_hbm, rb_hbm, wpart, vpart,
                  idx_v, w_v, g_v, r_v, vec_v, idx2_v, s_v, zf_v,
                  w_acc, v_acc, isem, wsem, gsem, ssem):
        c = lax.axis_index("c")
        s = lax.axis_index("s")
        wid = s * _NC + c
        zf = jnp.zeros(_L16, jnp.float32)
        lanes = lax.iota(jnp.int32, 16)
        m15 = lanes == 15
        ci0 = jnp.zeros(_L16, jnp.int32)

        def _zrow(r, carry):
            for cc in range(_D // 16):
                w_v[0, r, pl.ds(cc * 16, 16)] = zf
            return carry
        lax.fori_loop(0, _K, _zrow, None)

        def _zflat(i, carry):
            zf_v[pl.ds(i * 16, 16)] = zf
            return carry
        lax.fori_loop(0, _ZVB // 16, _zflat, None)

        base = s * _RPT
        off = 0
        while off < _RPT:
            ln = min(_ZCH, _RPT - off)
            pltpu.sync_copy(w_v.at[0, pl.ds(0, ln)],
                            w_acc.at[pl.ds(base + off, ln)])
            off += ln
        vbase = s * _VPT
        off = 0
        while off < _VPT:
            ln = min(_ZVB, _VPT - off)
            pltpu.sync_copy(zf_v.at[pl.ds(0, ln)],
                            v_acc.at[pl.ds(vbase + off, ln)])
            off += ln
        plsc.subcore_barrier()

        def scatter_descs(k):
            return [pltpu.make_async_copy(
                        w_v.at[k], w_acc.at[idx_v.at[k]], ssem.at[k])] + [
                    pltpu.make_async_copy(
                        vec_v.at[k, pl.ds(cc * _K, _K)],
                        v_acc.at[idx2_v.at[k * 3 + cc]], ssem.at[k])
                    for cc in range(3)]

        def drain_scatters(t, k):
            b = wid + t * _NW

            @pl.when((t >= 0) & (t < _MAXB) & (b < _NBLK))
            def _():
                for d in scatter_descs(k):
                    d.wait()

        def issue_inputs(t, k):
            b = wid + t * _NW

            @pl.when((t >= 0) & (t < _MAXB) & (b < _NBLK))
            def _():
                e0 = b * _K
                pltpu.async_copy(idx_hbm.at[pl.ds(_E + e0, _K)], idx_v.at[k],
                                 isem.at[k])
                pltpu.async_copy(fij_hbm.at[pl.ds(e0, _K)], w_v.at[k],
                                 wsem.at[k])
                pltpu.async_copy(rb_hbm.at[pl.ds(3 * e0, 3 * _K)], r_v.at[k],
                                 wsem.at[k])

        def issue_gather(t, k):
            b = wid + t * _NW

            @pl.when((t >= 0) & (t < _MAXB) & (b < _NBLK))
            def _():
                pltpu.make_async_copy(idx_hbm.at[pl.ds(_E, _K)], idx_v.at[k],
                                      isem.at[k]).wait()
                pltpu.async_copy(feat_hbm.at[idx_v.at[k]], g_v.at[k],
                                 gsem.at[k])

        def compute_block(t, k):
            b = wid + t * _NW

            @pl.when((t >= 0) & (t < _MAXB) & (b < _NBLK))
            def _():
                pltpu.make_async_copy(fij_hbm.at[pl.ds(0, _K)], w_v.at[k],
                                      wsem.at[k]).wait()
                pltpu.make_async_copy(rb_hbm.at[pl.ds(0, 3 * _K)], r_v.at[k],
                                      wsem.at[k]).wait()
                pltpu.make_async_copy(feat_hbm.at[idx_v.at[k]], g_v.at[k],
                                      gsem.at[k]).wait()

                def edot(i, carry):
                    for kk in range(4):
                        e = i * 4 + kk
                        pa = (w_v[k, e, pl.ds(0, 16)]
                              * g_v[k, e, pl.ds(0, 16)])
                        pb = (w_v[k, e, pl.ds(16, 16)]
                              * g_v[k, e, pl.ds(16, 16)])
                        for cg in range(2, _D // 16, 2):
                            pa = pa + (w_v[k, e, pl.ds(cg * 16, 16)]
                                       * g_v[k, e, pl.ds(cg * 16, 16)])
                            pb = pb + (w_v[k, e, pl.ds(cg * 16 + 16, 16)]
                                       * g_v[k, e, pl.ds(cg * 16 + 16, 16)])
                        cs = plsc.cumsum(pa + pb)
                        plsc.store_scatter(s_v, [ci0 + e], cs, mask=m15)
                    return carry
                lax.fori_loop(0, _K // 4, edot, None)

                for grp in range(_K // 16):
                    j0 = grp * 16
                    sdot = s_v[pl.ds(j0, 16)]
                    x = r_v[k, pl.ds(j0, 16)]
                    y = r_v[k, pl.ds(_K + j0, 16)]
                    z = r_v[k, pl.ds(2 * _K + j0, 16)]
                    f = sdot * _rsqrt(x * x + y * y + z * z)
                    vec_v[k, pl.ds(j0, 16)] = x * f
                    vec_v[k, pl.ds(_K + j0, 16)] = y * f
                    vec_v[k, pl.ds(2 * _K + j0, 16)] = z * f
                    idxc = idx_v[k, pl.ds(j0, 16)]
                    for cc in range(3):
                        idx2_v[k * 3 + cc, pl.ds(j0, 16)] = idxc + cc * _NPAD

                pltpu.async_copy(w_v.at[k], w_acc.at[idx_v.at[k]],
                                 ssem.at[k], add=True)
                for cc in range(3):
                    pltpu.async_copy(vec_v.at[k, pl.ds(cc * _K, _K)],
                                     v_acc.at[idx2_v.at[k * 3 + cc]],
                                     ssem.at[k], add=True)

        def pipe(h, carry):
            t0 = h * _NBUF
            for kk in range(_NBUF):
                t = t0 + kk
                drain_scatters(t - _NBUF, kk)
                issue_inputs(t, kk)
                issue_gather(t - 1, (kk - 1) % _NBUF)
                compute_block(t - 2, (kk - 2) % _NBUF)
            return carry
        lax.fori_loop(0, -(-_STEPS // _NBUF), pipe, None)

        for t in range(max(0, _STEPS - _NBUF), _MAXB):
            drain_scatters(t, t % _NBUF)

        plsc.subcore_barrier()
        pltpu.sync_copy(w_acc.at[pl.ds(base, _RPT)],
                        wpart.at[c, pl.ds(base, _RPT)])
        pltpu.sync_copy(v_acc.at[pl.ds(vbase, _VPT)],
                        vpart.at[pl.ds(c * _VL + vbase, _VPT)])

    return sc_kernel


_GRID = 10
_BR = _N // _GRID
_BC = 1024


def _combine_body(feat_ref, wp_ref, vp_ref, rad_ref, nrm_ref):
    wsum = wp_ref[0] + wp_ref[1]
    rad_ref[...] = feat_ref[...] * wsum
    v = vp_ref[0] + vp_ref[1]
    nrm_ref[pl.program_id(0)] = jnp.sqrt(v[0] * v[0] + v[1] * v[1]
                                         + v[2] * v[2])


@functools.cache
def _build():
    sc_kernel = _make_sc_kernel()
    combine = pl.pallas_call(
        _combine_body,
        grid=(_GRID,),
        in_specs=[
            pl.BlockSpec((_BR, _D), lambda g: (g, 0)),
            pl.BlockSpec((_NC, _BR, _D), lambda g: (0, g, 0)),
            pl.BlockSpec((_NC, 3, _BC), lambda g: (0, 0, g)),
        ],
        out_specs=[
            pl.BlockSpec((_BR, _D), lambda g: (g, 0)),
            pl.BlockSpec((_GRID, _BC), lambda g: (0, 0)),
        ],
        out_shape=[
            jax.ShapeDtypeStruct((_N, _D), jnp.float32),
            jax.ShapeDtypeStruct((_GRID, _BC), jnp.float32),
        ],
    )
    return sc_kernel, combine


def kernel(per_atom_feature_tensor, pairlist, f_ij_cutoff, r_ij):
    assert per_atom_feature_tensor.shape == (_N, _D)
    assert f_ij_cutoff.shape == (_E, _D)
    sc_kernel, combine = _build()
    idx2e = pairlist.reshape(2 * _E)
    rb = r_ij.T.reshape(3, _NBLK, _K).transpose(1, 0, 2).reshape(-1)
    wpart, vpart = sc_kernel(per_atom_feature_tensor, idx2e, f_ij_cutoff, rb)
    vpart3 = vpart.reshape(_NC, _VL)[:, :3 * _NPAD].reshape(_NC, 3, _NPAD)
    radial, nrm = combine(per_atom_feature_tensor, wpart, vpart3)
    return radial, nrm.reshape(_GRID * _BC)[:_N]

# --- scband reference (transcript-rebuilt; emitter-appended) ---
"""Pipeline reference for scband-base-message-module-86706799772382 (READ-ONLY COPY).

The authoritative reference and input builder live on the scoring server;
editing this copy changes nothing except your own understanding.
"""

import jax, jax.numpy as jnp
import numpy as np

N = 10000
E = 160000
D = 128


def setup_inputs(seed: int = 0) -> dict:
    key = jax.random.key(seed)
    k1, k2, k3, k4 = jax.random.split(key, 4)
    per_atom_feature_tensor = jax.random.normal(k1, (N, D), dtype=jnp.float32)
    pairlist = jax.random.randint(k2, (2, E), 0, N, dtype=jnp.int32)
    f_ij_cutoff = jax.random.uniform(k3, (E, D), dtype=jnp.float32)
    r_ij = jax.random.normal(k4, (E, 3), dtype=jnp.float32)
    return {
        "per_atom_feature_tensor": per_atom_feature_tensor,
        "pairlist": pairlist,
        "f_ij_cutoff": f_ij_cutoff,
        "r_ij": r_ij,
    }


def reference(per_atom_feature_tensor, pairlist, f_ij_cutoff, r_ij):
    # Faithful translation of BaseMessageModule.calculate_contributions.
    # NOTE: the original code scatters with idx_j (the gather index), which is
    # what the torch source does; we reproduce it exactly.
    idx_j = pairlist[1]
    r_ij_norm = jnp.linalg.norm(r_ij, axis=1, keepdims=True)
    u_ij = r_ij / r_ij_norm                                    # [E, 3]
    gathered = jnp.take(per_atom_feature_tensor, idx_j, axis=0)  # [E, D]
    proto_v_r_a = f_ij_cutoff * gathered                        # [E, D]
    radial_contributions = jnp.zeros((N, D), dtype=per_atom_feature_tensor.dtype)
    radial_contributions = radial_contributions.at[idx_j].add(proto_v_r_a)
    vector_prot_step1 = u_ij[:, :, None] * f_ij_cutoff[:, None, :]   # [E, 3, D]
    vector_prot_step2 = vector_prot_step1 * gathered[:, None, :]     # [E, 3, D]
    vector_prot_step2 = vector_prot_step2.sum(axis=-1)               # [E, 3]
    vector_contributions = jnp.zeros((N, 3), dtype=jnp.float32)
    vector_contributions = vector_contributions.at[idx_j].add(vector_prot_step2)
    vector_norms = jnp.linalg.norm(vector_contributions, ord=2, axis=1)  # [N]
    return (radial_contributions, vector_norms)

if __name__ == "__main__":
    import jax
    _d = setup_inputs()
    print(jax.jit(kernel)(*tuple(_d.values())))

</pallas_src>

<mosaic_0001>
#map = affine_map<(d0, d1) -> (0, 0)>
#map1 = affine_map<(d0, d1) -> (0)>
#map2 = affine_map<(d0, d1) -> (0, 0, 0)>
module attributes {stable_mosaic.version = 14 : i64} {
  func.func @sc_kernel(%arg0: i32, %arg1: i32, %arg2: memref<10000x128xf32, #tpu.memory_space<hbm>>, %arg3: memref<320000xi32, #tpu.memory_space<hbm>>, %arg4: memref<160000x128xf32, #tpu.memory_space<hbm>>, %arg5: memref<480000xf32, #tpu.memory_space<hbm>>, %arg6: memref<2x10112x128xf32, #tpu.memory_space<hbm>>, %arg7: memref<61440xf32, #tpu.memory_space<hbm>>, %arg8: memref<3x32xi32, #tpu.memory_space<vmem>>, %arg9: memref<3x32x128xf32, #tpu.memory_space<vmem>>, %arg10: memref<3x32x128xf32, #tpu.memory_space<vmem>>, %arg11: memref<3x96xf32, #tpu.memory_space<vmem>>, %arg12: memref<3x96xf32, #tpu.memory_space<vmem>>, %arg13: memref<9x32xi32, #tpu.memory_space<vmem>>, %arg14: memref<32xf32, #tpu.memory_space<vmem>>, %arg15: memref<640xf32, #tpu.memory_space<vmem>>, %arg16: memref<10112x128xf32, #tpu.memory_space<vmem_shared>>, %arg17: memref<30720xf32, #tpu.memory_space<vmem_shared>>, %arg18: memref<3x!tpu.dma_semaphore, #tpu.memory_space<semaphore_mem>>, %arg19: memref<3x!tpu.dma_semaphore, #tpu.memory_space<semaphore_mem>>, %arg20: memref<3x!tpu.dma_semaphore, #tpu.memory_space<semaphore_mem>>, %arg21: memref<3x!tpu.dma_semaphore, #tpu.memory_space<semaphore_mem>>) attributes {dimension_semantics = [#tpu.dimension_semantics<core_parallel>, #tpu.dimension_semantics<subcore_parallel>], iteration_bounds = array<i64: 2, 16>, scalar_prefetch = 0 : i64, scratch_operands = 14 : i64, tpu.core_type = #tpu.core_type<sc_vector_subcore>, window_params = [{transform_indices = #map}, {transform_indices = #map1}, {transform_indices = #map}, {transform_indices = #map1}, {transform_indices = #map2}, {transform_indices = #map1}]} {
    %mul3A = arith.constant 2 : i32
    %mul3A_0 = arith.muli %arg1, %mul3A : i32
    %add3A = arith.addi %mul3A_0, %arg0 : i32
    %broadcast_in_dim3A = arith.constant 0.000000e+00 : f32
    %broadcast_in_dim3A_1 = vector.broadcast %broadcast_in_dim3A : f32 to vector<16xf32>
    %iota3A = tpu.iota {dimensions = array<i32: 0>} : vector<16xi32>
    %eq3A = arith.constant 15 : i32
    %eq3A_2 = vector.broadcast %eq3A : i32 to vector<16xi32>
    %eq3A_3 = arith.cmpi eq, %iota3A, %eq3A_2 : vector<16xi32>
    %broadcast_in_dim3A_4 = arith.constant 0 : i32
    %broadcast_in_dim3A_5 = vector.broadcast %broadcast_in_dim3A_4 : i32 to vector<16xi32>
    %scan3A = arith.constant 0 : i32
    %scan3A_6 = arith.constant 32 : i32
    %scan3A_7 = arith.addi %scan3A, %scan3A_6 : i32
    %scan3A_8 = arith.constant 1 : i32
    scf.for %scan3A_98 = %scan3A to %scan3A_7 step %scan3A_8  : i32 {
      %swap3A = arith.constant 0 : i32
      %swap3A_99 = arith.index_cast %swap3A : i32 to index
      %swap3A_100 = arith.index_cast %scan3A_98 : i32 to index
      %swap3A_101 = arith.constant 0 : index
      %swap3A_102 = tpu.vector_load %arg9[%swap3A_99, %swap3A_100, %swap3A_101] {strides = array<i32>} : memref<3x32x128xf32, #tpu.memory_space<vmem>>, vector<16xf32>,
      tpu.vector_store %arg9[%swap3A_99, %swap3A_100, %swap3A_101], %broadcast_in_dim3A_1 {strides = array<i32>} : memref<3x32x128xf32, #tpu.memory_space<vmem>>, vector<16xf32>,
      %swap3A_103 = arith.constant 0 : i32
      %swap3A_104 = arith.index_cast %swap3A_103 : i32 to index
      %swap3A_105 = arith.index_cast %scan3A_98 : i32 to index
      %swap3A_106 = arith.constant 16 : index
      %swap3A_107 = tpu.vector_load %arg9[%swap3A_104, %swap3A_105, %swap3A_106] {strides = array<i32>} : memref<3x32x128xf32, #tpu.memory_space<vmem>>, vector<16xf32>,
      tpu.vector_store %arg9[%swap3A_104, %swap3A_105, %swap3A_106], %broadcast_in_dim3A_1 {strides = array<i32>} : memref<3x32x128xf32, #tpu.memory_space<vmem>>, vector<16xf32>,
      %swap3A_108 = arith.constant 0 : i32
      %swap3A_109 = arith.index_cast %swap3A_108 : i32 to index
      %swap3A_110 = arith.index_cast %scan3A_98 : i32 to index
      %swap3A_111 = arith.constant 32 : index
      %swap3A_112 = tpu.vector_load %arg9[%swap3A_109, %swap3A_110, %swap3A_111] {strides = array<i32>} : memref<3x32x128xf32, #tpu.memory_space<vmem>>, vector<16xf32>,
      tpu.vector_store %arg9[%swap3A_109, %swap3A_110, %swap3A_111], %broadcast_in_dim3A_1 {strides = array<i32>} : memref<3x32x128xf32, #tpu.memory_space<vmem>>, vector<16xf32>,
      %swap3A_113 = arith.constant 0 : i32
      %swap3A_114 = arith.index_cast %swap3A_113 : i32 to index
      %swap3A_115 = arith.index_cast %scan3A_98 : i32 to index
      %swap3A_116 = arith.constant 48 : index
      %swap3A_117 = tpu.vector_load %arg9[%swap3A_114, %swap3A_115, %swap3A_116] {strides = array<i32>} : memref<3x32x128xf32, #tpu.memory_space<vmem>>, vector<16xf32>,
      tpu.vector_store %arg9[%swap3A_114, %swap3A_115, %swap3A_116], %broadcast_in_dim3A_1 {strides = array<i32>} : memref<3x32x128xf32, #tpu.memory_space<vmem>>, vector<16xf32>,
      %swap3A_118 = arith.constant 0 : i32
      %swap3A_119 = arith.index_cast %swap3A_118 : i32 to index
      %swap3A_120 = arith.index_cast %scan3A_98 : i32 to index
      %swap3A_121 = arith.constant 64 : index
      %swap3A_122 = tpu.vector_load %arg9[%swap3A_119, %swap3A_120, %swap3A_121] {strides = array<i32>} : memref<3x32x128xf32, #tpu.memory_space<vmem>>, vector<16xf32>,
      tpu.vector_store %arg9[%swap3A_119, %swap3A_120, %swap3A_121], %broadcast_in_dim3A_1 {strides = array<i32>} : memref<3x32x128xf32, #tpu.memory_space<vmem>>, vector<16xf32>,
      %swap3A_123 = arith.constant 0 : i32
      %swap3A_124 = arith.index_cast %swap3A_123 : i32 to index
      %swap3A_125 = arith.index_cast %scan3A_98 : i32 to index
      %swap3A_126 = arith.constant 80 : index
      %swap3A_127 = tpu.vector_load %arg9[%swap3A_124, %swap3A_125, %swap3A_126] {strides = array<i32>} : memref<3x32x128xf32, #tpu.memory_space<vmem>>, vector<16xf32>,
      tpu.vector_store %arg9[%swap3A_124, %swap3A_125, %swap3A_126], %broadcast_in_dim3A_1 {strides = array<i32>} : memref<3x32x128xf32, #tpu.memory_space<vmem>>, vector<16xf32>,
      %swap3A_128 = arith.constant 0 : i32
      %swap3A_129 = arith.index_cast %swap3A_128 : i32 to index
      %swap3A_130 = arith.index_cast %scan3A_98 : i32 to index
      %swap3A_131 = arith.constant 96 : index
      %swap3A_132 = tpu.vector_load %arg9[%swap3A_129, %swap3A_130, %swap3A_131] {strides = array<i32>} : memref<3x32x128xf32, #tpu.memory_space<vmem>>, vector<16xf32>,
      tpu.vector_store %arg9[%swap3A_129, %swap3A_130, %swap3A_131], %broadcast_in_dim3A_1 {strides = array<i32>} : memref<3x32x128xf32, #tpu.memory_space<vmem>>, vector<16xf32>,
      %swap3A_133 = arith.constant 0 : i32
      %swap3A_134 = arith.index_cast %swap3A_133 : i32 to index
      %swap3A_135 = arith.index_cast %scan3A_98 : i32 to index
      %swap3A_136 = arith.constant 112 : index
      %swap3A_137 = tpu.vector_load %arg9[%swap3A_134, %swap3A_135, %swap3A_136] {strides = array<i32>} : memref<3x32x128xf32, #tpu.memory_space<vmem>>, vector<16xf32>,
      tpu.vector_store %arg9[%swap3A_134, %swap3A_135, %swap3A_136], %broadcast_in_dim3A_1 {strides = array<i32>} : memref<3x32x128xf32, #tpu.memory_space<vmem>>, vector<16xf32>,
    }
    %scan3A_9 = arith.constant 32 : i32
    %scan3A_10 = arith.constant 0 : i32
    %scan3A_11 = arith.constant 40 : i32
    %scan3A_12 = arith.addi %scan3A_10, %scan3A_11 : i32
    %scan3A_13 = arith.constant 1 : i32
    scf.for %scan3A_98 = %scan3A_10 to %scan3A_12 step %scan3A_13  : i32 {
      %mul3A_99 = arith.constant 16 : i32
      %mul3A_100 = arith.muli %scan3A_98, %mul3A_99 : i32
      %swap3A = arith.index_cast %mul3A_100 : i32 to index
      %swap3A_101 = tpu.vector_load %arg15[%swap3A] {strides = array<i32>} : memref<640xf32, #tpu.memory_space<vmem>>, vector<16xf32>,
      tpu.vector_store %arg15[%swap3A], %broadcast_in_dim3A_1 {strides = array<i32>} : memref<640xf32, #tpu.memory_space<vmem>>, vector<16xf32>,
    }
    %scan3A_14 = arith.constant 40 : i32
    %mul3A_15 = arith.constant 632 : i32
    %mul3A_16 = arith.muli %arg1, %mul3A_15 : i32
    %add3A_17 = arith.constant 0 : i32
    %add3A_18 = arith.addi %mul3A_16, %add3A_17 : i32
    %run_scoped3A = arith.constant 0 : i32
    "tpu.region"() ({
      %run_scoped3A_98 = tpu.sem_alloc : memref<!tpu.dma_semaphore, #tpu.memory_space<semaphore_mem>>
      %dma_start3A = arith.constant 0 : i32
      %dma_start3A_99 = arith.constant 0 : i32
      %dma_start3A_100 = tpu.memref_slice %arg9[%run_scoped3A, %dma_start3A, %dma_start3A_99] : memref<3x32x128xf32, #tpu.memory_space<vmem>> -> memref<1x32x128xf32, #tpu.memory_space<vmem>>
      %dma_start3A_101 = tpu.memref_squeeze %dma_start3A_100 : memref<1x32x128xf32, #tpu.memory_space<vmem>> -> memref<32x128xf32, #tpu.memory_space<vmem>>
      %dma_start3A_102 = arith.constant 0 : i32
      %dma_start3A_103 = tpu.memref_slice %arg16[%add3A_18, %dma_start3A_102] : memref<10112x128xf32, #tpu.memory_space<vmem_shared>> -> memref<32x128xf32, #tpu.memory_space<vmem_shared>>
      %dma_start3A_104 = arith.constant 0 : i32
      %dma_start3A_105 = tpu.memref_slice %arg16[%add3A_18, %dma_start3A_104] : memref<10112x128xf32, #tpu.memory_space<vmem_shared>> -> memref<32x128xf32, #tpu.memory_space<vmem_shared>>
      %dma_start3A_106 = arith.constant 0 : i32
      %dma_start3A_107 = arith.constant 0 : i32
      %dma_start3A_108 = tpu.memref_slice %arg9[%run_scoped3A, %dma_start3A_106, %dma_start3A_107] : memref<3x32x128xf32, #tpu.memory_space<vmem>> -> memref<1x32x128xf32, #tpu.memory_space<vmem>>
      %dma_start3A_109 = tpu.memref_squeeze %dma_start3A_108 : memref<1x32x128xf32, #tpu.memory_space<vmem>> -> memref<32x128xf32, #tpu.memory_space<vmem>>
      tpu.enqueue_dma source(%dma_start3A_109 : memref<32x128xf32, #tpu.memory_space<vmem>>) target(%dma_start3A_105 : memref<32x128xf32, #tpu.memory_space<vmem_shared>>) target_semaphore(%run_scoped3A_98 : memref<!tpu.dma_semaphore, #tpu.memory_space<semaphore_mem>>)
      %dma_wait3A = arith.constant 0 : i32
      %dma_wait3A_110 = arith.constant 0 : i32
      %dma_wait3A_111 = tpu.memref_slice %arg9[%run_scoped3A, %dma_wait3A, %dma_wait3A_110] : memref<3x32x128xf32, #tpu.memory_space<vmem>> -> memref<1x32x128xf32, #tpu.memory_space<vmem>>
      %dma_wait3A_112 = tpu.memref_squeeze %dma_wait3A_111 : memref<1x32x128xf32, #tpu.memory_space<vmem>> -> memref<32x128xf32, #tpu.memory_space<vmem>>
      %dma_wait3A_113 = arith.constant 0 : i32
      %dma_wait3A_114 = tpu.memref_slice %arg16[%add3A_18, %dma_wait3A_113] : memref<10112x128xf32, #tpu.memory_space<vmem_shared>> -> memref<32x128xf32, #tpu.memory_space<vmem_shared>>
      %dma_wait3A_115 = arith.constant 0 : i32
      %dma_wait3A_116 = tpu.memref_slice %arg16[%add3A_18, %dma_wait3A_115] : memref<10112x128xf32, #tpu.memory_space<vmem_shared>> -> memref<32x128xf32, #tpu.memory_space<vmem_shared>>
      %dma_wait3A_117 = arith.constant 0 : i32
      %dma_wait3A_118 = arith.constant 0 : i32
      %dma_wait3A_119 = tpu.memref_slice %arg9[%run_scoped3A, %dma_wait3A_117, %dma_wait3A_118] : memref<3x32x128xf32, #tpu.memory_space<vmem>> -> memref<1x32x128xf32, #tpu.memory_space<vmem>>
      %dma_wait3A_120 = tpu.memref_squeeze %dma_wait3A_119 : memref<1x32x128xf32, #tpu.memory_space<vmem>> -> memref<32x128xf32, #tpu.memory_space<vmem>>
      tpu.wait_dma2 semaphore(%run_scoped3A_98 : memref<!tpu.dma_semaphore, #tpu.memory_space<semaphore_mem>>) src(%dma_wait3A_120 : memref<32x128xf32, #tpu.memory_space<vmem>>) dst(%dma_wait3A_116 : memref<32x128xf32, #tpu.memory_space<vmem_shared>>)
      tpu.yield
    }) : () -> ()
    %add3A_19 = arith.constant 32 : i32
    %add3A_20 = arith.addi %mul3A_16, %add3A_19 : i32
    %run_scoped3A_21 = arith.constant 0 : i32
    "tpu.region"() ({
      %run_scoped3A_98 = tpu.sem_alloc : memref<!tpu.dma_semaphore, #tpu.memory_space<semaphore_mem>>
      %dma_start3A = arith.constant 0 : i32
      %dma_start3A_99 = arith.constant 0 : i32
      %dma_start3A_100 = tpu.memref_slice %arg9[%run_scoped3A_21, %dma_start3A, %dma_start3A_99] : memref<3x32x128xf32, #tpu.memory_space<vmem>> -> memref<1x32x128xf32, #tpu.memory_space<vmem>>
      %dma_start3A_101 = tpu.memref_squeeze %dma_start3A_100 : memref<1x32x128xf32, #tpu.memory_space<vmem>> -> memref<32x128xf32, #tpu.memory_space<vmem>>
      %dma_start3A_102 = arith.constant 0 : i32
      %dma_start3A_103 = tpu.memref_slice %arg16[%add3A_20, %dma_start3A_102] : memref<10112x128xf32, #tpu.memory_space<vmem_shared>> -> memref<32x128xf32, #tpu.memory_space<vmem_shared>>
      %dma_start3A_104 = arith.constant 0 : i32
      %dma_start3A_105 = tpu.memref_slice %arg16[%add3A_20, %dma_start3A_104] : memref<10112x128xf32, #tpu.memory_space<vmem_shared>> -> memref<32x128xf32, #tpu.memory_space<vmem_shared>>
      %dma_start3A_106 = arith.constant 0 : i32
      %dma_start3A_107 = arith.constant 0 : i32
      %dma_start3A_108 = tpu.memref_slice %arg9[%run_scoped3A_21, %dma_start3A_106, %dma_start3A_107] : memref<3x32x128xf32, #tpu.memory_space<vmem>> -> memref<1x32x128xf32, #tpu.memory_space<vmem>>
      %dma_start3A_109 = tpu.memref_squeeze %dma_start3A_108 : memref<1x32x128xf32, #tpu.memory_space<vmem>> -> memref<32x128xf32, #tpu.memory_space<vmem>>
      tpu.enqueue_dma source(%dma_start3A_109 : memref<32x128xf32, #tpu.memory_space<vmem>>) target(%dma_start3A_105 : memref<32x128xf32, #tpu.memory_space<vmem_shared>>) target_semaphore(%run_scoped3A_98 : memref<!tpu.dma_semaphore, #tpu.memory_space<semaphore_mem>>)
      %dma_wait3A = arith.constant 0 : i32
      %dma_wait3A_110 = arith.constant 0 : i32
      %dma_wait3A_111 = tpu.memref_slice %arg9[%run_scoped3A_21, %dma_wait3A, %dma_wait3A_110] : memref<3x32x128xf32, #tpu.memory_space<vmem>> -> memref<1x32x128xf32, #tpu.memory_space<vmem>>
      %dma_wait3A_112 = tpu.memref_squeeze %dma_wait3A_111 : memref<1x32x128xf32, #tpu.memory_space<vmem>> -> memref<32x128xf32, #tpu.memory_space<vmem>>
      %dma_wait3A_113 = arith.constant 0 : i32
      %dma_wait3A_114 = tpu.memref_slice %arg16[%add3A_20, %dma_wait3A_113] : memref<10112x128xf32, #tpu.memory_space<vmem_shared>> -> memref<32x128xf32, #tpu.memory_space<vmem_shared>>
      %dma_wait3A_115 = arith.constant 0 : i32
      %dma_wait3A_116 = tpu.memref_slice %arg16[%add3A_20, %dma_wait3A_115] : memref<10112x128xf32, #tpu.memory_space<vmem_shared>> -> memref<32x128xf32, #tpu.memory_space<vmem_shared>>
      %dma_wait3A_117 = arith.constant 0 : i32
      %dma_wait3A_118 = arith.constant 0 : i32
      %dma_wait3A_119 = tpu.memref_slice %arg9[%run_scoped3A_21, %dma_wait3A_117, %dma_wait3A_118] : memref<3x32x128xf32, #tpu.memory_space<vmem>> -> memref<1x32x128xf32, #tpu.memory_space<vmem>>
      %dma_wait3A_120 = tpu.memref_squeeze %dma_wait3A_119 : memref<1x32x128xf32, #tpu.memory_space<vmem>> -> memref<32x128xf32, #tpu.memory_space<vmem>>
      tpu.wait_dma2 semaphore(%run_scoped3A_98 : memref<!tpu.dma_semaphore, #tpu.memory_space<semaphore_mem>>) src(%dma_wait3A_120 : memref<32x128xf32, #tpu.memory_space<vmem>>) dst(%dma_wait3A_116 : memref<32x128xf32, #tpu.memory_space<vmem_shared>>)
      tpu.yield
    }) : () -> ()
    %add3A_22 = arith.constant 64 : i32
    %add3A_23 = arith.addi %mul3A_16, %add3A_22 : i32
    %run_scoped3A_24 = arith.constant 0 : i32
    "tpu.region"() ({
      %run_scoped3A_98 = tpu.sem_alloc : memref<!tpu.dma_semaphore, #tpu.memory_space<semaphore_mem>>
      %dma_start3A = arith.constant 0 : i32
      %dma_start3A_99 = arith.constant 0 : i32
      %dma_start3A_100 = tpu.memref_slice %arg9[%run_scoped3A_24, %dma_start3A, %dma_start3A_99] : memref<3x32x128xf32, #tpu.memory_space<vmem>> -> memref<1x32x128xf32, #tpu.memory_space<vmem>>
      %dma_start3A_101 = tpu.memref_squeeze %dma_start3A_100 : memref<1x32x128xf32, #tpu.memory_space<vmem>> -> memref<32x128xf32, #tpu.memory_space<vmem>>
      %dma_start3A_102 = arith.constant 0 : i32
      %dma_start3A_103 = tpu.memref_slice %arg16[%add3A_23, %dma_start3A_102] : memref<10112x128xf32, #tpu.memory_space<vmem_shared>> -> memref<32x128xf32, #tpu.memory_space<vmem_shared>>
      %dma_start3A_104 = arith.constant 0 : i32
      %dma_start3A_105 = tpu.memref_slice %arg16[%add3A_23, %dma_start3A_104] : memref<10112x128xf32, #tpu.memory_space<vmem_shared>> -> memref<32x128xf32, #tpu.memory_space<vmem_shared>>
      %dma_start3A_106 = arith.constant 0 : i32
      %dma_start3A_107 = arith.constant 0 : i32
      %dma_start3A_108 = tpu.memref_slice %arg9[%run_scoped3A_24, %dma_start3A_106, %dma_start3A_107] : memref<3x32x128xf32, #tpu.memory_space<vmem>> -> memref<1x32x128xf32, #tpu.memory_space<vmem>>
      %dma_start3A_109 = tpu.memref_squeeze %dma_start3A_108 : memref<1x32x128xf32, #tpu.memory_space<vmem>> -> memref<32x128xf32, #tpu.memory_space<vmem>>
      tpu.enqueue_dma source(%dma_start3A_109 : memref<32x128xf32, #tpu.memory_space<vmem>>) target(%dma_start3A_105 : memref<32x128xf32, #tpu.memory_space<vmem_shared>>) target_semaphore(%run_scoped3A_98 : memref<!tpu.dma_semaphore, #tpu.memory_space<semaphore_mem>>)
      %dma_wait3A = arith.constant 0 : i32
      %dma_wait3A_110 = arith.constant 0 : i32
      %dma_wait3A_111 = tpu.memref_slice %arg9[%run_scoped3A_24, %dma_wait3A, %dma_wait3A_110] : memref<3x32x128xf32, #tpu.memory_space<vmem>> -> memref<1x32x128xf32, #tpu.memory_space<vmem>>
      %dma_wait3A_112 = tpu.memref_squeeze %dma_wait3A_111 : memref<1x32x128xf32, #tpu.memory_space<vmem>> -> memref<32x128xf32, #tpu.memory_space<vmem>>
      %dma_wait3A_113 = arith.constant 0 : i32
      %dma_wait3A_114 = tpu.memref_slice %arg16[%add3A_23, %dma_wait3A_113] : memref<10112x128xf32, #tpu.memory_space<vmem_shared>> -> memref<32x128xf32, #tpu.memory_space<vmem_shared>>
      %dma_wait3A_115 = arith.constant 0 : i32
      %dma_wait3A_116 = tpu.memref_slice %arg16[%add3A_23, %dma_wait3A_115] : memref<10112x128xf32, #tpu.memory_space<vmem_shared>> -> memref<32x128xf32, #tpu.memory_space<vmem_shared>>
      %dma_wait3A_117 = arith.constant 0 : i32
      %dma_wait3A_118 = arith.constant 0 : i32
      %dma_wait3A_119 = tpu.memref_slice %arg9[%run_scoped3A_24, %dma_wait3A_117, %dma_wait3A_118] : memref<3x32x128xf32, #tpu.memory_space<vmem>> -> memref<1x32x128xf32, #tpu.memory_space<vmem>>
      %dma_wait3A_120 = tpu.memref_squeeze %dma_wait3A_119 : memref<1x32x128xf32, #tpu.memory_space<vmem>> -> memref<32x128xf32, #tpu.memory_space<vmem>>
      tpu.wait_dma2 semaphore(%run_scoped3A_98 : memref<!tpu.dma_semaphore, #tpu.memory_space<semaphore_mem>>) src(%dma_wait3A_120 : memref<32x128xf32, #tpu.memory_space<vmem>>) dst(%dma_wait3A_116 : memref<32x128xf32, #tpu.memory_space<vmem_shared>>)
      tpu.yield
    }) : () -> ()
    %add3A_25 = arith.constant 96 : i32
    %add3A_26 = arith.addi %mul3A_16, %add3A_25 : i32
    %run_scoped3A_27 = arith.constant 0 : i32
    "tpu.region"() ({
      %run_scoped3A_98 = tpu.sem_alloc : memref<!tpu.dma_semaphore, #tpu.memory_space<semaphore_mem>>
      %dma_start3A = arith.constant 0 : i32
      %dma_start3A_99 = arith.constant 0 : i32
      %dma_start3A_100 = tpu.memref_slice %arg9[%run_scoped3A_27, %dma_start3A, %dma_start3A_99] : memref<3x32x128xf32, #tpu.memory_space<vmem>> -> memref<1x32x128xf32, #tpu.memory_space<vmem>>
      %dma_start3A_101 = tpu.memref_squeeze %dma_start3A_100 : memref<1x32x128xf32, #tpu.memory_space<vmem>> -> memref<32x128xf32, #tpu.memory_space<vmem>>
      %dma_start3A_102 = arith.constant 0 : i32
      %dma_start3A_103 = tpu.memref_slice %arg16[%add3A_26, %dma_start3A_102] : memref<10112x128xf32, #tpu.memory_space<vmem_shared>> -> memref<32x128xf32, #tpu.memory_space<vmem_shared>>
      %dma_start3A_104 = arith.constant 0 : i32
      %dma_start3A_105 = tpu.memref_slice %arg16[%add3A_26, %dma_start3A_104] : memref<10112x128xf32, #tpu.memory_space<vmem_shared>> -> memref<32x128xf32, #tpu.memory_space<vmem_shared>>
      %dma_start3A_106 = arith.constant 0 : i32
      %dma_start3A_107 = arith.constant 0 : i32
      %dma_start3A_108 = tpu.memref_slice %arg9[%run_scoped3A_27, %dma_start3A_106, %dma_start3A_107] : memref<3x32x128xf32, #tpu.memory_space<vmem>> -> memref<1x32x128xf32, #tpu.memory_space<vmem>>
      %dma_start3A_109 = tpu.memref_squeeze %dma_start3A_108 : memref<1x32x128xf32, #tpu.memory_space<vmem>> -> memref<32x128xf32, #tpu.memory_space<vmem>>
      tpu.enqueue_dma source(%dma_start3A_109 : memref<32x128xf32, #tpu.memory_space<vmem>>) target(%dma_start3A_105 : memref<32x128xf32, #tpu.memory_space<vmem_shared>>) target_semaphore(%run_scoped3A_98 : memref<!tpu.dma_semaphore, #tpu.memory_space<semaphore_mem>>)
      %dma_wait3A = arith.constant 0 : i32
      %dma_wait3A_110 = arith.constant 0 : i32
      %dma_wait3A_111 = tpu.memref_slice %arg9[%run_scoped3A_27, %dma_wait3A, %dma_wait3A_110] : memref<3x32x128xf32, #tpu.memory_space<vmem>> -> memref<1x32x128xf32, #tpu.memory_space<vmem>>
      %dma_wait3A_112 = tpu.memref_squeeze %dma_wait3A_111 : memref<1x32x128xf32, #tpu.memory_space<vmem>> -> memref<32x128xf32, #tpu.memory_space<vmem>>
      %dma_wait3A_113 = arith.constant 0 : i32
      %dma_wait3A_114 = tpu.memref_slice %arg16[%add3A_26, %dma_wait3A_113] : memref<10112x128xf32, #tpu.memory_space<vmem_shared>> -> memref<32x128xf32, #tpu.memory_space<vmem_shared>>
      %dma_wait3A_115 = arith.constant 0 : i32
      %dma_wait3A_116 = tpu.memref_slice %arg16[%add3A_26, %dma_wait3A_115] : memref<10112x128xf32, #tpu.memory_space<vmem_shared>> -> memref<32x128xf32, #tpu.memory_space<vmem_shared>>
      %dma_wait3A_117 = arith.constant 0 : i32
      %dma_wait3A_118 = arith.constant 0 : i32
      %dma_wait3A_119 = tpu.memref_slice %arg9[%run_scoped3A_27, %dma_wait3A_117, %dma_wait3A_118] : memref<3x32x128xf32, #tpu.memory_space<vmem>> -> memref<1x32x128xf32, #tpu.memory_space<vmem>>
      %dma_wait3A_120 = tpu.memref_squeeze %dma_wait3A_119 : memref<1x32x128xf32, #tpu.memory_space<vmem>> -> memref<32x128xf32, #tpu.memory_space<vmem>>
      tpu.wait_dma2 semaphore(%run_scoped3A_98 : memref<!tpu.dma_semaphore, #tpu.memory_space<semaphore_mem>>) src(%dma_wait3A_120 : memref<32x128xf32, #tpu.memory_space<vmem>>) dst(%dma_wait3A_116 : memref<32x128xf32, #tpu.memory_space<vmem_shared>>)
      tpu.yield
    }) : () -> ()
    %add3A_28 = arith.constant 128 : i32
    %add3A_29 = arith.addi %mul3A_16, %add3A_28 : i32
    %run_scoped3A_30 = arith.constant 0 : i32
    "tpu.region"() ({
      %run_scoped3A_98 = tpu.sem_alloc : memref<!tpu.dma_semaphore, #tpu.memory_space<semaphore_mem>>
      %dma_start3A = arith.constant 0 : i32
      %dma_start3A_99 = arith.constant 0 : i32
      %dma_start3A_100 = tpu.memref_slice %arg9[%run_scoped3A_30, %dma_start3A, %dma_start3A_99] : memref<3x32x128xf32, #tpu.memory_space<vmem>> -> memref<1x32x128xf32, #tpu.memory_space<vmem>>
      %dma_start3A_101 = tpu.memref_squeeze %dma_start3A_100 : memref<1x32x128xf32, #tpu.memory_space<vmem>> -> memref<32x128xf32, #tpu.memory_space<vmem>>
      %dma_start3A_102 = arith.constant 0 : i32
      %dma_start3A_103 = tpu.memref_slice %arg16[%add3A_29, %dma_start3A_102] : memref<10112x128xf32, #tpu.memory_space<vmem_shared>> -> memref<32x128xf32, #tpu.memory_space<vmem_shared>>
      %dma_start3A_104 = arith.constant 0 : i32
      %dma_start3A_105 = tpu.memref_slice %arg16[%add3A_29, %dma_start3A_104] : memref<10112x128xf32, #tpu.memory_space<vmem_shared>> -> memref<32x128xf32, #tpu.memory_space<vmem_shared>>
      %dma_start3A_106 = arith.constant 0 : i32
      %dma_start3A_107 = arith.constant 0 : i32
      %dma_start3A_108 = tpu.memref_slice %arg9[%run_scoped3A_30, %dma_start3A_106, %dma_start3A_107] : memref<3x32x128xf32, #tpu.memory_space<vmem>> -> memref<1x32x128xf32, #tpu.memory_space<vmem>>
      %dma_start3A_109 = tpu.memref_squeeze %dma_start3A_108 : memref<1x32x128xf32, #tpu.memory_space<vmem>> -> memref<32x128xf32, #tpu.memory_space<vmem>>
      tpu.enqueue_dma source(%dma_start3A_109 : memref<32x128xf32, #tpu.memory_space<vmem>>) target(%dma_start3A_105 : memref<32x128xf32, #tpu.memory_space<vmem_shared>>) target_semaphore(%run_scoped3A_98 : memref<!tpu.dma_semaphore, #tpu.memory_space<semaphore_mem>>)
      %dma_wait3A = arith.constant 0 : i32
      %dma_wait3A_110 = arith.constant 0 : i32
      %dma_wait3A_111 = tpu.memref_slice %arg9[%run_scoped3A_30, %dma_wait3A, %dma_wait3A_110] : memref<3x32x128xf32, #tpu.memory_space<vmem>> -> memref<1x32x128xf32, #tpu.memory_space<vmem>>
      %dma_wait3A_112 = tpu.memref_squeeze %dma_wait3A_111 : memref<1x32x128xf32, #tpu.memory_space<vmem>> -> memref<32x128xf32, #tpu.memory_space<vmem>>
      %dma_wait3A_113 = arith.constant 0 : i32
      %dma_wait3A_114 = tpu.memref_slice %arg16[%add3A_29, %dma_wait3A_113] : memref<10112x128xf32, #tpu.memory_space<vmem_shared>> -> memref<32x128xf32, #tpu.memory_space<vmem_shared>>
      %dma_wait3A_115 = arith.constant 0 : i32
      %dma_wait3A_116 = tpu.memref_slice %arg16[%add3A_29, %dma_wait3A_115] : memref<10112x128xf32, #tpu.memory_space<vmem_shared>> -> memref<32x128xf32, #tpu.memory_space<vmem_shared>>
      %dma_wait3A_117 = arith.constant 0 : i32
      %dma_wait3A_118 = arith.constant 0 : i32
      %dma_wait3A_119 = tpu.memref_slice %arg9[%run_scoped3A_30, %dma_wait3A_117, %dma_wait3A_118] : memref<3x32x128xf32, #tpu.memory_space<vmem>> -> memref<1x32x128xf32, #tpu.memory_space<vmem>>
      %dma_wait3A_120 = tpu.memref_squeeze %dma_wait3A_119 : memref<1x32x128xf32, #tpu.memory_space<vmem>> -> memref<32x128xf32, #tpu.memory_space<vmem>>
      tpu.wait_dma2 semaphore(%run_scoped3A_98 : memref<!tpu.dma_semaphore, #tpu.memory_space<semaphore_mem>>) src(%dma_wait3A_120 : memref<32x128xf32, #tpu.memory_space<vmem>>) dst(%dma_wait3A_116 : memref<32x128xf32, #tpu.memory_space<vmem_shared>>)
      tpu.yield
    }) : () -> ()
    %add3A_31 = arith.constant 160 : i32
    %add3A_32 = arith.addi %mul3A_16, %add3A_31 : i32
    %run_scoped3A_33 = arith.constant 0 : i32
    "tpu.region"() ({
      %run_scoped3A_98 = tpu.sem_alloc : memref<!tpu.dma_semaphore, #tpu.memory_space<semaphore_mem>>
      %dma_start3A = arith.constant 0 : i32
      %dma_start3A_99 = arith.constant 0 : i32
      %dma_start3A_100 = tpu.memref_slice %arg9[%run_scoped3A_33, %dma_start3A, %dma_start3A_99] : memref<3x32x128xf32, #tpu.memory_space<vmem>> -> memref<1x32x128xf32, #tpu.memory_space<vmem>>
      %dma_start3A_101 = tpu.memref_squeeze %dma_start3A_100 : memref<1x32x128xf32, #tpu.memory_space<vmem>> -> memref<32x128xf32, #tpu.memory_space<vmem>>
      %dma_start3A_102 = arith.constant 0 : i32
      %dma_start3A_103 = tpu.memref_slice %arg16[%add3A_32, %dma_start3A_102] : memref<10112x128xf32, #tpu.memory_space<vmem_shared>> -> memref<32x128xf32, #tpu.memory_space<vmem_shared>>
      %dma_start3A_104 = arith.constant 0 : i32
      %dma_start3A_105 = tpu.memref_slice %arg16[%add3A_32, %dma_start3A_104] : memref<10112x128xf32, #tpu.memory_space<vmem_shared>> -> memref<32x128xf32, #tpu.memory_space<vmem_shared>>
      %dma_start3A_106 = arith.constant 0 : i32
      %dma_start3A_107 = arith.constant 0 : i32
      %dma_start3A_108 = tpu.memref_slice %arg9[%run_scoped3A_33, %dma_start3A_106, %dma_start3A_107] : memref<3x32x128xf32, #tpu.memory_space<vmem>> -> memref<1x32x128xf32, #tpu.memory_space<vmem>>
      %dma_start3A_109 = tpu.memref_squeeze %dma_start3A_108 : memref<1x32x128xf32, #tpu.memory_space<vmem>> -> memref<32x128xf32, #tpu.memory_space<vmem>>
      tpu.enqueue_dma source(%dma_start3A_109 : memref<32x128xf32, #tpu.memory_space<vmem>>) target(%dma_start3A_105 : memref<32x128xf32, #tpu.memory_space<vmem_shared>>) target_semaphore(%run_scoped3A_98 : memref<!tpu.dma_semaphore, #tpu.memory_space<semaphore_mem>>)
      %dma_wait3A = arith.constant 0 : i32
      %dma_wait3A_110 = arith.constant 0 : i32
      %dma_wait3A_111 = tpu.memref_slice %arg9[%run_scoped3A_33, %dma_wait3A, %dma_wait3A_110] : memref<3x32x128xf32, #tpu.memory_space<vmem>> -> memref<1x32x128xf32, #tpu.memory_space<vmem>>
      %dma_wait3A_112 = tpu.memref_squeeze %dma_wait3A_111 : memref<1x32x128xf32, #tpu.memory_space<vmem>> -> memref<32x128xf32, #tpu.memory_space<vmem>>
      %dma_wait3A_113 = arith.constant 0 : i32
      %dma_wait3A_114 = tpu.memref_slice %arg16[%add3A_32, %dma_wait3A_113] : memref<10112x128xf32, #tpu.memory_space<vmem_shared>> -> memref<32x128xf32, #tpu.memory_space<vmem_shared>>
      %dma_wait3A_115 = arith.constant 0 : i32
      %dma_wait3A_116 = tpu.memref_slice %arg16[%add3A_32, %dma_wait3A_115] : memref<10112x128xf32, #tpu.memory_space<vmem_shared>> -> memref<32x128xf32, #tpu.memory_space<vmem_shared>>
      %dma_wait3A_117 = arith.constant 0 : i32
      %dma_wait3A_118 = arith.constant 0 : i32
      %dma_wait3A_119 = tpu.memref_slice %arg9[%run_scoped3A_33, %dma_wait3A_117, %dma_wait3A_118] : memref<3x32x128xf32, #tpu.memory_space<vmem>> -> memref<1x32x128xf32, #tpu.memory_space<vmem>>
      %dma_wait3A_120 = tpu.memref_squeeze %dma_wait3A_119 : memref<1x32x128xf32, #tpu.memory_space<vmem>> -> memref<32x128xf32, #tpu.memory_space<vmem>>
      tpu.wait_dma2 semaphore(%run_scoped3A_98 : memref<!tpu.dma_semaphore, #tpu.memory_space<semaphore_mem>>) src(%dma_wait3A_120 : memref<32x128xf32, #tpu.memory_space<vmem>>) dst(%dma_wait3A_116 : memref<32x128xf32, #tpu.memory_space<vmem_shared>>)
      tpu.yield
    }) : () -> ()
    %add3A_34 = arith.constant 192 : i32
    %add3A_35 = arith.addi %mul3A_16, %add3A_34 : i32
    %run_scoped3A_36 = arith.constant 0 : i32
    "tpu.region"() ({
      %run_scoped3A_98 = tpu.sem_alloc : memref<!tpu.dma_semaphore, #tpu.memory_space<semaphore_mem>>
      %dma_start3A = arith.constant 0 : i32
      %dma_start3A_99 = arith.constant 0 : i32
      %dma_start3A_100 = tpu.memref_slice %arg9[%run_scoped3A_36, %dma_start3A, %dma_start3A_99] : memref<3x32x128xf32, #tpu.memory_space<vmem>> -> memref<1x32x128xf32, #tpu.memory_space<vmem>>
      %dma_start3A_101 = tpu.memref_squeeze %dma_start3A_100 : memref<1x32x128xf32, #tpu.memory_space<vmem>> -> memref<32x128xf32, #tpu.memory_space<vmem>>
      %dma_start3A_102 = arith.constant 0 : i32
      %dma_start3A_103 = tpu.memref_slice %arg16[%add3A_35, %dma_start3A_102] : memref<10112x128xf32, #tpu.memory_space<vmem_shared>> -> memref<32x128xf32, #tpu.memory_space<vmem_shared>>
      %dma_start3A_104 = arith.constant 0 : i32
      %dma_start3A_105 = tpu.memref_slice %arg16[%add3A_35, %dma_start3A_104] : memref<10112x128xf32, #tpu.memory_space<vmem_shared>> -> memref<32x128xf32, #tpu.memory_space<vmem_shared>>
      %dma_start3A_106 = arith.constant 0 : i32
      %dma_start3A_107 = arith.constant 0 : i32
      %dma_start3A_108 = tpu.memref_slice %arg9[%run_scoped3A_36, %dma_start3A_106, %dma_start3A_107] : memref<3x32x128xf32, #tpu.memory_space<vmem>> -> memref<1x32x128xf32, #tpu.memory_space<vmem>>
      %dma_start3A_109 = tpu.memref_squeeze %dma_start3A_108 : memref<1x32x128xf32, #tpu.memory_space<vmem>> -> memref<32x128xf32, #tpu.memory_space<vmem>>
      tpu.enqueue_dma source(%dma_start3A_109 : memref<32x128xf32, #tpu.memory_space<vmem>>) target(%dma_start3A_105 : memref<32x128xf32, #tpu.memory_space<vmem_shared>>) target_semaphore(%run_scoped3A_98 : memref<!tpu.dma_semaphore, #tpu.memory_space<semaphore_mem>>)
      %dma_wait3A = arith.constant 0 : i32
      %dma_wait3A_110 = arith.constant 0 : i32
      %dma_wait3A_111 = tpu.memref_slice %arg9[%run_scoped3A_36, %dma_wait3A, %dma_wait3A_110] : memref<3x32x128xf32, #tpu.memory_space<vmem>> -> memref<1x32x128xf32, #tpu.memory_space<vmem>>
      %dma_wait3A_112 = tpu.memref_squeeze %dma_wait3A_111 : memref<1x32x128xf32, #tpu.memory_space<vmem>> -> memref<32x128xf32, #tpu.memory_space<vmem>>
      %dma_wait3A_113 = arith.constant 0 : i32
      %dma_wait3A_114 = tpu.memref_slice %arg16[%add3A_35, %dma_wait3A_113] : memref<10112x128xf32, #tpu.memory_space<vmem_shared>> -> memref<32x128xf32, #tpu.memory_space<vmem_shared>>
      %dma_wait3A_115 = arith.constant 0 : i32
      %dma_wait3A_116 = tpu.memref_slice %arg16[%add3A_35, %dma_wait3A_115] : memref<10112x128xf32, #tpu.memory_space<vmem_shared>> -> memref<32x128xf32, #tpu.memory_space<vmem_shared>>
      %dma_wait3A_117 = arith.constant 0 : i32
      %dma_wait3A_118 = arith.constant 0 : i32
      %dma_wait3A_119 = tpu.memref_slice %arg9[%run_scoped3A_36, %dma_wait3A_117, %dma_wait3A_118] : memref<3x32x128xf32, #tpu.memory_space<vmem>> -> memref<1x32x128xf32, #tpu.memory_space<vmem>>
      %dma_wait3A_120 = tpu.memref_squeeze %dma_wait3A_119 : memref<1x32x128xf32, #tpu.memory_space<vmem>> -> memref<32x128xf32, #tpu.memory_space<vmem>>
      tpu.wait_dma2 semaphore(%run_scoped3A_98 : memref<!tpu.dma_semaphore, #tpu.memory_space<semaphore_mem>>) src(%dma_wait3A_120 : memref<32x128xf32, #tpu.memory_space<vmem>>) dst(%dma_wait3A_116 : memref<32x128xf32, #tpu.memory_space<vmem_shared>>)
      tpu.yield
    }) : () -> ()
    %add3A_37 = arith.constant 224 : i32
    %add3A_38 = arith.addi %mul3A_16, %add3A_37 : i32
    %run_scoped3A_39 = arith.constant 0 : i32
    "tpu.region"() ({
      %run_scoped3A_98 = tpu.sem_alloc : memref<!tpu.dma_semaphore, #tpu.memory_space<semaphore_mem>>
      %dma_start3A = arith.constant 0 : i32
      %dma_start3A_99 = arith.constant 0 : i32
      %dma_start3A_100 = tpu.memref_slice %arg9[%run_scoped3A_39, %dma_start3A, %dma_start3A_99] : memref<3x32x128xf32, #tpu.memory_space<vmem>> -> memref<1x32x128xf32, #tpu.memory_space<vmem>>
      %dma_start3A_101 = tpu.memref_squeeze %dma_start3A_100 : memref<1x32x128xf32, #tpu.memory_space<vmem>> -> memref<32x128xf32, #tpu.memory_space<vmem>>
      %dma_start3A_102 = arith.constant 0 : i32
      %dma_start3A_103 = tpu.memref_slice %arg16[%add3A_38, %dma_start3A_102] : memref<10112x128xf32, #tpu.memory_space<vmem_shared>> -> memref<32x128xf32, #tpu.memory_space<vmem_shared>>
      %dma_start3A_104 = arith.constant 0 : i32
      %dma_start3A_105 = tpu.memref_slice %arg16[%add3A_38, %dma_start3A_104] : memref<10112x128xf32, #tpu.memory_space<vmem_shared>> -> memref<32x128xf32, #tpu.memory_space<vmem_shared>>
      %dma_start3A_106 = arith.constant 0 : i32
      %dma_start3A_107 = arith.constant 0 : i32
      %dma_start3A_108 = tpu.memref_slice %arg9[%run_scoped3A_39, %dma_start3A_106, %dma_start3A_107] : memref<3x32x128xf32, #tpu.memory_space<vmem>> -> memref<1x32x128xf32, #tpu.memory_space<vmem>>
      %dma_start3A_109 = tpu.memref_squeeze %dma_start3A_108 : memref<1x32x128xf32, #tpu.memory_space<vmem>> -> memref<32x128xf32, #tpu.memory_space<vmem>>
      tpu.enqueue_dma source(%dma_start3A_109 : memref<32x128xf32, #tpu.memory_space<vmem>>) target(%dma_start3A_105 : memref<32x128xf32, #tpu.memory_space<vmem_shared>>) target_semaphore(%run_scoped3A_98 : memref<!tpu.dma_semaphore, #tpu.memory_space<semaphore_mem>>)
      %dma_wait3A = arith.constant 0 : i32
      %dma_wait3A_110 = arith.constant 0 : i32
      %dma_wait3A_111 = tpu.memref_slice %arg9[%run_scoped3A_39, %dma_wait3A, %dma_wait3A_110] : memref<3x32x128xf32, #tpu.memory_space<vmem>> -> memref<1x32x128xf32, #tpu.memory_space<vmem>>
      %dma_wait3A_112 = tpu.memref_squeeze %dma_wait3A_111 : memref<1x32x128xf32, #tpu.memory_space<vmem>> -> memref<32x128xf32, #tpu.memory_space<vmem>>
      %dma_wait3A_113 = arith.constant 0 : i32
      %dma_wait3A_114 = tpu.memref_slice %arg16[%add3A_38, %dma_wait3A_113] : memref<10112x128xf32, #tpu.memory_space<vmem_shared>> -> memref<32x128xf32, #tpu.memory_space<vmem_shared>>
      %dma_wait3A_115 = arith.constant 0 : i32
      %dma_wait3A_116 = tpu.memref_slice %arg16[%add3A_38, %dma_wait3A_115] : memref<10112x128xf32, #tpu.memory_space<vmem_shared>> -> memref<32x128xf32, #tpu.memory_space<vmem_shared>>
      %dma_wait3A_117 = arith.constant 0 : i32
      %dma_wait3A_118 = arith.constant 0 : i32
      %dma_wait3A_119 = tpu.memref_slice %arg9[%run_scoped3A_39, %dma_wait3A_117, %dma_wait3A_118] : memref<3x32x128xf32, #tpu.memory_space<vmem>> -> memref<1x32x128xf32, #tpu.memory_space<vmem>>
      %dma_wait3A_120 = tpu.memref_squeeze %dma_wait3A_119 : memref<1x32x128xf32, #tpu.memory_space<vmem>> -> memref<32x128xf32, #tpu.memory_space<vmem>>
      tpu.wait_dma2 semaphore(%run_scoped3A_98 : memref<!tpu.dma_semaphore, #tpu.memory_space<semaphore_mem>>) src(%dma_wait3A_120 : memref<32x128xf32, #tpu.memory_space<vmem>>) dst(%dma_wait3A_116 : memref<32x128xf32, #tpu.memory_space<vmem_shared>>)
      tpu.yield
    }) : () -> ()
    %add3A_40 = arith.constant 256 : i32
    %add3A_41 = arith.addi %mul3A_16, %add3A_40 : i32
    %run_scoped3A_42 = arith.constant 0 : i32
    "tpu.region"() ({
      %run_scoped3A_98 = tpu.sem_alloc : memref<!tpu.dma_semaphore, #tpu.memory_space<semaphore_mem>>
      %dma_start3A = arith.constant 0 : i32
      %dma_start3A_99 = arith.constant 0 : i32
      %dma_start3A_100 = tpu.memref_slice %arg9[%run_scoped3A_42, %dma_start3A, %dma_start3A_99] : memref<3x32x128xf32, #tpu.memory_space<vmem>> -> memref<1x32x128xf32, #tpu.memory_space<vmem>>
      %dma_start3A_101 = tpu.memref_squeeze %dma_start3A_100 : memref<1x32x128xf32, #tpu.memory_space<vmem>> -> memref<32x128xf32, #tpu.memory_space<vmem>>
      %dma_start3A_102 = arith.constant 0 : i32
      %dma_start3A_103 = tpu.memref_slice %arg16[%add3A_41, %dma_start3A_102] : memref<10112x128xf32, #tpu.memory_space<vmem_shared>> -> memref<32x128xf32, #tpu.memory_space<vmem_shared>>
      %dma_start3A_104 = arith.constant 0 : i32
      %dma_start3A_105 = tpu.memref_slice %arg16[%add3A_41, %dma_start3A_104] : memref<10112x128xf32, #tpu.memory_space<vmem_shared>> -> memref<32x128xf32, #tpu.memory_space<vmem_shared>>
      %dma_start3A_106 = arith.constant 0 : i32
      %dma_start3A_107 = arith.constant 0 : i32
      %dma_start3A_108 = tpu.memref_slice %arg9[%run_scoped3A_42, %dma_start3A_106, %dma_start3A_107] : memref<3x32x128xf32, #tpu.memory_space<vmem>> -> memref<1x32x128xf32, #tpu.memory_space<vmem>>
      %dma_start3A_109 = tpu.memref_squeeze %dma_start3A_108 : memref<1x32x128xf32, #tpu.memory_space<vmem>> -> memref<32x128xf32, #tpu.memory_space<vmem>>
      tpu.enqueue_dma source(%dma_start3A_109 : memref<32x128xf32, #tpu.memory_space<vmem>>) target(%dma_start3A_105 : memref<32x128xf32, #tpu.memory_space<vmem_shared>>) target_semaphore(%run_scoped3A_98 : memref<!tpu.dma_semaphore, #tpu.memory_space<semaphore_mem>>)
      %dma_wait3A = arith.constant 0 : i32
      %dma_wait3A_110 = arith.constant 0 : i32
      %dma_wait3A_111 = tpu.memref_slice %arg9[%run_scoped3A_42, %dma_wait3A, %dma_wait3A_110] : memref<3x32x128xf32, #tpu.memory_space<vmem>> -> memref<1x32x128xf32, #tpu.memory_space<vmem>>
      %dma_wait3A_112 = tpu.memref_squeeze %dma_wait3A_111 : memref<1x32x128xf32, #tpu.memory_space<vmem>> -> memref<32x128xf32, #tpu.memory_space<vmem>>
      %dma_wait3A_113 = arith.constant 0 : i32
      %dma_wait3A_114 = tpu.memref_slice %arg16[%add3A_41, %dma_wait3A_113] : memref<10112x128xf32, #tpu.memory_space<vmem_shared>> -> memref<32x128xf32, #tpu.memory_space<vmem_shared>>
      %dma_wait3A_115 = arith.constant 0 : i32
      %dma_wait3A_116 = tpu.memref_slice %arg16[%add3A_41, %dma_wait3A_115] : memref<10112x128xf32, #tpu.memory_space<vmem_shared>> -> memref<32x128xf32, #tpu.memory_space<vmem_shared>>
      %dma_wait3A_117 = arith.constant 0 : i32
      %dma_wait3A_118 = arith.constant 0 : i32
      %dma_wait3A_119 = tpu.memref_slice %arg9[%run_scoped3A_42, %dma_wait3A_117, %dma_wait3A_118] : memref<3x32x128xf32, #tpu.memory_space<vmem>> -> memref<1x32x128xf32, #tpu.memory_space<vmem>>
      %dma_wait3A_120 = tpu.memref_squeeze %dma_wait3A_119 : memref<1x32x128xf32, #tpu.memory_space<vmem>> -> memref<32x128xf32, #tpu.memory_space<vmem>>
      tpu.wait_dma2 semaphore(%run_scoped3A_98 : memref<!tpu.dma_semaphore, #tpu.memory_space<semaphore_mem>>) src(%dma_wait3A_120 : memref<32x128xf32, #tpu.memory_space<vmem>>) dst(%dma_wait3A_116 : memref<32x128xf32, #tpu.memory_space<vmem_shared>>)
      tpu.yield
    }) : () -> ()
    %add3A_43 = arith.constant 288 : i32
    %add3A_44 = arith.addi %mul3A_16, %add3A_43 : i32
    %run_scoped3A_45 = arith.constant 0 : i32
    "tpu.region"() ({
      %run_scoped3A_98 = tpu.sem_alloc : memref<!tpu.dma_semaphore, #tpu.memory_space<semaphore_mem>>
      %dma_start3A = arith.constant 0 : i32
      %dma_start3A_99 = arith.constant 0 : i32
      %dma_start3A_100 = tpu.memref_slice %arg9[%run_scoped3A_45, %dma_start3A, %dma_start3A_99] : memref<3x32x128xf32, #tpu.memory_space<vmem>> -> memref<1x32x128xf32, #tpu.memory_space<vmem>>
      %dma_start3A_101 = tpu.memref_squeeze %dma_start3A_100 : memref<1x32x128xf32, #tpu.memory_space<vmem>> -> memref<32x128xf32, #tpu.memory_space<vmem>>
      %dma_start3A_102 = arith.constant 0 : i32
      %dma_start3A_103 = tpu.memref_slice %arg16[%add3A_44, %dma_start3A_102] : memref<10112x128xf32, #tpu.memory_space<vmem_shared>> -> memref<32x128xf32, #tpu.memory_space<vmem_shared>>
      %dma_start3A_104 = arith.constant 0 : i32
      %dma_start3A_105 = tpu.memref_slice %arg16[%add3A_44, %dma_start3A_104] : memref<10112x128xf32, #tpu.memory_space<vmem_shared>> -> memref<32x128xf32, #tpu.memory_space<vmem_shared>>
      %dma_start3A_106 = arith.constant 0 : i32
      %dma_start3A_107 = arith.constant 0 : i32
      %dma_start3A_108 = tpu.memref_slice %arg9[%run_scoped3A_45, %dma_start3A_106, %dma_start3A_107] : memref<3x32x128xf32, #tpu.memory_space<vmem>> -> memref<1x32x128xf32, #tpu.memory_space<vmem>>
      %dma_start3A_109 = tpu.memref_squeeze %dma_start3A_108 : memref<1x32x128xf32, #tpu.memory_space<vmem>> -> memref<32x128xf32, #tpu.memory_space<vmem>>
      tpu.enqueue_dma source(%dma_start3A_109 : memref<32x128xf32, #tpu.memory_space<vmem>>) target(%dma_start3A_105 : memref<32x128xf32, #tpu.memory_space<vmem_shared>>) target_semaphore(%run_scoped3A_98 : memref<!tpu.dma_semaphore, #tpu.memory_space<semaphore_mem>>)
      %dma_wait3A = arith.constant 0 : i32
      %dma_wait3A_110 = arith.constant 0 : i32
      %dma_wait3A_111 = tpu.memref_slice %arg9[%run_scoped3A_45, %dma_wait3A, %dma_wait3A_110] : memref<3x32x128xf32, #tpu.memory_space<vmem>> -> memref<1x32x128xf32, #tpu.memory_space<vmem>>
      %dma_wait3A_112 = tpu.memref_squeeze %dma_wait3A_111 : memref<1x32x128xf32, #tpu.memory_space<vmem>> -> memref<32x128xf32, #tpu.memory_space<vmem>>
      %dma_wait3A_113 = arith.constant 0 : i32
      %dma_wait3A_114 = tpu.memref_slice %arg16[%add3A_44, %dma_wait3A_113] : memref<10112x128xf32, #tpu.memory_space<vmem_shared>> -> memref<32x128xf32, #tpu.memory_space<vmem_shared>>
      %dma_wait3A_115 = arith.constant 0 : i32
      %dma_wait3A_116 = tpu.memref_slice %arg16[%add3A_44, %dma_wait3A_115] : memref<10112x128xf32, #tpu.memory_space<vmem_shared>> -> memref<32x128xf32, #tpu.memory_space<vmem_shared>>
      %dma_wait3A_117 = arith.constant 0 : i32
      %dma_wait3A_118 = arith.constant 0 : i32
      %dma_wait3A_119 = tpu.memref_slice %arg9[%run_scoped3A_45, %dma_wait3A_117, %dma_wait3A_118] : memref<3x32x128xf32, #tpu.memory_space<vmem>> -> memref<1x32x128xf32, #tpu.memory_space<vmem>>
      %dma_wait3A_120 = tpu.memref_squeeze %dma_wait3A_119 : memref<1x32x128xf32, #tpu.memory_space<vmem>> -> memref<32x128xf32, #tpu.memory_space<vmem>>
      tpu.wait_dma2 semaphore(%run_scoped3A_98 : memref<!tpu.dma_semaphore, #tpu.memory_space<semaphore_mem>>) src(%dma_wait3A_120 : memref<32x128xf32, #tpu.memory_space<vmem>>) dst(%dma_wait3A_116 : memref<32x128xf32, #tpu.memory_space<vmem_shared>>)
      tpu.yield
    }) : () -> ()
    %add3A_46 = arith.constant 320 : i32
    %add3A_47 = arith.addi %mul3A_16, %add3A_46 : i32
    %run_scoped3A_48 = arith.constant 0 : i32
    "tpu.region"() ({
      %run_scoped3A_98 = tpu.sem_alloc : memref<!tpu.dma_semaphore, #tpu.memory_space<semaphore_mem>>
      %dma_start3A = arith.constant 0 : i32
      %dma_start3A_99 = arith.constant 0 : i32
      %dma_start3A_100 = tpu.memref_slice %arg9[%run_scoped3A_48, %dma_start3A, %dma_start3A_99] : memref<3x32x128xf32, #tpu.memory_space<vmem>> -> memref<1x32x128xf32, #tpu.memory_space<vmem>>
      %dma_start3A_101 = tpu.memref_squeeze %dma_start3A_100 : memref<1x32x128xf32, #tpu.memory_space<vmem>> -> memref<32x128xf32, #tpu.memory_space<vmem>>
      %dma_start3A_102 = arith.constant 0 : i32
      %dma_start3A_103 = tpu.memref_slice %arg16[%add3A_47, %dma_start3A_102] : memref<10112x128xf32, #tpu.memory_space<vmem_shared>> -> memref<32x128xf32, #tpu.memory_space<vmem_shared>>
      %dma_start3A_104 = arith.constant 0 : i32
      %dma_start3A_105 = tpu.memref_slice %arg16[%add3A_47, %dma_start3A_104] : memref<10112x128xf32, #tpu.memory_space<vmem_shared>> -> memref<32x128xf32, #tpu.memory_space<vmem_shared>>
      %dma_start3A_106 = arith.constant 0 : i32
      %dma_start3A_107 = arith.constant 0 : i32
      %dma_start3A_108 = tpu.memref_slice %arg9[%run_scoped3A_48, %dma_start3A_106, %dma_start3A_107] : memref<3x32x128xf32, #tpu.memory_space<vmem>> -> memref<1x32x128xf32, #tpu.memory_space<vmem>>
      %dma_start3A_109 = tpu.memref_squeeze %dma_start3A_108 : memref<1x32x128xf32, #tpu.memory_space<vmem>> -> memref<32x128xf32, #tpu.memory_space<vmem>>
      tpu.enqueue_dma source(%dma_start3A_109 : memref<32x128xf32, #tpu.memory_space<vmem>>) target(%dma_start3A_105 : memref<32x128xf32, #tpu.memory_space<vmem_shared>>) target_semaphore(%run_scoped3A_98 : memref<!tpu.dma_semaphore, #tpu.memory_space<semaphore_mem>>)
      %dma_wait3A = arith.constant 0 : i32
      %dma_wait3A_110 = arith.constant 0 : i32
      %dma_wait3A_111 = tpu.memref_slice %arg9[%run_scoped3A_48, %dma_wait3A, %dma_wait3A_110] : memref<3x32x128xf32, #tpu.memory_space<vmem>> -> memref<1x32x128xf32, #tpu.memory_space<vmem>>
      %dma_wait3A_112 = tpu.memref_squeeze %dma_wait3A_111 : memref<1x32x128xf32, #tpu.memory_space<vmem>> -> memref<32x128xf32, #tpu.memory_space<vmem>>
      %dma_wait3A_113 = arith.constant 0 : i32
      %dma_wait3A_114 = tpu.memref_slice %arg16[%add3A_47, %dma_wait3A_113] : memref<10112x128xf32, #tpu.memory_space<vmem_shared>> -> memref<32x128xf32, #tpu.memory_space<vmem_shared>>
      %dma_wait3A_115 = arith.constant 0 : i32
      %dma_wait3A_116 = tpu.memref_slice %arg16[%add3A_47, %dma_wait3A_115] : memref<10112x128xf32, #tpu.memory_space<vmem_shared>> -> memref<32x128xf32, #tpu.memory_space<vmem_shared>>
      %dma_wait3A_117 = arith.constant 0 : i32
      %dma_wait3A_118 = arith.constant 0 : i32
      %dma_wait3A_119 = tpu.memref_slice %arg9[%run_scoped3A_48, %dma_wait3A_117, %dma_wait3A_118] : memref<3x32x128xf32, #tpu.memory_space<vmem>> -> memref<1x32x128xf32, #tpu.memory_space<vmem>>
      %dma_wait3A_120 = tpu.memref_squeeze %dma_wait3A_119 : memref<1x32x128xf32, #tpu.memory_space<vmem>> -> memref<32x128xf32, #tpu.memory_space<vmem>>
      tpu.wait_dma2 semaphore(%run_scoped3A_98 : memref<!tpu.dma_semaphore, #tpu.memory_space<semaphore_mem>>) src(%dma_wait3A_120 : memref<32x128xf32, #tpu.memory_space<vmem>>) dst(%dma_wait3A_116 : memref<32x128xf32, #tpu.memory_space<vmem_shared>>)
      tpu.yield
    }) : () -> ()
    %add3A_49 = arith.constant 352 : i32
    %add3A_50 = arith.addi %mul3A_16, %add3A_49 : i32
    %run_scoped3A_51 = arith.constant 0 : i32
    "tpu.region"() ({
      %run_scoped3A_98 = tpu.sem_alloc : memref<!tpu.dma_semaphore, #tpu.memory_space<semaphore_mem>>
      %dma_start3A = arith.constant 0 : i32
      %dma_start3A_99 = arith.constant 0 : i32
      %dma_start3A_100 = tpu.memref_slice %arg9[%run_scoped3A_51, %dma_start3A, %dma_start3A_99] : memref<3x32x128xf32, #tpu.memory_space<vmem>> -> memref<1x32x128xf32, #tpu.memory_space<vmem>>
      %dma_start3A_101 = tpu.memref_squeeze %dma_start3A_100 : memref<1x32x128xf32, #tpu.memory_space<vmem>> -> memref<32x128xf32, #tpu.memory_space<vmem>>
      %dma_start3A_102 = arith.constant 0 : i32
      %dma_start3A_103 = tpu.memref_slice %arg16[%add3A_50, %dma_start3A_102] : memref<10112x128xf32, #tpu.memory_space<vmem_shared>> -> memref<32x128xf32, #tpu.memory_space<vmem_shared>>
      %dma_start3A_104 = arith.constant 0 : i32
      %dma_start3A_105 = tpu.memref_slice %arg16[%add3A_50, %dma_start3A_104] : memref<10112x128xf32, #tpu.memory_space<vmem_shared>> -> memref<32x128xf32, #tpu.memory_space<vmem_shared>>
      %dma_start3A_106 = arith.constant 0 : i32
      %dma_start3A_107 = arith.constant 0 : i32
      %dma_start3A_108 = tpu.memref_slice %arg9[%run_scoped3A_51, %dma_start3A_106, %dma_start3A_107] : memref<3x32x128xf32, #tpu.memory_space<vmem>> -> memref<1x32x128xf32, #tpu.memory_space<vmem>>
      %dma_start3A_109 = tpu.memref_squeeze %dma_start3A_108 : memref<1x32x128xf32, #tpu.memory_space<vmem>> -> memref<32x128xf32, #tpu.memory_space<vmem>>
      tpu.enqueue_dma source(%dma_start3A_109 : memref<32x128xf32, #tpu.memory_space<vmem>>) target(%dma_start3A_105 : memref<32x128xf32, #tpu.memory_space<vmem_shared>>) target_semaphore(%run_scoped3A_98 : memref<!tpu.dma_semaphore, #tpu.memory_space<semaphore_mem>>)
      %dma_wait3A = arith.constant 0 : i32
      %dma_wait3A_110 = arith.constant 0 : i32
      %dma_wait3A_111 = tpu.memref_slice %arg9[%run_scoped3A_51, %dma_wait3A, %dma_wait3A_110] : memref<3x32x128xf32, #tpu.memory_space<vmem>> -> memref<1x32x128xf32, #tpu.memory_space<vmem>>
      %dma_wait3A_112 = tpu.memref_squeeze %dma_wait3A_111 : memref<1x32x128xf32, #tpu.memory_space<vmem>> -> memref<32x128xf32, #tpu.memory_space<vmem>>
      %dma_wait3A_113 = arith.constant 0 : i32
      %dma_wait3A_114 = tpu.memref_slice %arg16[%add3A_50, %dma_wait3A_113] : memref<10112x128xf32, #tpu.memory_space<vmem_shared>> -> memref<32x128xf32, #tpu.memory_space<vmem_shared>>
      %dma_wait3A_115 = arith.constant 0 : i32
      %dma_wait3A_116 = tpu.memref_slice %arg16[%add3A_50, %dma_wait3A_115] : memref<10112x128xf32, #tpu.memory_space<vmem_shared>> -> memref<32x128xf32, #tpu.memory_space<vmem_shared>>
      %dma_wait3A_117 = arith.constant 0 : i32
      %dma_wait3A_118 = arith.constant 0 : i32
      %dma_wait3A_119 = tpu.memref_slice %arg9[%run_scoped3A_51, %dma_wait3A_117, %dma_wait3A_118] : memref<3x32x128xf32, #tpu.memory_space<vmem>> -> memref<1x32x128xf32, #tpu.memory_space<vmem>>
      %dma_wait3A_120 = tpu.memref_squeeze %dma_wait3A_119 : memref<1x32x128xf32, #tpu.memory_space<vmem>> -> memref<32x128xf32, #tpu.memory_space<vmem>>
      tpu.wait_dma2 semaphore(%run_scoped3A_98 : memref<!tpu.dma_semaphore, #tpu.memory_space<semaphore_mem>>) src(%dma_wait3A_120 : memref<32x128xf32, #tpu.memory_space<vmem>>) dst(%dma_wait3A_116 : memref<32x128xf32, #tpu.memory_space<vmem_shared>>)
      tpu.yield
    }) : () -> ()
    %add3A_52 = arith.constant 384 : i32
    %add3A_53 = arith.addi %mul3A_16, %add3A_52 : i32
    %run_scoped3A_54 = arith.constant 0 : i32
    "tpu.region"() ({
      %run_scoped3A_98 = tpu.sem_alloc : memref<!tpu.dma_semaphore, #tpu.memory_space<semaphore_mem>>
      %dma_start3A = arith.constant 0 : i32
      %dma_start3A_99 = arith.constant 0 : i32
      %dma_start3A_100 = tpu.memref_slice %arg9[%run_scoped3A_54, %dma_start3A, %dma_start3A_99] : memref<3x32x128xf32, #tpu.memory_space<vmem>> -> memref<1x32x128xf32, #tpu.memory_space<vmem>>
      %dma_start3A_101 = tpu.memref_squeeze %dma_start3A_100 : memref<1x32x128xf32, #tpu.memory_space<vmem>> -> memref<32x128xf32, #tpu.memory_space<vmem>>
      %dma_start3A_102 = arith.constant 0 : i32
      %dma_start3A_103 = tpu.memref_slice %arg16[%add3A_53, %dma_start3A_102] : memref<10112x128xf32, #tpu.memory_space<vmem_shared>> -> memref<32x128xf32, #tpu.memory_space<vmem_shared>>
      %dma_start3A_104 = arith.constant 0 : i32
      %dma_start3A_105 = tpu.memref_slice %arg16[%add3A_53, %dma_start3A_104] : memref<10112x128xf32, #tpu.memory_space<vmem_shared>> -> memref<32x128xf32, #tpu.memory_space<vmem_shared>>
      %dma_start3A_106 = arith.constant 0 : i32
      %dma_start3A_107 = arith.constant 0 : i32
      %dma_start3A_108 = tpu.memref_slice %arg9[%run_scoped3A_54, %dma_start3A_106, %dma_start3A_107] : memref<3x32x128xf32, #tpu.memory_space<vmem>> -> memref<1x32x128xf32, #tpu.memory_space<vmem>>
      %dma_start3A_109 = tpu.memref_squeeze %dma_start3A_108 : memref<1x32x128xf32, #tpu.memory_space<vmem>> -> memref<32x128xf32, #tpu.memory_space<vmem>>
      tpu.enqueue_dma source(%dma_start3A_109 : memref<32x128xf32, #tpu.memory_space<vmem>>) target(%dma_start3A_105 : memref<32x128xf32, #tpu.memory_space<vmem_shared>>) target_semaphore(%run_scoped3A_98 : memref<!tpu.dma_semaphore, #tpu.memory_space<semaphore_mem>>)
      %dma_wait3A = arith.constant 0 : i32
      %dma_wait3A_110 = arith.constant 0 : i32
      %dma_wait3A_111 = tpu.memref_slice %arg9[%run_scoped3A_54, %dma_wait3A, %dma_wait3A_110] : memref<3x32x128xf32, #tpu.memory_space<vmem>> -> memref<1x32x128xf32, #tpu.memory_space<vmem>>
      %dma_wait3A_112 = tpu.memref_squeeze %dma_wait3A_111 : memref<1x32x128xf32, #tpu.memory_space<vmem>> -> memref<32x128xf32, #tpu.memory_space<vmem>>
      %dma_wait3A_113 = arith.constant 0 : i32
      %dma_wait3A_114 = tpu.memref_slice %arg16[%add3A_53, %dma_wait3A_113] : memref<10112x128xf32, #tpu.memory_space<vmem_shared>> -> memref<32x128xf32, #tpu.memory_space<vmem_shared>>
      %dma_wait3A_115 = arith.constant 0 : i32
      %dma_wait3A_116 = tpu.memref_slice %arg16[%add3A_53, %dma_wait3A_115] : memref<10112x128xf32, #tpu.memory_space<vmem_shared>> -> memref<32x128xf32, #tpu.memory_space<vmem_shared>>
      %dma_wait3A_117 = arith.constant 0 : i32
      %dma_wait3A_118 = arith.constant 0 : i32
      %dma_wait3A_119 = tpu.memref_slice %arg9[%run_scoped3A_54, %dma_wait3A_117, %dma_wait3A_118] : memref<3x32x128xf32, #tpu.memory_space<vmem>> -> memref<1x32x128xf32, #tpu.memory_space<vmem>>
      %dma_wait3A_120 = tpu.memref_squeeze %dma_wait3A_119 : memref<1x32x128xf32, #tpu.memory_space<vmem>> -> memref<32x128xf32, #tpu.memory_space<vmem>>
      tpu.wait_dma2 semaphore(%run_scoped3A_98 : memref<!tpu.dma_semaphore, #tpu.memory_space<semaphore_mem>>) src(%dma_wait3A_120 : memref<32x128xf32, #tpu.memory_space<vmem>>) dst(%dma_wait3A_116 : memref<32x128xf32, #tpu.memory_space<vmem_shared>>)
      tpu.yield
    }) : () -> ()
    %add3A_55 = arith.constant 416 : i32
    %add3A_56 = arith.addi %mul3A_16, %add3A_55 : i32
    %run_scoped3A_57 = arith.constant 0 : i32
    "tpu.region"() ({
      %run_scoped3A_98 = tpu.sem_alloc : memref<!tpu.dma_semaphore, #tpu.memory_space<semaphore_mem>>
      %dma_start3A = arith.constant 0 : i32
      %dma_start3A_99 = arith.constant 0 : i32
      %dma_start3A_100 = tpu.memref_slice %arg9[%run_scoped3A_57, %dma_start3A, %dma_start3A_99] : memref<3x32x128xf32, #tpu.memory_space<vmem>> -> memref<1x32x128xf32, #tpu.memory_space<vmem>>
      %dma_start3A_101 = tpu.memref_squeeze %dma_start3A_100 : memref<1x32x128xf32, #tpu.memory_space<vmem>> -> memref<32x128xf32, #tpu.memory_space<vmem>>
      %dma_start3A_102 = arith.constant 0 : i32
      %dma_start3A_103 = tpu.memref_slice %arg16[%add3A_56, %dma_start3A_102] : memref<10112x128xf32, #tpu.memory_space<vmem_shared>> -> memref<32x128xf32, #tpu.memory_space<vmem_shared>>
      %dma_start3A_104 = arith.constant 0 : i32
      %dma_start3A_105 = tpu.memref_slice %arg16[%add3A_56, %dma_start3A_104] : memref<10112x128xf32, #tpu.memory_space<vmem_shared>> -> memref<32x128xf32, #tpu.memory_space<vmem_shared>>
      %dma_start3A_106 = arith.constant 0 : i32
      %dma_start3A_107 = arith.constant 0 : i32
      %dma_start3A_108 = tpu.memref_slice %arg9[%run_scoped3A_57, %dma_start3A_106, %dma_start3A_107] : memref<3x32x128xf32, #tpu.memory_space<vmem>> -> memref<1x32x128xf32, #tpu.memory_space<vmem>>
      %dma_start3A_109 = tpu.memref_squeeze %dma_start3A_108 : memref<1x32x128xf32, #tpu.memory_space<vmem>> -> memref<32x128xf32, #tpu.memory_space<vmem>>
      tpu.enqueue_dma source(%dma_start3A_109 : memref<32x128xf32, #tpu.memory_space<vmem>>) target(%dma_start3A_105 : memref<32x128xf32, #tpu.memory_space<vmem_shared>>) target_semaphore(%run_scoped3A_98 : memref<!tpu.dma_semaphore, #tpu.memory_space<semaphore_mem>>)
      %dma_wait3A = arith.constant 0 : i32
      %dma_wait3A_110 = arith.constant 0 : i32
      %dma_wait3A_111 = tpu.memref_slice %arg9[%run_scoped3A_57, %dma_wait3A, %dma_wait3A_110] : memref<3x32x128xf32, #tpu.memory_space<vmem>> -> memref<1x32x128xf32, #tpu.memory_space<vmem>>
      %dma_wait3A_112 = tpu.memref_squeeze %dma_wait3A_111 : memref<1x32x128xf32, #tpu.memory_space<vmem>> -> memref<32x128xf32, #tpu.memory_space<vmem>>
      %dma_wait3A_113 = arith.constant 0 : i32
      %dma_wait3A_114 = tpu.memref_slice %arg16[%add3A_56, %dma_wait3A_113] : memref<10112x128xf32, #tpu.memory_space<vmem_shared>> -> memref<32x128xf32, #tpu.memory_space<vmem_shared>>
      %dma_wait3A_115 = arith.constant 0 : i32
      %dma_wait3A_116 = tpu.memref_slice %arg16[%add3A_56, %dma_wait3A_115] : memref<10112x128xf32, #tpu.memory_space<vmem_shared>> -> memref<32x128xf32, #tpu.memory_space<vmem_shared>>
      %dma_wait3A_117 = arith.constant 0 : i32
      %dma_wait3A_118 = arith.constant 0 : i32
      %dma_wait3A_119 = tpu.memref_slice %arg9[%run_scoped3A_57, %dma_wait3A_117, %dma_wait3A_118] : memref<3x32x128xf32, #tpu.memory_space<vmem>> -> memref<1x32x128xf32, #tpu.memory_space<vmem>>
      %dma_wait3A_120 = tpu.memref_squeeze %dma_wait3A_119 : memref<1x32x128xf32, #tpu.memory_space<vmem>> -> memref<32x128xf32, #tpu.memory_space<vmem>>
      tpu.wait_dma2 semaphore(%run_scoped3A_98 : memref<!tpu.dma_semaphore, #tpu.memory_space<semaphore_mem>>) src(%dma_wait3A_120 : memref<32x128xf32, #tpu.memory_space<vmem>>) dst(%dma_wait3A_116 : memref<32x128xf32, #tpu.memory_space<vmem_shared>>)
      tpu.yield
    }) : () -> ()
    %add3A_58 = arith.constant 448 : i32
    %add3A_59 = arith.addi %mul3A_16, %add3A_58 : i32
    %run_scoped3A_60 = arith.constant 0 : i32
    "tpu.region"() ({
      %run_scoped3A_98 = tpu.sem_alloc : memref<!tpu.dma_semaphore, #tpu.memory_space<semaphore_mem>>
      %dma_start3A = arith.constant 0 : i32
      %dma_start3A_99 = arith.constant 0 : i32
      %dma_start3A_100 = tpu.memref_slice %arg9[%run_scoped3A_60, %dma_start3A, %dma_start3A_99] : memref<3x32x128xf32, #tpu.memory_space<vmem>> -> memref<1x32x128xf32, #tpu.memory_space<vmem>>
      %dma_start3A_101 = tpu.memref_squeeze %dma_start3A_100 : memref<1x32x128xf32, #tpu.memory_space<vmem>> -> memref<32x128xf32, #tpu.memory_space<vmem>>
      %dma_start3A_102 = arith.constant 0 : i32
      %dma_start3A_103 = tpu.memref_slice %arg16[%add3A_59, %dma_start3A_102] : memref<10112x128xf32, #tpu.memory_space<vmem_shared>> -> memref<32x128xf32, #tpu.memory_space<vmem_shared>>
      %dma_start3A_104 = arith.constant 0 : i32
      %dma_start3A_105 = tpu.memref_slice %arg16[%add3A_59, %dma_start3A_104] : memref<10112x128xf32, #tpu.memory_space<vmem_shared>> -> memref<32x128xf32, #tpu.memory_space<vmem_shared>>
      %dma_start3A_106 = arith.constant 0 : i32
      %dma_start3A_107 = arith.constant 0 : i32
      %dma_start3A_108 = tpu.memref_slice %arg9[%run_scoped3A_60, %dma_start3A_106, %dma_start3A_107] : memref<3x32x128xf32, #tpu.memory_space<vmem>> -> memref<1x32x128xf32, #tpu.memory_space<vmem>>
      %dma_start3A_109 = tpu.memref_squeeze %dma_start3A_108 : memref<1x32x128xf32, #tpu.memory_space<vmem>> -> memref<32x128xf32, #tpu.memory_space<vmem>>
      tpu.enqueue_dma source(%dma_start3A_109 : memref<32x128xf32, #tpu.memory_space<vmem>>) target(%dma_start3A_105 : memref<32x128xf32, #tpu.memory_space<vmem_shared>>) target_semaphore(%run_scoped3A_98 : memref<!tpu.dma_semaphore, #tpu.memory_space<semaphore_mem>>)
      %dma_wait3A = arith.constant 0 : i32
      %dma_wait3A_110 = arith.constant 0 : i32
      %dma_wait3A_111 = tpu.memref_slice %arg9[%run_scoped3A_60, %dma_wait3A, %dma_wait3A_110] : memref<3x32x128xf32, #tpu.memory_space<vmem>> -> memref<1x32x128xf32, #tpu.memory_space<vmem>>
      %dma_wait3A_112 = tpu.memref_squeeze %dma_wait3A_111 : memref<1x32x128xf32, #tpu.memory_space<vmem>> -> memref<32x128xf32, #tpu.memory_space<vmem>>
      %dma_wait3A_113 = arith.constant 0 : i32
      %dma_wait3A_114 = tpu.memref_slice %arg16[%add3A_59, %dma_wait3A_113] : memref<10112x128xf32, #tpu.memory_space<vmem_shared>> -> memref<32x128xf32, #tpu.memory_space<vmem_shared>>
      %dma_wait3A_115 = arith.constant 0 : i32
      %dma_wait3A_116 = tpu.memref_slice %arg16[%add3A_59, %dma_wait3A_115] : memref<10112x128xf32, #tpu.memory_space<vmem_shared>> -> memref<32x128xf32, #tpu.memory_space<vmem_shared>>
      %dma_wait3A_117 = arith.constant 0 : i32
      %dma_wait3A_118 = arith.constant 0 : i32
      %dma_wait3A_119 = tpu.memref_slice %arg9[%run_scoped3A_60, %dma_wait3A_117, %dma_wait3A_118] : memref<3x32x128xf32, #tpu.memory_space<vmem>> -> memref<1x32x128xf32, #tpu.memory_space<vmem>>
      %dma_wait3A_120 = tpu.memref_squeeze %dma_wait3A_119 : memref<1x32x128xf32, #tpu.memory_space<vmem>> -> memref<32x128xf32, #tpu.memory_space<vmem>>
      tpu.wait_dma2 semaphore(%run_scoped3A_98 : memref<!tpu.dma_semaphore, #tpu.memory_space<semaphore_mem>>) src(%dma_wait3A_120 : memref<32x128xf32, #tpu.memory_space<vmem>>) dst(%dma_wait3A_116 : memref<32x128xf32, #tpu.memory_space<vmem_shared>>)
      tpu.yield
    }) : () -> ()
    %add3A_61 = arith.constant 480 : i32
    %add3A_62 = arith.addi %mul3A_16, %add3A_61 : i32
    %run_scoped3A_63 = arith.constant 0 : i32
    "tpu.region"() ({
      %run_scoped3A_98 = tpu.sem_alloc : memref<!tpu.dma_semaphore, #tpu.memory_space<semaphore_mem>>
      %dma_start3A = arith.constant 0 : i32
      %dma_start3A_99 = arith.constant 0 : i32
      %dma_start3A_100 = tpu.memref_slice %arg9[%run_scoped3A_63, %dma_start3A, %dma_start3A_99] : memref<3x32x128xf32, #tpu.memory_space<vmem>> -> memref<1x32x128xf32, #tpu.memory_space<vmem>>
      %dma_start3A_101 = tpu.memref_squeeze %dma_start3A_100 : memref<1x32x128xf32, #tpu.memory_space<vmem>> -> memref<32x128xf32, #tpu.memory_space<vmem>>
      %dma_start3A_102 = arith.constant 0 : i32
      %dma_start3A_103 = tpu.memref_slice %arg16[%add3A_62, %dma_start3A_102] : memref<10112x128xf32, #tpu.memory_space<vmem_shared>> -> memref<32x128xf32, #tpu.memory_space<vmem_shared>>
      %dma_start3A_104 = arith.constant 0 : i32
      %dma_start3A_105 = tpu.memref_slice %arg16[%add3A_62, %dma_start3A_104] : memref<10112x128xf32, #tpu.memory_space<vmem_shared>> -> memref<32x128xf32, #tpu.memory_space<vmem_shared>>
      %dma_start3A_106 = arith.constant 0 : i32
      %dma_start3A_107 = arith.constant 0 : i32
      %dma_start3A_108 = tpu.memref_slice %arg9[%run_scoped3A_63, %dma_start3A_106, %dma_start3A_107] : memref<3x32x128xf32, #tpu.memory_space<vmem>> -> memref<1x32x128xf32, #tpu.memory_space<vmem>>
      %dma_start3A_109 = tpu.memref_squeeze %dma_start3A_108 : memref<1x32x128xf32, #tpu.memory_space<vmem>> -> memref<32x128xf32, #tpu.memory_space<vmem>>
      tpu.enqueue_dma source(%dma_start3A_109 : memref<32x128xf32, #tpu.memory_space<vmem>>) target(%dma_start3A_105 : memref<32x128xf32, #tpu.memory_space<vmem_shared>>) target_semaphore(%run_scoped3A_98 : memref<!tpu.dma_semaphore, #tpu.memory_space<semaphore_mem>>)
      %dma_wait3A = arith.constant 0 : i32
      %dma_wait3A_110 = arith.constant 0 : i32
      %dma_wait3A_111 = tpu.memref_slice %arg9[%run_scoped3A_63, %dma_wait3A, %dma_wait3A_110] : memref<3x32x128xf32, #tpu.memory_space<vmem>> -> memref<1x32x128xf32, #tpu.memory_space<vmem>>
      %dma_wait3A_112 = tpu.memref_squeeze %dma_wait3A_111 : memref<1x32x128xf32, #tpu.memory_space<vmem>> -> memref<32x128xf32, #tpu.memory_space<vmem>>
      %dma_wait3A_113 = arith.constant 0 : i32
      %dma_wait3A_114 = tpu.memref_slice %arg16[%add3A_62, %dma_wait3A_113] : memref<10112x128xf32, #tpu.memory_space<vmem_shared>> -> memref<32x128xf32, #tpu.memory_space<vmem_shared>>
      %dma_wait3A_115 = arith.constant 0 : i32
      %dma_wait3A_116 = tpu.memref_slice %arg16[%add3A_62, %dma_wait3A_115] : memref<10112x128xf32, #tpu.memory_space<vmem_shared>> -> memref<32x128xf32, #tpu.memory_space<vmem_shared>>
      %dma_wait3A_117 = arith.constant 0 : i32
      %dma_wait3A_118 = arith.constant 0 : i32
      %dma_wait3A_119 = tpu.memref_slice %arg9[%run_scoped3A_63, %dma_wait3A_117, %dma_wait3A_118] : memref<3x32x128xf32, #tpu.memory_space<vmem>> -> memref<1x32x128xf32, #tpu.memory_space<vmem>>
      %dma_wait3A_120 = tpu.memref_squeeze %dma_wait3A_119 : memref<1x32x128xf32, #tpu.memory_space<vmem>> -> memref<32x128xf32, #tpu.memory_space<vmem>>
      tpu.wait_dma2 semaphore(%run_scoped3A_98 : memref<!tpu.dma_semaphore, #tpu.memory_space<semaphore_mem>>) src(%dma_wait3A_120 : memref<32x128xf32, #tpu.memory_space<vmem>>) dst(%dma_wait3A_116 : memref<32x128xf32, #tpu.memory_space<vmem_shared>>)
      tpu.yield
    }) : () -> ()
    %add3A_64 = arith.constant 512 : i32
    %add3A_65 = arith.addi %mul3A_16, %add3A_64 : i32
    %run_scoped3A_66 = arith.constant 0 : i32
    "tpu.region"() ({
      %run_scoped3A_98 = tpu.sem_alloc : memref<!tpu.dma_semaphore, #tpu.memory_space<semaphore_mem>>
      %dma_start3A = arith.constant 0 : i32
      %dma_start3A_99 = arith.constant 0 : i32
      %dma_start3A_100 = tpu.memref_slice %arg9[%run_scoped3A_66, %dma_start3A, %dma_start3A_99] : memref<3x32x128xf32, #tpu.memory_space<vmem>> -> memref<1x32x128xf32, #tpu.memory_space<vmem>>
      %dma_start3A_101 = tpu.memref_squeeze %dma_start3A_100 : memref<1x32x128xf32, #tpu.memory_space<vmem>> -> memref<32x128xf32, #tpu.memory_space<vmem>>
      %dma_start3A_102 = arith.constant 0 : i32
      %dma_start3A_103 = tpu.memref_slice %arg16[%add3A_65, %dma_start3A_102] : memref<10112x128xf32, #tpu.memory_space<vmem_shared>> -> memref<32x128xf32, #tpu.memory_space<vmem_shared>>
      %dma_start3A_104 = arith.constant 0 : i32
      %dma_start3A_105 = tpu.memref_slice %arg16[%add3A_65, %dma_start3A_104] : memref<10112x128xf32, #tpu.memory_space<vmem_shared>> -> memref<32x128xf32, #tpu.memory_space<vmem_shared>>
      %dma_start3A_106 = arith.constant 0 : i32
      %dma_start3A_107 = arith.constant 0 : i32
      %dma_start3A_108 = tpu.memref_slice %arg9[%run_scoped3A_66, %dma_start3A_106, %dma_start3A_107] : memref<3x32x128xf32, #tpu.memory_space<vmem>> -> memref<1x32x128xf32, #tpu.memory_space<vmem>>
      %dma_start3A_109 = tpu.memref_squeeze %dma_start3A_108 : memref<1x32x128xf32, #tpu.memory_space<vmem>> -> memref<32x128xf32, #tpu.memory_space<vmem>>
      tpu.enqueue_dma source(%dma_start3A_109 : memref<32x128xf32, #tpu.memory_space<vmem>>) target(%dma_start3A_105 : memref<32x128xf32, #tpu.memory_space<vmem_shared>>) target_semaphore(%run_scoped3A_98 : memref<!tpu.dma_semaphore, #tpu.memory_space<semaphore_mem>>)
      %dma_wait3A = arith.constant 0 : i32
      %dma_wait3A_110 = arith.constant 0 : i32
      %dma_wait3A_111 = tpu.memref_slice %arg9[%run_scoped3A_66, %dma_wait3A, %dma_wait3A_110] : memref<3x32x128xf32, #tpu.memory_space<vmem>> -> memref<1x32x128xf32, #tpu.memory_space<vmem>>
      %dma_wait3A_112 = tpu.memref_squeeze %dma_wait3A_111 : memref<1x32x128xf32, #tpu.memory_space<vmem>> -> memref<32x128xf32, #tpu.memory_space<vmem>>
      %dma_wait3A_113 = arith.constant 0 : i32
      %dma_wait3A_114 = tpu.memref_slice %arg16[%add3A_65, %dma_wait3A_113] : memref<10112x128xf32, #tpu.memory_space<vmem_shared>> -> memref<32x128xf32, #tpu.memory_space<vmem_shared>>
      %dma_wait3A_115 = arith.constant 0 : i32
      %dma_wait3A_116 = tpu.memref_slice %arg16[%add3A_65, %dma_wait3A_115] : memref<10112x128xf32, #tpu.memory_space<vmem_shared>> -> memref<32x128xf32, #tpu.memory_space<vmem_shared>>
      %dma_wait3A_117 = arith.constant 0 : i32
      %dma_wait3A_118 = arith.constant 0 : i32
      %dma_wait3A_119 = tpu.memref_slice %arg9[%run_scoped3A_66, %dma_wait3A_117, %dma_wait3A_118] : memref<3x32x128xf32, #tpu.memory_space<vmem>> -> memref<1x32x128xf32, #tpu.memory_space<vmem>>
      %dma_wait3A_120 = tpu.memref_squeeze %dma_wait3A_119 : memref<1x32x128xf32, #tpu.memory_space<vmem>> -> memref<32x128xf32, #tpu.memory_space<vmem>>
      tpu.wait_dma2 semaphore(%run_scoped3A_98 : memref<!tpu.dma_semaphore, #tpu.memory_space<semaphore_mem>>) src(%dma_wait3A_120 : memref<32x128xf32, #tpu.memory_space<vmem>>) dst(%dma_wait3A_116 : memref<32x128xf32, #tpu.memory_space<vmem_shared>>)
      tpu.yield
    }) : () -> ()
    %add3A_67 = arith.constant 544 : i32
    %add3A_68 = arith.addi %mul3A_16, %add3A_67 : i32
    %run_scoped3A_69 = arith.constant 0 : i32
    "tpu.region"() ({
      %run_scoped3A_98 = tpu.sem_alloc : memref<!tpu.dma_semaphore, #tpu.memory_space<semaphore_mem>>
      %dma_start3A = arith.constant 0 : i32
      %dma_start3A_99 = arith.constant 0 : i32
      %dma_start3A_100 = tpu.memref_slice %arg9[%run_scoped3A_69, %dma_start3A, %dma_start3A_99] : memref<3x32x128xf32, #tpu.memory_space<vmem>> -> memref<1x32x128xf32, #tpu.memory_space<vmem>>
      %dma_start3A_101 = tpu.memref_squeeze %dma_start3A_100 : memref<1x32x128xf32, #tpu.memory_space<vmem>> -> memref<32x128xf32, #tpu.memory_space<vmem>>
      %dma_start3A_102 = arith.constant 0 : i32
      %dma_start3A_103 = tpu.memref_slice %arg16[%add3A_68, %dma_start3A_102] : memref<10112x128xf32, #tpu.memory_space<vmem_shared>> -> memref<32x128xf32, #tpu.memory_space<vmem_shared>>
      %dma_start3A_104 = arith.constant 0 : i32
      %dma_start3A_105 = tpu.memref_slice %arg16[%add3A_68, %dma_start3A_104] : memref<10112x128xf32, #tpu.memory_space<vmem_shared>> -> memref<32x128xf32, #tpu.memory_space<vmem_shared>>
      %dma_start3A_106 = arith.constant 0 : i32
      %dma_start3A_107 = arith.constant 0 : i32
      %dma_start3A_108 = tpu.memref_slice %arg9[%run_scoped3A_69, %dma_start3A_106, %dma_start3A_107] : memref<3x32x128xf32, #tpu.memory_space<vmem>> -> memref<1x32x128xf32, #tpu.memory_space<vmem>>
      %dma_start3A_109 = tpu.memref_squeeze %dma_start3A_108 : memref<1x32x128xf32, #tpu.memory_space<vmem>> -> memref<32x128xf32, #tpu.memory_space<vmem>>
      tpu.enqueue_dma source(%dma_start3A_109 : memref<32x128xf32, #tpu.memory_space<vmem>>) target(%dma_start3A_105 : memref<32x128xf32, #tpu.memory_space<vmem_shared>>) target_semaphore(%run_scoped3A_98 : memref<!tpu.dma_semaphore, #tpu.memory_space<semaphore_mem>>)
      %dma_wait3A = arith.constant 0 : i32
      %dma_wait3A_110 = arith.constant 0 : i32
      %dma_wait3A_111 = tpu.memref_slice %arg9[%run_scoped3A_69, %dma_wait3A, %dma_wait3A_110] : memref<3x32x128xf32, #tpu.memory_space<vmem>> -> memref<1x32x128xf32, #tpu.memory_space<vmem>>
      %dma_wait3A_112 = tpu.memref_squeeze %dma_wait3A_111 : memref<1x32x128xf32, #tpu.memory_space<vmem>> -> memref<32x128xf32, #tpu.memory_space<vmem>>
      %dma_wait3A_113 = arith.constant 0 : i32
      %dma_wait3A_114 = tpu.memref_slice %arg16[%add3A_68, %dma_wait3A_113] : memref<10112x128xf32, #tpu.memory_space<vmem_shared>> -> memref<32x128xf32, #tpu.memory_space<vmem_shared>>
      %dma_wait3A_115 = arith.constant 0 : i32
      %dma_wait3A_116 = tpu.memref_slice %arg16[%add3A_68, %dma_wait3A_115] : memref<10112x128xf32, #tpu.memory_space<vmem_shared>> -> memref<32x128xf32, #tpu.memory_space<vmem_shared>>
      %dma_wait3A_117 = arith.constant 0 : i32
      %dma_wait3A_118 = arith.constant 0 : i32
      %dma_wait3A_119 = tpu.memref_slice %arg9[%run_scoped3A_69, %dma_wait3A_117, %dma_wait3A_118] : memref<3x32x128xf32, #tpu.memory_space<vmem>> -> memref<1x32x128xf32, #tpu.memory_space<vmem>>
      %dma_wait3A_120 = tpu.memref_squeeze %dma_wait3A_119 : memref<1x32x128xf32, #tpu.memory_space<vmem>> -> memref<32x128xf32, #tpu.memory_space<vmem>>
      tpu.wait_dma2 semaphore(%run_scoped3A_98 : memref<!tpu.dma_semaphore, #tpu.memory_space<semaphore_mem>>) src(%dma_wait3A_120 : memref<32x128xf32, #tpu.memory_space<vmem>>) dst(%dma_wait3A_116 : memref<32x128xf32, #tpu.memory_space<vmem_shared>>)
      tpu.yield
    }) : () -> ()
    %add3A_70 = arith.constant 576 : i32
    %add3A_71 = arith.addi %mul3A_16, %add3A_70 : i32
    %run_scoped3A_72 = arith.constant 0 : i32
    "tpu.region"() ({
      %run_scoped3A_98 = tpu.sem_alloc : memref<!tpu.dma_semaphore, #tpu.memory_space<semaphore_mem>>
      %dma_start3A = arith.constant 0 : i32
      %dma_start3A_99 = arith.constant 0 : i32
      %dma_start3A_100 = tpu.memref_slice %arg9[%run_scoped3A_72, %dma_start3A, %dma_start3A_99] : memref<3x32x128xf32, #tpu.memory_space<vmem>> -> memref<1x32x128xf32, #tpu.memory_space<vmem>>
      %dma_start3A_101 = tpu.memref_squeeze %dma_start3A_100 : memref<1x32x128xf32, #tpu.memory_space<vmem>> -> memref<32x128xf32, #tpu.memory_space<vmem>>
      %dma_start3A_102 = arith.constant 0 : i32
      %dma_start3A_103 = tpu.memref_slice %arg16[%add3A_71, %dma_start3A_102] : memref<10112x128xf32, #tpu.memory_space<vmem_shared>> -> memref<32x128xf32, #tpu.memory_space<vmem_shared>>
      %dma_start3A_104 = arith.constant 0 : i32
      %dma_start3A_105 = tpu.memref_slice %arg16[%add3A_71, %dma_start3A_104] : memref<10112x128xf32, #tpu.memory_space<vmem_shared>> -> memref<32x128xf32, #tpu.memory_space<vmem_shared>>
      %dma_start3A_106 = arith.constant 0 : i32
      %dma_start3A_107 = arith.constant 0 : i32
      %dma_start3A_108 = tpu.memref_slice %arg9[%run_scoped3A_72, %dma_start3A_106, %dma_start3A_107] : memref<3x32x128xf32, #tpu.memory_space<vmem>> -> memref<1x32x128xf32, #tpu.memory_space<vmem>>
      %dma_start3A_109 = tpu.memref_squeeze %dma_start3A_108 : memref<1x32x128xf32, #tpu.memory_space<vmem>> -> memref<32x128xf32, #tpu.memory_space<vmem>>
      tpu.enqueue_dma source(%dma_start3A_109 : memref<32x128xf32, #tpu.memory_space<vmem>>) target(%dma_start3A_105 : memref<32x128xf32, #tpu.memory_space<vmem_shared>>) target_semaphore(%run_scoped3A_98 : memref<!tpu.dma_semaphore, #tpu.memory_space<semaphore_mem>>)
      %dma_wait3A = arith.constant 0 : i32
      %dma_wait3A_110 = arith.constant 0 : i32
      %dma_wait3A_111 = tpu.memref_slice %arg9[%run_scoped3A_72, %dma_wait3A, %dma_wait3A_110] : memref<3x32x128xf32, #tpu.memory_space<vmem>> -> memref<1x32x128xf32, #tpu.memory_space<vmem>>
      %dma_wait3A_112 = tpu.memref_squeeze %dma_wait3A_111 : memref<1x32x128xf32, #tpu.memory_space<vmem>> -> memref<32x128xf32, #tpu.memory_space<vmem>>
      %dma_wait3A_113 = arith.constant 0 : i32
      %dma_wait3A_114 = tpu.memref_slice %arg16[%add3A_71, %dma_wait3A_113] : memref<10112x128xf32, #tpu.memory_space<vmem_shared>> -> memref<32x128xf32, #tpu.memory_space<vmem_shared>>
      %dma_wait3A_115 = arith.constant 0 : i32
      %dma_wait3A_116 = tpu.memref_slice %arg16[%add3A_71, %dma_wait3A_115] : memref<10112x128xf32, #tpu.memory_space<vmem_shared>> -> memref<32x128xf32, #tpu.memory_space<vmem_shared>>
      %dma_wait3A_117 = arith.constant 0 : i32
      %dma_wait3A_118 = arith.constant 0 : i32
      %dma_wait3A_119 = tpu.memref_slice %arg9[%run_scoped3A_72, %dma_wait3A_117, %dma_wait3A_118] : memref<3x32x128xf32, #tpu.memory_space<vmem>> -> memref<1x32x128xf32, #tpu.memory_space<vmem>>
      %dma_wait3A_120 = tpu.memref_squeeze %dma_wait3A_119 : memref<1x32x128xf32, #tpu.memory_space<vmem>> -> memref<32x128xf32, #tpu.memory_space<vmem>>
      tpu.wait_dma2 semaphore(%run_scoped3A_98 : memref<!tpu.dma_semaphore, #tpu.memory_space<semaphore_mem>>) src(%dma_wait3A_120 : memref<32x128xf32, #tpu.memory_space<vmem>>) dst(%dma_wait3A_116 : memref<32x128xf32, #tpu.memory_space<vmem_shared>>)
      tpu.yield
    }) : () -> ()
    %add3A_73 = arith.constant 608 : i32
    %add3A_74 = arith.addi %mul3A_16, %add3A_73 : i32
    %run_scoped3A_75 = arith.constant 0 : i32
    "tpu.region"() ({
      %run_scoped3A_98 = tpu.sem_alloc : memref<!tpu.dma_semaphore, #tpu.memory_space<semaphore_mem>>
      %dma_start3A = arith.constant 0 : i32
      %dma_start3A_99 = arith.constant 0 : i32
      %dma_start3A_100 = tpu.memref_slice %arg9[%run_scoped3A_75, %dma_start3A, %dma_start3A_99] : memref<3x32x128xf32, #tpu.memory_space<vmem>> -> memref<1x24x128xf32, #tpu.memory_space<vmem>>
      %dma_start3A_101 = tpu.memref_squeeze %dma_start3A_100 : memref<1x24x128xf32, #tpu.memory_space<vmem>> -> memref<24x128xf32, #tpu.memory_space<vmem>>
      %dma_start3A_102 = arith.constant 0 : i32
      %dma_start3A_103 = tpu.memref_slice %arg16[%add3A_74, %dma_start3A_102] : memref<10112x128xf32, #tpu.memory_space<vmem_shared>> -> memref<24x128xf32, #tpu.memory_space<vmem_shared>>
      %dma_start3A_104 = arith.constant 0 : i32
      %dma_start3A_105 = tpu.memref_slice %arg16[%add3A_74, %dma_start3A_104] : memref<10112x128xf32, #tpu.memory_space<vmem_shared>> -> memref<24x128xf32, #tpu.memory_space<vmem_shared>>
      %dma_start3A_106 = arith.constant 0 : i32
      %dma_start3A_107 = arith.constant 0 : i32
      %dma_start3A_108 = tpu.memref_slice %arg9[%run_scoped3A_75, %dma_start3A_106, %dma_start3A_107] : memref<3x32x128xf32, #tpu.memory_space<vmem>> -> memref<1x24x128xf32, #tpu.memory_space<vmem>>
      %dma_start3A_109 = tpu.memref_squeeze %dma_start3A_108 : memref<1x24x128xf32, #tpu.memory_space<vmem>> -> memref<24x128xf32, #tpu.memory_space<vmem>>
      tpu.enqueue_dma source(%dma_start3A_109 : memref<24x128xf32, #tpu.memory_space<vmem>>) target(%dma_start3A_105 : memref<24x128xf32, #tpu.memory_space<vmem_shared>>) target_semaphore(%run_scoped3A_98 : memref<!tpu.dma_semaphore, #tpu.memory_space<semaphore_mem>>)
      %dma_wait3A = arith.constant 0 : i32
      %dma_wait3A_110 = arith.constant 0 : i32
      %dma_wait3A_111 = tpu.memref_slice %arg9[%run_scoped3A_75, %dma_wait3A, %dma_wait3A_110] : memref<3x32x128xf32, #tpu.memory_space<vmem>> -> memref<1x24x128xf32, #tpu.memory_space<vmem>>
      %dma_wait3A_112 = tpu.memref_squeeze %dma_wait3A_111 : memref<1x24x128xf32, #tpu.memory_space<vmem>> -> memref<24x128xf32, #tpu.memory_space<vmem>>
      %dma_wait3A_113 = arith.constant 0 : i32
      %dma_wait3A_114 = tpu.memref_slice %arg16[%add3A_74, %dma_wait3A_113] : memref<10112x128xf32, #tpu.memory_space<vmem_shared>> -> memref<24x128xf32, #tpu.memory_space<vmem_shared>>
      %dma_wait3A_115 = arith.constant 0 : i32
      %dma_wait3A_116 = tpu.memref_slice %arg16[%add3A_74, %dma_wait3A_115] : memref<10112x128xf32, #tpu.memory_space<vmem_shared>> -> memref<24x128xf32, #tpu.memory_space<vmem_shared>>
      %dma_wait3A_117 = arith.constant 0 : i32
      %dma_wait3A_118 = arith.constant 0 : i32
      %dma_wait3A_119 = tpu.memref_slice %arg9[%run_scoped3A_75, %dma_wait3A_117, %dma_wait3A_118] : memref<3x32x128xf32, #tpu.memory_space<vmem>> -> memref<1x24x128xf32, #tpu.memory_space<vmem>>
      %dma_wait3A_120 = tpu.memref_squeeze %dma_wait3A_119 : memref<1x24x128xf32, #tpu.memory_space<vmem>> -> memref<24x128xf32, #tpu.memory_space<vmem>>
      tpu.wait_dma2 semaphore(%run_scoped3A_98 : memref<!tpu.dma_semaphore, #tpu.memory_space<semaphore_mem>>) src(%dma_wait3A_120 : memref<24x128xf32, #tpu.memory_space<vmem>>) dst(%dma_wait3A_116 : memref<24x128xf32, #tpu.memory_space<vmem_shared>>)
      tpu.yield
    }) : () -> ()
    %mul3A_76 = arith.constant 1920 : i32
    %mul3A_77 = arith.muli %arg1, %mul3A_76 : i32
    %add3A_78 = arith.constant 0 : i32
    %add3A_79 = arith.addi %mul3A_77, %add3A_78 : i32
    "tpu.region"() ({
      %run_scoped3A_98 = tpu.sem_alloc : memref<!tpu.dma_semaphore, #tpu.memory_space<semaphore_mem>>
      %dma_start3A = arith.constant 0 : i32
      %dma_start3A_99 = tpu.memref_slice %arg15[%dma_start3A] : memref<640xf32, #tpu.memory_space<vmem>> -> memref<640xf32, #tpu.memory_space<vmem>>
      %dma_start3A_100 = tpu.memref_slice %arg17[%add3A_79] : memref<30720xf32, #tpu.memory_space<vmem_shared>> -> memref<640xf32, #tpu.memory_space<vmem_shared>>
      %dma_start3A_101 = tpu.memref_slice %arg17[%add3A_79] : memref<30720xf32, #tpu.memory_space<vmem_shared>> -> memref<640xf32, #tpu.memory_space<vmem_shared>>
      %dma_start3A_102 = arith.constant 0 : i32
      %dma_start3A_103 = tpu.memref_slice %arg15[%dma_start3A_102] : memref<640xf32, #tpu.memory_space<vmem>> -> memref<640xf32, #tpu.memory_space<vmem>>
      tpu.enqueue_dma source(%dma_start3A_103 : memref<640xf32, #tpu.memory_space<vmem>>) target(%dma_start3A_101 : memref<640xf32, #tpu.memory_space<vmem_shared>>) target_semaphore(%run_scoped3A_98 : memref<!tpu.dma_semaphore, #tpu.memory_space<semaphore_mem>>)
      %dma_wait3A = arith.constant 0 : i32
      %dma_wait3A_104 = tpu.memref_slice %arg15[%dma_wait3A] : memref<640xf32, #tpu.memory_space<vmem>> -> memref<640xf32, #tpu.memory_space<vmem>>
      %dma_wait3A_105 = tpu.memref_slice %arg17[%add3A_79] : memref<30720xf32, #tpu.memory_space<vmem_shared>> -> memref<640xf32, #tpu.memory_space<vmem_shared>>
      %dma_wait3A_106 = tpu.memref_slice %arg17[%add3A_79] : memref<30720xf32, #tpu.memory_space<vmem_shared>> -> memref<640xf32, #tpu.memory_space<vmem_shared>>
      %dma_wait3A_107 = arith.constant 0 : i32
      %dma_wait3A_108 = tpu.memref_slice %arg15[%dma_wait3A_107] : memref<640xf32, #tpu.memory_space<vmem>> -> memref<640xf32, #tpu.memory_space<vmem>>
      tpu.wait_dma2 semaphore(%run_scoped3A_98 : memref<!tpu.dma_semaphore, #tpu.memory_space<semaphore_mem>>) src(%dma_wait3A_108 : memref<640xf32, #tpu.memory_space<vmem>>) dst(%dma_wait3A_106 : memref<640xf32, #tpu.memory_space<vmem_shared>>)
      tpu.yield
    }) : () -> ()
    %add3A_80 = arith.constant 640 : i32
    %add3A_81 = arith.addi %mul3A_77, %add3A_80 : i32
    "tpu.region"() ({
      %run_scoped3A_98 = tpu.sem_alloc : memref<!tpu.dma_semaphore, #tpu.memory_space<semaphore_mem>>
      %dma_start3A = arith.constant 0 : i32
      %dma_start3A_99 = tpu.memref_slice %arg15[%dma_start3A] : memref<640xf32, #tpu.memory_space<vmem>> -> memref<640xf32, #tpu.memory_space<vmem>>
      %dma_start3A_100 = tpu.memref_slice %arg17[%add3A_81] : memref<30720xf32, #tpu.memory_space<vmem_shared>> -> memref<640xf32, #tpu.memory_space<vmem_shared>>
      %dma_start3A_101 = tpu.memref_slice %arg17[%add3A_81] : memref<30720xf32, #tpu.memory_space<vmem_shared>> -> memref<640xf32, #tpu.memory_space<vmem_shared>>
      %dma_start3A_102 = arith.constant 0 : i32
      %dma_start3A_103 = tpu.memref_slice %arg15[%dma_start3A_102] : memref<640xf32, #tpu.memory_space<vmem>> -> memref<640xf32, #tpu.memory_space<vmem>>
      tpu.enqueue_dma source(%dma_start3A_103 : memref<640xf32, #tpu.memory_space<vmem>>) target(%dma_start3A_101 : memref<640xf32, #tpu.memory_space<vmem_shared>>) target_semaphore(%run_scoped3A_98 : memref<!tpu.dma_semaphore, #tpu.memory_space<semaphore_mem>>)
      %dma_wait3A = arith.constant 0 : i32
      %dma_wait3A_104 = tpu.memref_slice %arg15[%dma_wait3A] : memref<640xf32, #tpu.memory_space<vmem>> -> memref<640xf32, #tpu.memory_space<vmem>>
      %dma_wait3A_105 = tpu.memref_slice %arg17[%add3A_81] : memref<30720xf32, #tpu.memory_space<vmem_shared>> -> memref<640xf32, #tpu.memory_space<vmem_shared>>
      %dma_wait3A_106 = tpu.memref_slice %arg17[%add3A_81] : memref<30720xf32, #tpu.memory_space<vmem_shared>> -> memref<640xf32, #tpu.memory_space<vmem_shared>>
      %dma_wait3A_107 = arith.constant 0 : i32
      %dma_wait3A_108 = tpu.memref_slice %arg15[%dma_wait3A_107] : memref<640xf32, #tpu.memory_space<vmem>> -> memref<640xf32, #tpu.memory_space<vmem>>
      tpu.wait_dma2 semaphore(%run_scoped3A_98 : memref<!tpu.dma_semaphore, #tpu.memory_space<semaphore_mem>>) src(%dma_wait3A_108 : memref<640xf32, #tpu.memory_space<vmem>>) dst(%dma_wait3A_106 : memref<640xf32, #tpu.memory_space<vmem_shared>>)
      tpu.yield
    }) : () -> ()
    %add3A_82 = arith.constant 1280 : i32
    %add3A_83 = arith.addi %mul3A_77, %add3A_82 : i32
    "tpu.region"() ({
      %run_scoped3A_98 = tpu.sem_alloc : memref<!tpu.dma_semaphore, #tpu.memory_space<semaphore_mem>>
      %dma_start3A = arith.constant 0 : i32
      %dma_start3A_99 = tpu.memref_slice %arg15[%dma_start3A] : memref<640xf32, #tpu.memory_space<vmem>> -> memref<640xf32, #tpu.memory_space<vmem>>
      %dma_start3A_100 = tpu.memref_slice %arg17[%add3A_83] : memref<30720xf32, #tpu.memory_space<vmem_shared>> -> memref<640xf32, #tpu.memory_space<vmem_shared>>
      %dma_start3A_101 = tpu.memref_slice %arg17[%add3A_83] : memref<30720xf32, #tpu.memory_space<vmem_shared>> -> memref<640xf32, #tpu.memory_space<vmem_shared>>
      %dma_start3A_102 = arith.constant 0 : i32
      %dma_start3A_103 = tpu.memref_slice %arg15[%dma_start3A_102] : memref<640xf32, #tpu.memory_space<vmem>> -> memref<640xf32, #tpu.memory_space<vmem>>
      tpu.enqueue_dma source(%dma_start3A_103 : memref<640xf32, #tpu.memory_space<vmem>>) target(%dma_start3A_101 : memref<640xf32, #tpu.memory_space<vmem_shared>>) target_semaphore(%run_scoped3A_98 : memref<!tpu.dma_semaphore, #tpu.memory_space<semaphore_mem>>)
      %dma_wait3A = arith.constant 0 : i32
      %dma_wait3A_104 = tpu.memref_slice %arg15[%dma_wait3A] : memref<640xf32, #tpu.memory_space<vmem>> -> memref<640xf32, #tpu.memory_space<vmem>>
      %dma_wait3A_105 = tpu.memref_slice %arg17[%add3A_83] : memref<30720xf32, #tpu.memory_space<vmem_shared>> -> memref<640xf32, #tpu.memory_space<vmem_shared>>
      %dma_wait3A_106 = tpu.memref_slice %arg17[%add3A_83] : memref<30720xf32, #tpu.memory_space<vmem_shared>> -> memref<640xf32, #tpu.memory_space<vmem_shared>>
      %dma_wait3A_107 = arith.constant 0 : i32
      %dma_wait3A_108 = tpu.memref_slice %arg15[%dma_wait3A_107] : memref<640xf32, #tpu.memory_space<vmem>> -> memref<640xf32, #tpu.memory_space<vmem>>
      tpu.wait_dma2 semaphore(%run_scoped3A_98 : memref<!tpu.dma_semaphore, #tpu.memory_space<semaphore_mem>>) src(%dma_wait3A_108 : memref<640xf32, #tpu.memory_space<vmem>>) dst(%dma_wait3A_106 : memref<640xf32, #tpu.memory_space<vmem_shared>>)
      tpu.yield
    }) : () -> ()
    %barrier3A = arith.constant 0 : index
    tpu.barrier barrier_id(%barrier3A)
    %scan3A_84 = arith.constant 0 : i32
    %scan3A_85 = arith.constant 53 : i32
    %scan3A_86 = arith.addi %scan3A_84, %scan3A_85 : i32
    %scan3A_87 = arith.constant 1 : i32
    scf.for %scan3A_98 = %scan3A_84 to %scan3A_86 step %scan3A_87  : i32 {
      %mul3A_99 = arith.constant 3 : i32
      %mul3A_100 = arith.muli %scan3A_98, %mul3A_99 : i32
      %add3A_101 = arith.constant 0 : i32
      %add3A_102 = arith.addi %mul3A_100, %add3A_101 : i32
      %sub3A = arith.constant 3 : i32
      %sub3A_103 = arith.subi %add3A_102, %sub3A : i32
      %mul3A_104 = arith.constant 32 : i32
      %mul3A_105 = arith.muli %sub3A_103, %mul3A_104 : i32
      %add3A_106 = arith.addi %add3A, %mul3A_105 : i32
      %ge3A = arith.constant 0 : i32
      %ge3A_107 = arith.cmpi sge, %sub3A_103, %ge3A : i32
      %lt3A_108 = arith.constant 157 : i32
      %lt3A_109 = arith.cmpi slt, %sub3A_103, %lt3A_108 : i32
      %and3A_110 = arith.andi %ge3A_107, %lt3A_109 : i1
      %lt3A_111 = arith.constant 5000 : i32
      %lt3A_112 = arith.cmpi slt, %add3A_106, %lt3A_111 : i32
      %and3A_113 = arith.andi %and3A_110, %lt3A_112 : i1
      %convert_element_type3A_114 = arith.extui %and3A_113 : i1 to i32
      %cond3A_115 = arith.constant 0 : i32
      %cond3A_116 = arith.cmpi ne, %convert_element_type3A_114, %cond3A_115 : i32
      scf.if %cond3A_116 {
        %dma_wait3A = arith.constant 0 : i32
        %dma_wait3A_291 = arith.constant 0 : i32
        %dma_wait3A_292 = arith.constant 0 : i32
        %dma_wait3A_293 = arith.constant 0 : i32
        %dma_wait3A_294 = arith.constant 0 : i32
        %dma_wait3A_295 = tpu.memref_slice %arg9[%dma_wait3A, %dma_wait3A_293, %dma_wait3A_294] : memref<3x32x128xf32, #tpu.memory_space<vmem>> -> memref<1x32x128xf32, #tpu.memory_space<vmem>>
        %dma_wait3A_296 = tpu.memref_squeeze %dma_wait3A_295 : memref<1x32x128xf32, #tpu.memory_space<vmem>> -> memref<32x128xf32, #tpu.memory_space<vmem>>
        %dma_wait3A_297 = arith.constant 0 : i32
        %dma_wait3A_298 = tpu.memref_slice %arg8[%dma_wait3A_291, %dma_wait3A_297] : memref<3x32xi32, #tpu.memory_space<vmem>> -> memref<1x32xi32, #tpu.memory_space<vmem>>
        %dma_wait3A_299 = tpu.memref_squeeze %dma_wait3A_298 : memref<1x32xi32, #tpu.memory_space<vmem>> -> memref<32xi32, #tpu.memory_space<vmem>>
        %dma_wait3A_300 = arith.constant 0 : i32
        %dma_wait3A_301 = arith.constant 0 : i32
        %dma_wait3A_302 = tpu.memref_slice %arg16[%dma_wait3A_300, %dma_wait3A_301] : memref<10112x128xf32, #tpu.memory_space<vmem_shared>> -> memref<10112x128xf32, #tpu.memory_space<vmem_shared>>
        %dma_wait3A_303 = tpu.memref_slice %arg21[%dma_wait3A_292] : memref<3x!tpu.dma_semaphore, #tpu.memory_space<semaphore_mem>> -> memref<1x!tpu.dma_semaphore, #tpu.memory_space<semaphore_mem>>
        %dma_wait3A_304 = tpu.memref_squeeze %dma_wait3A_303 : memref<1x!tpu.dma_semaphore, #tpu.memory_space<semaphore_mem>> -> memref<!tpu.dma_semaphore, #tpu.memory_space<semaphore_mem>>
        tpu.wait_indirect_dma semaphore(%dma_wait3A_304 : memref<!tpu.dma_semaphore, #tpu.memory_space<semaphore_mem>>) src(%dma_wait3A_296 : memref<32x128xf32, #tpu.memory_space<vmem>>) dst(%dma_wait3A_302 : memref<10112x128xf32, #tpu.memory_space<vmem_shared>>)
        %dma_wait3A_305 = arith.constant 0 : i32
        %dma_wait3A_306 = arith.constant 0 : i32
        %dma_wait3A_307 = arith.constant 0 : i32
        %dma_wait3A_308 = arith.constant 0 : i32
        %dma_wait3A_309 = tpu.memref_slice %arg12[%dma_wait3A_305, %dma_wait3A_308] : memref<3x96xf32, #tpu.memory_space<vmem>> -> memref<1x32xf32, #tpu.memory_space<vmem>>
        %dma_wait3A_310 = tpu.memref_squeeze %dma_wait3A_309 : memref<1x32xf32, #tpu.memory_space<vmem>> -> memref<32xf32, #tpu.memory_space<vmem>>
        %dma_wait3A_311 = arith.constant 0 : i32
        %dma_wait3A_312 = tpu.memref_slice %arg13[%dma_wait3A_306, %dma_wait3A_311] : memref<9x32xi32, #tpu.memory_space<vmem>> -> memref<1x32xi32, #tpu.memory_space<vmem>>
        %dma_wait3A_313 = tpu.memref_squeeze %dma_wait3A_312 : memref<1x32xi32, #tpu.memory_space<vmem>> -> memref<32xi32, #tpu.memory_space<vmem>>
        %dma_wait3A_314 = arith.constant 0 : i32
        %dma_wait3A_315 = tpu.memref_slice %arg17[%dma_wait3A_314] : memref<30720xf32, #tpu.memory_space<vmem_shared>> -> memref<30720xf32, #tpu.memory_space<vmem_shared>>
        %dma_wait3A_316 = tpu.memref_slice %arg21[%dma_wait3A_307] : memref<3x!tpu.dma_semaphore, #tpu.memory_space<semaphore_mem>> -> memref<1x!tpu.dma_semaphore, #tpu.memory_space<semaphore_mem>>
        %dma_wait3A_317 = tpu.memref_squeeze %dma_wait3A_316 : memref<1x!tpu.dma_semaphore, #tpu.memory_space<semaphore_mem>> -> memref<!tpu.dma_semaphore, #tpu.memory_space<semaphore_mem>>
        tpu.wait_indirect_dma semaphore(%dma_wait3A_317 : memref<!tpu.dma_semaphore, #tpu.memory_space<semaphore_mem>>) src(%dma_wait3A_310 : memref<32xf32, #tpu.memory_space<vmem>>) dst(%dma_wait3A_315 : memref<30720xf32, #tpu.memory_space<vmem_shared>>)
        %dma_wait3A_318 = arith.constant 0 : i32
        %dma_wait3A_319 = arith.constant 1 : i32
        %dma_wait3A_320 = arith.constant 0 : i32
        %dma_wait3A_321 = arith.constant 32 : i32
        %dma_wait3A_322 = tpu.memref_slice %arg12[%dma_wait3A_318, %dma_wait3A_321] : memref<3x96xf32, #tpu.memory_space<vmem>> -> memref<1x32xf32, #tpu.memory_space<vmem>>
        %dma_wait3A_323 = tpu.memref_squeeze %dma_wait3A_322 : memref<1x32xf32, #tpu.memory_space<vmem>> -> memref<32xf32, #tpu.memory_space<vmem>>
        %dma_wait3A_324 = arith.constant 0 : i32
        %dma_wait3A_325 = tpu.memref_slice %arg13[%dma_wait3A_319, %dma_wait3A_324] : memref<9x32xi32, #tpu.memory_space<vmem>> -> memref<1x32xi32, #tpu.memory_space<vmem>>
        %dma_wait3A_326 = tpu.memref_squeeze %dma_wait3A_325 : memref<1x32xi32, #tpu.memory_space<vmem>> -> memref<32xi32, #tpu.memory_space<vmem>>
        %dma_wait3A_327 = arith.constant 0 : i32
        %dma_wait3A_328 = tpu.memref_slice %arg17[%dma_wait3A_327] : memref<30720xf32, #tpu.memory_space<vmem_shared>> -> memref<30720xf32, #tpu.memory_space<vmem_shared>>
        %dma_wait3A_329 = tpu.memref_slice %arg21[%dma_wait3A_320] : memref<3x!tpu.dma_semaphore, #tpu.memory_space<semaphore_mem>> -> memref<1x!tpu.dma_semaphore, #tpu.memory_space<semaphore_mem>>
        %dma_wait3A_330 = tpu.memref_squeeze %dma_wait3A_329 : memref<1x!tpu.dma_semaphore, #tpu.memory_space<semaphore_mem>> -> memref<!tpu.dma_semaphore, #tpu.memory_space<semaphore_mem>>
        tpu.wait_indirect_dma semaphore(%dma_wait3A_330 : memref<!tpu.dma_semaphore, #tpu.memory_space<semaphore_mem>>) src(%dma_wait3A_323 : memref<32xf32, #tpu.memory_space<vmem>>) dst(%dma_wait3A_328 : memref<30720xf32, #tpu.memory_space<vmem_shared>>)
        %dma_wait3A_331 = arith.constant 0 : i32
        %dma_wait3A_332 = arith.constant 2 : i32
        %dma_wait3A_333 = arith.constant 0 : i32
        %dma_wait3A_334 = arith.constant 64 : i32
        %dma_wait3A_335 = tpu.memref_slice %arg12[%dma_wait3A_331, %dma_wait3A_334] : memref<3x96xf32, #tpu.memory_space<vmem>> -> memref<1x32xf32, #tpu.memory_space<vmem>>
        %dma_wait3A_336 = tpu.memref_squeeze %dma_wait3A_335 : memref<1x32xf32, #tpu.memory_space<vmem>> -> memref<32xf32, #tpu.memory_space<vmem>>
        %dma_wait3A_337 = arith.constant 0 : i32
        %dma_wait3A_338 = tpu.memref_slice %arg13[%dma_wait3A_332, %dma_wait3A_337] : memref<9x32xi32, #tpu.memory_space<vmem>> -> memref<1x32xi32, #tpu.memory_space<vmem>>
        %dma_wait3A_339 = tpu.memref_squeeze %dma_wait3A_338 : memref<1x32xi32, #tpu.memory_space<vmem>> -> memref<32xi32, #tpu.memory_space<vmem>>
        %dma_wait3A_340 = arith.constant 0 : i32
        %dma_wait3A_341 = tpu.memref_slice %arg17[%dma_wait3A_340] : memref<30720xf32, #tpu.memory_space<vmem_shared>> -> memref<30720xf32, #tpu.memory_space<vmem_shared>>
        %dma_wait3A_342 = tpu.memref_slice %arg21[%dma_wait3A_333] : memref<3x!tpu.dma_semaphore, #tpu.memory_space<semaphore_mem>> -> memref<1x!tpu.dma_semaphore, #tpu.memory_space<semaphore_mem>>
        %dma_wait3A_343 = tpu.memref_squeeze %dma_wait3A_342 : memref<1x!tpu.dma_semaphore, #tpu.memory_space<semaphore_mem>> -> memref<!tpu.dma_semaphore, #tpu.memory_space<semaphore_mem>>
        tpu.wait_indirect_dma semaphore(%dma_wait3A_343 : memref<!tpu.dma_semaphore, #tpu.memory_space<semaphore_mem>>) src(%dma_wait3A_336 : memref<32xf32, #tpu.memory_space<vmem>>) dst(%dma_wait3A_341 : memref<30720xf32, #tpu.memory_space<vmem_shared>>)
      } else {
      }
      %mul3A_117 = arith.constant 32 : i32
      %mul3A_118 = arith.muli %add3A_102, %mul3A_117 : i32
      %add3A_119 = arith.addi %add3A, %mul3A_118 : i32
      %ge3A_120 = arith.constant 0 : i32
      %ge3A_121 = arith.cmpi sge, %add3A_102, %ge3A_120 : i32
      %lt3A_122 = arith.constant 157 : i32
      %lt3A_123 = arith.cmpi slt, %add3A_102, %lt3A_122 : i32
      %and3A_124 = arith.andi %ge3A_121, %lt3A_123 : i1
      %lt3A_125 = arith.constant 5000 : i32
      %lt3A_126 = arith.cmpi slt, %add3A_119, %lt3A_125 : i32
      %and3A_127 = arith.andi %and3A_124, %lt3A_126 : i1
      %convert_element_type3A_128 = arith.extui %and3A_127 : i1 to i32
      %cond3A_129 = arith.constant 0 : i32
      %cond3A_130 = arith.cmpi ne, %convert_element_type3A_128, %cond3A_129 : i32
      scf.if %cond3A_130 {
        %mul3A_291 = arith.constant 32 : i32
        %mul3A_292 = arith.muli %add3A_119, %mul3A_291 : i32
        %add3A_293 = arith.constant 160000 : i32
        %add3A_294 = arith.addi %add3A_293, %mul3A_292 : i32
        %dma_start3A = arith.constant 0 : i32
        %dma_start3A_295 = arith.constant 0 : i32
        %dma_start3A_296 = arith.constant 0 : i32
        %dma_start3A_297 = tpu.memref_slice %arg8[%dma_start3A, %dma_start3A_296] : memref<3x32xi32, #tpu.memory_space<vmem>> -> memref<1x32xi32, #tpu.memory_space<vmem>>
        %dma_start3A_298 = tpu.memref_squeeze %dma_start3A_297 : memref<1x32xi32, #tpu.memory_space<vmem>> -> memref<32xi32, #tpu.memory_space<vmem>>
        %dma_start3A_299 = tpu.memref_slice %arg3[%add3A_294] : memref<320000xi32, #tpu.memory_space<hbm>> -> memref<32xi32, #tpu.memory_space<hbm>>
        %dma_start3A_300 = tpu.memref_slice %arg18[%dma_start3A_295] : memref<3x!tpu.dma_semaphore, #tpu.memory_space<semaphore_mem>> -> memref<1x!tpu.dma_semaphore, #tpu.memory_space<semaphore_mem>>
        %dma_start3A_301 = tpu.memref_squeeze %dma_start3A_300 : memref<1x!tpu.dma_semaphore, #tpu.memory_space<semaphore_mem>> -> memref<!tpu.dma_semaphore, #tpu.memory_space<semaphore_mem>>
        %dma_start3A_302 = arith.constant 0 : i32
        %dma_start3A_303 = tpu.memref_slice %arg8[%dma_start3A, %dma_start3A_302] : memref<3x32xi32, #tpu.memory_space<vmem>> -> memref<1x32xi32, #tpu.memory_space<vmem>>
        %dma_start3A_304 = tpu.memref_squeeze %dma_start3A_303 : memref<1x32xi32, #tpu.memory_space<vmem>> -> memref<32xi32, #tpu.memory_space<vmem>>
        %dma_start3A_305 = tpu.memref_slice %arg3[%add3A_294] : memref<320000xi32, #tpu.memory_space<hbm>> -> memref<32xi32, #tpu.memory_space<hbm>>
        tpu.enqueue_dma source(%dma_start3A_305 : memref<32xi32, #tpu.memory_space<hbm>>) target(%dma_start3A_304 : memref<32xi32, #tpu.memory_space<vmem>>) target_semaphore(%dma_start3A_301 : memref<!tpu.dma_semaphore, #tpu.memory_space<semaphore_mem>>)
        %dma_start3A_306 = arith.constant 0 : i32
        %dma_start3A_307 = arith.constant 0 : i32
        %dma_start3A_308 = arith.constant 0 : i32
        %dma_start3A_309 = arith.constant 0 : i32
        %dma_start3A_310 = tpu.memref_slice %arg9[%dma_start3A_306, %dma_start3A_308, %dma_start3A_309] : memref<3x32x128xf32, #tpu.memory_space<vmem>> -> memref<1x32x128xf32, #tpu.memory_space<vmem>>
        %dma_start3A_311 = tpu.memref_squeeze %dma_start3A_310 : memref<1x32x128xf32, #tpu.memory_space<vmem>> -> memref<32x128xf32, #tpu.memory_space<vmem>>
        %dma_start3A_312 = arith.constant 0 : i32
        %dma_start3A_313 = tpu.memref_slice %arg4[%mul3A_292, %dma_start3A_312] : memref<160000x128xf32, #tpu.memory_space<hbm>> -> memref<32x128xf32, #tpu.memory_space<hbm>>
        %dma_start3A_314 = tpu.memref_slice %arg19[%dma_start3A_307] : memref<3x!tpu.dma_semaphore, #tpu.memory_space<semaphore_mem>> -> memref<1x!tpu.dma_semaphore, #tpu.memory_space<semaphore_mem>>
        %dma_start3A_315 = tpu.memref_squeeze %dma_start3A_314 : memref<1x!tpu.dma_semaphore, #tpu.memory_space<semaphore_mem>> -> memref<!tpu.dma_semaphore, #tpu.memory_space<semaphore_mem>>
        %dma_start3A_316 = arith.constant 0 : i32
        %dma_start3A_317 = arith.constant 0 : i32
        %dma_start3A_318 = tpu.memref_slice %arg9[%dma_start3A_306, %dma_start3A_316, %dma_start3A_317] : memref<3x32x128xf32, #tpu.memory_space<vmem>> -> memref<1x32x128xf32, #tpu.memory_space<vmem>>
        %dma_start3A_319 = tpu.memref_squeeze %dma_start3A_318 : memref<1x32x128xf32, #tpu.memory_space<vmem>> -> memref<32x128xf32, #tpu.memory_space<vmem>>
        %dma_start3A_320 = arith.constant 0 : i32
        %dma_start3A_321 = tpu.memref_slice %arg4[%mul3A_292, %dma_start3A_320] : memref<160000x128xf32, #tpu.memory_space<hbm>> -> memref<32x128xf32, #tpu.memory_space<hbm>>
        tpu.enqueue_dma source(%dma_start3A_321 : memref<32x128xf32, #tpu.memory_space<hbm>>) target(%dma_start3A_319 : memref<32x128xf32, #tpu.memory_space<vmem>>) target_semaphore(%dma_start3A_315 : memref<!tpu.dma_semaphore, #tpu.memory_space<semaphore_mem>>)
        %mul3A_322 = arith.constant 3 : i32
        %mul3A_323 = arith.muli %mul3A_322, %mul3A_292 : i32
        %dma_start3A_324 = arith.constant 0 : i32
        %dma_start3A_325 = arith.constant 0 : i32
        %dma_start3A_326 = arith.constant 0 : i32
        %dma_start3A_327 = tpu.memref_slice %arg11[%dma_start3A_324, %dma_start3A_326] : memref<3x96xf32, #tpu.memory_space<vmem>> -> memref<1x96xf32, #tpu.memory_space<vmem>>
        %dma_start3A_328 = tpu.memref_squeeze %dma_start3A_327 : memref<1x96xf32, #tpu.memory_space<vmem>> -> memref<96xf32, #tpu.memory_space<vmem>>
        %dma_start3A_329 = tpu.memref_slice %arg5[%mul3A_323] : memref<480000xf32, #tpu.memory_space<hbm>> -> memref<96xf32, #tpu.memory_space<hbm>>
        %dma_start3A_330 = tpu.memref_slice %arg19[%dma_start3A_325] : memref<3x!tpu.dma_semaphore, #tpu.memory_space<semaphore_mem>> -> memref<1x!tpu.dma_semaphore, #tpu.memory_space<semaphore_mem>>
        %dma_start3A_331 = tpu.memref_squeeze %dma_start3A_330 : memref<1x!tpu.dma_semaphore, #tpu.memory_space<semaphore_mem>> -> memref<!tpu.dma_semaphore, #tpu.memory_space<semaphore_mem>>
        %dma_start3A_332 = arith.constant 0 : i32
        %dma_start3A_333 = tpu.memref_slice %arg11[%dma_start3A_324, %dma_start3A_332] : memref<3x96xf32, #tpu.memory_space<vmem>> -> memref<1x96xf32, #tpu.memory_space<vmem>>
        %dma_start3A_334 = tpu.memref_squeeze %dma_start3A_333 : memref<1x96xf32, #tpu.memory_space<vmem>> -> memref<96xf32, #tpu.memory_space<vmem>>
        %dma_start3A_335 = tpu.memref_slice %arg5[%mul3A_323] : memref<480000xf32, #tpu.memory_space<hbm>> -> memref<96xf32, #tpu.memory_space<hbm>>
        tpu.enqueue_dma source(%dma_start3A_335 : memref<96xf32, #tpu.memory_space<hbm>>) target(%dma_start3A_334 : memref<96xf32, #tpu.memory_space<vmem>>) target_semaphore(%dma_start3A_331 : memref<!tpu.dma_semaphore, #tpu.memory_space<semaphore_mem>>)
      } else {
      }
      %sub3A_131 = arith.constant 1 : i32
      %sub3A_132 = arith.subi %add3A_102, %sub3A_131 : i32
      %mul3A_133 = arith.constant 32 : i32
      %mul3A_134 = arith.muli %sub3A_132, %mul3A_133 : i32
      %add3A_135 = arith.addi %add3A, %mul3A_134 : i32
      %ge3A_136 = arith.constant 0 : i32
      %ge3A_137 = arith.cmpi sge, %sub3A_132, %ge3A_136 : i32
      %lt3A_138 = arith.constant 157 : i32
      %lt3A_139 = arith.cmpi slt, %sub3A_132, %lt3A_138 : i32
      %and3A_140 = arith.andi %ge3A_137, %lt3A_139 : i1
      %lt3A_141 = arith.constant 5000 : i32
      %lt3A_142 = arith.cmpi slt, %add3A_135, %lt3A_141 : i32
      %and3A_143 = arith.andi %and3A_140, %lt3A_142 : i1
      %convert_element_type3A_144 = arith.extui %and3A_143 : i1 to i32
      %cond3A_145 = arith.constant 0 : i32
      %cond3A_146 = arith.cmpi ne, %convert_element_type3A_144, %cond3A_145 : i32
      scf.if %cond3A_146 {
        %dma_wait3A = arith.constant 2 : i32
        %dma_wait3A_291 = arith.constant 2 : i32
        %dma_wait3A_292 = arith.constant 0 : i32
        %dma_wait3A_293 = tpu.memref_slice %arg8[%dma_wait3A, %dma_wait3A_292] : memref<3x32xi32, #tpu.memory_space<vmem>> -> memref<1x32xi32, #tpu.memory_space<vmem>>
        %dma_wait3A_294 = tpu.memref_squeeze %dma_wait3A_293 : memref<1x32xi32, #tpu.memory_space<vmem>> -> memref<32xi32, #tpu.memory_space<vmem>>
        %dma_wait3A_295 = arith.constant 160000 : i32
        %dma_wait3A_296 = tpu.memref_slice %arg3[%dma_wait3A_295] : memref<320000xi32, #tpu.memory_space<hbm>> -> memref<32xi32, #tpu.memory_space<hbm>>
        %dma_wait3A_297 = tpu.memref_slice %arg18[%dma_wait3A_291] : memref<3x!tpu.dma_semaphore, #tpu.memory_space<semaphore_mem>> -> memref<1x!tpu.dma_semaphore, #tpu.memory_space<semaphore_mem>>
        %dma_wait3A_298 = tpu.memref_squeeze %dma_wait3A_297 : memref<1x!tpu.dma_semaphore, #tpu.memory_space<semaphore_mem>> -> memref<!tpu.dma_semaphore, #tpu.memory_space<semaphore_mem>>
        %dma_wait3A_299 = arith.constant 0 : i32
        %dma_wait3A_300 = tpu.memref_slice %arg8[%dma_wait3A, %dma_wait3A_299] : memref<3x32xi32, #tpu.memory_space<vmem>> -> memref<1x32xi32, #tpu.memory_space<vmem>>
        %dma_wait3A_301 = tpu.memref_squeeze %dma_wait3A_300 : memref<1x32xi32, #tpu.memory_space<vmem>> -> memref<32xi32, #tpu.memory_space<vmem>>
        %dma_wait3A_302 = arith.constant 160000 : i32
        %dma_wait3A_303 = tpu.memref_slice %arg3[%dma_wait3A_302] : memref<320000xi32, #tpu.memory_space<hbm>> -> memref<32xi32, #tpu.memory_space<hbm>>
        tpu.wait_dma2 semaphore(%dma_wait3A_298 : memref<!tpu.dma_semaphore, #tpu.memory_space<semaphore_mem>>) src(%dma_wait3A_303 : memref<32xi32, #tpu.memory_space<hbm>>) dst(%dma_wait3A_301 : memref<32xi32, #tpu.memory_space<vmem>>)
        %dma_start3A = arith.constant 2 : i32
        %dma_start3A_304 = arith.constant 2 : i32
        %dma_start3A_305 = arith.constant 2 : i32
        %dma_start3A_306 = arith.constant 0 : i32
        %dma_start3A_307 = arith.constant 0 : i32
        %dma_start3A_308 = tpu.memref_slice %arg10[%dma_start3A_304, %dma_start3A_306, %dma_start3A_307] : memref<3x32x128xf32, #tpu.memory_space<vmem>> -> memref<1x32x128xf32, #tpu.memory_space<vmem>>
        %dma_start3A_309 = tpu.memref_squeeze %dma_start3A_308 : memref<1x32x128xf32, #tpu.memory_space<vmem>> -> memref<32x128xf32, #tpu.memory_space<vmem>>
        %dma_start3A_310 = arith.constant 0 : i32
        %dma_start3A_311 = tpu.memref_slice %arg8[%dma_start3A, %dma_start3A_310] : memref<3x32xi32, #tpu.memory_space<vmem>> -> memref<1x32xi32, #tpu.memory_space<vmem>>
        %dma_start3A_312 = tpu.memref_squeeze %dma_start3A_311 : memref<1x32xi32, #tpu.memory_space<vmem>> -> memref<32xi32, #tpu.memory_space<vmem>>
        %dma_start3A_313 = arith.constant 0 : i32
        %dma_start3A_314 = arith.constant 0 : i32
        %dma_start3A_315 = tpu.memref_slice %arg2[%dma_start3A_313, %dma_start3A_314] : memref<10000x128xf32, #tpu.memory_space<hbm>> -> memref<10000x128xf32, #tpu.memory_space<hbm>>
        %dma_start3A_316 = tpu.memref_slice %arg20[%dma_start3A_305] : memref<3x!tpu.dma_semaphore, #tpu.memory_space<semaphore_mem>> -> memref<1x!tpu.dma_semaphore, #tpu.memory_space<semaphore_mem>>
        %dma_start3A_317 = tpu.memref_squeeze %dma_start3A_316 : memref<1x!tpu.dma_semaphore, #tpu.memory_space<semaphore_mem>> -> memref<!tpu.dma_semaphore, #tpu.memory_space<semaphore_mem>>
        tpu.enqueue_indirect_dma source(%dma_start3A_315 : memref<10000x128xf32, #tpu.memory_space<hbm>>) target(%dma_start3A_309 : memref<32x128xf32, #tpu.memory_space<vmem>>) offsets(%dma_start3A_312 : memref<32xi32, #tpu.memory_space<vmem>>) semaphore(%dma_start3A_317 : memref<!tpu.dma_semaphore, #tpu.memory_space<semaphore_mem>>)
      } else {
      }
      %sub3A_147 = arith.constant 2 : i32
      %sub3A_148 = arith.subi %add3A_102, %sub3A_147 : i32
      %mul3A_149 = arith.constant 32 : i32
      %mul3A_150 = arith.muli %sub3A_148, %mul3A_149 : i32
      %add3A_151 = arith.addi %add3A, %mul3A_150 : i32
      %ge3A_152 = arith.constant 0 : i32
      %ge3A_153 = arith.cmpi sge, %sub3A_148, %ge3A_152 : i32
      %lt3A_154 = arith.constant 157 : i32
      %lt3A_155 = arith.cmpi slt, %sub3A_148, %lt3A_154 : i32
      %and3A_156 = arith.andi %ge3A_153, %lt3A_155 : i1
      %lt3A_157 = arith.constant 5000 : i32
      %lt3A_158 = arith.cmpi slt, %add3A_151, %lt3A_157 : i32
      %and3A_159 = arith.andi %and3A_156, %lt3A_158 : i1
      %convert_element_type3A_160 = arith.extui %and3A_159 : i1 to i32
      %cond3A_161 = arith.constant 0 : i32
      %cond3A_162 = arith.cmpi ne, %convert_element_type3A_160, %cond3A_161 : i32
      scf.if %cond3A_162 {
        %dma_wait3A = arith.constant 1 : i32
        %dma_wait3A_291 = arith.constant 1 : i32
        %dma_wait3A_292 = arith.constant 0 : i32
        %dma_wait3A_293 = arith.constant 0 : i32
        %dma_wait3A_294 = tpu.memref_slice %arg9[%dma_wait3A, %dma_wait3A_292, %dma_wait3A_293] : memref<3x32x128xf32, #tpu.memory_space<vmem>> -> memref<1x32x128xf32, #tpu.memory_space<vmem>>
        %dma_wait3A_295 = tpu.memref_squeeze %dma_wait3A_294 : memref<1x32x128xf32, #tpu.memory_space<vmem>> -> memref<32x128xf32, #tpu.memory_space<vmem>>
        %dma_wait3A_296 = arith.constant 0 : i32
        %dma_wait3A_297 = arith.constant 0 : i32
        %dma_wait3A_298 = tpu.memref_slice %arg4[%dma_wait3A_296, %dma_wait3A_297] : memref<160000x128xf32, #tpu.memory_space<hbm>> -> memref<32x128xf32, #tpu.memory_space<hbm>>
        %dma_wait3A_299 = tpu.memref_slice %arg19[%dma_wait3A_291] : memref<3x!tpu.dma_semaphore, #tpu.memory_space<semaphore_mem>> -> memref<1x!tpu.dma_semaphore, #tpu.memory_space<semaphore_mem>>
        %dma_wait3A_300 = tpu.memref_squeeze %dma_wait3A_299 : memref<1x!tpu.dma_semaphore, #tpu.memory_space<semaphore_mem>> -> memref<!tpu.dma_semaphore, #tpu.memory_space<semaphore_mem>>
        %dma_wait3A_301 = arith.constant 0 : i32
        %dma_wait3A_302 = arith.constant 0 : i32
        %dma_wait3A_303 = tpu.memref_slice %arg9[%dma_wait3A, %dma_wait3A_301, %dma_wait3A_302] : memref<3x32x128xf32, #tpu.memory_space<vmem>> -> memref<1x32x128xf32, #tpu.memory_space<vmem>>
        %dma_wait3A_304 = tpu.memref_squeeze %dma_wait3A_303 : memref<1x32x128xf32, #tpu.memory_space<vmem>> -> memref<32x128xf32, #tpu.memory_space<vmem>>
        %dma_wait3A_305 = arith.constant 0 : i32
        %dma_wait3A_306 = arith.constant 0 : i32
        %dma_wait3A_307 = tpu.memref_slice %arg4[%dma_wait3A_305, %dma_wait3A_306] : memref<160000x128xf32, #tpu.memory_space<hbm>> -> memref<32x128xf32, #tpu.memory_space<hbm>>
        tpu.wait_dma2 semaphore(%dma_wait3A_300 : memref<!tpu.dma_semaphore, #tpu.memory_space<semaphore_mem>>) src(%dma_wait3A_307 : memref<32x128xf32, #tpu.memory_space<hbm>>) dst(%dma_wait3A_304 : memref<32x128xf32, #tpu.memory_space<vmem>>)
        %dma_wait3A_308 = arith.constant 1 : i32
        %dma_wait3A_309 = arith.constant 1 : i32
        %dma_wait3A_310 = arith.constant 0 : i32
        %dma_wait3A_311 = tpu.memref_slice %arg11[%dma_wait3A_308, %dma_wait3A_310] : memref<3x96xf32, #tpu.memory_space<vmem>> -> memref<1x96xf32, #tpu.memory_space<vmem>>
        %dma_wait3A_312 = tpu.memref_squeeze %dma_wait3A_311 : memref<1x96xf32, #tpu.memory_space<vmem>> -> memref<96xf32, #tpu.memory_space<vmem>>
        %dma_wait3A_313 = arith.constant 0 : i32
        %dma_wait3A_314 = tpu.memref_slice %arg5[%dma_wait3A_313] : memref<480000xf32, #tpu.memory_space<hbm>> -> memref<96xf32, #tpu.memory_space<hbm>>
        %dma_wait3A_315 = tpu.memref_slice %arg19[%dma_wait3A_309] : memref<3x!tpu.dma_semaphore, #tpu.memory_space<semaphore_mem>> -> memref<1x!tpu.dma_semaphore, #tpu.memory_space<semaphore_mem>>
        %dma_wait3A_316 = tpu.memref_squeeze %dma_wait3A_315 : memref<1x!tpu.dma_semaphore, #tpu.memory_space<semaphore_mem>> -> memref<!tpu.dma_semaphore, #tpu.memory_space<semaphore_mem>>
        %dma_wait3A_317 = arith.constant 0 : i32
        %dma_wait3A_318 = tpu.memref_slice %arg11[%dma_wait3A_308, %dma_wait3A_317] : memref<3x96xf32, #tpu.memory_space<vmem>> -> memref<1x96xf32, #tpu.memory_space<vmem>>
        %dma_wait3A_319 = tpu.memref_squeeze %dma_wait3A_318 : memref<1x96xf32, #tpu.memory_space<vmem>> -> memref<96xf32, #tpu.memory_space<vmem>>
        %dma_wait3A_320 = arith.constant 0 : i32
        %dma_wait3A_321 = tpu.memref_slice %arg5[%dma_wait3A_320] : memref<480000xf32, #tpu.memory_space<hbm>> -> memref<96xf32, #tpu.memory_space<hbm>>
        tpu.wait_dma2 semaphore(%dma_wait3A_316 : memref<!tpu.dma_semaphore, #tpu.memory_space<semaphore_mem>>) src(%dma_wait3A_321 : memref<96xf32, #tpu.memory_space<hbm>>) dst(%dma_wait3A_319 : memref<96xf32, #tpu.memory_space<vmem>>)
        %dma_wait3A_322 = arith.constant 1 : i32
        %dma_wait3A_323 = arith.constant 1 : i32
        %dma_wait3A_324 = arith.constant 1 : i32
        %dma_wait3A_325 = arith.constant 0 : i32
        %dma_wait3A_326 = arith.constant 0 : i32
        %dma_wait3A_327 = tpu.memref_slice %arg10[%dma_wait3A_323, %dma_wait3A_325, %dma_wait3A_326] : memref<3x32x128xf32, #tpu.memory_space<vmem>> -> memref<1x32x128xf32, #tpu.memory_space<vmem>>
        %dma_wait3A_328 = tpu.memref_squeeze %dma_wait3A_327 : memref<1x32x128xf32, #tpu.memory_space<vmem>> -> memref<32x128xf32, #tpu.memory_space<vmem>>
        %dma_wait3A_329 = arith.constant 0 : i32
        %dma_wait3A_330 = tpu.memref_slice %arg8[%dma_wait3A_322, %dma_wait3A_329] : memref<3x32xi32, #tpu.memory_space<vmem>> -> memref<1x32xi32, #tpu.memory_space<vmem>>
        %dma_wait3A_331 = tpu.memref_squeeze %dma_wait3A_330 : memref<1x32xi32, #tpu.memory_space<vmem>> -> memref<32xi32, #tpu.memory_space<vmem>>
        %dma_wait3A_332 = arith.constant 0 : i32
        %dma_wait3A_333 = arith.constant 0 : i32
        %dma_wait3A_334 = tpu.memref_slice %arg2[%dma_wait3A_332, %dma_wait3A_333] : memref<10000x128xf32, #tpu.memory_space<hbm>> -> memref<10000x128xf32, #tpu.memory_space<hbm>>
        %dma_wait3A_335 = tpu.memref_slice %arg20[%dma_wait3A_324] : memref<3x!tpu.dma_semaphore, #tpu.memory_space<semaphore_mem>> -> memref<1x!tpu.dma_semaphore, #tpu.memory_space<semaphore_mem>>
        %dma_wait3A_336 = tpu.memref_squeeze %dma_wait3A_335 : memref<1x!tpu.dma_semaphore, #tpu.memory_space<semaphore_mem>> -> memref<!tpu.dma_semaphore, #tpu.memory_space<semaphore_mem>>
        tpu.wait_indirect_dma semaphore(%dma_wait3A_336 : memref<!tpu.dma_semaphore, #tpu.memory_space<semaphore_mem>>) src(%dma_wait3A_334 : memref<10000x128xf32, #tpu.memory_space<hbm>>) dst(%dma_wait3A_328 : memref<32x128xf32, #tpu.memory_space<vmem>>)
        %scan3A_337 = arith.constant 0 : i32
        %scan3A_338 = arith.constant 8 : i32
        %scan3A_339 = arith.addi %scan3A_337, %scan3A_338 : i32
        %scan3A_340 = arith.constant 1 : i32
        scf.for %scan3A_581 = %scan3A_337 to %scan3A_339 step %scan3A_340  : i32 {
          %mul3A_582 = arith.constant 4 : i32
          %mul3A_583 = arith.muli %scan3A_581, %mul3A_582 : i32
          %add3A_584 = arith.constant 0 : i32
          %add3A_585 = arith.addi %mul3A_583, %add3A_584 : i32
          %get3A_586 = arith.constant 1 : i32
          %get3A_587 = arith.index_cast %get3A_586 : i32 to index
          %get3A_588 = arith.index_cast %add3A_585 : i32 to index
          %get3A_589 = arith.constant 0 : index
          %get3A_590 = tpu.vector_load %arg9[%get3A_587, %get3A_588, %get3A_589] {strides = array<i32>} : memref<3x32x128xf32, #tpu.memory_space<vmem>>, vector<16xf32>,
          %get3A_591 = arith.constant 1 : i32
          %get3A_592 = arith.index_cast %get3A_591 : i32 to index
          %get3A_593 = arith.index_cast %add3A_585 : i32 to index
          %get3A_594 = arith.constant 0 : index
          %get3A_595 = tpu.vector_load %arg10[%get3A_592, %get3A_593, %get3A_594] {strides = array<i32>} : memref<3x32x128xf32, #tpu.memory_space<vmem>>, vector<16xf32>,
          %mul3A_596 = arith.mulf %get3A_590, %get3A_595 : vector<16xf32>
          %get3A_597 = arith.constant 1 : i32
          %get3A_598 = arith.index_cast %get3A_597 : i32 to index
          %get3A_599 = arith.index_cast %add3A_585 : i32 to index
          %get3A_600 = arith.constant 16 : index
          %get3A_601 = tpu.vector_load %arg9[%get3A_598, %get3A_599, %get3A_600] {strides = array<i32>} : memref<3x32x128xf32, #tpu.memory_space<vmem>>, vector<16xf32>,
          %get3A_602 = arith.constant 1 : i32
          %get3A_603 = arith.index_cast %get3A_602 : i32 to index
          %get3A_604 = arith.index_cast %add3A_585 : i32 to index
          %get3A_605 = arith.constant 16 : index
          %get3A_606 = tpu.vector_load %arg10[%get3A_603, %get3A_604, %get3A_605] {strides = array<i32>} : memref<3x32x128xf32, #tpu.memory_space<vmem>>, vector<16xf32>,
          %mul3A_607 = arith.mulf %get3A_601, %get3A_606 : vector<16xf32>
          %get3A_608 = arith.constant 1 : i32
          %get3A_609 = arith.index_cast %get3A_608 : i32 to index
          %get3A_610 = arith.index_cast %add3A_585 : i32 to index
          %get3A_611 = arith.constant 32 : index
          %get3A_612 = tpu.vector_load %arg9[%get3A_609, %get3A_610, %get3A_611] {strides = array<i32>} : memref<3x32x128xf32, #tpu.memory_space<vmem>>, vector<16xf32>,
          %get3A_613 = arith.constant 1 : i32
          %get3A_614 = arith.index_cast %get3A_613 : i32 to index
          %get3A_615 = arith.index_cast %add3A_585 : i32 to index
          %get3A_616 = arith.constant 32 : index
          %get3A_617 = tpu.vector_load %arg10[%get3A_614, %get3A_615, %get3A_616] {strides = array<i32>} : memref<3x32x128xf32, #tpu.memory_space<vmem>>, vector<16xf32>,
          %mul3A_618 = arith.mulf %get3A_612, %get3A_617 : vector<16xf32>
          %add3A_619 = arith.addf %mul3A_596, %mul3A_618 : vector<16xf32>
          %get3A_620 = arith.constant 1 : i32
          %get3A_621 = arith.index_cast %get3A_620 : i32 to index
          %get3A_622 = arith.index_cast %add3A_585 : i32 to index
          %get3A_623 = arith.constant 48 : index
          %get3A_624 = tpu.vector_load %arg9[%get3A_621, %get3A_622, %get3A_623] {strides = array<i32>} : memref<3x32x128xf32, #tpu.memory_space<vmem>>, vector<16xf32>,
          %get3A_625 = arith.constant 1 : i32
          %get3A_626 = arith.index_cast %get3A_625 : i32 to index
          %get3A_627 = arith.index_cast %add3A_585 : i32 to index
          %get3A_628 = arith.constant 48 : index
          %get3A_629 = tpu.vector_load %arg10[%get3A_626, %get3A_627, %get3A_628] {strides = array<i32>} : memref<3x32x128xf32, #tpu.memory_space<vmem>>, vector<16xf32>,
          %mul3A_630 = arith.mulf %get3A_624, %get3A_629 : vector<16xf32>
          %add3A_631 = arith.addf %mul3A_607, %mul3A_630 : vector<16xf32>
          %get3A_632 = arith.constant 1 : i32
          %get3A_633 = arith.index_cast %get3A_632 : i32 to index
          %get3A_634 = arith.index_cast %add3A_585 : i32 to index
          %get3A_635 = arith.constant 64 : index
          %get3A_636 = tpu.vector_load %arg9[%get3A_633, %get3A_634, %get3A_635] {strides = array<i32>} : memref<3x32x128xf32, #tpu.memory_space<vmem>>, vector<16xf32>,
          %get3A_637 = arith.constant 1 : i32
          %get3A_638 = arith.index_cast %get3A_637 : i32 to index
          %get3A_639 = arith.index_cast %add3A_585 : i32 to index
          %get3A_640 = arith.constant 64 : index
          %get3A_641 = tpu.vector_load %arg10[%get3A_638, %get3A_639, %get3A_640] {strides = array<i32>} : memref<3x32x128xf32, #tpu.memory_space<vmem>>, vector<16xf32>,
          %mul3A_642 = arith.mulf %get3A_636, %get3A_641 : vector<16xf32>
          %add3A_643 = arith.addf %add3A_619, %mul3A_642 : vector<16xf32>
          %get3A_644 = arith.constant 1 : i32
          %get3A_645 = arith.index_cast %get3A_644 : i32 to index
          %get3A_646 = arith.index_cast %add3A_585 : i32 to index
          %get3A_647 = arith.constant 80 : index
          %get3A_648 = tpu.vector_load %arg9[%get3A_645, %get3A_646, %get3A_647] {strides = array<i32>} : memref<3x32x128xf32, #tpu.memory_space<vmem>>, vector<16xf32>,
          %get3A_649 = arith.constant 1 : i32
          %get3A_650 = arith.index_cast %get3A_649 : i32 to index
          %get3A_651 = arith.index_cast %add3A_585 : i32 to index
          %get3A_652 = arith.constant 80 : index
          %get3A_653 = tpu.vector_load %arg10[%get3A_650, %get3A_651, %get3A_652] {strides = array<i32>} : memref<3x32x128xf32, #tpu.memory_space<vmem>>, vector<16xf32>,
          %mul3A_654 = arith.mulf %get3A_648, %get3A_653 : vector<16xf32>
          %add3A_655 = arith.addf %add3A_631, %mul3A_654 : vector<16xf32>
          %get3A_656 = arith.constant 1 : i32
          %get3A_657 = arith.index_cast %get3A_656 : i32 to index
          %get3A_658 = arith.index_cast %add3A_585 : i32 to index
          %get3A_659 = arith.constant 96 : index
          %get3A_660 = tpu.vector_load %arg9[%get3A_657, %get3A_658, %get3A_659] {strides = array<i32>} : memref<3x32x128xf32, #tpu.memory_space<vmem>>, vector<16xf32>,
          %get3A_661 = arith.constant 1 : i32
          %get3A_662 = arith.index_cast %get3A_661 : i32 to index
          %get3A_663 = arith.index_cast %add3A_585 : i32 to index
          %get3A_664 = arith.constant 96 : index
          %get3A_665 = tpu.vector_load %arg10[%get3A_662, %get3A_663, %get3A_664] {strides = array<i32>} : memref<3x32x128xf32, #tpu.memory_space<vmem>>, vector<16xf32>,
          %mul3A_666 = arith.mulf %get3A_660, %get3A_665 : vector<16xf32>
          %add3A_667 = arith.addf %add3A_643, %mul3A_666 : vector<16xf32>
          %get3A_668 = arith.constant 1 : i32
          %get3A_669 = arith.index_cast %get3A_668 : i32 to index
          %get3A_670 = arith.index_cast %add3A_585 : i32 to index
          %get3A_671 = arith.constant 112 : index
          %get3A_672 = tpu.vector_load %arg9[%get3A_669, %get3A_670, %get3A_671] {strides = array<i32>} : memref<3x32x128xf32, #tpu.memory_space<vmem>>, vector<16xf32>,
          %get3A_673 = arith.constant 1 : i32
          %get3A_674 = arith.index_cast %get3A_673 : i32 to index
          %get3A_675 = arith.index_cast %add3A_585 : i32 to index
          %get3A_676 = arith.constant 112 : index
          %get3A_677 = tpu.vector_load %arg10[%get3A_674, %get3A_675, %get3A_676] {strides = array<i32>} : memref<3x32x128xf32, #tpu.memory_space<vmem>>, vector<16xf32>,
          %mul3A_678 = arith.mulf %get3A_672, %get3A_677 : vector<16xf32>
          %add3A_679 = arith.addf %add3A_655, %mul3A_678 : vector<16xf32>
          %add3A_680 = arith.addf %add3A_667, %add3A_679 : vector<16xf32>
          %broadcast_in_dim3A_681 = arith.constant true
          %broadcast_in_dim3A_682 = vector.broadcast %broadcast_in_dim3A_681 : i1 to vector<16xi1>
          %masked_cumsum3A = tpu.scan <sum>, %add3A_680 masked %broadcast_in_dim3A_682 : vector<16xf32>, vector<16xi1> -> vector<16xf32>
          %add3A_683 = vector.broadcast %add3A_585 : i32 to vector<16xi32>
          %add3A_684 = arith.addi %broadcast_in_dim3A_5, %add3A_683 : vector<16xi32>
          tpu.vector_store_idx %arg14[%add3A_684], %masked_cumsum3A masked %eq3A_3 : memref<32xf32, #tpu.memory_space<vmem>>[vector<16xi32>], vector<16xf32>, vector<16xi1>
          %mul3A_685 = arith.constant 4 : i32
          %mul3A_686 = arith.muli %scan3A_581, %mul3A_685 : i32
          %add3A_687 = arith.constant 1 : i32
          %add3A_688 = arith.addi %mul3A_686, %add3A_687 : i32
          %get3A_689 = arith.constant 1 : i32
          %get3A_690 = arith.index_cast %get3A_689 : i32 to index
          %get3A_691 = arith.index_cast %add3A_688 : i32 to index
          %get3A_692 = arith.constant 0 : index
          %get3A_693 = tpu.vector_load %arg9[%get3A_690, %get3A_691, %get3A_692] {strides = array<i32>} : memref<3x32x128xf32, #tpu.memory_space<vmem>>, vector<16xf32>,
          %get3A_694 = arith.constant 1 : i32
          %get3A_695 = arith.index_cast %get3A_694 : i32 to index
          %get3A_696 = arith.index_cast %add3A_688 : i32 to index
          %get3A_697 = arith.constant 0 : index
          %get3A_698 = tpu.vector_load %arg10[%get3A_695, %get3A_696, %get3A_697] {strides = array<i32>} : memref<3x32x128xf32, #tpu.memory_space<vmem>>, vector<16xf32>,
          %mul3A_699 = arith.mulf %get3A_693, %get3A_698 : vector<16xf32>
          %get3A_700 = arith.constant 1 : i32
          %get3A_701 = arith.index_cast %get3A_700 : i32 to index
          %get3A_702 = arith.index_cast %add3A_688 : i32 to index
          %get3A_703 = arith.constant 16 : index
          %get3A_704 = tpu.vector_load %arg9[%get3A_701, %get3A_702, %get3A_703] {strides = array<i32>} : memref<3x32x128xf32, #tpu.memory_space<vmem>>, vector<16xf32>,
          %get3A_705 = arith.constant 1 : i32
          %get3A_706 = arith.index_cast %get3A_705 : i32 to index
          %get3A_707 = arith.index_cast %add3A_688 : i32 to index
          %get3A_708 = arith.constant 16 : index
          %get3A_709 = tpu.vector_load %arg10[%get3A_706, %get3A_707, %get3A_708] {strides = array<i32>} : memref<3x32x128xf32, #tpu.memory_space<vmem>>, vector<16xf32>,
          %mul3A_710 = arith.mulf %get3A_704, %get3A_709 : vector<16xf32>
          %get3A_711 = arith.constant 1 : i32
          %get3A_712 = arith.index_cast %get3A_711 : i32 to index
          %get3A_713 = arith.index_cast %add3A_688 : i32 to index
          %get3A_714 = arith.constant 32 : index
          %get3A_715 = tpu.vector_load %arg9[%get3A_712, %get3A_713, %get3A_714] {strides = array<i32>} : memref<3x32x128xf32, #tpu.memory_space<vmem>>, vector<16xf32>,
          %get3A_716 = arith.constant 1 : i32
          %get3A_717 = arith.index_cast %get3A_716 : i32 to index
          %get3A_718 = arith.index_cast %add3A_688 : i32 to index
          %get3A_719 = arith.constant 32 : index
          %get3A_720 = tpu.vector_load %arg10[%get3A_717, %get3A_718, %get3A_719] {strides = array<i32>} : memref<3x32x128xf32, #tpu.memory_space<vmem>>, vector<16xf32>,
          %mul3A_721 = arith.mulf %get3A_715, %get3A_720 : vector<16xf32>
          %add3A_722 = arith.addf %mul3A_699, %mul3A_721 : vector<16xf32>
          %get3A_723 = arith.constant 1 : i32
          %get3A_724 = arith.index_cast %get3A_723 : i32 to index
          %get3A_725 = arith.index_cast %add3A_688 : i32 to index
          %get3A_726 = arith.constant 48 : index
          %get3A_727 = tpu.vector_load %arg9[%get3A_724, %get3A_725, %get3A_726] {strides = array<i32>} : memref<3x32x128xf32, #tpu.memory_space<vmem>>, vector<16xf32>,
          %get3A_728 = arith.constant 1 : i32
          %get3A_729 = arith.index_cast %get3A_728 : i32 to index
          %get3A_730 = arith.index_cast %add3A_688 : i32 to index
          %get3A_731 = arith.constant 48 : index
          %get3A_732 = tpu.vector_load %arg10[%get3A_729, %get3A_730, %get3A_731] {strides = array<i32>} : memref<3x32x128xf32, #tpu.memory_space<vmem>>, vector<16xf32>,
          %mul3A_733 = arith.mulf %get3A_727, %get3A_732 : vector<16xf32>
          %add3A_734 = arith.addf %mul3A_710, %mul3A_733 : vector<16xf32>
          %get3A_735 = arith.constant 1 : i32
          %get3A_736 = arith.index_cast %get3A_735 : i32 to index
          %get3A_737 = arith.index_cast %add3A_688 : i32 to index
          %get3A_738 = arith.constant 64 : index
          %get3A_739 = tpu.vector_load %arg9[%get3A_736, %get3A_737, %get3A_738] {strides = array<i32>} : memref<3x32x128xf32, #tpu.memory_space<vmem>>, vector<16xf32>,
          %get3A_740 = arith.constant 1 : i32
          %get3A_741 = arith.index_cast %get3A_740 : i32 to index
          %get3A_742 = arith.index_cast %add3A_688 : i32 to index
          %get3A_743 = arith.constant 64 : index
          %get3A_744 = tpu.vector_load %arg10[%get3A_741, %get3A_742, %get3A_743] {strides = array<i32>} : memref<3x32x128xf32, #tpu.memory_space<vmem>>, vector<16xf32>,
          %mul3A_745 = arith.mulf %get3A_739, %get3A_744 : vector<16xf32>
          %add3A_746 = arith.addf %add3A_722, %mul3A_745 : vector<16xf32>
          %get3A_747 = arith.constant 1 : i32
          %get3A_748 = arith.index_cast %get3A_747 : i32 to index
          %get3A_749 = arith.index_cast %add3A_688 : i32 to index
          %get3A_750 = arith.constant 80 : index
          %get3A_751 = tpu.vector_load %arg9[%get3A_748, %get3A_749, %get3A_750] {strides = array<i32>} : memref<3x32x128xf32, #tpu.memory_space<vmem>>, vector<16xf32>,
          %get3A_752 = arith.constant 1 : i32
          %get3A_753 = arith.index_cast %get3A_752 : i32 to index
          %get3A_754 = arith.index_cast %add3A_688 : i32 to index
          %get3A_755 = arith.constant 80 : index
          %get3A_756 = tpu.vector_load %arg10[%get3A_753, %get3A_754, %get3A_755] {strides = array<i32>} : memref<3x32x128xf32, #tpu.memory_space<vmem>>, vector<16xf32>,
          %mul3A_757 = arith.mulf %get3A_751, %get3A_756 : vector<16xf32>
          %add3A_758 = arith.addf %add3A_734, %mul3A_757 : vector<16xf32>
          %get3A_759 = arith.constant 1 : i32
          %get3A_760 = arith.index_cast %get3A_759 : i32 to index
          %get3A_761 = arith.index_cast %add3A_688 : i32 to index
          %get3A_762 = arith.constant 96 : index
          %get3A_763 = tpu.vector_load %arg9[%get3A_760, %get3A_761, %get3A_762] {strides = array<i32>} : memref<3x32x128xf32, #tpu.memory_space<vmem>>, vector<16xf32>,
          %get3A_764 = arith.constant 1 : i32
          %get3A_765 = arith.index_cast %get3A_764 : i32 to index
          %get3A_766 = arith.index_cast %add3A_688 : i32 to index
          %get3A_767 = arith.constant 96 : index
          %get3A_768 = tpu.vector_load %arg10[%get3A_765, %get3A_766, %get3A_767] {strides = array<i32>} : memref<3x32x128xf32, #tpu.memory_space<vmem>>, vector<16xf32>,
          %mul3A_769 = arith.mulf %get3A_763, %get3A_768 : vector<16xf32>
          %add3A_770 = arith.addf %add3A_746, %mul3A_769 : vector<16xf32>
          %get3A_771 = arith.constant 1 : i32
          %get3A_772 = arith.index_cast %get3A_771 : i32 to index
          %get3A_773 = arith.index_cast %add3A_688 : i32 to index
          %get3A_774 = arith.constant 112 : index
          %get3A_775 = tpu.vector_load %arg9[%get3A_772, %get3A_773, %get3A_774] {strides = array<i32>} : memref<3x32x128xf32, #tpu.memory_space<vmem>>, vector<16xf32>,
          %get3A_776 = arith.constant 1 : i32
          %get3A_777 = arith.index_cast %get3A_776 : i32 to index
          %get3A_778 = arith.index_cast %add3A_688 : i32 to index
          %get3A_779 = arith.constant 112 : index
          %get3A_780 = tpu.vector_load %arg10[%get3A_777, %get3A_778, %get3A_779] {strides = array<i32>} : memref<3x32x128xf32, #tpu.memory_space<vmem>>, vector<16xf32>,
          %mul3A_781 = arith.mulf %get3A_775, %get3A_780 : vector<16xf32>
          %add3A_782 = arith.addf %add3A_758, %mul3A_781 : vector<16xf32>
          %add3A_783 = arith.addf %add3A_770, %add3A_782 : vector<16xf32>
          %broadcast_in_dim3A_784 = arith.constant true
          %broadcast_in_dim3A_785 = vector.broadcast %broadcast_in_dim3A_784 : i1 to vector<16xi1>
          %masked_cumsum3A_786 = tpu.scan <sum>, %add3A_783 masked %broadcast_in_dim3A_785 : vector<16xf32>, vector<16xi1> -> vector<16xf32>
          %add3A_787 = vector.broadcast %add3A_688 : i32 to vector<16xi32>
          %add3A_788 = arith.addi %broadcast_in_dim3A_5, %add3A_787 : vector<16xi32>
          tpu.vector_store_idx %arg14[%add3A_788], %masked_cumsum3A_786 masked %eq3A_3 : memref<32xf32, #tpu.memory_space<vmem>>[vector<16xi32>], vector<16xf32>, vector<16xi1>
          %mul3A_789 = arith.constant 4 : i32
          %mul3A_790 = arith.muli %scan3A_581, %mul3A_789 : i32
          %add3A_791 = arith.constant 2 : i32
          %add3A_792 = arith.addi %mul3A_790, %add3A_791 : i32
          %get3A_793 = arith.constant 1 : i32
          %get3A_794 = arith.index_cast %get3A_793 : i32 to index
          %get3A_795 = arith.index_cast %add3A_792 : i32 to index
          %get3A_796 = arith.constant 0 : index
          %get3A_797 = tpu.vector_load %arg9[%get3A_794, %get3A_795, %get3A_796] {strides = array<i32>} : memref<3x32x128xf32, #tpu.memory_space<vmem>>, vector<16xf32>,
          %get3A_798 = arith.constant 1 : i32
          %get3A_799 = arith.index_cast %get3A_798 : i32 to index
          %get3A_800 = arith.index_cast %add3A_792 : i32 to index
          %get3A_801 = arith.constant 0 : index
          %get3A_802 = tpu.vector_load %arg10[%get3A_799, %get3A_800, %get3A_801] {strides = array<i32>} : memref<3x32x128xf32, #tpu.memory_space<vmem>>, vector<16xf32>,
          %mul3A_803 = arith.mulf %get3A_797, %get3A_802 : vector<16xf32>
          %get3A_804 = arith.constant 1 : i32
          %get3A_805 = arith.index_cast %get3A_804 : i32 to index
          %get3A_806 = arith.index_cast %add3A_792 : i32 to index
          %get3A_807 = arith.constant 16 : index
          %get3A_808 = tpu.vector_load %arg9[%get3A_805, %get3A_806, %get3A_807] {strides = array<i32>} : memref<3x32x128xf32, #tpu.memory_space<vmem>>, vector<16xf32>,
          %get3A_809 = arith.constant 1 : i32
          %get3A_810 = arith.index_cast %get3A_809 : i32 to index
          %get3A_811 = arith.index_cast %add3A_792 : i32 to index
          %get3A_812 = arith.constant 16 : index
          %get3A_813 = tpu.vector_load %arg10[%get3A_810, %get3A_811, %get3A_812] {strides = array<i32>} : memref<3x32x128xf32, #tpu.memory_space<vmem>>, vector<16xf32>,
          %mul3A_814 = arith.mulf %get3A_808, %get3A_813 : vector<16xf32>
          %get3A_815 = arith.constant 1 : i32
          %get3A_816 = arith.index_cast %get3A_815 : i32 to index
          %get3A_817 = arith.index_cast %add3A_792 : i32 to index
          %get3A_818 = arith.constant 32 : index
          %get3A_819 = tpu.vector_load %arg9[%get3A_816, %get3A_817, %get3A_818] {strides = array<i32>} : memref<3x32x128xf32, #tpu.memory_space<vmem>>, vector<16xf32>,
          %get3A_820 = arith.constant 1 : i32
          %get3A_821 = arith.index_cast %get3A_820 : i32 to index
          %get3A_822 = arith.index_cast %add3A_792 : i32 to index
          %get3A_823 = arith.constant 32 : index
          %get3A_824 = tpu.vector_load %arg10[%get3A_821, %get3A_822, %get3A_823] {strides = array<i32>} : memref<3x32x128xf32, #tpu.memory_space<vmem>>, vector<16xf32>,
          %mul3A_825 = arith.mulf %get3A_819, %get3A_824 : vector<16xf32>
          %add3A_826 = arith.addf %mul3A_803, %mul3A_825 : vector<16xf32>
          %get3A_827 = arith.constant 1 : i32
          %get3A_828 = arith.index_cast %get3A_827 : i32 to index
          %get3A_829 = arith.index_cast %add3A_792 : i32 to index
          %get3A_830 = arith.constant 48 : index
          %get3A_831 = tpu.vector_load %arg9[%get3A_828, %get3A_829, %get3A_830] {strides = array<i32>} : memref<3x32x128xf32, #tpu.memory_space<vmem>>, vector<16xf32>,
          %get3A_832 = arith.constant 1 : i32
          %get3A_833 = arith.index_cast %get3A_832 : i32 to index
          %get3A_834 = arith.index_cast %add3A_792 : i32 to index
          %get3A_835 = arith.constant 48 : index
          %get3A_836 = tpu.vector_load %arg10[%get3A_833, %get3A_834, %get3A_835] {strides = array<i32>} : memref<3x32x128xf32, #tpu.memory_space<vmem>>, vector<16xf32>,
          %mul3A_837 = arith.mulf %get3A_831, %get3A_836 : vector<16xf32>
          %add3A_838 = arith.addf %mul3A_814, %mul3A_837 : vector<16xf32>
          %get3A_839 = arith.constant 1 : i32
          %get3A_840 = arith.index_cast %get3A_839 : i32 to index
          %get3A_841 = arith.index_cast %add3A_792 : i32 to index
          %get3A_842 = arith.constant 64 : index
          %get3A_843 = tpu.vector_load %arg9[%get3A_840, %get3A_841, %get3A_842] {strides = array<i32>} : memref<3x32x128xf32, #tpu.memory_space<vmem>>, vector<16xf32>,
          %get3A_844 = arith.constant 1 : i32
          %get3A_845 = arith.index_cast %get3A_844 : i32 to index
          %get3A_846 = arith.index_cast %add3A_792 : i32 to index
          %get3A_847 = arith.constant 64 : index
          %get3A_848 = tpu.vector_load %arg10[%get3A_845, %get3A_846, %get3A_847] {strides = array<i32>} : memref<3x32x128xf32, #tpu.memory_space<vmem>>, vector<16xf32>,
          %mul3A_849 = arith.mulf %get3A_843, %get3A_848 : vector<16xf32>
          %add3A_850 = arith.addf %add3A_826, %mul3A_849 : vector<16xf32>
          %get3A_851 = arith.constant 1 : i32
          %get3A_852 = arith.index_cast %get3A_851 : i32 to index
          %get3A_853 = arith.index_cast %add3A_792 : i32 to index
          %get3A_854 = arith.constant 80 : index
          %get3A_855 = tpu.vector_load %arg9[%get3A_852, %get3A_853, %get3A_854] {strides = array<i32>} : memref<3x32x128xf32, #tpu.memory_space<vmem>>, vector<16xf32>,
          %get3A_856 = arith.constant 1 : i32
          %get3A_857 = arith.index_cast %get3A_856 : i32 to index
          %get3A_858 = arith.index_cast %add3A_792 : i32 to index
          %get3A_859 = arith.constant 80 : index
          %get3A_860 = tpu.vector_load %arg10[%get3A_857, %get3A_858, %get3A_859] {strides = array<i32>} : memref<3x32x128xf32, #tpu.memory_space<vmem>>, vector<16xf32>,
          %mul3A_861 = arith.mulf %get3A_855, %get3A_860 : vector<16xf32>
          %add3A_862 = arith.addf %add3A_838, %mul3A_861 : vector<16xf32>
          %get3A_863 = arith.constant 1 : i32
          %get3A_864 = arith.index_cast %get3A_863 : i32 to index
          %get3A_865 = arith.index_cast %add3A_792 : i32 to index
          %get3A_866 = arith.constant 96 : index
          %get3A_867 = tpu.vector_load %arg9[%get3A_864, %get3A_865, %get3A_866] {strides = array<i32>} : memref<3x32x128xf32, #tpu.memory_space<vmem>>, vector<16xf32>,
          %get3A_868 = arith.constant 1 : i32
          %get3A_869 = arith.index_cast %get3A_868 : i32 to index
          %get3A_870 = arith.index_cast %add3A_792 : i32 to index
          %get3A_871 = arith.constant 96 : index
          %get3A_872 = tpu.vector_load %arg10[%get3A_869, %get3A_870, %get3A_871] {strides = array<i32>} : memref<3x32x128xf32, #tpu.memory_space<vmem>>, vector<16xf32>,
          %mul3A_873 = arith.mulf %get3A_867, %get3A_872 : vector<16xf32>
          %add3A_874 = arith.addf %add3A_850, %mul3A_873 : vector<16xf32>
          %get3A_875 = arith.constant 1 : i32
          %get3A_876 = arith.index_cast %get3A_875 : i32 to index
          %get3A_877 = arith.index_cast %add3A_792 : i32 to index
          %get3A_878 = arith.constant 112 : index
          %get3A_879 = tpu.vector_load %arg9[%get3A_876, %get3A_877, %get3A_878] {strides = array<i32>} : memref<3x32x128xf32, #tpu.memory_space<vmem>>, vector<16xf32>,
          %get3A_880 = arith.constant 1 : i32
          %get3A_881 = arith.index_cast %get3A_880 : i32 to index
          %get3A_882 = arith.index_cast %add3A_792 : i32 to index
          %get3A_883 = arith.constant 112 : index
          %get3A_884 = tpu.vector_load %arg10[%get3A_881, %get3A_882, %get3A_883] {strides = array<i32>} : memref<3x32x128xf32, #tpu.memory_space<vmem>>, vector<16xf32>,
          %mul3A_885 = arith.mulf %get3A_879, %get3A_884 : vector<16xf32>
          %add3A_886 = arith.addf %add3A_862, %mul3A_885 : vector<16xf32>
          %add3A_887 = arith.addf %add3A_874, %add3A_886 : vector<16xf32>
          %broadcast_in_dim3A_888 = arith.constant true
          %broadcast_in_dim3A_889 = vector.broadcast %broadcast_in_dim3A_888 : i1 to vector<16xi1>
          %masked_cumsum3A_890 = tpu.scan <sum>, %add3A_887 masked %broadcast_in_dim3A_889 : vector<16xf32>, vector<16xi1> -> vector<16xf32>
          %add3A_891 = vector.broadcast %add3A_792 : i32 to vector<16xi32>
          %add3A_892 = arith.addi %broadcast_in_dim3A_5, %add3A_891 : vector<16xi32>
          tpu.vector_store_idx %arg14[%add3A_892], %masked_cumsum3A_890 masked %eq3A_3 : memref<32xf32, #tpu.memory_space<vmem>>[vector<16xi32>], vector<16xf32>, vector<16xi1>
          %mul3A_893 = arith.constant 4 : i32
          %mul3A_894 = arith.muli %scan3A_581, %mul3A_893 : i32
          %add3A_895 = arith.constant 3 : i32
          %add3A_896 = arith.addi %mul3A_894, %add3A_895 : i32
          %get3A_897 = arith.constant 1 : i32
          %get3A_898 = arith.index_cast %get3A_897 : i32 to index
          %get3A_899 = arith.index_cast %add3A_896 : i32 to index
          %get3A_900 = arith.constant 0 : index
          %get3A_901 = tpu.vector_load %arg9[%get3A_898, %get3A_899, %get3A_900] {strides = array<i32>} : memref<3x32x128xf32, #tpu.memory_space<vmem>>, vector<16xf32>,
          %get3A_902 = arith.constant 1 : i32
          %get3A_903 = arith.index_cast %get3A_902 : i32 to index
          %get3A_904 = arith.index_cast %add3A_896 : i32 to index
          %get3A_905 = arith.constant 0 : index
          %get3A_906 = tpu.vector_load %arg10[%get3A_903, %get3A_904, %get3A_905] {strides = array<i32>} : memref<3x32x128xf32, #tpu.memory_space<vmem>>, vector<16xf32>,
          %mul3A_907 = arith.mulf %get3A_901, %get3A_906 : vector<16xf32>
          %get3A_908 = arith.constant 1 : i32
          %get3A_909 = arith.index_cast %get3A_908 : i32 to index
          %get3A_910 = arith.index_cast %add3A_896 : i32 to index
          %get3A_911 = arith.constant 16 : index
          %get3A_912 = tpu.vector_load %arg9[%get3A_909, %get3A_910, %get3A_911] {strides = array<i32>} : memref<3x32x128xf32, #tpu.memory_space<vmem>>, vector<16xf32>,
          %get3A_913 = arith.constant 1 : i32
          %get3A_914 = arith.index_cast %get3A_913 : i32 to index
          %get3A_915 = arith.index_cast %add3A_896 : i32 to index
          %get3A_916 = arith.constant 16 : index
          %get3A_917 = tpu.vector_load %arg10[%get3A_914, %get3A_915, %get3A_916] {strides = array<i32>} : memref<3x32x128xf32, #tpu.memory_space<vmem>>, vector<16xf32>,
          %mul3A_918 = arith.mulf %get3A_912, %get3A_917 : vector<16xf32>
          %get3A_919 = arith.constant 1 : i32
          %get3A_920 = arith.index_cast %get3A_919 : i32 to index
          %get3A_921 = arith.index_cast %add3A_896 : i32 to index
          %get3A_922 = arith.constant 32 : index
          %get3A_923 = tpu.vector_load %arg9[%get3A_920, %get3A_921, %get3A_922] {strides = array<i32>} : memref<3x32x128xf32, #tpu.memory_space<vmem>>, vector<16xf32>,
          %get3A_924 = arith.constant 1 : i32
          %get3A_925 = arith.index_cast %get3A_924 : i32 to index
          %get3A_926 = arith.index_cast %add3A_896 : i32 to index
          %get3A_927 = arith.constant 32 : index
          %get3A_928 = tpu.vector_load %arg10[%get3A_925, %get3A_926, %get3A_927] {strides = array<i32>} : memref<3x32x128xf32, #tpu.memory_space<vmem>>, vector<16xf32>,
          %mul3A_929 = arith.mulf %get3A_923, %get3A_928 : vector<16xf32>
          %add3A_930 = arith.addf %mul3A_907, %mul3A_929 : vector<16xf32>
          %get3A_931 = arith.constant 1 : i32
          %get3A_932 = arith.index_cast %get3A_931 : i32 to index
          %get3A_933 = arith.index_cast %add3A_896 : i32 to index
          %get3A_934 = arith.constant 48 : index
          %get3A_935 = tpu.vector_load %arg9[%get3A_932, %get3A_933, %get3A_934] {strides = array<i32>} : memref<3x32x128xf32, #tpu.memory_space<vmem>>, vector<16xf32>,
          %get3A_936 = arith.constant 1 : i32
          %get3A_937 = arith.index_cast %get3A_936 : i32 to index
          %get3A_938 = arith.index_cast %add3A_896 : i32 to index
          %get3A_939 = arith.constant 48 : index
          %get3A_940 = tpu.vector_load %arg10[%get3A_937, %get3A_938, %get3A_939] {strides = array<i32>} : memref<3x32x128xf32, #tpu.memory_space<vmem>>, vector<16xf32>,
          %mul3A_941 = arith.mulf %get3A_935, %get3A_940 : vector<16xf32>
          %add3A_942 = arith.addf %mul3A_918, %mul3A_941 : vector<16xf32>
          %get3A_943 = arith.constant 1 : i32
          %get3A_944 = arith.index_cast %get3A_943 : i32 to index
          %get3A_945 = arith.index_cast %add3A_896 : i32 to index
          %get3A_946 = arith.constant 64 : index
          %get3A_947 = tpu.vector_load %arg9[%get3A_944, %get3A_945, %get3A_946] {strides = array<i32>} : memref<3x32x128xf32, #tpu.memory_space<vmem>>, vector<16xf32>,
          %get3A_948 = arith.constant 1 : i32
          %get3A_949 = arith.index_cast %get3A_948 : i32 to index
          %get3A_950 = arith.index_cast %add3A_896 : i32 to index
          %get3A_951 = arith.constant 64 : index
          %get3A_952 = tpu.vector_load %arg10[%get3A_949, %get3A_950, %get3A_951] {strides = array<i32>} : memref<3x32x128xf32, #tpu.memory_space<vmem>>, vector<16xf32>,
          %mul3A_953 = arith.mulf %get3A_947, %get3A_952 : vector<16xf32>
          %add3A_954 = arith.addf %add3A_930, %mul3A_953 : vector<16xf32>
          %get3A_955 = arith.constant 1 : i32
          %get3A_956 = arith.index_cast %get3A_955 : i32 to index
          %get3A_957 = arith.index_cast %add3A_896 : i32 to index
          %get3A_958 = arith.constant 80 : index
          %get3A_959 = tpu.vector_load %arg9[%get3A_956, %get3A_957, %get3A_958] {strides = array<i32>} : memref<3x32x128xf32, #tpu.memory_space<vmem>>, vector<16xf32>,
          %get3A_960 = arith.constant 1 : i32
          %get3A_961 = arith.index_cast %get3A_960 : i32 to index
          %get3A_962 = arith.index_cast %add3A_896 : i32 to index
          %get3A_963 = arith.constant 80 : index
          %get3A_964 = tpu.vector_load %arg10[%get3A_961, %get3A_962, %get3A_963] {strides = array<i32>} : memref<3x32x128xf32, #tpu.memory_space<vmem>>, vector<16xf32>,
          %mul3A_965 = arith.mulf %get3A_959, %get3A_964 : vector<16xf32>
          %add3A_966 = arith.addf %add3A_942, %mul3A_965 : vector<16xf32>
          %get3A_967 = arith.constant 1 : i32
          %get3A_968 = arith.index_cast %get3A_967 : i32 to index
          %get3A_969 = arith.index_cast %add3A_896 : i32 to index
          %get3A_970 = arith.constant 96 : index
          %get3A_971 = tpu.vector_load %arg9[%get3A_968, %get3A_969, %get3A_970] {strides = array<i32>} : memref<3x32x128xf32, #tpu.memory_space<vmem>>, vector<16xf32>,
          %get3A_972 = arith.constant 1 : i32
          %get3A_973 = arith.index_cast %get3A_972 : i32 to index
          %get3A_974 = arith.index_cast %add3A_896 : i32 to index
          %get3A_975 = arith.constant 96 : index
          %get3A_976 = tpu.vector_load %arg10[%get3A_973, %get3A_974, %get3A_975] {strides = array<i32>} : memref<3x32x128xf32, #tpu.memory_space<vmem>>, vector<16xf32>,
          %mul3A_977 = arith.mulf %get3A_971, %get3A_976 : vector<16xf32>
          %add3A_978 = arith.addf %add3A_954, %mul3A_977 : vector<16xf32>
          %get3A_979 = arith.constant 1 : i32
          %get3A_980 = arith.index_cast %get3A_979 : i32 to index
          %get3A_981 = arith.index_cast %add3A_896 : i32 to index
          %get3A_982 = arith.constant 112 : index
          %get3A_983 = tpu.vector_load %arg9[%get3A_980, %get3A_981, %get3A_982] {strides = array<i32>} : memref<3x32x128xf32, #tpu.memory_space<vmem>>, vector<16xf32>,
          %get3A_984 = arith.constant 1 : i32
          %get3A_985 = arith.index_cast %get3A_984 : i32 to index
          %get3A_986 = arith.index_cast %add3A_896 : i32 to index
          %get3A_987 = arith.constant 112 : index
          %get3A_988 = tpu.vector_load %arg10[%get3A_985, %get3A_986, %get3A_987] {strides = array<i32>} : memref<3x32x128xf32, #tpu.memory_space<vmem>>, vector<16xf32>,
          %mul3A_989 = arith.mulf %get3A_983, %get3A_988 : vector<16xf32>
          %add3A_990 = arith.addf %add3A_966, %mul3A_989 : vector<16xf32>
          %add3A_991 = arith.addf %add3A_978, %add3A_990 : vector<16xf32>
          %broadcast_in_dim3A_992 = arith.constant true
          %broadcast_in_dim3A_993 = vector.broadcast %broadcast_in_dim3A_992 : i1 to vector<16xi1>
          %masked_cumsum3A_994 = tpu.scan <sum>, %add3A_991 masked %broadcast_in_dim3A_993 : vector<16xf32>, vector<16xi1> -> vector<16xf32>
          %add3A_995 = vector.broadcast %add3A_896 : i32 to vector<16xi32>
          %add3A_996 = arith.addi %broadcast_in_dim3A_5, %add3A_995 : vector<16xi32>
          tpu.vector_store_idx %arg14[%add3A_996], %masked_cumsum3A_994 masked %eq3A_3 : memref<32xf32, #tpu.memory_space<vmem>>[vector<16xi32>], vector<16xf32>, vector<16xi1>
        }
        %scan3A_341 = arith.constant 8 : i32
        %get3A = arith.constant 0 : index
        %get3A_342 = tpu.vector_load %arg14[%get3A] {strides = array<i32>} : memref<32xf32, #tpu.memory_space<vmem>>, vector<16xf32>,
        %get3A_343 = arith.constant 1 : i32
        %get3A_344 = arith.index_cast %get3A_343 : i32 to index
        %get3A_345 = arith.constant 0 : index
        %get3A_346 = tpu.vector_load %arg11[%get3A_344, %get3A_345] {strides = array<i32>} : memref<3x96xf32, #tpu.memory_space<vmem>>, vector<16xf32>,
        %get3A_347 = arith.constant 1 : i32
        %get3A_348 = arith.index_cast %get3A_347 : i32 to index
        %get3A_349 = arith.constant 32 : index
        %get3A_350 = tpu.vector_load %arg11[%get3A_348, %get3A_349] {strides = array<i32>} : memref<3x96xf32, #tpu.memory_space<vmem>>, vector<16xf32>,
        %get3A_351 = arith.constant 1 : i32
        %get3A_352 = arith.index_cast %get3A_351 : i32 to index
        %get3A_353 = arith.constant 64 : index
        %get3A_354 = tpu.vector_load %arg11[%get3A_352, %get3A_353] {strides = array<i32>} : memref<3x96xf32, #tpu.memory_space<vmem>>, vector<16xf32>,
        %mul3A_355 = arith.mulf %get3A_346, %get3A_346 : vector<16xf32>
        %mul3A_356 = arith.mulf %get3A_350, %get3A_350 : vector<16xf32>
        %add3A_357 = arith.addf %mul3A_355, %mul3A_356 : vector<16xf32>
        %mul3A_358 = arith.mulf %get3A_354, %get3A_354 : vector<16xf32>
        %add3A_359 = arith.addf %add3A_357, %mul3A_358 : vector<16xf32>
        %bitcast3A = vector.bitcast %add3A_359 : vector<16xf32> to vector<16xi32>
        %shift_right_arithmetic3A = arith.constant 1 : i32
        %shift_right_arithmetic3A_360 = vector.broadcast %shift_right_arithmetic3A : i32 to vector<16xi32>
        %shift_right_arithmetic3A_361 = arith.shrsi %bitcast3A, %shift_right_arithmetic3A_360 : vector<16xi32>
        %sub3A_362 = arith.constant 1597463007 : i32
        %sub3A_363 = vector.broadcast %sub3A_362 : i32 to vector<16xi32>
        %sub3A_364 = arith.subi %sub3A_363, %shift_right_arithmetic3A_361 : vector<16xi32>
        %bitcast3A_365 = vector.bitcast %sub3A_364 : vector<16xi32> to vector<16xf32>
        %mul3A_366 = arith.constant 5.000000e-01 : f32
        %mul3A_367 = vector.broadcast %mul3A_366 : f32 to vector<16xf32>
        %mul3A_368 = arith.mulf %mul3A_367, %add3A_359 : vector<16xf32>
        %mul3A_369 = arith.mulf %mul3A_368, %bitcast3A_365 : vector<16xf32>
        %mul3A_370 = arith.mulf %mul3A_369, %bitcast3A_365 : vector<16xf32>
        %sub3A_371 = arith.constant 1.500000e+00 : f32
        %sub3A_372 = vector.broadcast %sub3A_371 : f32 to vector<16xf32>
        %sub3A_373 = arith.subf %sub3A_372, %mul3A_370 : vector<16xf32>
        %mul3A_374 = arith.mulf %bitcast3A_365, %sub3A_373 : vector<16xf32>
        %mul3A_375 = arith.constant 5.000000e-01 : f32
        %mul3A_376 = vector.broadcast %mul3A_375 : f32 to vector<16xf32>
        %mul3A_377 = arith.mulf %mul3A_376, %add3A_359 : vector<16xf32>
        %mul3A_378 = arith.mulf %mul3A_377, %mul3A_374 : vector<16xf32>
        %mul3A_379 = arith.mulf %mul3A_378, %mul3A_374 : vector<16xf32>
        %sub3A_380 = arith.constant 1.500000e+00 : f32
        %sub3A_381 = vector.broadcast %sub3A_380 : f32 to vector<16xf32>
        %sub3A_382 = arith.subf %sub3A_381, %mul3A_379 : vector<16xf32>
        %mul3A_383 = arith.mulf %mul3A_374, %sub3A_382 : vector<16xf32>
        %mul3A_384 = arith.constant 5.000000e-01 : f32
        %mul3A_385 = vector.broadcast %mul3A_384 : f32 to vector<16xf32>
        %mul3A_386 = arith.mulf %mul3A_385, %add3A_359 : vector<16xf32>
        %mul3A_387 = arith.mulf %mul3A_386, %mul3A_383 : vector<16xf32>
        %mul3A_388 = arith.mulf %mul3A_387, %mul3A_383 : vector<16xf32>
        %sub3A_389 = arith.constant 1.500000e+00 : f32
        %sub3A_390 = vector.broadcast %sub3A_389 : f32 to vector<16xf32>
        %sub3A_391 = arith.subf %sub3A_390, %mul3A_388 : vector<16xf32>
        %mul3A_392 = arith.mulf %mul3A_383, %sub3A_391 : vector<16xf32>
        %mul3A_393 = arith.mulf %get3A_342, %mul3A_392 : vector<16xf32>
        %mul3A_394 = arith.mulf %get3A_346, %mul3A_393 : vector<16xf32>
        %swap3A = arith.constant 1 : i32
        %swap3A_395 = arith.index_cast %swap3A : i32 to index
        %swap3A_396 = arith.constant 0 : index
        %swap3A_397 = tpu.vector_load %arg12[%swap3A_395, %swap3A_396] {strides = array<i32>} : memref<3x96xf32, #tpu.memory_space<vmem>>, vector<16xf32>,
        tpu.vector_store %arg12[%swap3A_395, %swap3A_396], %mul3A_394 {strides = array<i32>} : memref<3x96xf32, #tpu.memory_space<vmem>>, vector<16xf32>,
        %mul3A_398 = arith.mulf %get3A_350, %mul3A_393 : vector<16xf32>
        %swap3A_399 = arith.constant 1 : i32
        %swap3A_400 = arith.index_cast %swap3A_399 : i32 to index
        %swap3A_401 = arith.constant 32 : index
        %swap3A_402 = tpu.vector_load %arg12[%swap3A_400, %swap3A_401] {strides = array<i32>} : memref<3x96xf32, #tpu.memory_space<vmem>>, vector<16xf32>,
        tpu.vector_store %arg12[%swap3A_400, %swap3A_401], %mul3A_398 {strides = array<i32>} : memref<3x96xf32, #tpu.memory_space<vmem>>, vector<16xf32>,
        %mul3A_403 = arith.mulf %get3A_354, %mul3A_393 : vector<16xf32>
        %swap3A_404 = arith.constant 1 : i32
        %swap3A_405 = arith.index_cast %swap3A_404 : i32 to index
        %swap3A_406 = arith.constant 64 : index
        %swap3A_407 = tpu.vector_load %arg12[%swap3A_405, %swap3A_406] {strides = array<i32>} : memref<3x96xf32, #tpu.memory_space<vmem>>, vector<16xf32>,
        tpu.vector_store %arg12[%swap3A_405, %swap3A_406], %mul3A_403 {strides = array<i32>} : memref<3x96xf32, #tpu.memory_space<vmem>>, vector<16xf32>,
        %get3A_408 = arith.constant 1 : i32
        %get3A_409 = arith.index_cast %get3A_408 : i32 to index
        %get3A_410 = arith.constant 0 : index
        %get3A_411 = tpu.vector_load %arg8[%get3A_409, %get3A_410] {strides = array<i32>} : memref<3x32xi32, #tpu.memory_space<vmem>>, vector<16xi32>,
        %add3A_412 = arith.constant 0 : i32
        %add3A_413 = vector.broadcast %add3A_412 : i32 to vector<16xi32>
        %add3A_414 = arith.addi %get3A_411, %add3A_413 : vector<16xi32>
        %swap3A_415 = arith.constant 3 : i32
        %swap3A_416 = arith.index_cast %swap3A_415 : i32 to index
        %swap3A_417 = arith.constant 0 : index
        %swap3A_418 = tpu.vector_load %arg13[%swap3A_416, %swap3A_417] {strides = array<i32>} : memref<9x32xi32, #tpu.memory_space<vmem>>, vector<16xi32>,
        tpu.vector_store %arg13[%swap3A_416, %swap3A_417], %add3A_414 {strides = array<i32>} : memref<9x32xi32, #tpu.memory_space<vmem>>, vector<16xi32>,
        %add3A_419 = arith.constant 10112 : i32
        %add3A_420 = vector.broadcast %add3A_419 : i32 to vector<16xi32>
        %add3A_421 = arith.addi %get3A_411, %add3A_420 : vector<16xi32>
        %swap3A_422 = arith.constant 4 : i32
        %swap3A_423 = arith.index_cast %swap3A_422 : i32 to index
        %swap3A_424 = arith.constant 0 : index
        %swap3A_425 = tpu.vector_load %arg13[%swap3A_423, %swap3A_424] {strides = array<i32>} : memref<9x32xi32, #tpu.memory_space<vmem>>, vector<16xi32>,
        tpu.vector_store %arg13[%swap3A_423, %swap3A_424], %add3A_421 {strides = array<i32>} : memref<9x32xi32, #tpu.memory_space<vmem>>, vector<16xi32>,
        %add3A_426 = arith.constant 20224 : i32
        %add3A_427 = vector.broadcast %add3A_426 : i32 to vector<16xi32>
        %add3A_428 = arith.addi %get3A_411, %add3A_427 : vector<16xi32>
        %swap3A_429 = arith.constant 5 : i32
        %swap3A_430 = arith.index_cast %swap3A_429 : i32 to index
        %swap3A_431 = arith.constant 0 : index
        %swap3A_432 = tpu.vector_load %arg13[%swap3A_430, %swap3A_431] {strides = array<i32>} : memref<9x32xi32, #tpu.memory_space<vmem>>, vector<16xi32>,
        tpu.vector_store %arg13[%swap3A_430, %swap3A_431], %add3A_428 {strides = array<i32>} : memref<9x32xi32, #tpu.memory_space<vmem>>, vector<16xi32>,
        %get3A_433 = arith.constant 16 : index
        %get3A_434 = tpu.vector_load %arg14[%get3A_433] {strides = array<i32>} : memref<32xf32, #tpu.memory_space<vmem>>, vector<16xf32>,
        %get3A_435 = arith.constant 1 : i32
        %get3A_436 = arith.index_cast %get3A_435 : i32 to index
        %get3A_437 = arith.constant 16 : index
        %get3A_438 = tpu.vector_load %arg11[%get3A_436, %get3A_437] {strides = array<i32>} : memref<3x96xf32, #tpu.memory_space<vmem>>, vector<16xf32>,
        %get3A_439 = arith.constant 1 : i32
        %get3A_440 = arith.index_cast %get3A_439 : i32 to index
        %get3A_441 = arith.constant 48 : index
        %get3A_442 = tpu.vector_load %arg11[%get3A_440, %get3A_441] {strides = array<i32>} : memref<3x96xf32, #tpu.memory_space<vmem>>, vector<16xf32>,
        %get3A_443 = arith.constant 1 : i32
        %get3A_444 = arith.index_cast %get3A_443 : i32 to index
        %get3A_445 = arith.constant 80 : index
        %get3A_446 = tpu.vector_load %arg11[%get3A_444, %get3A_445] {strides = array<i32>} : memref<3x96xf32, #tpu.memory_space<vmem>>, vector<16xf32>,
        %mul3A_447 = arith.mulf %get3A_438, %get3A_438 : vector<16xf32>
        %mul3A_448 = arith.mulf %get3A_442, %get3A_442 : vector<16xf32>
        %add3A_449 = arith.addf %mul3A_447, %mul3A_448 : vector<16xf32>
        %mul3A_450 = arith.mulf %get3A_446, %get3A_446 : vector<16xf32>
        %add3A_451 = arith.addf %add3A_449, %mul3A_450 : vector<16xf32>
        %bitcast3A_452 = vector.bitcast %add3A_451 : vector<16xf32> to vector<16xi32>
        %shift_right_arithmetic3A_453 = arith.constant 1 : i32
        %shift_right_arithmetic3A_454 = vector.broadcast %shift_right_arithmetic3A_453 : i32 to vector<16xi32>
        %shift_right_arithmetic3A_455 = arith.shrsi %bitcast3A_452, %shift_right_arithmetic3A_454 : vector<16xi32>
        %sub3A_456 = arith.constant 1597463007 : i32
        %sub3A_457 = vector.broadcast %sub3A_456 : i32 to vector<16xi32>
        %sub3A_458 = arith.subi %sub3A_457, %shift_right_arithmetic3A_455 : vector<16xi32>
        %bitcast3A_459 = vector.bitcast %sub3A_458 : vector<16xi32> to vector<16xf32>
        %mul3A_460 = arith.constant 5.000000e-01 : f32
        %mul3A_461 = vector.broadcast %mul3A_460 : f32 to vector<16xf32>
        %mul3A_462 = arith.mulf %mul3A_461, %add3A_451 : vector<16xf32>
        %mul3A_463 = arith.mulf %mul3A_462, %bitcast3A_459 : vector<16xf32>
        %mul3A_464 = arith.mulf %mul3A_463, %bitcast3A_459 : vector<16xf32>
        %sub3A_465 = arith.constant 1.500000e+00 : f32
        %sub3A_466 = vector.broadcast %sub3A_465 : f32 to vector<16xf32>
        %sub3A_467 = arith.subf %sub3A_466, %mul3A_464 : vector<16xf32>
        %mul3A_468 = arith.mulf %bitcast3A_459, %sub3A_467 : vector<16xf32>
        %mul3A_469 = arith.constant 5.000000e-01 : f32
        %mul3A_470 = vector.broadcast %mul3A_469 : f32 to vector<16xf32>
        %mul3A_471 = arith.mulf %mul3A_470, %add3A_451 : vector<16xf32>
        %mul3A_472 = arith.mulf %mul3A_471, %mul3A_468 : vector<16xf32>
        %mul3A_473 = arith.mulf %mul3A_472, %mul3A_468 : vector<16xf32>
        %sub3A_474 = arith.constant 1.500000e+00 : f32
        %sub3A_475 = vector.broadcast %sub3A_474 : f32 to vector<16xf32>
        %sub3A_476 = arith.subf %sub3A_475, %mul3A_473 : vector<16xf32>
        %mul3A_477 = arith.mulf %mul3A_468, %sub3A_476 : vector<16xf32>
        %mul3A_478 = arith.constant 5.000000e-01 : f32
        %mul3A_479 = vector.broadcast %mul3A_478 : f32 to vector<16xf32>
        %mul3A_480 = arith.mulf %mul3A_479, %add3A_451 : vector<16xf32>
        %mul3A_481 = arith.mulf %mul3A_480, %mul3A_477 : vector<16xf32>
        %mul3A_482 = arith.mulf %mul3A_481, %mul3A_477 : vector<16xf32>
        %sub3A_483 = arith.constant 1.500000e+00 : f32
        %sub3A_484 = vector.broadcast %sub3A_483 : f32 to vector<16xf32>
        %sub3A_485 = arith.subf %sub3A_484, %mul3A_482 : vector<16xf32>
        %mul3A_486 = arith.mulf %mul3A_477, %sub3A_485 : vector<16xf32>
        %mul3A_487 = arith.mulf %get3A_434, %mul3A_486 : vector<16xf32>
        %mul3A_488 = arith.mulf %get3A_438, %mul3A_487 : vector<16xf32>
        %swap3A_489 = arith.constant 1 : i32
        %swap3A_490 = arith.index_cast %swap3A_489 : i32 to index
        %swap3A_491 = arith.constant 16 : index
        %swap3A_492 = tpu.vector_load %arg12[%swap3A_490, %swap3A_491] {strides = array<i32>} : memref<3x96xf32, #tpu.memory_space<vmem>>, vector<16xf32>,
        tpu.vector_store %arg12[%swap3A_490, %swap3A_491], %mul3A_488 {strides = array<i32>} : memref<3x96xf32, #tpu.memory_space<vmem>>, vector<16xf32>,
        %mul3A_493 = arith.mulf %get3A_442, %mul3A_487 : vector<16xf32>
        %swap3A_494 = arith.constant 1 : i32
        %swap3A_495 = arith.index_cast %swap3A_494 : i32 to index
        %swap3A_496 = arith.constant 48 : index
        %swap3A_497 = tpu.vector_load %arg12[%swap3A_495, %swap3A_496] {strides = array<i32>} : memref<3x96xf32, #tpu.memory_space<vmem>>, vector<16xf32>,
        tpu.vector_store %arg12[%swap3A_495, %swap3A_496], %mul3A_493 {strides = array<i32>} : memref<3x96xf32, #tpu.memory_space<vmem>>, vector<16xf32>,
        %mul3A_498 = arith.mulf %get3A_446, %mul3A_487 : vector<16xf32>
        %swap3A_499 = arith.constant 1 : i32
        %swap3A_500 = arith.index_cast %swap3A_499 : i32 to index
        %swap3A_501 = arith.constant 80 : index
        %swap3A_502 = tpu.vector_load %arg12[%swap3A_500, %swap3A_501] {strides = array<i32>} : memref<3x96xf32, #tpu.memory_space<vmem>>, vector<16xf32>,
        tpu.vector_store %arg12[%swap3A_500, %swap3A_501], %mul3A_498 {strides = array<i32>} : memref<3x96xf32, #tpu.memory_space<vmem>>, vector<16xf32>,
        %get3A_503 = arith.constant 1 : i32
        %get3A_504 = arith.index_cast %get3A_503 : i32 to index
        %get3A_505 = arith.constant 16 : index
        %get3A_506 = tpu.vector_load %arg8[%get3A_504, %get3A_505] {strides = array<i32>} : memref<3x32xi32, #tpu.memory_space<vmem>>, vector<16xi32>,
        %add3A_507 = arith.constant 0 : i32
        %add3A_508 = vector.broadcast %add3A_507 : i32 to vector<16xi32>
        %add3A_509 = arith.addi %get3A_506, %add3A_508 : vector<16xi32>
        %swap3A_510 = arith.constant 3 : i32
        %swap3A_511 = arith.index_cast %swap3A_510 : i32 to index
        %swap3A_512 = arith.constant 16 : index
        %swap3A_513 = tpu.vector_load %arg13[%swap3A_511, %swap3A_512] {strides = array<i32>} : memref<9x32xi32, #tpu.memory_space<vmem>>, vector<16xi32>,
        tpu.vector_store %arg13[%swap3A_511, %swap3A_512], %add3A_509 {strides = array<i32>} : memref<9x32xi32, #tpu.memory_space<vmem>>, vector<16xi32>,
        %add3A_514 = arith.constant 10112 : i32
        %add3A_515 = vector.broadcast %add3A_514 : i32 to vector<16xi32>
        %add3A_516 = arith.addi %get3A_506, %add3A_515 : vector<16xi32>
        %swap3A_517 = arith.constant 4 : i32
        %swap3A_518 = arith.index_cast %swap3A_517 : i32 to index
        %swap3A_519 = arith.constant 16 : index
        %swap3A_520 = tpu.vector_load %arg13[%swap3A_518, %swap3A_519] {strides = array<i32>} : memref<9x32xi32, #tpu.memory_space<vmem>>, vector<16xi32>,
        tpu.vector_store %arg13[%swap3A_518, %swap3A_519], %add3A_516 {strides = array<i32>} : memref<9x32xi32, #tpu.memory_space<vmem>>, vector<16xi32>,
        %add3A_521 = arith.constant 20224 : i32
        %add3A_522 = vector.broadcast %add3A_521 : i32 to vector<16xi32>
        %add3A_523 = arith.addi %get3A_506, %add3A_522 : vector<16xi32>
        %swap3A_524 = arith.constant 5 : i32
        %swap3A_525 = arith.index_cast %swap3A_524 : i32 to index
        %swap3A_526 = arith.constant 16 : index
        %swap3A_527 = tpu.vector_load %arg13[%swap3A_525, %swap3A_526] {strides = array<i32>} : memref<9x32xi32, #tpu.memory_space<vmem>>, vector<16xi32>,
        tpu.vector_store %arg13[%swap3A_525, %swap3A_526], %add3A_523 {strides = array<i32>} : memref<9x32xi32, #tpu.memory_space<vmem>>, vector<16xi32>,
        %dma_start3A = arith.constant 1 : i32
        %dma_start3A_528 = arith.constant 1 : i32
        %dma_start3A_529 = arith.constant 1 : i32
        %dma_start3A_530 = arith.constant 0 : i32
        %dma_start3A_531 = arith.constant 0 : i32
        %dma_start3A_532 = tpu.memref_slice %arg9[%dma_start3A, %dma_start3A_530, %dma_start3A_531] : memref<3x32x128xf32, #tpu.memory_space<vmem>> -> memref<1x32x128xf32, #tpu.memory_space<vmem>>
        %dma_start3A_533 = tpu.memref_squeeze %dma_start3A_532 : memref<1x32x128xf32, #tpu.memory_space<vmem>> -> memref<32x128xf32, #tpu.memory_space<vmem>>
        %dma_start3A_534 = arith.constant 0 : i32
        %dma_start3A_535 = tpu.memref_slice %arg8[%dma_start3A_528, %dma_start3A_534] : memref<3x32xi32, #tpu.memory_space<vmem>> -> memref<1x32xi32, #tpu.memory_space<vmem>>
        %dma_start3A_536 = tpu.memref_squeeze %dma_start3A_535 : memref<1x32xi32, #tpu.memory_space<vmem>> -> memref<32xi32, #tpu.memory_space<vmem>>
        %dma_start3A_537 = arith.constant 0 : i32
        %dma_start3A_538 = arith.constant 0 : i32
        %dma_start3A_539 = tpu.memref_slice %arg16[%dma_start3A_537, %dma_start3A_538] : memref<10112x128xf32, #tpu.memory_space<vmem_shared>> -> memref<10112x128xf32, #tpu.memory_space<vmem_shared>>
        %dma_start3A_540 = tpu.memref_slice %arg21[%dma_start3A_529] : memref<3x!tpu.dma_semaphore, #tpu.memory_space<semaphore_mem>> -> memref<1x!tpu.dma_semaphore, #tpu.memory_space<semaphore_mem>>
        %dma_start3A_541 = tpu.memref_squeeze %dma_start3A_540 : memref<1x!tpu.dma_semaphore, #tpu.memory_space<semaphore_mem>> -> memref<!tpu.dma_semaphore, #tpu.memory_space<semaphore_mem>>
        tpu.enqueue_indirect_dma source(%dma_start3A_533 : memref<32x128xf32, #tpu.memory_space<vmem>>) target(%dma_start3A_539 : memref<10112x128xf32, #tpu.memory_space<vmem_shared>>) offsets(%dma_start3A_536 : memref<32xi32, #tpu.memory_space<vmem>>) semaphore(%dma_start3A_541 : memref<!tpu.dma_semaphore, #tpu.memory_space<semaphore_mem>>) {add = true}
        %dma_start3A_542 = arith.constant 1 : i32
        %dma_start3A_543 = arith.constant 3 : i32
        %dma_start3A_544 = arith.constant 1 : i32
        %dma_start3A_545 = arith.constant 0 : i32
        %dma_start3A_546 = tpu.memref_slice %arg12[%dma_start3A_542, %dma_start3A_545] : memref<3x96xf32, #tpu.memory_space<vmem>> -> memref<1x32xf32, #tpu.memory_space<vmem>>
        %dma_start3A_547 = tpu.memref_squeeze %dma_start3A_546 : memref<1x32xf32, #tpu.memory_space<vmem>> -> memref<32xf32, #tpu.memory_space<vmem>>
        %dma_start3A_548 = arith.constant 0 : i32
        %dma_start3A_549 = tpu.memref_slice %arg13[%dma_start3A_543, %dma_start3A_548] : memref<9x32xi32, #tpu.memory_space<vmem>> -> memref<1x32xi32, #tpu.memory_space<vmem>>
        %dma_start3A_550 = tpu.memref_squeeze %dma_start3A_549 : memref<1x32xi32, #tpu.memory_space<vmem>> -> memref<32xi32, #tpu.memory_space<vmem>>
        %dma_start3A_551 = arith.constant 0 : i32
        %dma_start3A_552 = tpu.memref_slice %arg17[%dma_start3A_551] : memref<30720xf32, #tpu.memory_space<vmem_shared>> -> memref<30720xf32, #tpu.memory_space<vmem_shared>>
        %dma_start3A_553 = tpu.memref_slice %arg21[%dma_start3A_544] : memref<3x!tpu.dma_semaphore, #tpu.memory_space<semaphore_mem>> -> memref<1x!tpu.dma_semaphore, #tpu.memory_space<semaphore_mem>>
        %dma_start3A_554 = tpu.memref_squeeze %dma_start3A_553 : memref<1x!tpu.dma_semaphore, #tpu.memory_space<semaphore_mem>> -> memref<!tpu.dma_semaphore, #tpu.memory_space<semaphore_mem>>
        tpu.enqueue_indirect_dma source(%dma_start3A_547 : memref<32xf32, #tpu.memory_space<vmem>>) target(%dma_start3A_552 : memref<30720xf32, #tpu.memory_space<vmem_shared>>) offsets(%dma_start3A_550 : memref<32xi32, #tpu.memory_space<vmem>>) semaphore(%dma_start3A_554 : memref<!tpu.dma_semaphore, #tpu.memory_space<semaphore_mem>>) {add = true}
        %dma_start3A_555 = arith.constant 1 : i32
        %dma_start3A_556 = arith.constant 4 : i32
        %dma_start3A_557 = arith.constant 1 : i32
        %dma_start3A_558 = arith.constant 32 : i32
        %dma_start3A_559 = tpu.memref_slice %arg12[%dma_start3A_555, %dma_start3A_558] : memref<3x96xf32, #tpu.memory_space<vmem>> -> memref<1x32xf32, #tpu.memory_space<vmem>>
        %dma_start3A_560 = tpu.memref_squeeze %dma_start3A_559 : memref<1x32xf32, #tpu.memory_space<vmem>> -> memref<32xf32, #tpu.memory_space<vmem>>
        %dma_start3A_561 = arith.constant 0 : i32
        %dma_start3A_562 = tpu.memref_slice %arg13[%dma_start3A_556, %dma_start3A_561] : memref<9x32xi32, #tpu.memory_space<vmem>> -> memref<1x32xi32, #tpu.memory_space<vmem>>
        %dma_start3A_563 = tpu.memref_squeeze %dma_start3A_562 : memref<1x32xi32, #tpu.memory_space<vmem>> -> memref<32xi32, #tpu.memory_space<vmem>>
        %dma_start3A_564 = arith.constant 0 : i32
        %dma_start3A_565 = tpu.memref_slice %arg17[%dma_start3A_564] : memref<30720xf32, #tpu.memory_space<vmem_shared>> -> memref<30720xf32, #tpu.memory_space<vmem_shared>>
        %dma_start3A_566 = tpu.memref_slice %arg21[%dma_start3A_557] : memref<3x!tpu.dma_semaphore, #tpu.memory_space<semaphore_mem>> -> memref<1x!tpu.dma_semaphore, #tpu.memory_space<semaphore_mem>>
        %dma_start3A_567 = tpu.memref_squeeze %dma_start3A_566 : memref<1x!tpu.dma_semaphore, #tpu.memory_space<semaphore_mem>> -> memref<!tpu.dma_semaphore, #tpu.memory_space<semaphore_mem>>
        tpu.enqueue_indirect_dma source(%dma_start3A_560 : memref<32xf32, #tpu.memory_space<vmem>>) target(%dma_start3A_565 : memref<30720xf32, #tpu.memory_space<vmem_shared>>) offsets(%dma_start3A_563 : memref<32xi32, #tpu.memory_space<vmem>>) semaphore(%dma_start3A_567 : memref<!tpu.dma_semaphore, #tpu.memory_space<semaphore_mem>>) {add = true}
        %dma_start3A_568 = arith.constant 1 : i32
        %dma_start3A_569 = arith.constant 5 : i32
        %dma_start3A_570 = arith.constant 1 : i32
        %dma_start3A_571 = arith.constant 64 : i32
        %dma_start3A_572 = tpu.memref_slice %arg12[%dma_start3A_568, %dma_start3A_571] : memref<3x96xf32, #tpu.memory_space<vmem>> -> memref<1x32xf32, #tpu.memory_space<vmem>>
        %dma_start3A_573 = tpu.memref_squeeze %dma_start3A_572 : memref<1x32xf32, #tpu.memory_space<vmem>> -> memref<32xf32, #tpu.memory_space<vmem>>
        %dma_start3A_574 = arith.constant 0 : i32
        %dma_start3A_575 = tpu.memref_slice %arg13[%dma_start3A_569, %dma_start3A_574] : memref<9x32xi32, #tpu.memory_space<vmem>> -> memref<1x32xi32, #tpu.memory_space<vmem>>
        %dma_start3A_576 = tpu.memref_squeeze %dma_start3A_575 : memref<1x32xi32, #tpu.memory_space<vmem>> -> memref<32xi32, #tpu.memory_space<vmem>>
        %dma_start3A_577 = arith.constant 0 : i32
        %dma_start3A_578 = tpu.memref_slice %arg17[%dma_start3A_577] : memref<30720xf32, #tpu.memory_space<vmem_shared>> -> memref<30720xf32, #tpu.memory_space<vmem_shared>>
        %dma_start3A_579 = tpu.memref_slice %arg21[%dma_start3A_570] : memref<3x!tpu.dma_semaphore, #tpu.memory_space<semaphore_mem>> -> memref<1x!tpu.dma_semaphore, #tpu.memory_space<semaphore_mem>>
        %dma_start3A_580 = tpu.memref_squeeze %dma_start3A_579 : memref<1x!tpu.dma_semaphore, #tpu.memory_space<semaphore_mem>> -> memref<!tpu.dma_semaphore, #tpu.memory_space<semaphore_mem>>
        tpu.enqueue_indirect_dma source(%dma_start3A_573 : memref<32xf32, #tpu.memory_space<vmem>>) target(%dma_start3A_578 : memref<30720xf32, #tpu.memory_space<vmem_shared>>) offsets(%dma_start3A_576 : memref<32xi32, #tpu.memory_space<vmem>>) semaphore(%dma_start3A_580 : memref<!tpu.dma_semaphore, #tpu.memory_space<semaphore_mem>>) {add = true}
      } else {
      }
      %add3A_163 = arith.constant 1 : i32
      %add3A_164 = arith.addi %mul3A_100, %add3A_163 : i32
      %sub3A_165 = arith.constant 3 : i32
      %sub3A_166 = arith.subi %add3A_164, %sub3A_165 : i32
      %mul3A_167 = arith.constant 32 : i32
      %mul3A_168 = arith.muli %sub3A_166, %mul3A_167 : i32
      %add3A_169 = arith.addi %add3A, %mul3A_168 : i32
      %ge3A_170 = arith.constant 0 : i32
      %ge3A_171 = arith.cmpi sge, %sub3A_166, %ge3A_170 : i32
      %lt3A_172 = arith.constant 157 : i32
      %lt3A_173 = arith.cmpi slt, %sub3A_166, %lt3A_172 : i32
      %and3A_174 = arith.andi %ge3A_171, %lt3A_173 : i1
      %lt3A_175 = arith.constant 5000 : i32
      %lt3A_176 = arith.cmpi slt, %add3A_169, %lt3A_175 : i32
      %and3A_177 = arith.andi %and3A_174, %lt3A_176 : i1
      %convert_element_type3A_178 = arith.extui %and3A_177 : i1 to i32
      %cond3A_179 = arith.constant 0 : i32
      %cond3A_180 = arith.cmpi ne, %convert_element_type3A_178, %cond3A_179 : i32
      scf.if %cond3A_180 {
        %dma_wait3A = arith.constant 1 : i32
        %dma_wait3A_291 = arith.constant 1 : i32
        %dma_wait3A_292 = arith.constant 1 : i32
        %dma_wait3A_293 = arith.constant 0 : i32
        %dma_wait3A_294 = arith.constant 0 : i32
        %dma_wait3A_295 = tpu.memref_slice %arg9[%dma_wait3A, %dma_wait3A_293, %dma_wait3A_294] : memref<3x32x128xf32, #tpu.memory_space<vmem>> -> memref<1x32x128xf32, #tpu.memory_space<vmem>>
        %dma_wait3A_296 = tpu.memref_squeeze %dma_wait3A_295 : memref<1x32x128xf32, #tpu.memory_space<vmem>> -> memref<32x128xf32, #tpu.memory_space<vmem>>
        %dma_wait3A_297 = arith.constant 0 : i32
        %dma_wait3A_298 = tpu.memref_slice %arg8[%dma_wait3A_291, %dma_wait3A_297] : memref<3x32xi32, #tpu.memory_space<vmem>> -> memref<1x32xi32, #tpu.memory_space<vmem>>
        %dma_wait3A_299 = tpu.memref_squeeze %dma_wait3A_298 : memref<1x32xi32, #tpu.memory_space<vmem>> -> memref<32xi32, #tpu.memory_space<vmem>>
        %dma_wait3A_300 = arith.constant 0 : i32
        %dma_wait3A_301 = arith.constant 0 : i32
        %dma_wait3A_302 = tpu.memref_slice %arg16[%dma_wait3A_300, %dma_wait3A_301] : memref<10112x128xf32, #tpu.memory_space<vmem_shared>> -> memref<10112x128xf32, #tpu.memory_space<vmem_shared>>
        %dma_wait3A_303 = tpu.memref_slice %arg21[%dma_wait3A_292] : memref<3x!tpu.dma_semaphore, #tpu.memory_space<semaphore_mem>> -> memref<1x!tpu.dma_semaphore, #tpu.memory_space<semaphore_mem>>
        %dma_wait3A_304 = tpu.memref_squeeze %dma_wait3A_303 : memref<1x!tpu.dma_semaphore, #tpu.memory_space<semaphore_mem>> -> memref<!tpu.dma_semaphore, #tpu.memory_space<semaphore_mem>>
        tpu.wait_indirect_dma semaphore(%dma_wait3A_304 : memref<!tpu.dma_semaphore, #tpu.memory_space<semaphore_mem>>) src(%dma_wait3A_296 : memref<32x128xf32, #tpu.memory_space<vmem>>) dst(%dma_wait3A_302 : memref<10112x128xf32, #tpu.memory_space<vmem_shared>>)
        %dma_wait3A_305 = arith.constant 1 : i32
        %dma_wait3A_306 = arith.constant 3 : i32
        %dma_wait3A_307 = arith.constant 1 : i32
        %dma_wait3A_308 = arith.constant 0 : i32
        %dma_wait3A_309 = tpu.memref_slice %arg12[%dma_wait3A_305, %dma_wait3A_308] : memref<3x96xf32, #tpu.memory_space<vmem>> -> memref<1x32xf32, #tpu.memory_space<vmem>>
        %dma_wait3A_310 = tpu.memref_squeeze %dma_wait3A_309 : memref<1x32xf32, #tpu.memory_space<vmem>> -> memref<32xf32, #tpu.memory_space<vmem>>
        %dma_wait3A_311 = arith.constant 0 : i32
        %dma_wait3A_312 = tpu.memref_slice %arg13[%dma_wait3A_306, %dma_wait3A_311] : memref<9x32xi32, #tpu.memory_space<vmem>> -> memref<1x32xi32, #tpu.memory_space<vmem>>
        %dma_wait3A_313 = tpu.memref_squeeze %dma_wait3A_312 : memref<1x32xi32, #tpu.memory_space<vmem>> -> memref<32xi32, #tpu.memory_space<vmem>>
        %dma_wait3A_314 = arith.constant 0 : i32
        %dma_wait3A_315 = tpu.memref_slice %arg17[%dma_wait3A_314] : memref<30720xf32, #tpu.memory_space<vmem_shared>> -> memref<30720xf32, #tpu.memory_space<vmem_shared>>
        %dma_wait3A_316 = tpu.memref_slice %arg21[%dma_wait3A_307] : memref<3x!tpu.dma_semaphore, #tpu.memory_space<semaphore_mem>> -> memref<1x!tpu.dma_semaphore, #tpu.memory_space<semaphore_mem>>
        %dma_wait3A_317 = tpu.memref_squeeze %dma_wait3A_316 : memref<1x!tpu.dma_semaphore, #tpu.memory_space<semaphore_mem>> -> memref<!tpu.dma_semaphore, #tpu.memory_space<semaphore_mem>>
        tpu.wait_indirect_dma semaphore(%dma_wait3A_317 : memref<!tpu.dma_semaphore, #tpu.memory_space<semaphore_mem>>) src(%dma_wait3A_310 : memref<32xf32, #tpu.memory_space<vmem>>) dst(%dma_wait3A_315 : memref<30720xf32, #tpu.memory_space<vmem_shared>>)
        %dma_wait3A_318 = arith.constant 1 : i32
        %dma_wait3A_319 = arith.constant 4 : i32
        %dma_wait3A_320 = arith.constant 1 : i32
        %dma_wait3A_321 = arith.constant 32 : i32
        %dma_wait3A_322 = tpu.memref_slice %arg12[%dma_wait3A_318, %dma_wait3A_321] : memref<3x96xf32, #tpu.memory_space<vmem>> -> memref<1x32xf32, #tpu.memory_space<vmem>>
        %dma_wait3A_323 = tpu.memref_squeeze %dma_wait3A_322 : memref<1x32xf32, #tpu.memory_space<vmem>> -> memref<32xf32, #tpu.memory_space<vmem>>
        %dma_wait3A_324 = arith.constant 0 : i32
        %dma_wait3A_325 = tpu.memref_slice %arg13[%dma_wait3A_319, %dma_wait3A_324] : memref<9x32xi32, #tpu.memory_space<vmem>> -> memref<1x32xi32, #tpu.memory_space<vmem>>
        %dma_wait3A_326 = tpu.memref_squeeze %dma_wait3A_325 : memref<1x32xi32, #tpu.memory_space<vmem>> -> memref<32xi32, #tpu.memory_space<vmem>>
        %dma_wait3A_327 = arith.constant 0 : i32
        %dma_wait3A_328 = tpu.memref_slice %arg17[%dma_wait3A_327] : memref<30720xf32, #tpu.memory_space<vmem_shared>> -> memref<30720xf32, #tpu.memory_space<vmem_shared>>
        %dma_wait3A_329 = tpu.memref_slice %arg21[%dma_wait3A_320] : memref<3x!tpu.dma_semaphore, #tpu.memory_space<semaphore_mem>> -> memref<1x!tpu.dma_semaphore, #tpu.memory_space<semaphore_mem>>
        %dma_wait3A_330 = tpu.memref_squeeze %dma_wait3A_329 : memref<1x!tpu.dma_semaphore, #tpu.memory_space<semaphore_mem>> -> memref<!tpu.dma_semaphore, #tpu.memory_space<semaphore_mem>>
        tpu.wait_indirect_dma semaphore(%dma_wait3A_330 : memref<!tpu.dma_semaphore, #tpu.memory_space<semaphore_mem>>) src(%dma_wait3A_323 : memref<32xf32, #tpu.memory_space<vmem>>) dst(%dma_wait3A_328 : memref<30720xf32, #tpu.memory_space<vmem_shared>>)
        %dma_wait3A_331 = arith.constant 1 : i32
        %dma_wait3A_332 = arith.constant 5 : i32
        %dma_wait3A_333 = arith.constant 1 : i32
        %dma_wait3A_334 = arith.constant 64 : i32
        %dma_wait3A_335 = tpu.memref_slice %arg12[%dma_wait3A_331, %dma_wait3A_334] : memref<3x96xf32, #tpu.memory_space<vmem>> -> memref<1x32xf32, #tpu.memory_space<vmem>>
        %dma_wait3A_336 = tpu.memref_squeeze %dma_wait3A_335 : memref<1x32xf32, #tpu.memory_space<vmem>> -> memref<32xf32, #tpu.memory_space<vmem>>
        %dma_wait3A_337 = arith.constant 0 : i32
        %dma_wait3A_338 = tpu.memref_slice %arg13[%dma_wait3A_332, %dma_wait3A_337] : memref<9x32xi32, #tpu.memory_space<vmem>> -> memref<1x32xi32, #tpu.memory_space<vmem>>
        %dma_wait3A_339 = tpu.memref_squeeze %dma_wait3A_338 : memref<1x32xi32, #tpu.memory_space<vmem>> -> memref<32xi32, #tpu.memory_space<vmem>>
        %dma_wait3A_340 = arith.constant 0 : i32
        %dma_wait3A_341 = tpu.memref_slice %arg17[%dma_wait3A_340] : memref<30720xf32, #tpu.memory_space<vmem_shared>> -> memref<30720xf32, #tpu.memory_space<vmem_shared>>
        %dma_wait3A_342 = tpu.memref_slice %arg21[%dma_wait3A_333] : memref<3x!tpu.dma_semaphore, #tpu.memory_space<semaphore_mem>> -> memref<1x!tpu.dma_semaphore, #tpu.memory_space<semaphore_mem>>
        %dma_wait3A_343 = tpu.memref_squeeze %dma_wait3A_342 : memref<1x!tpu.dma_semaphore, #tpu.memory_space<semaphore_mem>> -> memref<!tpu.dma_semaphore, #tpu.memory_space<semaphore_mem>>
        tpu.wait_indirect_dma semaphore(%dma_wait3A_343 : memref<!tpu.dma_semaphore, #tpu.memory_space<semaphore_mem>>) src(%dma_wait3A_336 : memref<32xf32, #tpu.memory_space<vmem>>) dst(%dma_wait3A_341 : memref<30720xf32, #tpu.memory_space<vmem_shared>>)
      } else {
      }
      %mul3A_181 = arith.constant 32 : i32
      %mul3A_182 = arith.muli %add3A_164, %mul3A_181 : i32
      %add3A_183 = arith.addi %add3A, %mul3A_182 : i32
      %ge3A_184 = arith.constant 0 : i32
      %ge3A_185 = arith.cmpi sge, %add3A_164, %ge3A_184 : i32
      %lt3A_186 = arith.constant 157 : i32
      %lt3A_187 = arith.cmpi slt, %add3A_164, %lt3A_186 : i32
      %and3A_188 = arith.andi %ge3A_185, %lt3A_187 : i1
      %lt3A_189 = arith.constant 5000 : i32
      %lt3A_190 = arith.cmpi slt, %add3A_183, %lt3A_189 : i32
      %and3A_191 = arith.andi %and3A_188, %lt3A_190 : i1
      %convert_element_type3A_192 = arith.extui %and3A_191 : i1 to i32
      %cond3A_193 = arith.constant 0 : i32
      %cond3A_194 = arith.cmpi ne, %convert_element_type3A_192, %cond3A_193 : i32
      scf.if %cond3A_194 {
        %mul3A_291 = arith.constant 32 : i32
        %mul3A_292 = arith.muli %add3A_183, %mul3A_291 : i32
        %add3A_293 = arith.constant 160000 : i32
        %add3A_294 = arith.addi %add3A_293, %mul3A_292 : i32
        %dma_start3A = arith.constant 1 : i32
        %dma_start3A_295 = arith.constant 1 : i32
        %dma_start3A_296 = arith.constant 0 : i32
        %dma_start3A_297 = tpu.memref_slice %arg8[%dma_start3A, %dma_start3A_296] : memref<3x32xi32, #tpu.memory_space<vmem>> -> memref<1x32xi32, #tpu.memory_space<vmem>>
        %dma_start3A_298 = tpu.memref_squeeze %dma_start3A_297 : memref<1x32xi32, #tpu.memory_space<vmem>> -> memref<32xi32, #tpu.memory_space<vmem>>
        %dma_start3A_299 = tpu.memref_slice %arg3[%add3A_294] : memref<320000xi32, #tpu.memory_space<hbm>> -> memref<32xi32, #tpu.memory_space<hbm>>
        %dma_start3A_300 = tpu.memref_slice %arg18[%dma_start3A_295] : memref<3x!tpu.dma_semaphore, #tpu.memory_space<semaphore_mem>> -> memref<1x!tpu.dma_semaphore, #tpu.memory_space<semaphore_mem>>
        %dma_start3A_301 = tpu.memref_squeeze %dma_start3A_300 : memref<1x!tpu.dma_semaphore, #tpu.memory_space<semaphore_mem>> -> memref<!tpu.dma_semaphore, #tpu.memory_space<semaphore_mem>>
        %dma_start3A_302 = arith.constant 0 : i32
        %dma_start3A_303 = tpu.memref_slice %arg8[%dma_start3A, %dma_start3A_302] : memref<3x32xi32, #tpu.memory_space<vmem>> -> memref<1x32xi32, #tpu.memory_space<vmem>>
        %dma_start3A_304 = tpu.memref_squeeze %dma_start3A_303 : memref<1x32xi32, #tpu.memory_space<vmem>> -> memref<32xi32, #tpu.memory_space<vmem>>
        %dma_start3A_305 = tpu.memref_slice %arg3[%add3A_294] : memref<320000xi32, #tpu.memory_space<hbm>> -> memref<32xi32, #tpu.memory_space<hbm>>
        tpu.enqueue_dma source(%dma_start3A_305 : memref<32xi32, #tpu.memory_space<hbm>>) target(%dma_start3A_304 : memref<32xi32, #tpu.memory_space<vmem>>) target_semaphore(%dma_start3A_301 : memref<!tpu.dma_semaphore, #tpu.memory_space<semaphore_mem>>)
        %dma_start3A_306 = arith.constant 1 : i32
        %dma_start3A_307 = arith.constant 1 : i32
        %dma_start3A_308 = arith.constant 0 : i32
        %dma_start3A_309 = arith.constant 0 : i32
        %dma_start3A_310 = tpu.memref_slice %arg9[%dma_start3A_306, %dma_start3A_308, %dma_start3A_309] : memref<3x32x128xf32, #tpu.memory_space<vmem>> -> memref<1x32x128xf32, #tpu.memory_space<vmem>>
        %dma_start3A_311 = tpu.memref_squeeze %dma_start3A_310 : memref<1x32x128xf32, #tpu.memory_space<vmem>> -> memref<32x128xf32, #tpu.memory_space<vmem>>
        %dma_start3A_312 = arith.constant 0 : i32
        %dma_start3A_313 = tpu.memref_slice %arg4[%mul3A_292, %dma_start3A_312] : memref<160000x128xf32, #tpu.memory_space<hbm>> -> memref<32x128xf32, #tpu.memory_space<hbm>>
        %dma_start3A_314 = tpu.memref_slice %arg19[%dma_start3A_307] : memref<3x!tpu.dma_semaphore, #tpu.memory_space<semaphore_mem>> -> memref<1x!tpu.dma_semaphore, #tpu.memory_space<semaphore_mem>>
        %dma_start3A_315 = tpu.memref_squeeze %dma_start3A_314 : memref<1x!tpu.dma_semaphore, #tpu.memory_space<semaphore_mem>> -> memref<!tpu.dma_semaphore, #tpu.memory_space<semaphore_mem>>
        %dma_start3A_316 = arith.constant 0 : i32
        %dma_start3A_317 = arith.constant 0 : i32
        %dma_start3A_318 = tpu.memref_slice %arg9[%dma_start3A_306, %dma_start3A_316, %dma_start3A_317] : memref<3x32x128xf32, #tpu.memory_space<vmem>> -> memref<1x32x128xf32, #tpu.memory_space<vmem>>
        %dma_start3A_319 = tpu.memref_squeeze %dma_start3A_318 : memref<1x32x128xf32, #tpu.memory_space<vmem>> -> memref<32x128xf32, #tpu.memory_space<vmem>>
        %dma_start3A_320 = arith.constant 0 : i32
        %dma_start3A_321 = tpu.memref_slice %arg4[%mul3A_292, %dma_start3A_320] : memref<160000x128xf32, #tpu.memory_space<hbm>> -> memref<32x128xf32, #tpu.memory_space<hbm>>
        tpu.enqueue_dma source(%dma_start3A_321 : memref<32x128xf32, #tpu.memory_space<hbm>>) target(%dma_start3A_319 : memref<32x128xf32, #tpu.memory_space<vmem>>) target_semaphore(%dma_start3A_315 : memref<!tpu.dma_semaphore, #tpu.memory_space<semaphore_mem>>)
        %mul3A_322 = arith.constant 3 : i32
        %mul3A_323 = arith.muli %mul3A_322, %mul3A_292 : i32
        %dma_start3A_324 = arith.constant 1 : i32
        %dma_start3A_325 = arith.constant 1 : i32
        %dma_start3A_326 = arith.constant 0 : i32
        %dma_start3A_327 = tpu.memref_slice %arg11[%dma_start3A_324, %dma_start3A_326] : memref<3x96xf32, #tpu.memory_space<vmem>> -> memref<1x96xf32, #tpu.memory_space<vmem>>
        %dma_start3A_328 = tpu.memref_squeeze %dma_start3A_327 : memref<1x96xf32, #tpu.memory_space<vmem>> -> memref<96xf32, #tpu.memory_space<vmem>>
        %dma_start3A_329 = tpu.memref_slice %arg5[%mul3A_323] : memref<480000xf32, #tpu.memory_space<hbm>> -> memref<96xf32, #tpu.memory_space<hbm>>
        %dma_start3A_330 = tpu.memref_slice %arg19[%dma_start3A_325] : memref<3x!tpu.dma_semaphore, #tpu.memory_space<semaphore_mem>> -> memref<1x!tpu.dma_semaphore, #tpu.memory_space<semaphore_mem>>
        %dma_start3A_331 = tpu.memref_squeeze %dma_start3A_330 : memref<1x!tpu.dma_semaphore, #tpu.memory_space<semaphore_mem>> -> memref<!tpu.dma_semaphore, #tpu.memory_space<semaphore_mem>>
        %dma_start3A_332 = arith.constant 0 : i32
        %dma_start3A_333 = tpu.memref_slice %arg11[%dma_start3A_324, %dma_start3A_332] : memref<3x96xf32, #tpu.memory_space<vmem>> -> memref<1x96xf32, #tpu.memory_space<vmem>>
        %dma_start3A_334 = tpu.memref_squeeze %dma_start3A_333 : memref<1x96xf32, #tpu.memory_space<vmem>> -> memref<96xf32, #tpu.memory_space<vmem>>
        %dma_start3A_335 = tpu.memref_slice %arg5[%mul3A_323] : memref<480000xf32, #tpu.memory_space<hbm>> -> memref<96xf32, #tpu.memory_space<hbm>>
        tpu.enqueue_dma source(%dma_start3A_335 : memref<96xf32, #tpu.memory_space<hbm>>) target(%dma_start3A_334 : memref<96xf32, #tpu.memory_space<vmem>>) target_semaphore(%dma_start3A_331 : memref<!tpu.dma_semaphore, #tpu.memory_space<semaphore_mem>>)
      } else {
      }
      %sub3A_195 = arith.constant 1 : i32
      %sub3A_196 = arith.subi %add3A_164, %sub3A_195 : i32
      %mul3A_197 = arith.constant 32 : i32
      %mul3A_198 = arith.muli %sub3A_196, %mul3A_197 : i32
      %add3A_199 = arith.addi %add3A, %mul3A_198 : i32
      %ge3A_200 = arith.constant 0 : i32
      %ge3A_201 = arith.cmpi sge, %sub3A_196, %ge3A_200 : i32
      %lt3A_202 = arith.constant 157 : i32
      %lt3A_203 = arith.cmpi slt, %sub3A_196, %lt3A_202 : i32
      %and3A_204 = arith.andi %ge3A_201, %lt3A_203 : i1
      %lt3A_205 = arith.constant 5000 : i32
      %lt3A_206 = arith.cmpi slt, %add3A_199, %lt3A_205 : i32
      %and3A_207 = arith.andi %and3A_204, %lt3A_206 : i1
      %convert_element_type3A_208 = arith.extui %and3A_207 : i1 to i32
      %cond3A_209 = arith.constant 0 : i32
      %cond3A_210 = arith.cmpi ne, %convert_element_type3A_208, %cond3A_209 : i32
      scf.if %cond3A_210 {
        %dma_wait3A = arith.constant 0 : i32
        %dma_wait3A_291 = arith.constant 0 : i32
        %dma_wait3A_292 = arith.constant 0 : i32
        %dma_wait3A_293 = tpu.memref_slice %arg8[%dma_wait3A, %dma_wait3A_292] : memref<3x32xi32, #tpu.memory_space<vmem>> -> memref<1x32xi32, #tpu.memory_space<vmem>>
        %dma_wait3A_294 = tpu.memref_squeeze %dma_wait3A_293 : memref<1x32xi32, #tpu.memory_space<vmem>> -> memref<32xi32, #tpu.memory_space<vmem>>
        %dma_wait3A_295 = arith.constant 160000 : i32
        %dma_wait3A_296 = tpu.memref_slice %arg3[%dma_wait3A_295] : memref<320000xi32, #tpu.memory_space<hbm>> -> memref<32xi32, #tpu.memory_space<hbm>>
        %dma_wait3A_297 = tpu.memref_slice %arg18[%dma_wait3A_291] : memref<3x!tpu.dma_semaphore, #tpu.memory_space<semaphore_mem>> -> memref<1x!tpu.dma_semaphore, #tpu.memory_space<semaphore_mem>>
        %dma_wait3A_298 = tpu.memref_squeeze %dma_wait3A_297 : memref<1x!tpu.dma_semaphore, #tpu.memory_space<semaphore_mem>> -> memref<!tpu.dma_semaphore, #tpu.memory_space<semaphore_mem>>
        %dma_wait3A_299 = arith.constant 0 : i32
        %dma_wait3A_300 = tpu.memref_slice %arg8[%dma_wait3A, %dma_wait3A_299] : memref<3x32xi32, #tpu.memory_space<vmem>> -> memref<1x32xi32, #tpu.memory_space<vmem>>
        %dma_wait3A_301 = tpu.memref_squeeze %dma_wait3A_300 : memref<1x32xi32, #tpu.memory_space<vmem>> -> memref<32xi32, #tpu.memory_space<vmem>>
        %dma_wait3A_302 = arith.constant 160000 : i32
        %dma_wait3A_303 = tpu.memref_slice %arg3[%dma_wait3A_302] : memref<320000xi32, #tpu.memory_space<hbm>> -> memref<32xi32, #tpu.memory_space<hbm>>
        tpu.wait_dma2 semaphore(%dma_wait3A_298 : memref<!tpu.dma_semaphore, #tpu.memory_space<semaphore_mem>>) src(%dma_wait3A_303 : memref<32xi32, #tpu.memory_space<hbm>>) dst(%dma_wait3A_301 : memref<32xi32, #tpu.memory_space<vmem>>)
        %dma_start3A = arith.constant 0 : i32
        %dma_start3A_304 = arith.constant 0 : i32
        %dma_start3A_305 = arith.constant 0 : i32
        %dma_start3A_306 = arith.constant 0 : i32
        %dma_start3A_307 = arith.constant 0 : i32
        %dma_start3A_308 = tpu.memref_slice %arg10[%dma_start3A_304, %dma_start3A_306, %dma_start3A_307] : memref<3x32x128xf32, #tpu.memory_space<vmem>> -> memref<1x32x128xf32, #tpu.memory_space<vmem>>
        %dma_start3A_309 = tpu.memref_squeeze %dma_start3A_308 : memref<1x32x128xf32, #tpu.memory_space<vmem>> -> memref<32x128xf32, #tpu.memory_space<vmem>>
        %dma_start3A_310 = arith.constant 0 : i32
        %dma_start3A_311 = tpu.memref_slice %arg8[%dma_start3A, %dma_start3A_310] : memref<3x32xi32, #tpu.memory_space<vmem>> -> memref<1x32xi32, #tpu.memory_space<vmem>>
        %dma_start3A_312 = tpu.memref_squeeze %dma_start3A_311 : memref<1x32xi32, #tpu.memory_space<vmem>> -> memref<32xi32, #tpu.memory_space<vmem>>
        %dma_start3A_313 = arith.constant 0 : i32
        %dma_start3A_314 = arith.constant 0 : i32
        %dma_start3A_315 = tpu.memref_slice %arg2[%dma_start3A_313, %dma_start3A_314] : memref<10000x128xf32, #tpu.memory_space<hbm>> -> memref<10000x128xf32, #tpu.memory_space<hbm>>
        %dma_start3A_316 = tpu.memref_slice %arg20[%dma_start3A_305] : memref<3x!tpu.dma_semaphore, #tpu.memory_space<semaphore_mem>> -> memref<1x!tpu.dma_semaphore, #tpu.memory_space<semaphore_mem>>
        %dma_start3A_317 = tpu.memref_squeeze %dma_start3A_316 : memref<1x!tpu.dma_semaphore, #tpu.memory_space<semaphore_mem>> -> memref<!tpu.dma_semaphore, #tpu.memory_space<semaphore_mem>>
        tpu.enqueue_indirect_dma source(%dma_start3A_315 : memref<10000x128xf32, #tpu.memory_space<hbm>>) target(%dma_start3A_309 : memref<32x128xf32, #tpu.memory_space<vmem>>) offsets(%dma_start3A_312 : memref<32xi32, #tpu.memory_space<vmem>>) semaphore(%dma_start3A_317 : memref<!tpu.dma_semaphore, #tpu.memory_space<semaphore_mem>>)
      } else {
      }
      %sub3A_211 = arith.constant 2 : i32
      %sub3A_212 = arith.subi %add3A_164, %sub3A_211 : i32
      %mul3A_213 = arith.constant 32 : i32
      %mul3A_214 = arith.muli %sub3A_212, %mul3A_213 : i32
      %add3A_215 = arith.addi %add3A, %mul3A_214 : i32
      %ge3A_216 = arith.constant 0 : i32
      %ge3A_217 = arith.cmpi sge, %sub3A_212, %ge3A_216 : i32
      %lt3A_218 = arith.constant 157 : i32
      %lt3A_219 = arith.cmpi slt, %sub3A_212, %lt3A_218 : i32
      %and3A_220 = arith.andi %ge3A_217, %lt3A_219 : i1
      %lt3A_221 = arith.constant 5000 : i32
      %lt3A_222 = arith.cmpi slt, %add3A_215, %lt3A_221 : i32
      %and3A_223 = arith.andi %and3A_220, %lt3A_222 : i1
      %convert_element_type3A_224 = arith.extui %and3A_223 : i1 to i32
      %cond3A_225 = arith.constant 0 : i32
      %cond3A_226 = arith.cmpi ne, %convert_element_type3A_224, %cond3A_225 : i32
      scf.if %cond3A_226 {
        %dma_wait3A = arith.constant 2 : i32
        %dma_wait3A_291 = arith.constant 2 : i32
        %dma_wait3A_292 = arith.constant 0 : i32
        %dma_wait3A_293 = arith.constant 0 : i32
        %dma_wait3A_294 = tpu.memref_slice %arg9[%dma_wait3A, %dma_wait3A_292, %dma_wait3A_293] : memref<3x32x128xf32, #tpu.memory_space<vmem>> -> memref<1x32x128xf32, #tpu.memory_space<vmem>>
        %dma_wait3A_295 = tpu.memref_squeeze %dma_wait3A_294 : memref<1x32x128xf32, #tpu.memory_space<vmem>> -> memref<32x128xf32, #tpu.memory_space<vmem>>
        %dma_wait3A_296 = arith.constant 0 : i32
        %dma_wait3A_297 = arith.constant 0 : i32
        %dma_wait3A_298 = tpu.memref_slice %arg4[%dma_wait3A_296, %dma_wait3A_297] : memref<160000x128xf32, #tpu.memory_space<hbm>> -> memref<32x128xf32, #tpu.memory_space<hbm>>
        %dma_wait3A_299 = tpu.memref_slice %arg19[%dma_wait3A_291] : memref<3x!tpu.dma_semaphore, #tpu.memory_space<semaphore_mem>> -> memref<1x!tpu.dma_semaphore, #tpu.memory_space<semaphore_mem>>
        %dma_wait3A_300 = tpu.memref_squeeze %dma_wait3A_299 : memref<1x!tpu.dma_semaphore, #tpu.memory_space<semaphore_mem>> -> memref<!tpu.dma_semaphore, #tpu.memory_space<semaphore_mem>>
        %dma_wait3A_301 = arith.constant 0 : i32
        %dma_wait3A_302 = arith.constant 0 : i32
        %dma_wait3A_303 = tpu.memref_slice %arg9[%dma_wait3A, %dma_wait3A_301, %dma_wait3A_302] : memref<3x32x128xf32, #tpu.memory_space<vmem>> -> memref<1x32x128xf32, #tpu.memory_space<vmem>>
        %dma_wait3A_304 = tpu.memref_squeeze %dma_wait3A_303 : memref<1x32x128xf32, #tpu.memory_space<vmem>> -> memref<32x128xf32, #tpu.memory_space<vmem>>
        %dma_wait3A_305 = arith.constant 0 : i32
        %dma_wait3A_306 = arith.constant 0 : i32
        %dma_wait3A_307 = tpu.memref_slice %arg4[%dma_wait3A_305, %dma_wait3A_306] : memref<160000x128xf32, #tpu.memory_space<hbm>> -> memref<32x128xf32, #tpu.memory_space<hbm>>
        tpu.wait_dma2 semaphore(%dma_wait3A_300 : memref<!tpu.dma_semaphore, #tpu.memory_space<semaphore_mem>>) src(%dma_wait3A_307 : memref<32x128xf32, #tpu.memory_space<hbm>>) dst(%dma_wait3A_304 : memref<32x128xf32, #tpu.memory_space<vmem>>)
        %dma_wait3A_308 = arith.constant 2 : i32
        %dma_wait3A_309 = arith.constant 2 : i32
        %dma_wait3A_310 = arith.constant 0 : i32
        %dma_wait3A_311 = tpu.memref_slice %arg11[%dma_wait3A_308, %dma_wait3A_310] : memref<3x96xf32, #tpu.memory_space<vmem>> -> memref<1x96xf32, #tpu.memory_space<vmem>>
        %dma_wait3A_312 = tpu.memref_squeeze %dma_wait3A_311 : memref<1x96xf32, #tpu.memory_space<vmem>> -> memref<96xf32, #tpu.memory_space<vmem>>
        %dma_wait3A_313 = arith.constant 0 : i32
        %dma_wait3A_314 = tpu.memref_slice %arg5[%dma_wait3A_313] : memref<480000xf32, #tpu.memory_space<hbm>> -> memref<96xf32, #tpu.memory_space<hbm>>
        %dma_wait3A_315 = tpu.memref_slice %arg19[%dma_wait3A_309] : memref<3x!tpu.dma_semaphore, #tpu.memory_space<semaphore_mem>> -> memref<1x!tpu.dma_semaphore, #tpu.memory_space<semaphore_mem>>
        %dma_wait3A_316 = tpu.memref_squeeze %dma_wait3A_315 : memref<1x!tpu.dma_semaphore, #tpu.memory_space<semaphore_mem>> -> memref<!tpu.dma_semaphore, #tpu.memory_space<semaphore_mem>>
        %dma_wait3A_317 = arith.constant 0 : i32
        %dma_wait3A_318 = tpu.memref_slice %arg11[%dma_wait3A_308, %dma_wait3A_317] : memref<3x96xf32, #tpu.memory_space<vmem>> -> memref<1x96xf32, #tpu.memory_space<vmem>>
        %dma_wait3A_319 = tpu.memref_squeeze %dma_wait3A_318 : memref<1x96xf32, #tpu.memory_space<vmem>> -> memref<96xf32, #tpu.memory_space<vmem>>
        %dma_wait3A_320 = arith.constant 0 : i32
        %dma_wait3A_321 = tpu.memref_slice %arg5[%dma_wait3A_320] : memref<480000xf32, #tpu.memory_space<hbm>> -> memref<96xf32, #tpu.memory_space<hbm>>
        tpu.wait_dma2 semaphore(%dma_wait3A_316 : memref<!tpu.dma_semaphore, #tpu.memory_space<semaphore_mem>>) src(%dma_wait3A_321 : memref<96xf32, #tpu.memory_space<hbm>>) dst(%dma_wait3A_319 : memref<96xf32, #tpu.memory_space<vmem>>)
        %dma_wait3A_322 = arith.constant 2 : i32
        %dma_wait3A_323 = arith.constant 2 : i32
        %dma_wait3A_324 = arith.constant 2 : i32
        %dma_wait3A_325 = arith.constant 0 : i32
        %dma_wait3A_326 = arith.constant 0 : i32
        %dma_wait3A_327 = tpu.memref_slice %arg10[%dma_wait3A_323, %dma_wait3A_325, %dma_wait3A_326] : memref<3x32x128xf32, #tpu.memory_space<vmem>> -> memref<1x32x128xf32, #tpu.memory_space<vmem>>
        %dma_wait3A_328 = tpu.memref_squeeze %dma_wait3A_327 : memref<1x32x128xf32, #tpu.memory_space<vmem>> -> memref<32x128xf32, #tpu.memory_space<vmem>>
        %dma_wait3A_329 = arith.constant 0 : i32
        %dma_wait3A_330 = tpu.memref_slice %arg8[%dma_wait3A_322, %dma_wait3A_329] : memref<3x32xi32, #tpu.memory_space<vmem>> -> memref<1x32xi32, #tpu.memory_space<vmem>>
        %dma_wait3A_331 = tpu.memref_squeeze %dma_wait3A_330 : memref<1x32xi32, #tpu.memory_space<vmem>> -> memref<32xi32, #tpu.memory_space<vmem>>
        %dma_wait3A_332 = arith.constant 0 : i32
        %dma_wait3A_333 = arith.constant 0 : i32
        %dma_wait3A_334 = tpu.memref_slice %arg2[%dma_wait3A_332, %dma_wait3A_333] : memref<10000x128xf32, #tpu.memory_space<hbm>> -> memref<10000x128xf32, #tpu.memory_space<hbm>>
        %dma_wait3A_335 = tpu.memref_slice %arg20[%dma_wait3A_324] : memref<3x!tpu.dma_semaphore, #tpu.memory_space<semaphore_mem>> -> memref<1x!tpu.dma_semaphore, #tpu.memory_space<semaphore_mem>>
        %dma_wait3A_336 = tpu.memref_squeeze %dma_wait3A_335 : memref<1x!tpu.dma_semaphore, #tpu.memory_space<semaphore_mem>> -> memref<!tpu.dma_semaphore, #tpu.memory_space<semaphore_mem>>
        tpu.wait_indirect_dma semaphore(%dma_wait3A_336 : memref<!tpu.dma_semaphore, #tpu.memory_space<semaphore_mem>>) src(%dma_wait3A_334 : memref<10000x128xf32, #tpu.memory_space<hbm>>) dst(%dma_wait3A_328 : memref<32x128xf32, #tpu.memory_space<vmem>>)
        %scan3A_337 = arith.constant 0 : i32
        %scan3A_338 = arith.constant 8 : i32
        %scan3A_339 = arith.addi %scan3A_337, %scan3A_338 : i32
        %scan3A_340 = arith.constant 1 : i32
        scf.for %scan3A_581 = %scan3A_337 to %scan3A_339 step %scan3A_340  : i32 {
          %mul3A_582 = arith.constant 4 : i32
          %mul3A_583 = arith.muli %scan3A_581, %mul3A_582 : i32
          %add3A_584 = arith.constant 0 : i32
          %add3A_585 = arith.addi %mul3A_583, %add3A_584 : i32
          %get3A_586 = arith.constant 2 : i32
          %get3A_587 = arith.index_cast %get3A_586 : i32 to index
          %get3A_588 = arith.index_cast %add3A_585 : i32 to index
          %get3A_589 = arith.constant 0 : index
          %get3A_590 = tpu.vector_load %arg9[%get3A_587, %get3A_588, %get3A_589] {strides = array<i32>} : memref<3x32x128xf32, #tpu.memory_space<vmem>>, vector<16xf32>,
          %get3A_591 = arith.constant 2 : i32
          %get3A_592 = arith.index_cast %get3A_591 : i32 to index
          %get3A_593 = arith.index_cast %add3A_585 : i32 to index
          %get3A_594 = arith.constant 0 : index
          %get3A_595 = tpu.vector_load %arg10[%get3A_592, %get3A_593, %get3A_594] {strides = array<i32>} : memref<3x32x128xf32, #tpu.memory_space<vmem>>, vector<16xf32>,
          %mul3A_596 = arith.mulf %get3A_590, %get3A_595 : vector<16xf32>
          %get3A_597 = arith.constant 2 : i32
          %get3A_598 = arith.index_cast %get3A_597 : i32 to index
          %get3A_599 = arith.index_cast %add3A_585 : i32 to index
          %get3A_600 = arith.constant 16 : index
          %get3A_601 = tpu.vector_load %arg9[%get3A_598, %get3A_599, %get3A_600] {strides = array<i32>} : memref<3x32x128xf32, #tpu.memory_space<vmem>>, vector<16xf32>,
          %get3A_602 = arith.constant 2 : i32
          %get3A_603 = arith.index_cast %get3A_602 : i32 to index
          %get3A_604 = arith.index_cast %add3A_585 : i32 to index
          %get3A_605 = arith.constant 16 : index
          %get3A_606 = tpu.vector_load %arg10[%get3A_603, %get3A_604, %get3A_605] {strides = array<i32>} : memref<3x32x128xf32, #tpu.memory_space<vmem>>, vector<16xf32>,
          %mul3A_607 = arith.mulf %get3A_601, %get3A_606 : vector<16xf32>
          %get3A_608 = arith.constant 2 : i32
          %get3A_609 = arith.index_cast %get3A_608 : i32 to index
          %get3A_610 = arith.index_cast %add3A_585 : i32 to index
          %get3A_611 = arith.constant 32 : index
          %get3A_612 = tpu.vector_load %arg9[%get3A_609, %get3A_610, %get3A_611] {strides = array<i32>} : memref<3x32x128xf32, #tpu.memory_space<vmem>>, vector<16xf32>,
          %get3A_613 = arith.constant 2 : i32
          %get3A_614 = arith.index_cast %get3A_613 : i32 to index
          %get3A_615 = arith.index_cast %add3A_585 : i32 to index
          %get3A_616 = arith.constant 32 : index
          %get3A_617 = tpu.vector_load %arg10[%get3A_614, %get3A_615, %get3A_616] {strides = array<i32>} : memref<3x32x128xf32, #tpu.memory_space<vmem>>, vector<16xf32>,
          %mul3A_618 = arith.mulf %get3A_612, %get3A_617 : vector<16xf32>
          %add3A_619 = arith.addf %mul3A_596, %mul3A_618 : vector<16xf32>
          %get3A_620 = arith.constant 2 : i32
          %get3A_621 = arith.index_cast %get3A_620 : i32 to index
          %get3A_622 = arith.index_cast %add3A_585 : i32 to index
          %get3A_623 = arith.constant 48 : index
          %get3A_624 = tpu.vector_load %arg9[%get3A_621, %get3A_622, %get3A_623] {strides = array<i32>} : memref<3x32x128xf32, #tpu.memory_space<vmem>>, vector<16xf32>,
          %get3A_625 = arith.constant 2 : i32
          %get3A_626 = arith.index_cast %get3A_625 : i32 to index
          %get3A_627 = arith.index_cast %add3A_585 : i32 to index
          %get3A_628 = arith.constant 48 : index
          %get3A_629 = tpu.vector_load %arg10[%get3A_626, %get3A_627, %get3A_628] {strides = array<i32>} : memref<3x32x128xf32, #tpu.memory_space<vmem>>, vector<16xf32>,
          %mul3A_630 = arith.mulf %get3A_624, %get3A_629 : vector<16xf32>
          %add3A_631 = arith.addf %mul3A_607, %mul3A_630 : vector<16xf32>
          %get3A_632 = arith.constant 2 : i32
          %get3A_633 = arith.index_cast %get3A_632 : i32 to index
          %get3A_634 = arith.index_cast %add3A_585 : i32 to index
          %get3A_635 = arith.constant 64 : index
          %get3A_636 = tpu.vector_load %arg9[%get3A_633, %get3A_634, %get3A_635] {strides = array<i32>} : memref<3x32x128xf32, #tpu.memory_space<vmem>>, vector<16xf32>,
          %get3A_637 = arith.constant 2 : i32
          %get3A_638 = arith.index_cast %get3A_637 : i32 to index
          %get3A_639 = arith.index_cast %add3A_585 : i32 to index
          %get3A_640 = arith.constant 64 : index
          %get3A_641 = tpu.vector_load %arg10[%get3A_638, %get3A_639, %get3A_640] {strides = array<i32>} : memref<3x32x128xf32, #tpu.memory_space<vmem>>, vector<16xf32>,
          %mul3A_642 = arith.mulf %get3A_636, %get3A_641 : vector<16xf32>
          %add3A_643 = arith.addf %add3A_619, %mul3A_642 : vector<16xf32>
          %get3A_644 = arith.constant 2 : i32
          %get3A_645 = arith.index_cast %get3A_644 : i32 to index
          %get3A_646 = arith.index_cast %add3A_585 : i32 to index
          %get3A_647 = arith.constant 80 : index
          %get3A_648 = tpu.vector_load %arg9[%get3A_645, %get3A_646, %get3A_647] {strides = array<i32>} : memref<3x32x128xf32, #tpu.memory_space<vmem>>, vector<16xf32>,
          %get3A_649 = arith.constant 2 : i32
          %get3A_650 = arith.index_cast %get3A_649 : i32 to index
          %get3A_651 = arith.index_cast %add3A_585 : i32 to index
          %get3A_652 = arith.constant 80 : index
          %get3A_653 = tpu.vector_load %arg10[%get3A_650, %get3A_651, %get3A_652] {strides = array<i32>} : memref<3x32x128xf32, #tpu.memory_space<vmem>>, vector<16xf32>,
          %mul3A_654 = arith.mulf %get3A_648, %get3A_653 : vector<16xf32>
          %add3A_655 = arith.addf %add3A_631, %mul3A_654 : vector<16xf32>
          %get3A_656 = arith.constant 2 : i32
          %get3A_657 = arith.index_cast %get3A_656 : i32 to index
          %get3A_658 = arith.index_cast %add3A_585 : i32 to index
          %get3A_659 = arith.constant 96 : index
          %get3A_660 = tpu.vector_load %arg9[%get3A_657, %get3A_658, %get3A_659] {strides = array<i32>} : memref<3x32x128xf32, #tpu.memory_space<vmem>>, vector<16xf32>,
          %get3A_661 = arith.constant 2 : i32
          %get3A_662 = arith.index_cast %get3A_661 : i32 to index
          %get3A_663 = arith.index_cast %add3A_585 : i32 to index
          %get3A_664 = arith.constant 96 : index
          %get3A_665 = tpu.vector_load %arg10[%get3A_662, %get3A_663, %get3A_664] {strides = array<i32>} : memref<3x32x128xf32, #tpu.memory_space<vmem>>, vector<16xf32>,
          %mul3A_666 = arith.mulf %get3A_660, %get3A_665 : vector<16xf32>
          %add3A_667 = arith.addf %add3A_643, %mul3A_666 : vector<16xf32>
          %get3A_668 = arith.constant 2 : i32
          %get3A_669 = arith.index_cast %get3A_668 : i32 to index
          %get3A_670 = arith.index_cast %add3A_585 : i32 to index
          %get3A_671 = arith.constant 112 : index
          %get3A_672 = tpu.vector_load %arg9[%get3A_669, %get3A_670, %get3A_671] {strides = array<i32>} : memref<3x32x128xf32, #tpu.memory_space<vmem>>, vector<16xf32>,
          %get3A_673 = arith.constant 2 : i32
          %get3A_674 = arith.index_cast %get3A_673 : i32 to index
          %get3A_675 = arith.index_cast %add3A_585 : i32 to index
          %get3A_676 = arith.constant 112 : index
          %get3A_677 = tpu.vector_load %arg10[%get3A_674, %get3A_675, %get3A_676] {strides = array<i32>} : memref<3x32x128xf32, #tpu.memory_space<vmem>>, vector<16xf32>,
          %mul3A_678 = arith.mulf %get3A_672, %get3A_677 : vector<16xf32>
          %add3A_679 = arith.addf %add3A_655, %mul3A_678 : vector<16xf32>
          %add3A_680 = arith.addf %add3A_667, %add3A_679 : vector<16xf32>
          %broadcast_in_dim3A_681 = arith.constant true
          %broadcast_in_dim3A_682 = vector.broadcast %broadcast_in_dim3A_681 : i1 to vector<16xi1>
          %masked_cumsum3A = tpu.scan <sum>, %add3A_680 masked %broadcast_in_dim3A_682 : vector<16xf32>, vector<16xi1> -> vector<16xf32>
          %add3A_683 = vector.broadcast %add3A_585 : i32 to vector<16xi32>
          %add3A_684 = arith.addi %broadcast_in_dim3A_5, %add3A_683 : vector<16xi32>
          tpu.vector_store_idx %arg14[%add3A_684], %masked_cumsum3A masked %eq3A_3 : memref<32xf32, #tpu.memory_space<vmem>>[vector<16xi32>], vector<16xf32>, vector<16xi1>
          %mul3A_685 = arith.constant 4 : i32
          %mul3A_686 = arith.muli %scan3A_581, %mul3A_685 : i32
          %add3A_687 = arith.constant 1 : i32
          %add3A_688 = arith.addi %mul3A_686, %add3A_687 : i32
          %get3A_689 = arith.constant 2 : i32
          %get3A_690 = arith.index_cast %get3A_689 : i32 to index
          %get3A_691 = arith.index_cast %add3A_688 : i32 to index
          %get3A_692 = arith.constant 0 : index
          %get3A_693 = tpu.vector_load %arg9[%get3A_690, %get3A_691, %get3A_692] {strides = array<i32>} : memref<3x32x128xf32, #tpu.memory_space<vmem>>, vector<16xf32>,
          %get3A_694 = arith.constant 2 : i32
          %get3A_695 = arith.index_cast %get3A_694 : i32 to index
          %get3A_696 = arith.index_cast %add3A_688 : i32 to index
          %get3A_697 = arith.constant 0 : index
          %get3A_698 = tpu.vector_load %arg10[%get3A_695, %get3A_696, %get3A_697] {strides = array<i32>} : memref<3x32x128xf32, #tpu.memory_space<vmem>>, vector<16xf32>,
          %mul3A_699 = arith.mulf %get3A_693, %get3A_698 : vector<16xf32>
          %get3A_700 = arith.constant 2 : i32
          %get3A_701 = arith.index_cast %get3A_700 : i32 to index
          %get3A_702 = arith.index_cast %add3A_688 : i32 to index
          %get3A_703 = arith.constant 16 : index
          %get3A_704 = tpu.vector_load %arg9[%get3A_701, %get3A_702, %get3A_703] {strides = array<i32>} : memref<3x32x128xf32, #tpu.memory_space<vmem>>, vector<16xf32>,
          %get3A_705 = arith.constant 2 : i32
          %get3A_706 = arith.index_cast %get3A_705 : i32 to index
          %get3A_707 = arith.index_cast %add3A_688 : i32 to index
          %get3A_708 = arith.constant 16 : index
          %get3A_709 = tpu.vector_load %arg10[%get3A_706, %get3A_707, %get3A_708] {strides = array<i32>} : memref<3x32x128xf32, #tpu.memory_space<vmem>>, vector<16xf32>,
          %mul3A_710 = arith.mulf %get3A_704, %get3A_709 : vector<16xf32>
          %get3A_711 = arith.constant 2 : i32
          %get3A_712 = arith.index_cast %get3A_711 : i32 to index
          %get3A_713 = arith.index_cast %add3A_688 : i32 to index
          %get3A_714 = arith.constant 32 : index
          %get3A_715 = tpu.vector_load %arg9[%get3A_712, %get3A_713, %get3A_714] {strides = array<i32>} : memref<3x32x128xf32, #tpu.memory_space<vmem>>, vector<16xf32>,
          %get3A_716 = arith.constant 2 : i32
          %get3A_717 = arith.index_cast %get3A_716 : i32 to index
          %get3A_718 = arith.index_cast %add3A_688 : i32 to index
          %get3A_719 = arith.constant 32 : index
          %get3A_720 = tpu.vector_load %arg10[%get3A_717, %get3A_718, %get3A_719] {strides = array<i32>} : memref<3x32x128xf32, #tpu.memory_space<vmem>>, vector<16xf32>,
          %mul3A_721 = arith.mulf %get3A_715, %get3A_720 : vector<16xf32>
          %add3A_722 = arith.addf %mul3A_699, %mul3A_721 : vector<16xf32>
          %get3A_723 = arith.constant 2 : i32
          %get3A_724 = arith.index_cast %get3A_723 : i32 to index
          %get3A_725 = arith.index_cast %add3A_688 : i32 to index
          %get3A_726 = arith.constant 48 : index
          %get3A_727 = tpu.vector_load %arg9[%get3A_724, %get3A_725, %get3A_726] {strides = array<i32>} : memref<3x32x128xf32, #tpu.memory_space<vmem>>, vector<16xf32>,
          %get3A_728 = arith.constant 2 : i32
          %get3A_729 = arith.index_cast %get3A_728 : i32 to index
          %get3A_730 = arith.index_cast %add3A_688 : i32 to index
          %get3A_731 = arith.constant 48 : index
          %get3A_732 = tpu.vector_load %arg10[%get3A_729, %get3A_730, %get3A_731] {strides = array<i32>} : memref<3x32x128xf32, #tpu.memory_space<vmem>>, vector<16xf32>,
          %mul3A_733 = arith.mulf %get3A_727, %get3A_732 : vector<16xf32>
          %add3A_734 = arith.addf %mul3A_710, %mul3A_733 : vector<16xf32>
          %get3A_735 = arith.constant 2 : i32
          %get3A_736 = arith.index_cast %get3A_735 : i32 to index
          %get3A_737 = arith.index_cast %add3A_688 : i32 to index
          %get3A_738 = arith.constant 64 : index
          %get3A_739 = tpu.vector_load %arg9[%get3A_736, %get3A_737, %get3A_738] {strides = array<i32>} : memref<3x32x128xf32, #tpu.memory_space<vmem>>, vector<16xf32>,
          %get3A_740 = arith.constant 2 : i32
          %get3A_741 = arith.index_cast %get3A_740 : i32 to index
          %get3A_742 = arith.index_cast %add3A_688 : i32 to index
          %get3A_743 = arith.constant 64 : index
          %get3A_744 = tpu.vector_load %arg10[%get3A_741, %get3A_742, %get3A_743] {strides = array<i32>} : memref<3x32x128xf32, #tpu.memory_space<vmem>>, vector<16xf32>,
          %mul3A_745 = arith.mulf %get3A_739, %get3A_744 : vector<16xf32>
          %add3A_746 = arith.addf %add3A_722, %mul3A_745 : vector<16xf32>
          %get3A_747 = arith.constant 2 : i32
          %get3A_748 = arith.index_cast %get3A_747 : i32 to index
          %get3A_749 = arith.index_cast %add3A_688 : i32 to index
          %get3A_750 = arith.constant 80 : index
          %get3A_751 = tpu.vector_load %arg9[%get3A_748, %get3A_749, %get3A_750] {strides = array<i32>} : memref<3x32x128xf32, #tpu.memory_space<vmem>>, vector<16xf32>,
          %get3A_752 = arith.constant 2 : i32
          %get3A_753 = arith.index_cast %get3A_752 : i32 to index
          %get3A_754 = arith.index_cast %add3A_688 : i32 to index
          %get3A_755 = arith.constant 80 : index
          %get3A_756 = tpu.vector_load %arg10[%get3A_753, %get3A_754, %get3A_755] {strides = array<i32>} : memref<3x32x128xf32, #tpu.memory_space<vmem>>, vector<16xf32>,
          %mul3A_757 = arith.mulf %get3A_751, %get3A_756 : vector<16xf32>
          %add3A_758 = arith.addf %add3A_734, %mul3A_757 : vector<16xf32>
          %get3A_759 = arith.constant 2 : i32
          %get3A_760 = arith.index_cast %get3A_759 : i32 to index
          %get3A_761 = arith.index_cast %add3A_688 : i32 to index
          %get3A_762 = arith.constant 96 : index
          %get3A_763 = tpu.vector_load %arg9[%get3A_760, %get3A_761, %get3A_762] {strides = array<i32>} : memref<3x32x128xf32, #tpu.memory_space<vmem>>, vector<16xf32>,
          %get3A_764 = arith.constant 2 : i32
          %get3A_765 = arith.index_cast %get3A_764 : i32 to index
          %get3A_766 = arith.index_cast %add3A_688 : i32 to index
          %get3A_767 = arith.constant 96 : index
          %get3A_768 = tpu.vector_load %arg10[%get3A_765, %get3A_766, %get3A_767] {strides = array<i32>} : memref<3x32x128xf32, #tpu.memory_space<vmem>>, vector<16xf32>,
          %mul3A_769 = arith.mulf %get3A_763, %get3A_768 : vector<16xf32>
          %add3A_770 = arith.addf %add3A_746, %mul3A_769 : vector<16xf32>
          %get3A_771 = arith.constant 2 : i32
          %get3A_772 = arith.index_cast %get3A_771 : i32 to index
          %get3A_773 = arith.index_cast %add3A_688 : i32 to index
          %get3A_774 = arith.constant 112 : index
          %get3A_775 = tpu.vector_load %arg9[%get3A_772, %get3A_773, %get3A_774] {strides = array<i32>} : memref<3x32x128xf32, #tpu.memory_space<vmem>>, vector<16xf32>,
          %get3A_776 = arith.constant 2 : i32
          %get3A_777 = arith.index_cast %get3A_776 : i32 to index
          %get3A_778 = arith.index_cast %add3A_688 : i32 to index
          %get3A_779 = arith.constant 112 : index
          %get3A_780 = tpu.vector_load %arg10[%get3A_777, %get3A_778, %get3A_779] {strides = array<i32>} : memref<3x32x128xf32, #tpu.memory_space<vmem>>, vector<16xf32>,
          %mul3A_781 = arith.mulf %get3A_775, %get3A_780 : vector<16xf32>
          %add3A_782 = arith.addf %add3A_758, %mul3A_781 : vector<16xf32>
          %add3A_783 = arith.addf %add3A_770, %add3A_782 : vector<16xf32>
          %broadcast_in_dim3A_784 = arith.constant true
          %broadcast_in_dim3A_785 = vector.broadcast %broadcast_in_dim3A_784 : i1 to vector<16xi1>
          %masked_cumsum3A_786 = tpu.scan <sum>, %add3A_783 masked %broadcast_in_dim3A_785 : vector<16xf32>, vector<16xi1> -> vector<16xf32>
          %add3A_787 = vector.broadcast %add3A_688 : i32 to vector<16xi32>
          %add3A_788 = arith.addi %broadcast_in_dim3A_5, %add3A_787 : vector<16xi32>
          tpu.vector_store_idx %arg14[%add3A_788], %masked_cumsum3A_786 masked %eq3A_3 : memref<32xf32, #tpu.memory_space<vmem>>[vector<16xi32>], vector<16xf32>, vector<16xi1>
          %mul3A_789 = arith.constant 4 : i32
          %mul3A_790 = arith.muli %scan3A_581, %mul3A_789 : i32
          %add3A_791 = arith.constant 2 : i32
          %add3A_792 = arith.addi %mul3A_790, %add3A_791 : i32
          %get3A_793 = arith.constant 2 : i32
          %get3A_794 = arith.index_cast %get3A_793 : i32 to index
          %get3A_795 = arith.index_cast %add3A_792 : i32 to index
          %get3A_796 = arith.constant 0 : index
          %get3A_797 = tpu.vector_load %arg9[%get3A_794, %get3A_795, %get3A_796] {strides = array<i32>} : memref<3x32x128xf32, #tpu.memory_space<vmem>>, vector<16xf32>,
          %get3A_798 = arith.constant 2 : i32
          %get3A_799 = arith.index_cast %get3A_798 : i32 to index
          %get3A_800 = arith.index_cast %add3A_792 : i32 to index
          %get3A_801 = arith.constant 0 : index
          %get3A_802 = tpu.vector_load %arg10[%get3A_799, %get3A_800, %get3A_801] {strides = array<i32>} : memref<3x32x128xf32, #tpu.memory_space<vmem>>, vector<16xf32>,
          %mul3A_803 = arith.mulf %get3A_797, %get3A_802 : vector<16xf32>
          %get3A_804 = arith.constant 2 : i32
          %get3A_805 = arith.index_cast %get3A_804 : i32 to index
          %get3A_806 = arith.index_cast %add3A_792 : i32 to index
          %get3A_807 = arith.constant 16 : index
          %get3A_808 = tpu.vector_load %arg9[%get3A_805, %get3A_806, %get3A_807] {strides = array<i32>} : memref<3x32x128xf32, #tpu.memory_space<vmem>>, vector<16xf32>,
          %get3A_809 = arith.constant 2 : i32
          %get3A_810 = arith.index_cast %get3A_809 : i32 to index
          %get3A_811 = arith.index_cast %add3A_792 : i32 to index
          %get3A_812 = arith.constant 16 : index
          %get3A_813 = tpu.vector_load %arg10[%get3A_810, %get3A_811, %get3A_812] {strides = array<i32>} : memref<3x32x128xf32, #tpu.memory_space<vmem>>, vector<16xf32>,
          %mul3A_814 = arith.mulf %get3A_808, %get3A_813 : vector<16xf32>
          %get3A_815 = arith.constant 2 : i32
          %get3A_816 = arith.index_cast %get3A_815 : i32 to index
          %get3A_817 = arith.index_cast %add3A_792 : i32 to index
          %get3A_818 = arith.constant 32 : index
          %get3A_819 = tpu.vector_load %arg9[%get3A_816, %get3A_817, %get3A_818] {strides = array<i32>} : memref<3x32x128xf32, #tpu.memory_space<vmem>>, vector<16xf32>,
          %get3A_820 = arith.constant 2 : i32
          %get3A_821 = arith.index_cast %get3A_820 : i32 to index
          %get3A_822 = arith.index_cast %add3A_792 : i32 to index
          %get3A_823 = arith.constant 32 : index
          %get3A_824 = tpu.vector_load %arg10[%get3A_821, %get3A_822, %get3A_823] {strides = array<i32>} : memref<3x32x128xf32, #tpu.memory_space<vmem>>, vector<16xf32>,
          %mul3A_825 = arith.mulf %get3A_819, %get3A_824 : vector<16xf32>
          %add3A_826 = arith.addf %mul3A_803, %mul3A_825 : vector<16xf32>
          %get3A_827 = arith.constant 2 : i32
          %get3A_828 = arith.index_cast %get3A_827 : i32 to index
          %get3A_829 = arith.index_cast %add3A_792 : i32 to index
          %get3A_830 = arith.constant 48 : index
          %get3A_831 = tpu.vector_load %arg9[%get3A_828, %get3A_829, %get3A_830] {strides = array<i32>} : memref<3x32x128xf32, #tpu.memory_space<vmem>>, vector<16xf32>,
          %get3A_832 = arith.constant 2 : i32
          %get3A_833 = arith.index_cast %get3A_832 : i32 to index
          %get3A_834 = arith.index_cast %add3A_792 : i32 to index
          %get3A_835 = arith.constant 48 : index
          %get3A_836 = tpu.vector_load %arg10[%get3A_833, %get3A_834, %get3A_835] {strides = array<i32>} : memref<3x32x128xf32, #tpu.memory_space<vmem>>, vector<16xf32>,
          %mul3A_837 = arith.mulf %get3A_831, %get3A_836 : vector<16xf32>
          %add3A_838 = arith.addf %mul3A_814, %mul3A_837 : vector<16xf32>
          %get3A_839 = arith.constant 2 : i32
          %get3A_840 = arith.index_cast %get3A_839 : i32 to index
          %get3A_841 = arith.index_cast %add3A_792 : i32 to index
          %get3A_842 = arith.constant 64 : index
          %get3A_843 = tpu.vector_load %arg9[%get3A_840, %get3A_841, %get3A_842] {strides = array<i32>} : memref<3x32x128xf32, #tpu.memory_space<vmem>>, vector<16xf32>,
          %get3A_844 = arith.constant 2 : i32
          %get3A_845 = arith.index_cast %get3A_844 : i32 to index
          %get3A_846 = arith.index_cast %add3A_792 : i32 to index
          %get3A_847 = arith.constant 64 : index
          %get3A_848 = tpu.vector_load %arg10[%get3A_845, %get3A_846, %get3A_847] {strides = array<i32>} : memref<3x32x128xf32, #tpu.memory_space<vmem>>, vector<16xf32>,
          %mul3A_849 = arith.mulf %get3A_843, %get3A_848 : vector<16xf32>
          %add3A_850 = arith.addf %add3A_826, %mul3A_849 : vector<16xf32>
          %get3A_851 = arith.constant 2 : i32
          %get3A_852 = arith.index_cast %get3A_851 : i32 to index
          %get3A_853 = arith.index_cast %add3A_792 : i32 to index
          %get3A_854 = arith.constant 80 : index
          %get3A_855 = tpu.vector_load %arg9[%get3A_852, %get3A_853, %get3A_854] {strides = array<i32>} : memref<3x32x128xf32, #tpu.memory_space<vmem>>, vector<16xf32>,
          %get3A_856 = arith.constant 2 : i32
          %get3A_857 = arith.index_cast %get3A_856 : i32 to index
          %get3A_858 = arith.index_cast %add3A_792 : i32 to index
          %get3A_859 = arith.constant 80 : index
          %get3A_860 = tpu.vector_load %arg10[%get3A_857, %get3A_858, %get3A_859] {strides = array<i32>} : memref<3x32x128xf32, #tpu.memory_space<vmem>>, vector<16xf32>,
          %mul3A_861 = arith.mulf %get3A_855, %get3A_860 : vector<16xf32>
          %add3A_862 = arith.addf %add3A_838, %mul3A_861 : vector<16xf32>
          %get3A_863 = arith.constant 2 : i32
          %get3A_864 = arith.index_cast %get3A_863 : i32 to index
          %get3A_865 = arith.index_cast %add3A_792 : i32 to index
          %get3A_866 = arith.constant 96 : index
          %get3A_867 = tpu.vector_load %arg9[%get3A_864, %get3A_865, %get3A_866] {strides = array<i32>} : memref<3x32x128xf32, #tpu.memory_space<vmem>>, vector<16xf32>,
          %get3A_868 = arith.constant 2 : i32
          %get3A_869 = arith.index_cast %get3A_868 : i32 to index
          %get3A_870 = arith.index_cast %add3A_792 : i32 to index
          %get3A_871 = arith.constant 96 : index
          %get3A_872 = tpu.vector_load %arg10[%get3A_869, %get3A_870, %get3A_871] {strides = array<i32>} : memref<3x32x128xf32, #tpu.memory_space<vmem>>, vector<16xf32>,
          %mul3A_873 = arith.mulf %get3A_867, %get3A_872 : vector<16xf32>
          %add3A_874 = arith.addf %add3A_850, %mul3A_873 : vector<16xf32>
          %get3A_875 = arith.constant 2 : i32
          %get3A_876 = arith.index_cast %get3A_875 : i32 to index
          %get3A_877 = arith.index_cast %add3A_792 : i32 to index
          %get3A_878 = arith.constant 112 : index
          %get3A_879 = tpu.vector_load %arg9[%get3A_876, %get3A_877, %get3A_878] {strides = array<i32>} : memref<3x32x128xf32, #tpu.memory_space<vmem>>, vector<16xf32>,
          %get3A_880 = arith.constant 2 : i32
          %get3A_881 = arith.index_cast %get3A_880 : i32 to index
          %get3A_882 = arith.index_cast %add3A_792 : i32 to index
          %get3A_883 = arith.constant 112 : index
          %get3A_884 = tpu.vector_load %arg10[%get3A_881, %get3A_882, %get3A_883] {strides = array<i32>} : memref<3x32x128xf32, #tpu.memory_space<vmem>>, vector<16xf32>,
          %mul3A_885 = arith.mulf %get3A_879, %get3A_884 : vector<16xf32>
          %add3A_886 = arith.addf %add3A_862, %mul3A_885 : vector<16xf32>
          %add3A_887 = arith.addf %add3A_874, %add3A_886 : vector<16xf32>
          %broadcast_in_dim3A_888 = arith.constant true
          %broadcast_in_dim3A_889 = vector.broadcast %broadcast_in_dim3A_888 : i1 to vector<16xi1>
          %masked_cumsum3A_890 = tpu.scan <sum>, %add3A_887 masked %broadcast_in_dim3A_889 : vector<16xf32>, vector<16xi1> -> vector<16xf32>
          %add3A_891 = vector.broadcast %add3A_792 : i32 to vector<16xi32>
          %add3A_892 = arith.addi %broadcast_in_dim3A_5, %add3A_891 : vector<16xi32>
          tpu.vector_store_idx %arg14[%add3A_892], %masked_cumsum3A_890 masked %eq3A_3 : memref<32xf32, #tpu.memory_space<vmem>>[vector<16xi32>], vector<16xf32>, vector<16xi1>
          %mul3A_893 = arith.constant 4 : i32
          %mul3A_894 = arith.muli %scan3A_581, %mul3A_893 : i32
          %add3A_895 = arith.constant 3 : i32
          %add3A_896 = arith.addi %mul3A_894, %add3A_895 : i32
          %get3A_897 = arith.constant 2 : i32
          %get3A_898 = arith.index_cast %get3A_897 : i32 to index
          %get3A_899 = arith.index_cast %add3A_896 : i32 to index
          %get3A_900 = arith.constant 0 : index
          %get3A_901 = tpu.vector_load %arg9[%get3A_898, %get3A_899, %get3A_900] {strides = array<i32>} : memref<3x32x128xf32, #tpu.memory_space<vmem>>, vector<16xf32>,
          %get3A_902 = arith.constant 2 : i32
          %get3A_903 = arith.index_cast %get3A_902 : i32 to index
          %get3A_904 = arith.index_cast %add3A_896 : i32 to index
          %get3A_905 = arith.constant 0 : index
          %get3A_906 = tpu.vector_load %arg10[%get3A_903, %get3A_904, %get3A_905] {strides = array<i32>} : memref<3x32x128xf32, #tpu.memory_space<vmem>>, vector<16xf32>,
          %mul3A_907 = arith.mulf %get3A_901, %get3A_906 : vector<16xf32>
          %get3A_908 = arith.constant 2 : i32
          %get3A_909 = arith.index_cast %get3A_908 : i32 to index
          %get3A_910 = arith.index_cast %add3A_896 : i32 to index
          %get3A_911 = arith.constant 16 : index
          %get3A_912 = tpu.vector_load %arg9[%get3A_909, %get3A_910, %get3A_911] {strides = array<i32>} : memref<3x32x128xf32, #tpu.memory_space<vmem>>, vector<16xf32>,
          %get3A_913 = arith.constant 2 : i32
          %get3A_914 = arith.index_cast %get3A_913 : i32 to index
          %get3A_915 = arith.index_cast %add3A_896 : i32 to index
          %get3A_916 = arith.constant 16 : index
          %get3A_917 = tpu.vector_load %arg10[%get3A_914, %get3A_915, %get3A_916] {strides = array<i32>} : memref<3x32x128xf32, #tpu.memory_space<vmem>>, vector<16xf32>,
          %mul3A_918 = arith.mulf %get3A_912, %get3A_917 : vector<16xf32>
          %get3A_919 = arith.constant 2 : i32
          %get3A_920 = arith.index_cast %get3A_919 : i32 to index
          %get3A_921 = arith.index_cast %add3A_896 : i32 to index
          %get3A_922 = arith.constant 32 : index
          %get3A_923 = tpu.vector_load %arg9[%get3A_920, %get3A_921, %get3A_922] {strides = array<i32>} : memref<3x32x128xf32, #tpu.memory_space<vmem>>, vector<16xf32>,
          %get3A_924 = arith.constant 2 : i32
          %get3A_925 = arith.index_cast %get3A_924 : i32 to index
          %get3A_926 = arith.index_cast %add3A_896 : i32 to index
          %get3A_927 = arith.constant 32 : index
          %get3A_928 = tpu.vector_load %arg10[%get3A_925, %get3A_926, %get3A_927] {strides = array<i32>} : memref<3x32x128xf32, #tpu.memory_space<vmem>>, vector<16xf32>,
          %mul3A_929 = arith.mulf %get3A_923, %get3A_928 : vector<16xf32>
          %add3A_930 = arith.addf %mul3A_907, %mul3A_929 : vector<16xf32>
          %get3A_931 = arith.constant 2 : i32
          %get3A_932 = arith.index_cast %get3A_931 : i32 to index
          %get3A_933 = arith.index_cast %add3A_896 : i32 to index
          %get3A_934 = arith.constant 48 : index
          %get3A_935 = tpu.vector_load %arg9[%get3A_932, %get3A_933, %get3A_934] {strides = array<i32>} : memref<3x32x128xf32, #tpu.memory_space<vmem>>, vector<16xf32>,
          %get3A_936 = arith.constant 2 : i32
          %get3A_937 = arith.index_cast %get3A_936 : i32 to index
          %get3A_938 = arith.index_cast %add3A_896 : i32 to index
          %get3A_939 = arith.constant 48 : index
          %get3A_940 = tpu.vector_load %arg10[%get3A_937, %get3A_938, %get3A_939] {strides = array<i32>} : memref<3x32x128xf32, #tpu.memory_space<vmem>>, vector<16xf32>,
          %mul3A_941 = arith.mulf %get3A_935, %get3A_940 : vector<16xf32>
          %add3A_942 = arith.addf %mul3A_918, %mul3A_941 : vector<16xf32>
          %get3A_943 = arith.constant 2 : i32
          %get3A_944 = arith.index_cast %get3A_943 : i32 to index
          %get3A_945 = arith.index_cast %add3A_896 : i32 to index
          %get3A_946 = arith.constant 64 : index
          %get3A_947 = tpu.vector_load %arg9[%get3A_944, %get3A_945, %get3A_946] {strides = array<i32>} : memref<3x32x128xf32, #tpu.memory_space<vmem>>, vector<16xf32>,
          %get3A_948 = arith.constant 2 : i32
          %get3A_949 = arith.index_cast %get3A_948 : i32 to index
          %get3A_950 = arith.index_cast %add3A_896 : i32 to index
          %get3A_951 = arith.constant 64 : index
          %get3A_952 = tpu.vector_load %arg10[%get3A_949, %get3A_950, %get3A_951] {strides = array<i32>} : memref<3x32x128xf32, #tpu.memory_space<vmem>>, vector<16xf32>,
          %mul3A_953 = arith.mulf %get3A_947, %get3A_952 : vector<16xf32>
          %add3A_954 = arith.addf %add3A_930, %mul3A_953 : vector<16xf32>
          %get3A_955 = arith.constant 2 : i32
          %get3A_956 = arith.index_cast %get3A_955 : i32 to index
          %get3A_957 = arith.index_cast %add3A_896 : i32 to index
          %get3A_958 = arith.constant 80 : index
          %get3A_959 = tpu.vector_load %arg9[%get3A_956, %get3A_957, %get3A_958] {strides = array<i32>} : memref<3x32x128xf32, #tpu.memory_space<vmem>>, vector<16xf32>,
          %get3A_960 = arith.constant 2 : i32
          %get3A_961 = arith.index_cast %get3A_960 : i32 to index
          %get3A_962 = arith.index_cast %add3A_896 : i32 to index
          %get3A_963 = arith.constant 80 : index
          %get3A_964 = tpu.vector_load %arg10[%get3A_961, %get3A_962, %get3A_963] {strides = array<i32>} : memref<3x32x128xf32, #tpu.memory_space<vmem>>, vector<16xf32>,
          %mul3A_965 = arith.mulf %get3A_959, %get3A_964 : vector<16xf32>
          %add3A_966 = arith.addf %add3A_942, %mul3A_965 : vector<16xf32>
          %get3A_967 = arith.constant 2 : i32
          %get3A_968 = arith.index_cast %get3A_967 : i32 to index
          %get3A_969 = arith.index_cast %add3A_896 : i32 to index
          %get3A_970 = arith.constant 96 : index
          %get3A_971 = tpu.vector_load %arg9[%get3A_968, %get3A_969, %get3A_970] {strides = array<i32>} : memref<3x32x128xf32, #tpu.memory_space<vmem>>, vector<16xf32>,
          %get3A_972 = arith.constant 2 : i32
          %get3A_973 = arith.index_cast %get3A_972 : i32 to index
          %get3A_974 = arith.index_cast %add3A_896 : i32 to index
          %get3A_975 = arith.constant 96 : index
          %get3A_976 = tpu.vector_load %arg10[%get3A_973, %get3A_974, %get3A_975] {strides = array<i32>} : memref<3x32x128xf32, #tpu.memory_space<vmem>>, vector<16xf32>,
          %mul3A_977 = arith.mulf %get3A_971, %get3A_976 : vector<16xf32>
          %add3A_978 = arith.addf %add3A_954, %mul3A_977 : vector<16xf32>
          %get3A_979 = arith.constant 2 : i32
          %get3A_980 = arith.index_cast %get3A_979 : i32 to index
          %get3A_981 = arith.index_cast %add3A_896 : i32 to index
          %get3A_982 = arith.constant 112 : index
          %get3A_983 = tpu.vector_load %arg9[%get3A_980, %get3A_981, %get3A_982] {strides = array<i32>} : memref<3x32x128xf32, #tpu.memory_space<vmem>>, vector<16xf32>,
          %get3A_984 = arith.constant 2 : i32
          %get3A_985 = arith.index_cast %get3A_984 : i32 to index
          %get3A_986 = arith.index_cast %add3A_896 : i32 to index
          %get3A_987 = arith.constant 112 : index
          %get3A_988 = tpu.vector_load %arg10[%get3A_985, %get3A_986, %get3A_987] {strides = array<i32>} : memref<3x32x128xf32, #tpu.memory_space<vmem>>, vector<16xf32>,
          %mul3A_989 = arith.mulf %get3A_983, %get3A_988 : vector<16xf32>
          %add3A_990 = arith.addf %add3A_966, %mul3A_989 : vector<16xf32>
          %add3A_991 = arith.addf %add3A_978, %add3A_990 : vector<16xf32>
          %broadcast_in_dim3A_992 = arith.constant true
          %broadcast_in_dim3A_993 = vector.broadcast %broadcast_in_dim3A_992 : i1 to vector<16xi1>
          %masked_cumsum3A_994 = tpu.scan <sum>, %add3A_991 masked %broadcast_in_dim3A_993 : vector<16xf32>, vector<16xi1> -> vector<16xf32>
          %add3A_995 = vector.broadcast %add3A_896 : i32 to vector<16xi32>
          %add3A_996 = arith.addi %broadcast_in_dim3A_5, %add3A_995 : vector<16xi32>
          tpu.vector_store_idx %arg14[%add3A_996], %masked_cumsum3A_994 masked %eq3A_3 : memref<32xf32, #tpu.memory_space<vmem>>[vector<16xi32>], vector<16xf32>, vector<16xi1>
        }
        %scan3A_341 = arith.constant 8 : i32
        %get3A = arith.constant 0 : index
        %get3A_342 = tpu.vector_load %arg14[%get3A] {strides = array<i32>} : memref<32xf32, #tpu.memory_space<vmem>>, vector<16xf32>,
        %get3A_343 = arith.constant 2 : i32
        %get3A_344 = arith.index_cast %get3A_343 : i32 to index
        %get3A_345 = arith.constant 0 : index
        %get3A_346 = tpu.vector_load %arg11[%get3A_344, %get3A_345] {strides = array<i32>} : memref<3x96xf32, #tpu.memory_space<vmem>>, vector<16xf32>,
        %get3A_347 = arith.constant 2 : i32
        %get3A_348 = arith.index_cast %get3A_347 : i32 to index
        %get3A_349 = arith.constant 32 : index
        %get3A_350 = tpu.vector_load %arg11[%get3A_348, %get3A_349] {strides = array<i32>} : memref<3x96xf32, #tpu.memory_space<vmem>>, vector<16xf32>,
        %get3A_351 = arith.constant 2 : i32
        %get3A_352 = arith.index_cast %get3A_351 : i32 to index
        %get3A_353 = arith.constant 64 : index
        %get3A_354 = tpu.vector_load %arg11[%get3A_352, %get3A_353] {strides = array<i32>} : memref<3x96xf32, #tpu.memory_space<vmem>>, vector<16xf32>,
        %mul3A_355 = arith.mulf %get3A_346, %get3A_346 : vector<16xf32>
        %mul3A_356 = arith.mulf %get3A_350, %get3A_350 : vector<16xf32>
        %add3A_357 = arith.addf %mul3A_355, %mul3A_356 : vector<16xf32>
        %mul3A_358 = arith.mulf %get3A_354, %get3A_354 : vector<16xf32>
        %add3A_359 = arith.addf %add3A_357, %mul3A_358 : vector<16xf32>
        %bitcast3A = vector.bitcast %add3A_359 : vector<16xf32> to vector<16xi32>
        %shift_right_arithmetic3A = arith.constant 1 : i32
        %shift_right_arithmetic3A_360 = vector.broadcast %shift_right_arithmetic3A : i32 to vector<16xi32>
        %shift_right_arithmetic3A_361 = arith.shrsi %bitcast3A, %shift_right_arithmetic3A_360 : vector<16xi32>
        %sub3A_362 = arith.constant 1597463007 : i32
        %sub3A_363 = vector.broadcast %sub3A_362 : i32 to vector<16xi32>
        %sub3A_364 = arith.subi %sub3A_363, %shift_right_arithmetic3A_361 : vector<16xi32>
        %bitcast3A_365 = vector.bitcast %sub3A_364 : vector<16xi32> to vector<16xf32>
        %mul3A_366 = arith.constant 5.000000e-01 : f32
        %mul3A_367 = vector.broadcast %mul3A_366 : f32 to vector<16xf32>
        %mul3A_368 = arith.mulf %mul3A_367, %add3A_359 : vector<16xf32>
        %mul3A_369 = arith.mulf %mul3A_368, %bitcast3A_365 : vector<16xf32>
        %mul3A_370 = arith.mulf %mul3A_369, %bitcast3A_365 : vector<16xf32>
        %sub3A_371 = arith.constant 1.500000e+00 : f32
        %sub3A_372 = vector.broadcast %sub3A_371 : f32 to vector<16xf32>
        %sub3A_373 = arith.subf %sub3A_372, %mul3A_370 : vector<16xf32>
        %mul3A_374 = arith.mulf %bitcast3A_365, %sub3A_373 : vector<16xf32>
        %mul3A_375 = arith.constant 5.000000e-01 : f32
        %mul3A_376 = vector.broadcast %mul3A_375 : f32 to vector<16xf32>
        %mul3A_377 = arith.mulf %mul3A_376, %add3A_359 : vector<16xf32>
        %mul3A_378 = arith.mulf %mul3A_377, %mul3A_374 : vector<16xf32>
        %mul3A_379 = arith.mulf %mul3A_378, %mul3A_374 : vector<16xf32>
        %sub3A_380 = arith.constant 1.500000e+00 : f32
        %sub3A_381 = vector.broadcast %sub3A_380 : f32 to vector<16xf32>
        %sub3A_382 = arith.subf %sub3A_381, %mul3A_379 : vector<16xf32>
        %mul3A_383 = arith.mulf %mul3A_374, %sub3A_382 : vector<16xf32>
        %mul3A_384 = arith.constant 5.000000e-01 : f32
        %mul3A_385 = vector.broadcast %mul3A_384 : f32 to vector<16xf32>
        %mul3A_386 = arith.mulf %mul3A_385, %add3A_359 : vector<16xf32>
        %mul3A_387 = arith.mulf %mul3A_386, %mul3A_383 : vector<16xf32>
        %mul3A_388 = arith.mulf %mul3A_387, %mul3A_383 : vector<16xf32>
        %sub3A_389 = arith.constant 1.500000e+00 : f32
        %sub3A_390 = vector.broadcast %sub3A_389 : f32 to vector<16xf32>
        %sub3A_391 = arith.subf %sub3A_390, %mul3A_388 : vector<16xf32>
        %mul3A_392 = arith.mulf %mul3A_383, %sub3A_391 : vector<16xf32>
        %mul3A_393 = arith.mulf %get3A_342, %mul3A_392 : vector<16xf32>
        %mul3A_394 = arith.mulf %get3A_346, %mul3A_393 : vector<16xf32>
        %swap3A = arith.constant 2 : i32
        %swap3A_395 = arith.index_cast %swap3A : i32 to index
        %swap3A_396 = arith.constant 0 : index
        %swap3A_397 = tpu.vector_load %arg12[%swap3A_395, %swap3A_396] {strides = array<i32>} : memref<3x96xf32, #tpu.memory_space<vmem>>, vector<16xf32>,
        tpu.vector_store %arg12[%swap3A_395, %swap3A_396], %mul3A_394 {strides = array<i32>} : memref<3x96xf32, #tpu.memory_space<vmem>>, vector<16xf32>,
        %mul3A_398 = arith.mulf %get3A_350, %mul3A_393 : vector<16xf32>
        %swap3A_399 = arith.constant 2 : i32
        %swap3A_400 = arith.index_cast %swap3A_399 : i32 to index
        %swap3A_401 = arith.constant 32 : index
        %swap3A_402 = tpu.vector_load %arg12[%swap3A_400, %swap3A_401] {strides = array<i32>} : memref<3x96xf32, #tpu.memory_space<vmem>>, vector<16xf32>,
        tpu.vector_store %arg12[%swap3A_400, %swap3A_401], %mul3A_398 {strides = array<i32>} : memref<3x96xf32, #tpu.memory_space<vmem>>, vector<16xf32>,
        %mul3A_403 = arith.mulf %get3A_354, %mul3A_393 : vector<16xf32>
        %swap3A_404 = arith.constant 2 : i32
        %swap3A_405 = arith.index_cast %swap3A_404 : i32 to index
        %swap3A_406 = arith.constant 64 : index
        %swap3A_407 = tpu.vector_load %arg12[%swap3A_405, %swap3A_406] {strides = array<i32>} : memref<3x96xf32, #tpu.memory_space<vmem>>, vector<16xf32>,
        tpu.vector_store %arg12[%swap3A_405, %swap3A_406], %mul3A_403 {strides = array<i32>} : memref<3x96xf32, #tpu.memory_space<vmem>>, vector<16xf32>,
        %get3A_408 = arith.constant 2 : i32
        %get3A_409 = arith.index_cast %get3A_408 : i32 to index
        %get3A_410 = arith.constant 0 : index
        %get3A_411 = tpu.vector_load %arg8[%get3A_409, %get3A_410] {strides = array<i32>} : memref<3x32xi32, #tpu.memory_space<vmem>>, vector<16xi32>,
        %add3A_412 = arith.constant 0 : i32
        %add3A_413 = vector.broadcast %add3A_412 : i32 to vector<16xi32>
        %add3A_414 = arith.addi %get3A_411, %add3A_413 : vector<16xi32>
        %swap3A_415 = arith.constant 6 : i32
        %swap3A_416 = arith.index_cast %swap3A_415 : i32 to index
        %swap3A_417 = arith.constant 0 : index
        %swap3A_418 = tpu.vector_load %arg13[%swap3A_416, %swap3A_417] {strides = array<i32>} : memref<9x32xi32, #tpu.memory_space<vmem>>, vector<16xi32>,
        tpu.vector_store %arg13[%swap3A_416, %swap3A_417], %add3A_414 {strides = array<i32>} : memref<9x32xi32, #tpu.memory_space<vmem>>, vector<16xi32>,
        %add3A_419 = arith.constant 10112 : i32
        %add3A_420 = vector.broadcast %add3A_419 : i32 to vector<16xi32>
        %add3A_421 = arith.addi %get3A_411, %add3A_420 : vector<16xi32>
        %swap3A_422 = arith.constant 7 : i32
        %swap3A_423 = arith.index_cast %swap3A_422 : i32 to index
        %swap3A_424 = arith.constant 0 : index
        %swap3A_425 = tpu.vector_load %arg13[%swap3A_423, %swap3A_424] {strides = array<i32>} : memref<9x32xi32, #tpu.memory_space<vmem>>, vector<16xi32>,
        tpu.vector_store %arg13[%swap3A_423, %swap3A_424], %add3A_421 {strides = array<i32>} : memref<9x32xi32, #tpu.memory_space<vmem>>, vector<16xi32>,
        %add3A_426 = arith.constant 20224 : i32
        %add3A_427 = vector.broadcast %add3A_426 : i32 to vector<16xi32>
        %add3A_428 = arith.addi %get3A_411, %add3A_427 : vector<16xi32>
        %swap3A_429 = arith.constant 8 : i32
        %swap3A_430 = arith.index_cast %swap3A_429 : i32 to index
        %swap3A_431 = arith.constant 0 : index
        %swap3A_432 = tpu.vector_load %arg13[%swap3A_430, %swap3A_431] {strides = array<i32>} : memref<9x32xi32, #tpu.memory_space<vmem>>, vector<16xi32>,
        tpu.vector_store %arg13[%swap3A_430, %swap3A_431], %add3A_428 {strides = array<i32>} : memref<9x32xi32, #tpu.memory_space<vmem>>, vector<16xi32>,
        %get3A_433 = arith.constant 16 : index
        %get3A_434 = tpu.vector_load %arg14[%get3A_433] {strides = array<i32>} : memref<32xf32, #tpu.memory_space<vmem>>, vector<16xf32>,
        %get3A_435 = arith.constant 2 : i32
        %get3A_436 = arith.index_cast %get3A_435 : i32 to index
        %get3A_437 = arith.constant 16 : index
        %get3A_438 = tpu.vector_load %arg11[%get3A_436, %get3A_437] {strides = array<i32>} : memref<3x96xf32, #tpu.memory_space<vmem>>, vector<16xf32>,
        %get3A_439 = arith.constant 2 : i32
        %get3A_440 = arith.index_cast %get3A_439 : i32 to index
        %get3A_441 = arith.constant 48 : index
        %get3A_442 = tpu.vector_load %arg11[%get3A_440, %get3A_441] {strides = array<i32>} : memref<3x96xf32, #tpu.memory_space<vmem>>, vector<16xf32>,
        %get3A_443 = arith.constant 2 : i32
        %get3A_444 = arith.index_cast %get3A_443 : i32 to index
        %get3A_445 = arith.constant 80 : index
        %get3A_446 = tpu.vector_load %arg11[%get3A_444, %get3A_445] {strides = array<i32>} : memref<3x96xf32, #tpu.memory_space<vmem>>, vector<16xf32>,
        %mul3A_447 = arith.mulf %get3A_438, %get3A_438 : vector<16xf32>
        %mul3A_448 = arith.mulf %get3A_442, %get3A_442 : vector<16xf32>
        %add3A_449 = arith.addf %mul3A_447, %mul3A_448 : vector<16xf32>
        %mul3A_450 = arith.mulf %get3A_446, %get3A_446 : vector<16xf32>
        %add3A_451 = arith.addf %add3A_449, %mul3A_450 : vector<16xf32>
        %bitcast3A_452 = vector.bitcast %add3A_451 : vector<16xf32> to vector<16xi32>
        %shift_right_arithmetic3A_453 = arith.constant 1 : i32
        %shift_right_arithmetic3A_454 = vector.broadcast %shift_right_arithmetic3A_453 : i32 to vector<16xi32>
        %shift_right_arithmetic3A_455 = arith.shrsi %bitcast3A_452, %shift_right_arithmetic3A_454 : vector<16xi32>
        %sub3A_456 = arith.constant 1597463007 : i32
        %sub3A_457 = vector.broadcast %sub3A_456 : i32 to vector<16xi32>
        %sub3A_458 = arith.subi %sub3A_457, %shift_right_arithmetic3A_455 : vector<16xi32>
        %bitcast3A_459 = vector.bitcast %sub3A_458 : vector<16xi32> to vector<16xf32>
        %mul3A_460 = arith.constant 5.000000e-01 : f32
        %mul3A_461 = vector.broadcast %mul3A_460 : f32 to vector<16xf32>
        %mul3A_462 = arith.mulf %mul3A_461, %add3A_451 : vector<16xf32>
        %mul3A_463 = arith.mulf %mul3A_462, %bitcast3A_459 : vector<16xf32>
        %mul3A_464 = arith.mulf %mul3A_463, %bitcast3A_459 : vector<16xf32>
        %sub3A_465 = arith.constant 1.500000e+00 : f32
        %sub3A_466 = vector.broadcast %sub3A_465 : f32 to vector<16xf32>
        %sub3A_467 = arith.subf %sub3A_466, %mul3A_464 : vector<16xf32>
        %mul3A_468 = arith.mulf %bitcast3A_459, %sub3A_467 : vector<16xf32>
        %mul3A_469 = arith.constant 5.000000e-01 : f32
        %mul3A_470 = vector.broadcast %mul3A_469 : f32 to vector<16xf32>
        %mul3A_471 = arith.mulf %mul3A_470, %add3A_451 : vector<16xf32>
        %mul3A_472 = arith.mulf %mul3A_471, %mul3A_468 : vector<16xf32>
        %mul3A_473 = arith.mulf %mul3A_472, %mul3A_468 : vector<16xf32>
        %sub3A_474 = arith.constant 1.500000e+00 : f32
        %sub3A_475 = vector.broadcast %sub3A_474 : f32 to vector<16xf32>
        %sub3A_476 = arith.subf %sub3A_475, %mul3A_473 : vector<16xf32>
        %mul3A_477 = arith.mulf %mul3A_468, %sub3A_476 : vector<16xf32>
        %mul3A_478 = arith.constant 5.000000e-01 : f32
        %mul3A_479 = vector.broadcast %mul3A_478 : f32 to vector<16xf32>
        %mul3A_480 = arith.mulf %mul3A_479, %add3A_451 : vector<16xf32>
        %mul3A_481 = arith.mulf %mul3A_480, %mul3A_477 : vector<16xf32>
        %mul3A_482 = arith.mulf %mul3A_481, %mul3A_477 : vector<16xf32>
        %sub3A_483 = arith.constant 1.500000e+00 : f32
        %sub3A_484 = vector.broadcast %sub3A_483 : f32 to vector<16xf32>
        %sub3A_485 = arith.subf %sub3A_484, %mul3A_482 : vector<16xf32>
        %mul3A_486 = arith.mulf %mul3A_477, %sub3A_485 : vector<16xf32>
        %mul3A_487 = arith.mulf %get3A_434, %mul3A_486 : vector<16xf32>
        %mul3A_488 = arith.mulf %get3A_438, %mul3A_487 : vector<16xf32>
        %swap3A_489 = arith.constant 2 : i32
        %swap3A_490 = arith.index_cast %swap3A_489 : i32 to index
        %swap3A_491 = arith.constant 16 : index
        %swap3A_492 = tpu.vector_load %arg12[%swap3A_490, %swap3A_491] {strides = array<i32>} : memref<3x96xf32, #tpu.memory_space<vmem>>, vector<16xf32>,
        tpu.vector_store %arg12[%swap3A_490, %swap3A_491], %mul3A_488 {strides = array<i32>} : memref<3x96xf32, #tpu.memory_space<vmem>>, vector<16xf32>,
        %mul3A_493 = arith.mulf %get3A_442, %mul3A_487 : vector<16xf32>
        %swap3A_494 = arith.constant 2 : i32
        %swap3A_495 = arith.index_cast %swap3A_494 : i32 to index
        %swap3A_496 = arith.constant 48 : index
        %swap3A_497 = tpu.vector_load %arg12[%swap3A_495, %swap3A_496] {strides = array<i32>} : memref<3x96xf32, #tpu.memory_space<vmem>>, vector<16xf32>,
        tpu.vector_store %arg12[%swap3A_495, %swap3A_496], %mul3A_493 {strides = array<i32>} : memref<3x96xf32, #tpu.memory_space<vmem>>, vector<16xf32>,
        %mul3A_498 = arith.mulf %get3A_446, %mul3A_487 : vector<16xf32>
        %swap3A_499 = arith.constant 2 : i32
        %swap3A_500 = arith.index_cast %swap3A_499 : i32 to index
        %swap3A_501 = arith.constant 80 : index
        %swap3A_502 = tpu.vector_load %arg12[%swap3A_500, %swap3A_501] {strides = array<i32>} : memref<3x96xf32, #tpu.memory_space<vmem>>, vector<16xf32>,
        tpu.vector_store %arg12[%swap3A_500, %swap3A_501], %mul3A_498 {strides = array<i32>} : memref<3x96xf32, #tpu.memory_space<vmem>>, vector<16xf32>,
        %get3A_503 = arith.constant 2 : i32
        %get3A_504 = arith.index_cast %get3A_503 : i32 to index
        %get3A_505 = arith.constant 16 : index
        %get3A_506 = tpu.vector_load %arg8[%get3A_504, %get3A_505] {strides = array<i32>} : memref<3x32xi32, #tpu.memory_space<vmem>>, vector<16xi32>,
        %add3A_507 = arith.constant 0 : i32
        %add3A_508 = vector.broadcast %add3A_507 : i32 to vector<16xi32>
        %add3A_509 = arith.addi %get3A_506, %add3A_508 : vector<16xi32>
        %swap3A_510 = arith.constant 6 : i32
        %swap3A_511 = arith.index_cast %swap3A_510 : i32 to index
        %swap3A_512 = arith.constant 16 : index
        %swap3A_513 = tpu.vector_load %arg13[%swap3A_511, %swap3A_512] {strides = array<i32>} : memref<9x32xi32, #tpu.memory_space<vmem>>, vector<16xi32>,
        tpu.vector_store %arg13[%swap3A_511, %swap3A_512], %add3A_509 {strides = array<i32>} : memref<9x32xi32, #tpu.memory_space<vmem>>, vector<16xi32>,
        %add3A_514 = arith.constant 10112 : i32
        %add3A_515 = vector.broadcast %add3A_514 : i32 to vector<16xi32>
        %add3A_516 = arith.addi %get3A_506, %add3A_515 : vector<16xi32>
        %swap3A_517 = arith.constant 7 : i32
        %swap3A_518 = arith.index_cast %swap3A_517 : i32 to index
        %swap3A_519 = arith.constant 16 : index
        %swap3A_520 = tpu.vector_load %arg13[%swap3A_518, %swap3A_519] {strides = array<i32>} : memref<9x32xi32, #tpu.memory_space<vmem>>, vector<16xi32>,
        tpu.vector_store %arg13[%swap3A_518, %swap3A_519], %add3A_516 {strides = array<i32>} : memref<9x32xi32, #tpu.memory_space<vmem>>, vector<16xi32>,
        %add3A_521 = arith.constant 20224 : i32
        %add3A_522 = vector.broadcast %add3A_521 : i32 to vector<16xi32>
        %add3A_523 = arith.addi %get3A_506, %add3A_522 : vector<16xi32>
        %swap3A_524 = arith.constant 8 : i32
        %swap3A_525 = arith.index_cast %swap3A_524 : i32 to index
        %swap3A_526 = arith.constant 16 : index
        %swap3A_527 = tpu.vector_load %arg13[%swap3A_525, %swap3A_526] {strides = array<i32>} : memref<9x32xi32, #tpu.memory_space<vmem>>, vector<16xi32>,
        tpu.vector_store %arg13[%swap3A_525, %swap3A_526], %add3A_523 {strides = array<i32>} : memref<9x32xi32, #tpu.memory_space<vmem>>, vector<16xi32>,
        %dma_start3A = arith.constant 2 : i32
        %dma_start3A_528 = arith.constant 2 : i32
        %dma_start3A_529 = arith.constant 2 : i32
        %dma_start3A_530 = arith.constant 0 : i32
        %dma_start3A_531 = arith.constant 0 : i32
        %dma_start3A_532 = tpu.memref_slice %arg9[%dma_start3A, %dma_start3A_530, %dma_start3A_531] : memref<3x32x128xf32, #tpu.memory_space<vmem>> -> memref<1x32x128xf32, #tpu.memory_space<vmem>>
        %dma_start3A_533 = tpu.memref_squeeze %dma_start3A_532 : memref<1x32x128xf32, #tpu.memory_space<vmem>> -> memref<32x128xf32, #tpu.memory_space<vmem>>
        %dma_start3A_534 = arith.constant 0 : i32
        %dma_start3A_535 = tpu.memref_slice %arg8[%dma_start3A_528, %dma_start3A_534] : memref<3x32xi32, #tpu.memory_space<vmem>> -> memref<1x32xi32, #tpu.memory_space<vmem>>
        %dma_start3A_536 = tpu.memref_squeeze %dma_start3A_535 : memref<1x32xi32, #tpu.memory_space<vmem>> -> memref<32xi32, #tpu.memory_space<vmem>>
        %dma_start3A_537 = arith.constant 0 : i32
        %dma_start3A_538 = arith.constant 0 : i32
        %dma_start3A_539 = tpu.memref_slice %arg16[%dma_start3A_537, %dma_start3A_538] : memref<10112x128xf32, #tpu.memory_space<vmem_shared>> -> memref<10112x128xf32, #tpu.memory_space<vmem_shared>>
        %dma_start3A_540 = tpu.memref_slice %arg21[%dma_start3A_529] : memref<3x!tpu.dma_semaphore, #tpu.memory_space<semaphore_mem>> -> memref<1x!tpu.dma_semaphore, #tpu.memory_space<semaphore_mem>>
        %dma_start3A_541 = tpu.memref_squeeze %dma_start3A_540 : memref<1x!tpu.dma_semaphore, #tpu.memory_space<semaphore_mem>> -> memref<!tpu.dma_semaphore, #tpu.memory_space<semaphore_mem>>
        tpu.enqueue_indirect_dma source(%dma_start3A_533 : memref<32x128xf32, #tpu.memory_space<vmem>>) target(%dma_start3A_539 : memref<10112x128xf32, #tpu.memory_space<vmem_shared>>) offsets(%dma_start3A_536 : memref<32xi32, #tpu.memory_space<vmem>>) semaphore(%dma_start3A_541 : memref<!tpu.dma_semaphore, #tpu.memory_space<semaphore_mem>>) {add = true}
        %dma_start3A_542 = arith.constant 2 : i32
        %dma_start3A_543 = arith.constant 6 : i32
        %dma_start3A_544 = arith.constant 2 : i32
        %dma_start3A_545 = arith.constant 0 : i32
        %dma_start3A_546 = tpu.memref_slice %arg12[%dma_start3A_542, %dma_start3A_545] : memref<3x96xf32, #tpu.memory_space<vmem>> -> memref<1x32xf32, #tpu.memory_space<vmem>>
        %dma_start3A_547 = tpu.memref_squeeze %dma_start3A_546 : memref<1x32xf32, #tpu.memory_space<vmem>> -> memref<32xf32, #tpu.memory_space<vmem>>
        %dma_start3A_548 = arith.constant 0 : i32
        %dma_start3A_549 = tpu.memref_slice %arg13[%dma_start3A_543, %dma_start3A_548] : memref<9x32xi32, #tpu.memory_space<vmem>> -> memref<1x32xi32, #tpu.memory_space<vmem>>
        %dma_start3A_550 = tpu.memref_squeeze %dma_start3A_549 : memref<1x32xi32, #tpu.memory_space<vmem>> -> memref<32xi32, #tpu.memory_space<vmem>>
        %dma_start3A_551 = arith.constant 0 : i32
        %dma_start3A_552 = tpu.memref_slice %arg17[%dma_start3A_551] : memref<30720xf32, #tpu.memory_space<vmem_shared>> -> memref<30720xf32, #tpu.memory_space<vmem_shared>>
        %dma_start3A_553 = tpu.memref_slice %arg21[%dma_start3A_544] : memref<3x!tpu.dma_semaphore, #tpu.memory_space<semaphore_mem>> -> memref<1x!tpu.dma_semaphore, #tpu.memory_space<semaphore_mem>>
        %dma_start3A_554 = tpu.memref_squeeze %dma_start3A_553 : memref<1x!tpu.dma_semaphore, #tpu.memory_space<semaphore_mem>> -> memref<!tpu.dma_semaphore, #tpu.memory_space<semaphore_mem>>
        tpu.enqueue_indirect_dma source(%dma_start3A_547 : memref<32xf32, #tpu.memory_space<vmem>>) target(%dma_start3A_552 : memref<30720xf32, #tpu.memory_space<vmem_shared>>) offsets(%dma_start3A_550 : memref<32xi32, #tpu.memory_space<vmem>>) semaphore(%dma_start3A_554 : memref<!tpu.dma_semaphore, #tpu.memory_space<semaphore_mem>>) {add = true}
        %dma_start3A_555 = arith.constant 2 : i32
        %dma_start3A_556 = arith.constant 7 : i32
        %dma_start3A_557 = arith.constant 2 : i32
        %dma_start3A_558 = arith.constant 32 : i32
        %dma_start3A_559 = tpu.memref_slice %arg12[%dma_start3A_555, %dma_start3A_558] : memref<3x96xf32, #tpu.memory_space<vmem>> -> memref<1x32xf32, #tpu.memory_space<vmem>>
        %dma_start3A_560 = tpu.memref_squeeze %dma_start3A_559 : memref<1x32xf32, #tpu.memory_space<vmem>> -> memref<32xf32, #tpu.memory_space<vmem>>
        %dma_start3A_561 = arith.constant 0 : i32
        %dma_start3A_562 = tpu.memref_slice %arg13[%dma_start3A_556, %dma_start3A_561] : memref<9x32xi32, #tpu.memory_space<vmem>> -> memref<1x32xi32, #tpu.memory_space<vmem>>
        %dma_start3A_563 = tpu.memref_squeeze %dma_start3A_562 : memref<1x32xi32, #tpu.memory_space<vmem>> -> memref<32xi32, #tpu.memory_space<vmem>>
        %dma_start3A_564 = arith.constant 0 : i32
        %dma_start3A_565 = tpu.memref_slice %arg17[%dma_start3A_564] : memref<30720xf32, #tpu.memory_space<vmem_shared>> -> memref<30720xf32, #tpu.memory_space<vmem_shared>>
        %dma_start3A_566 = tpu.memref_slice %arg21[%dma_start3A_557] : memref<3x!tpu.dma_semaphore, #tpu.memory_space<semaphore_mem>> -> memref<1x!tpu.dma_semaphore, #tpu.memory_space<semaphore_mem>>
        %dma_start3A_567 = tpu.memref_squeeze %dma_start3A_566 : memref<1x!tpu.dma_semaphore, #tpu.memory_space<semaphore_mem>> -> memref<!tpu.dma_semaphore, #tpu.memory_space<semaphore_mem>>
        tpu.enqueue_indirect_dma source(%dma_start3A_560 : memref<32xf32, #tpu.memory_space<vmem>>) target(%dma_start3A_565 : memref<30720xf32, #tpu.memory_space<vmem_shared>>) offsets(%dma_start3A_563 : memref<32xi32, #tpu.memory_space<vmem>>) semaphore(%dma_start3A_567 : memref<!tpu.dma_semaphore, #tpu.memory_space<semaphore_mem>>) {add = true}
        %dma_start3A_568 = arith.constant 2 : i32
        %dma_start3A_569 = arith.constant 8 : i32
        %dma_start3A_570 = arith.constant 2 : i32
        %dma_start3A_571 = arith.constant 64 : i32
        %dma_start3A_572 = tpu.memref_slice %arg12[%dma_start3A_568, %dma_start3A_571] : memref<3x96xf32, #tpu.memory_space<vmem>> -> memref<1x32xf32, #tpu.memory_space<vmem>>
        %dma_start3A_573 = tpu.memref_squeeze %dma_start3A_572 : memref<1x32xf32, #tpu.memory_space<vmem>> -> memref<32xf32, #tpu.memory_space<vmem>>
        %dma_start3A_574 = arith.constant 0 : i32
        %dma_start3A_575 = tpu.memref_slice %arg13[%dma_start3A_569, %dma_start3A_574] : memref<9x32xi32, #tpu.memory_space<vmem>> -> memref<1x32xi32, #tpu.memory_space<vmem>>
        %dma_start3A_576 = tpu.memref_squeeze %dma_start3A_575 : memref<1x32xi32, #tpu.memory_space<vmem>> -> memref<32xi32, #tpu.memory_space<vmem>>
        %dma_start3A_577 = arith.constant 0 : i32
        %dma_start3A_578 = tpu.memref_slice %arg17[%dma_start3A_577] : memref<30720xf32, #tpu.memory_space<vmem_shared>> -> memref<30720xf32, #tpu.memory_space<vmem_shared>>
        %dma_start3A_579 = tpu.memref_slice %arg21[%dma_start3A_570] : memref<3x!tpu.dma_semaphore, #tpu.memory_space<semaphore_mem>> -> memref<1x!tpu.dma_semaphore, #tpu.memory_space<semaphore_mem>>
        %dma_start3A_580 = tpu.memref_squeeze %dma_start3A_579 : memref<1x!tpu.dma_semaphore, #tpu.memory_space<semaphore_mem>> -> memref<!tpu.dma_semaphore, #tpu.memory_space<semaphore_mem>>
        tpu.enqueue_indirect_dma source(%dma_start3A_573 : memref<32xf32, #tpu.memory_space<vmem>>) target(%dma_start3A_578 : memref<30720xf32, #tpu.memory_space<vmem_shared>>) offsets(%dma_start3A_576 : memref<32xi32, #tpu.memory_space<vmem>>) semaphore(%dma_start3A_580 : memref<!tpu.dma_semaphore, #tpu.memory_space<semaphore_mem>>) {add = true}
      } else {
      }
      %add3A_227 = arith.constant 2 : i32
      %add3A_228 = arith.addi %mul3A_100, %add3A_227 : i32
      %sub3A_229 = arith.constant 3 : i32
      %sub3A_230 = arith.subi %add3A_228, %sub3A_229 : i32
      %mul3A_231 = arith.constant 32 : i32
      %mul3A_232 = arith.muli %sub3A_230, %mul3A_231 : i32
      %add3A_233 = arith.addi %add3A, %mul3A_232 : i32
      %ge3A_234 = arith.constant 0 : i32
      %ge3A_235 = arith.cmpi sge, %sub3A_230, %ge3A_234 : i32
      %lt3A_236 = arith.constant 157 : i32
      %lt3A_237 = arith.cmpi slt, %sub3A_230, %lt3A_236 : i32
      %and3A_238 = arith.andi %ge3A_235, %lt3A_237 : i1
      %lt3A_239 = arith.constant 5000 : i32
      %lt3A_240 = arith.cmpi slt, %add3A_233, %lt3A_239 : i32
      %and3A_241 = arith.andi %and3A_238, %lt3A_240 : i1
      %convert_element_type3A_242 = arith.extui %and3A_241 : i1 to i32
      %cond3A_243 = arith.constant 0 : i32
      %cond3A_244 = arith.cmpi ne, %convert_element_type3A_242, %cond3A_243 : i32
      scf.if %cond3A_244 {
        %dma_wait3A = arith.constant 2 : i32
        %dma_wait3A_291 = arith.constant 2 : i32
        %dma_wait3A_292 = arith.constant 2 : i32
        %dma_wait3A_293 = arith.constant 0 : i32
        %dma_wait3A_294 = arith.constant 0 : i32
        %dma_wait3A_295 = tpu.memref_slice %arg9[%dma_wait3A, %dma_wait3A_293, %dma_wait3A_294] : memref<3x32x128xf32, #tpu.memory_space<vmem>> -> memref<1x32x128xf32, #tpu.memory_space<vmem>>
        %dma_wait3A_296 = tpu.memref_squeeze %dma_wait3A_295 : memref<1x32x128xf32, #tpu.memory_space<vmem>> -> memref<32x128xf32, #tpu.memory_space<vmem>>
        %dma_wait3A_297 = arith.constant 0 : i32
        %dma_wait3A_298 = tpu.memref_slice %arg8[%dma_wait3A_291, %dma_wait3A_297] : memref<3x32xi32, #tpu.memory_space<vmem>> -> memref<1x32xi32, #tpu.memory_space<vmem>>
        %dma_wait3A_299 = tpu.memref_squeeze %dma_wait3A_298 : memref<1x32xi32, #tpu.memory_space<vmem>> -> memref<32xi32, #tpu.memory_space<vmem>>
        %dma_wait3A_300 = arith.constant 0 : i32
        %dma_wait3A_301 = arith.constant 0 : i32
        %dma_wait3A_302 = tpu.memref_slice %arg16[%dma_wait3A_300, %dma_wait3A_301] : memref<10112x128xf32, #tpu.memory_space<vmem_shared>> -> memref<10112x128xf32, #tpu.memory_space<vmem_shared>>
        %dma_wait3A_303 = tpu.memref_slice %arg21[%dma_wait3A_292] : memref<3x!tpu.dma_semaphore, #tpu.memory_space<semaphore_mem>> -> memref<1x!tpu.dma_semaphore, #tpu.memory_space<semaphore_mem>>
        %dma_wait3A_304 = tpu.memref_squeeze %dma_wait3A_303 : memref<1x!tpu.dma_semaphore, #tpu.memory_space<semaphore_mem>> -> memref<!tpu.dma_semaphore, #tpu.memory_space<semaphore_mem>>
        tpu.wait_indirect_dma semaphore(%dma_wait3A_304 : memref<!tpu.dma_semaphore, #tpu.memory_space<semaphore_mem>>) src(%dma_wait3A_296 : memref<32x128xf32, #tpu.memory_space<vmem>>) dst(%dma_wait3A_302 : memref<10112x128xf32, #tpu.memory_space<vmem_shared>>)
        %dma_wait3A_305 = arith.constant 2 : i32
        %dma_wait3A_306 = arith.constant 6 : i32
        %dma_wait3A_307 = arith.constant 2 : i32
        %dma_wait3A_308 = arith.constant 0 : i32
        %dma_wait3A_309 = tpu.memref_slice %arg12[%dma_wait3A_305, %dma_wait3A_308] : memref<3x96xf32, #tpu.memory_space<vmem>> -> memref<1x32xf32, #tpu.memory_space<vmem>>
        %dma_wait3A_310 = tpu.memref_squeeze %dma_wait3A_309 : memref<1x32xf32, #tpu.memory_space<vmem>> -> memref<32xf32, #tpu.memory_space<vmem>>
        %dma_wait3A_311 = arith.constant 0 : i32
        %dma_wait3A_312 = tpu.memref_slice %arg13[%dma_wait3A_306, %dma_wait3A_311] : memref<9x32xi32, #tpu.memory_space<vmem>> -> memref<1x32xi32, #tpu.memory_space<vmem>>
        %dma_wait3A_313 = tpu.memref_squeeze %dma_wait3A_312 : memref<1x32xi32, #tpu.memory_space<vmem>> -> memref<32xi32, #tpu.memory_space<vmem>>
        %dma_wait3A_314 = arith.constant 0 : i32
        %dma_wait3A_315 = tpu.memref_slice %arg17[%dma_wait3A_314] : memref<30720xf32, #tpu.memory_space<vmem_shared>> -> memref<30720xf32, #tpu.memory_space<vmem_shared>>
        %dma_wait3A_316 = tpu.memref_slice %arg21[%dma_wait3A_307] : memref<3x!tpu.dma_semaphore, #tpu.memory_space<semaphore_mem>> -> memref<1x!tpu.dma_semaphore, #tpu.memory_space<semaphore_mem>>
        %dma_wait3A_317 = tpu.memref_squeeze %dma_wait3A_316 : memref<1x!tpu.dma_semaphore, #tpu.memory_space<semaphore_mem>> -> memref<!tpu.dma_semaphore, #tpu.memory_space<semaphore_mem>>
        tpu.wait_indirect_dma semaphore(%dma_wait3A_317 : memref<!tpu.dma_semaphore, #tpu.memory_space<semaphore_mem>>) src(%dma_wait3A_310 : memref<32xf32, #tpu.memory_space<vmem>>) dst(%dma_wait3A_315 : memref<30720xf32, #tpu.memory_space<vmem_shared>>)
        %dma_wait3A_318 = arith.constant 2 : i32
        %dma_wait3A_319 = arith.constant 7 : i32
        %dma_wait3A_320 = arith.constant 2 : i32
        %dma_wait3A_321 = arith.constant 32 : i32
        %dma_wait3A_322 = tpu.memref_slice %arg12[%dma_wait3A_318, %dma_wait3A_321] : memref<3x96xf32, #tpu.memory_space<vmem>> -> memref<1x32xf32, #tpu.memory_space<vmem>>
        %dma_wait3A_323 = tpu.memref_squeeze %dma_wait3A_322 : memref<1x32xf32, #tpu.memory_space<vmem>> -> memref<32xf32, #tpu.memory_space<vmem>>
        %dma_wait3A_324 = arith.constant 0 : i32
        %dma_wait3A_325 = tpu.memref_slice %arg13[%dma_wait3A_319, %dma_wait3A_324] : memref<9x32xi32, #tpu.memory_space<vmem>> -> memref<1x32xi32, #tpu.memory_space<vmem>>
        %dma_wait3A_326 = tpu.memref_squeeze %dma_wait3A_325 : memref<1x32xi32, #tpu.memory_space<vmem>> -> memref<32xi32, #tpu.memory_space<vmem>>
        %dma_wait3A_327 = arith.constant 0 : i32
        %dma_wait3A_328 = tpu.memref_slice %arg17[%dma_wait3A_327] : memref<30720xf32, #tpu.memory_space<vmem_shared>> -> memref<30720xf32, #tpu.memory_space<vmem_shared>>
        %dma_wait3A_329 = tpu.memref_slice %arg21[%dma_wait3A_320] : memref<3x!tpu.dma_semaphore, #tpu.memory_space<semaphore_mem>> -> memref<1x!tpu.dma_semaphore, #tpu.memory_space<semaphore_mem>>
        %dma_wait3A_330 = tpu.memref_squeeze %dma_wait3A_329 : memref<1x!tpu.dma_semaphore, #tpu.memory_space<semaphore_mem>> -> memref<!tpu.dma_semaphore, #tpu.memory_space<semaphore_mem>>
        tpu.wait_indirect_dma semaphore(%dma_wait3A_330 : memref<!tpu.dma_semaphore, #tpu.memory_space<semaphore_mem>>) src(%dma_wait3A_323 : memref<32xf32, #tpu.memory_space<vmem>>) dst(%dma_wait3A_328 : memref<30720xf32, #tpu.memory_space<vmem_shared>>)
        %dma_wait3A_331 = arith.constant 2 : i32
        %dma_wait3A_332 = arith.constant 8 : i32
        %dma_wait3A_333 = arith.constant 2 : i32
        %dma_wait3A_334 = arith.constant 64 : i32
        %dma_wait3A_335 = tpu.memref_slice %arg12[%dma_wait3A_331, %dma_wait3A_334] : memref<3x96xf32, #tpu.memory_space<vmem>> -> memref<1x32xf32, #tpu.memory_space<vmem>>
        %dma_wait3A_336 = tpu.memref_squeeze %dma_wait3A_335 : memref<1x32xf32, #tpu.memory_space<vmem>> -> memref<32xf32, #tpu.memory_space<vmem>>
        %dma_wait3A_337 = arith.constant 0 : i32
        %dma_wait3A_338 = tpu.memref_slice %arg13[%dma_wait3A_332, %dma_wait3A_337] : memref<9x32xi32, #tpu.memory_space<vmem>> -> memref<1x32xi32, #tpu.memory_space<vmem>>
        %dma_wait3A_339 = tpu.memref_squeeze %dma_wait3A_338 : memref<1x32xi32, #tpu.memory_space<vmem>> -> memref<32xi32, #tpu.memory_space<vmem>>
        %dma_wait3A_340 = arith.constant 0 : i32
        %dma_wait3A_341 = tpu.memref_slice %arg17[%dma_wait3A_340] : memref<30720xf32, #tpu.memory_space<vmem_shared>> -> memref<30720xf32, #tpu.memory_space<vmem_shared>>
        %dma_wait3A_342 = tpu.memref_slice %arg21[%dma_wait3A_333] : memref<3x!tpu.dma_semaphore, #tpu.memory_space<semaphore_mem>> -> memref<1x!tpu.dma_semaphore, #tpu.memory_space<semaphore_mem>>
        %dma_wait3A_343 = tpu.memref_squeeze %dma_wait3A_342 : memref<1x!tpu.dma_semaphore, #tpu.memory_space<semaphore_mem>> -> memref<!tpu.dma_semaphore, #tpu.memory_space<semaphore_mem>>
        tpu.wait_indirect_dma semaphore(%dma_wait3A_343 : memref<!tpu.dma_semaphore, #tpu.memory_space<semaphore_mem>>) src(%dma_wait3A_336 : memref<32xf32, #tpu.memory_space<vmem>>) dst(%dma_wait3A_341 : memref<30720xf32, #tpu.memory_space<vmem_shared>>)
      } else {
      }
      %mul3A_245 = arith.constant 32 : i32
      %mul3A_246 = arith.muli %add3A_228, %mul3A_245 : i32
      %add3A_247 = arith.addi %add3A, %mul3A_246 : i32
      %ge3A_248 = arith.constant 0 : i32
      %ge3A_249 = arith.cmpi sge, %add3A_228, %ge3A_248 : i32
      %lt3A_250 = arith.constant 157 : i32
      %lt3A_251 = arith.cmpi slt, %add3A_228, %lt3A_250 : i32
      %and3A_252 = arith.andi %ge3A_249, %lt3A_251 : i1
      %lt3A_253 = arith.constant 5000 : i32
      %lt3A_254 = arith.cmpi slt, %add3A_247, %lt3A_253 : i32
      %and3A_255 = arith.andi %and3A_252, %lt3A_254 : i1
      %convert_element_type3A_256 = arith.extui %and3A_255 : i1 to i32
      %cond3A_257 = arith.constant 0 : i32
      %cond3A_258 = arith.cmpi ne, %convert_element_type3A_256, %cond3A_257 : i32
      scf.if %cond3A_258 {
        %mul3A_291 = arith.constant 32 : i32
        %mul3A_292 = arith.muli %add3A_247, %mul3A_291 : i32
        %add3A_293 = arith.constant 160000 : i32
        %add3A_294 = arith.addi %add3A_293, %mul3A_292 : i32
        %dma_start3A = arith.constant 2 : i32
        %dma_start3A_295 = arith.constant 2 : i32
        %dma_start3A_296 = arith.constant 0 : i32
        %dma_start3A_297 = tpu.memref_slice %arg8[%dma_start3A, %dma_start3A_296] : memref<3x32xi32, #tpu.memory_space<vmem>> -> memref<1x32xi32, #tpu.memory_space<vmem>>
        %dma_start3A_298 = tpu.memref_squeeze %dma_start3A_297 : memref<1x32xi32, #tpu.memory_space<vmem>> -> memref<32xi32, #tpu.memory_space<vmem>>
        %dma_start3A_299 = tpu.memref_slice %arg3[%add3A_294] : memref<320000xi32, #tpu.memory_space<hbm>> -> memref<32xi32, #tpu.memory_space<hbm>>
        %dma_start3A_300 = tpu.memref_slice %arg18[%dma_start3A_295] : memref<3x!tpu.dma_semaphore, #tpu.memory_space<semaphore_mem>> -> memref<1x!tpu.dma_semaphore, #tpu.memory_space<semaphore_mem>>
        %dma_start3A_301 = tpu.memref_squeeze %dma_start3A_300 : memref<1x!tpu.dma_semaphore, #tpu.memory_space<semaphore_mem>> -> memref<!tpu.dma_semaphore, #tpu.memory_space<semaphore_mem>>
        %dma_start3A_302 = arith.constant 0 : i32
        %dma_start3A_303 = tpu.memref_slice %arg8[%dma_start3A, %dma_start3A_302] : memref<3x32xi32, #tpu.memory_space<vmem>> -> memref<1x32xi32, #tpu.memory_space<vmem>>
        %dma_start3A_304 = tpu.memref_squeeze %dma_start3A_303 : memref<1x32xi32, #tpu.memory_space<vmem>> -> memref<32xi32, #tpu.memory_space<vmem>>
        %dma_start3A_305 = tpu.memref_slice %arg3[%add3A_294] : memref<320000xi32, #tpu.memory_space<hbm>> -> memref<32xi32, #tpu.memory_space<hbm>>
        tpu.enqueue_dma source(%dma_start3A_305 : memref<32xi32, #tpu.memory_space<hbm>>) target(%dma_start3A_304 : memref<32xi32, #tpu.memory_space<vmem>>) target_semaphore(%dma_start3A_301 : memref<!tpu.dma_semaphore, #tpu.memory_space<semaphore_mem>>)
        %dma_start3A_306 = arith.constant 2 : i32
        %dma_start3A_307 = arith.constant 2 : i32
        %dma_start3A_308 = arith.constant 0 : i32
        %dma_start3A_309 = arith.constant 0 : i32
        %dma_start3A_310 = tpu.memref_slice %arg9[%dma_start3A_306, %dma_start3A_308, %dma_start3A_309] : memref<3x32x128xf32, #tpu.memory_space<vmem>> -> memref<1x32x128xf32, #tpu.memory_space<vmem>>
        %dma_start3A_311 = tpu.memref_squeeze %dma_start3A_310 : memref<1x32x128xf32, #tpu.memory_space<vmem>> -> memref<32x128xf32, #tpu.memory_space<vmem>>
        %dma_start3A_312 = arith.constant 0 : i32
        %dma_start3A_313 = tpu.memref_slice %arg4[%mul3A_292, %dma_start3A_312] : memref<160000x128xf32, #tpu.memory_space<hbm>> -> memref<32x128xf32, #tpu.memory_space<hbm>>
        %dma_start3A_314 = tpu.memref_slice %arg19[%dma_start3A_307] : memref<3x!tpu.dma_semaphore, #tpu.memory_space<semaphore_mem>> -> memref<1x!tpu.dma_semaphore, #tpu.memory_space<semaphore_mem>>
        %dma_start3A_315 = tpu.memref_squeeze %dma_start3A_314 : memref<1x!tpu.dma_semaphore, #tpu.memory_space<semaphore_mem>> -> memref<!tpu.dma_semaphore, #tpu.memory_space<semaphore_mem>>
        %dma_start3A_316 = arith.constant 0 : i32
        %dma_start3A_317 = arith.constant 0 : i32
        %dma_start3A_318 = tpu.memref_slice %arg9[%dma_start3A_306, %dma_start3A_316, %dma_start3A_317] : memref<3x32x128xf32, #tpu.memory_space<vmem>> -> memref<1x32x128xf32, #tpu.memory_space<vmem>>
        %dma_start3A_319 = tpu.memref_squeeze %dma_start3A_318 : memref<1x32x128xf32, #tpu.memory_space<vmem>> -> memref<32x128xf32, #tpu.memory_space<vmem>>
        %dma_start3A_320 = arith.constant 0 : i32
        %dma_start3A_321 = tpu.memref_slice %arg4[%mul3A_292, %dma_start3A_320] : memref<160000x128xf32, #tpu.memory_space<hbm>> -> memref<32x128xf32, #tpu.memory_space<hbm>>
        tpu.enqueue_dma source(%dma_start3A_321 : memref<32x128xf32, #tpu.memory_space<hbm>>) target(%dma_start3A_319 : memref<32x128xf32, #tpu.memory_space<vmem>>) target_semaphore(%dma_start3A_315 : memref<!tpu.dma_semaphore, #tpu.memory_space<semaphore_mem>>)
        %mul3A_322 = arith.constant 3 : i32
        %mul3A_323 = arith.muli %mul3A_322, %mul3A_292 : i32
        %dma_start3A_324 = arith.constant 2 : i32
        %dma_start3A_325 = arith.constant 2 : i32
        %dma_start3A_326 = arith.constant 0 : i32
        %dma_start3A_327 = tpu.memref_slice %arg11[%dma_start3A_324, %dma_start3A_326] : memref<3x96xf32, #tpu.memory_space<vmem>> -> memref<1x96xf32, #tpu.memory_space<vmem>>
        %dma_start3A_328 = tpu.memref_squeeze %dma_start3A_327 : memref<1x96xf32, #tpu.memory_space<vmem>> -> memref<96xf32, #tpu.memory_space<vmem>>
        %dma_start3A_329 = tpu.memref_slice %arg5[%mul3A_323] : memref<480000xf32, #tpu.memory_space<hbm>> -> memref<96xf32, #tpu.memory_space<hbm>>
        %dma_start3A_330 = tpu.memref_slice %arg19[%dma_start3A_325] : memref<3x!tpu.dma_semaphore, #tpu.memory_space<semaphore_mem>> -> memref<1x!tpu.dma_semaphore, #tpu.memory_space<semaphore_mem>>
        %dma_start3A_331 = tpu.memref_squeeze %dma_start3A_330 : memref<1x!tpu.dma_semaphore, #tpu.memory_space<semaphore_mem>> -> memref<!tpu.dma_semaphore, #tpu.memory_space<semaphore_mem>>
        %dma_start3A_332 = arith.constant 0 : i32
        %dma_start3A_333 = tpu.memref_slice %arg11[%dma_start3A_324, %dma_start3A_332] : memref<3x96xf32, #tpu.memory_space<vmem>> -> memref<1x96xf32, #tpu.memory_space<vmem>>
        %dma_start3A_334 = tpu.memref_squeeze %dma_start3A_333 : memref<1x96xf32, #tpu.memory_space<vmem>> -> memref<96xf32, #tpu.memory_space<vmem>>
        %dma_start3A_335 = tpu.memref_slice %arg5[%mul3A_323] : memref<480000xf32, #tpu.memory_space<hbm>> -> memref<96xf32, #tpu.memory_space<hbm>>
        tpu.enqueue_dma source(%dma_start3A_335 : memref<96xf32, #tpu.memory_space<hbm>>) target(%dma_start3A_334 : memref<96xf32, #tpu.memory_space<vmem>>) target_semaphore(%dma_start3A_331 : memref<!tpu.dma_semaphore, #tpu.memory_space<semaphore_mem>>)
      } else {
      }
      %sub3A_259 = arith.constant 1 : i32
      %sub3A_260 = arith.subi %add3A_228, %sub3A_259 : i32
      %mul3A_261 = arith.constant 32 : i32
      %mul3A_262 = arith.muli %sub3A_260, %mul3A_261 : i32
      %add3A_263 = arith.addi %add3A, %mul3A_262 : i32
      %ge3A_264 = arith.constant 0 : i32
      %ge3A_265 = arith.cmpi sge, %sub3A_260, %ge3A_264 : i32
      %lt3A_266 = arith.constant 157 : i32
      %lt3A_267 = arith.cmpi slt, %sub3A_260, %lt3A_266 : i32
      %and3A_268 = arith.andi %ge3A_265, %lt3A_267 : i1
      %lt3A_269 = arith.constant 5000 : i32
      %lt3A_270 = arith.cmpi slt, %add3A_263, %lt3A_269 : i32
      %and3A_271 = arith.andi %and3A_268, %lt3A_270 : i1
      %convert_element_type3A_272 = arith.extui %and3A_271 : i1 to i32
      %cond3A_273 = arith.constant 0 : i32
      %cond3A_274 = arith.cmpi ne, %convert_element_type3A_272, %cond3A_273 : i32
      scf.if %cond3A_274 {
        %dma_wait3A = arith.constant 1 : i32
        %dma_wait3A_291 = arith.constant 1 : i32
        %dma_wait3A_292 = arith.constant 0 : i32
        %dma_wait3A_293 = tpu.memref_slice %arg8[%dma_wait3A, %dma_wait3A_292] : memref<3x32xi32, #tpu.memory_space<vmem>> -> memref<1x32xi32, #tpu.memory_space<vmem>>
        %dma_wait3A_294 = tpu.memref_squeeze %dma_wait3A_293 : memref<1x32xi32, #tpu.memory_space<vmem>> -> memref<32xi32, #tpu.memory_space<vmem>>
        %dma_wait3A_295 = arith.constant 160000 : i32
        %dma_wait3A_296 = tpu.memref_slice %arg3[%dma_wait3A_295] : memref<320000xi32, #tpu.memory_space<hbm>> -> memref<32xi32, #tpu.memory_space<hbm>>
        %dma_wait3A_297 = tpu.memref_slice %arg18[%dma_wait3A_291] : memref<3x!tpu.dma_semaphore, #tpu.memory_space<semaphore_mem>> -> memref<1x!tpu.dma_semaphore, #tpu.memory_space<semaphore_mem>>
        %dma_wait3A_298 = tpu.memref_squeeze %dma_wait3A_297 : memref<1x!tpu.dma_semaphore, #tpu.memory_space<semaphore_mem>> -> memref<!tpu.dma_semaphore, #tpu.memory_space<semaphore_mem>>
        %dma_wait3A_299 = arith.constant 0 : i32
        %dma_wait3A_300 = tpu.memref_slice %arg8[%dma_wait3A, %dma_wait3A_299] : memref<3x32xi32, #tpu.memory_space<vmem>> -> memref<1x32xi32, #tpu.memory_space<vmem>>
        %dma_wait3A_301 = tpu.memref_squeeze %dma_wait3A_300 : memref<1x32xi32, #tpu.memory_space<vmem>> -> memref<32xi32, #tpu.memory_space<vmem>>
        %dma_wait3A_302 = arith.constant 160000 : i32
        %dma_wait3A_303 = tpu.memref_slice %arg3[%dma_wait3A_302] : memref<320000xi32, #tpu.memory_space<hbm>> -> memref<32xi32, #tpu.memory_space<hbm>>
        tpu.wait_dma2 semaphore(%dma_wait3A_298 : memref<!tpu.dma_semaphore, #tpu.memory_space<semaphore_mem>>) src(%dma_wait3A_303 : memref<32xi32, #tpu.memory_space<hbm>>) dst(%dma_wait3A_301 : memref<32xi32, #tpu.memory_space<vmem>>)
        %dma_start3A = arith.constant 1 : i32
        %dma_start3A_304 = arith.constant 1 : i32
        %dma_start3A_305 = arith.constant 1 : i32
        %dma_start3A_306 = arith.constant 0 : i32
        %dma_start3A_307 = arith.constant 0 : i32
        %dma_start3A_308 = tpu.memref_slice %arg10[%dma_start3A_304, %dma_start3A_306, %dma_start3A_307] : memref<3x32x128xf32, #tpu.memory_space<vmem>> -> memref<1x32x128xf32, #tpu.memory_space<vmem>>
        %dma_start3A_309 = tpu.memref_squeeze %dma_start3A_308 : memref<1x32x128xf32, #tpu.memory_space<vmem>> -> memref<32x128xf32, #tpu.memory_space<vmem>>
        %dma_start3A_310 = arith.constant 0 : i32
        %dma_start3A_311 = tpu.memref_slice %arg8[%dma_start3A, %dma_start3A_310] : memref<3x32xi32, #tpu.memory_space<vmem>> -> memref<1x32xi32, #tpu.memory_space<vmem>>
        %dma_start3A_312 = tpu.memref_squeeze %dma_start3A_311 : memref<1x32xi32, #tpu.memory_space<vmem>> -> memref<32xi32, #tpu.memory_space<vmem>>
        %dma_start3A_313 = arith.constant 0 : i32
        %dma_start3A_314 = arith.constant 0 : i32
        %dma_start3A_315 = tpu.memref_slice %arg2[%dma_start3A_313, %dma_start3A_314] : memref<10000x128xf32, #tpu.memory_space<hbm>> -> memref<10000x128xf32, #tpu.memory_space<hbm>>
        %dma_start3A_316 = tpu.memref_slice %arg20[%dma_start3A_305] : memref<3x!tpu.dma_semaphore, #tpu.memory_space<semaphore_mem>> -> memref<1x!tpu.dma_semaphore, #tpu.memory_space<semaphore_mem>>
        %dma_start3A_317 = tpu.memref_squeeze %dma_start3A_316 : memref<1x!tpu.dma_semaphore, #tpu.memory_space<semaphore_mem>> -> memref<!tpu.dma_semaphore, #tpu.memory_space<semaphore_mem>>
        tpu.enqueue_indirect_dma source(%dma_start3A_315 : memref<10000x128xf32, #tpu.memory_space<hbm>>) target(%dma_start3A_309 : memref<32x128xf32, #tpu.memory_space<vmem>>) offsets(%dma_start3A_312 : memref<32xi32, #tpu.memory_space<vmem>>) semaphore(%dma_start3A_317 : memref<!tpu.dma_semaphore, #tpu.memory_space<semaphore_mem>>)
      } else {
      }
      %sub3A_275 = arith.constant 2 : i32
      %sub3A_276 = arith.subi %add3A_228, %sub3A_275 : i32
      %mul3A_277 = arith.constant 32 : i32
      %mul3A_278 = arith.muli %sub3A_276, %mul3A_277 : i32
      %add3A_279 = arith.addi %add3A, %mul3A_278 : i32
      %ge3A_280 = arith.constant 0 : i32
      %ge3A_281 = arith.cmpi sge, %sub3A_276, %ge3A_280 : i32
      %lt3A_282 = arith.constant 157 : i32
      %lt3A_283 = arith.cmpi slt, %sub3A_276, %lt3A_282 : i32
      %and3A_284 = arith.andi %ge3A_281, %lt3A_283 : i1
      %lt3A_285 = arith.constant 5000 : i32
      %lt3A_286 = arith.cmpi slt, %add3A_279, %lt3A_285 : i32
      %and3A_287 = arith.andi %and3A_284, %lt3A_286 : i1
      %convert_element_type3A_288 = arith.extui %and3A_287 : i1 to i32
      %cond3A_289 = arith.constant 0 : i32
      %cond3A_290 = arith.cmpi ne, %convert_element_type3A_288, %cond3A_289 : i32
      scf.if %cond3A_290 {
        %dma_wait3A = arith.constant 0 : i32
        %dma_wait3A_291 = arith.constant 0 : i32
        %dma_wait3A_292 = arith.constant 0 : i32
        %dma_wait3A_293 = arith.constant 0 : i32
        %dma_wait3A_294 = tpu.memref_slice %arg9[%dma_wait3A, %dma_wait3A_292, %dma_wait3A_293] : memref<3x32x128xf32, #tpu.memory_space<vmem>> -> memref<1x32x128xf32, #tpu.memory_space<vmem>>
        %dma_wait3A_295 = tpu.memref_squeeze %dma_wait3A_294 : memref<1x32x128xf32, #tpu.memory_space<vmem>> -> memref<32x128xf32, #tpu.memory_space<vmem>>
        %dma_wait3A_296 = arith.constant 0 : i32
        %dma_wait3A_297 = arith.constant 0 : i32
        %dma_wait3A_298 = tpu.memref_slice %arg4[%dma_wait3A_296, %dma_wait3A_297] : memref<160000x128xf32, #tpu.memory_space<hbm>> -> memref<32x128xf32, #tpu.memory_space<hbm>>
        %dma_wait3A_299 = tpu.memref_slice %arg19[%dma_wait3A_291] : memref<3x!tpu.dma_semaphore, #tpu.memory_space<semaphore_mem>> -> memref<1x!tpu.dma_semaphore, #tpu.memory_space<semaphore_mem>>
        %dma_wait3A_300 = tpu.memref_squeeze %dma_wait3A_299 : memref<1x!tpu.dma_semaphore, #tpu.memory_space<semaphore_mem>> -> memref<!tpu.dma_semaphore, #tpu.memory_space<semaphore_mem>>
        %dma_wait3A_301 = arith.constant 0 : i32
        %dma_wait3A_302 = arith.constant 0 : i32
        %dma_wait3A_303 = tpu.memref_slice %arg9[%dma_wait3A, %dma_wait3A_301, %dma_wait3A_302] : memref<3x32x128xf32, #tpu.memory_space<vmem>> -> memref<1x32x128xf32, #tpu.memory_space<vmem>>
        %dma_wait3A_304 = tpu.memref_squeeze %dma_wait3A_303 : memref<1x32x128xf32, #tpu.memory_space<vmem>> -> memref<32x128xf32, #tpu.memory_space<vmem>>
        %dma_wait3A_305 = arith.constant 0 : i32
        %dma_wait3A_306 = arith.constant 0 : i32
        %dma_wait3A_307 = tpu.memref_slice %arg4[%dma_wait3A_305, %dma_wait3A_306] : memref<160000x128xf32, #tpu.memory_space<hbm>> -> memref<32x128xf32, #tpu.memory_space<hbm>>
        tpu.wait_dma2 semaphore(%dma_wait3A_300 : memref<!tpu.dma_semaphore, #tpu.memory_space<semaphore_mem>>) src(%dma_wait3A_307 : memref<32x128xf32, #tpu.memory_space<hbm>>) dst(%dma_wait3A_304 : memref<32x128xf32, #tpu.memory_space<vmem>>)
        %dma_wait3A_308 = arith.constant 0 : i32
        %dma_wait3A_309 = arith.constant 0 : i32
        %dma_wait3A_310 = arith.constant 0 : i32
        %dma_wait3A_311 = tpu.memref_slice %arg11[%dma_wait3A_308, %dma_wait3A_310] : memref<3x96xf32, #tpu.memory_space<vmem>> -> memref<1x96xf32, #tpu.memory_space<vmem>>
        %dma_wait3A_312 = tpu.memref_squeeze %dma_wait3A_311 : memref<1x96xf32, #tpu.memory_space<vmem>> -> memref<96xf32, #tpu.memory_space<vmem>>
        %dma_wait3A_313 = arith.constant 0 : i32
        %dma_wait3A_314 = tpu.memref_slice %arg5[%dma_wait3A_313] : memref<480000xf32, #tpu.memory_space<hbm>> -> memref<96xf32, #tpu.memory_space<hbm>>
        %dma_wait3A_315 = tpu.memref_slice %arg19[%dma_wait3A_309] : memref<3x!tpu.dma_semaphore, #tpu.memory_space<semaphore_mem>> -> memref<1x!tpu.dma_semaphore, #tpu.memory_space<semaphore_mem>>
        %dma_wait3A_316 = tpu.memref_squeeze %dma_wait3A_315 : memref<1x!tpu.dma_semaphore, #tpu.memory_space<semaphore_mem>> -> memref<!tpu.dma_semaphore, #tpu.memory_space<semaphore_mem>>
        %dma_wait3A_317 = arith.constant 0 : i32
        %dma_wait3A_318 = tpu.memref_slice %arg11[%dma_wait3A_308, %dma_wait3A_317] : memref<3x96xf32, #tpu.memory_space<vmem>> -> memref<1x96xf32, #tpu.memory_space<vmem>>
        %dma_wait3A_319 = tpu.memref_squeeze %dma_wait3A_318 : memref<1x96xf32, #tpu.memory_space<vmem>> -> memref<96xf32, #tpu.memory_space<vmem>>
        %dma_wait3A_320 = arith.constant 0 : i32
        %dma_wait3A_321 = tpu.memref_slice %arg5[%dma_wait3A_320] : memref<480000xf32, #tpu.memory_space<hbm>> -> memref<96xf32, #tpu.memory_space<hbm>>
        tpu.wait_dma2 semaphore(%dma_wait3A_316 : memref<!tpu.dma_semaphore, #tpu.memory_space<semaphore_mem>>) src(%dma_wait3A_321 : memref<96xf32, #tpu.memory_space<hbm>>) dst(%dma_wait3A_319 : memref<96xf32, #tpu.memory_space<vmem>>)
        %dma_wait3A_322 = arith.constant 0 : i32
        %dma_wait3A_323 = arith.constant 0 : i32
        %dma_wait3A_324 = arith.constant 0 : i32
        %dma_wait3A_325 = arith.constant 0 : i32
        %dma_wait3A_326 = arith.constant 0 : i32
        %dma_wait3A_327 = tpu.memref_slice %arg10[%dma_wait3A_323, %dma_wait3A_325, %dma_wait3A_326] : memref<3x32x128xf32, #tpu.memory_space<vmem>> -> memref<1x32x128xf32, #tpu.memory_space<vmem>>
        %dma_wait3A_328 = tpu.memref_squeeze %dma_wait3A_327 : memref<1x32x128xf32, #tpu.memory_space<vmem>> -> memref<32x128xf32, #tpu.memory_space<vmem>>
        %dma_wait3A_329 = arith.constant 0 : i32
        %dma_wait3A_330 = tpu.memref_slice %arg8[%dma_wait3A_322, %dma_wait3A_329] : memref<3x32xi32, #tpu.memory_space<vmem>> -> memref<1x32xi32, #tpu.memory_space<vmem>>
        %dma_wait3A_331 = tpu.memref_squeeze %dma_wait3A_330 : memref<1x32xi32, #tpu.memory_space<vmem>> -> memref<32xi32, #tpu.memory_space<vmem>>
        %dma_wait3A_332 = arith.constant 0 : i32
        %dma_wait3A_333 = arith.constant 0 : i32
        %dma_wait3A_334 = tpu.memref_slice %arg2[%dma_wait3A_332, %dma_wait3A_333] : memref<10000x128xf32, #tpu.memory_space<hbm>> -> memref<10000x128xf32, #tpu.memory_space<hbm>>
        %dma_wait3A_335 = tpu.memref_slice %arg20[%dma_wait3A_324] : memref<3x!tpu.dma_semaphore, #tpu.memory_space<semaphore_mem>> -> memref<1x!tpu.dma_semaphore, #tpu.memory_space<semaphore_mem>>
        %dma_wait3A_336 = tpu.memref_squeeze %dma_wait3A_335 : memref<1x!tpu.dma_semaphore, #tpu.memory_space<semaphore_mem>> -> memref<!tpu.dma_semaphore, #tpu.memory_space<semaphore_mem>>
        tpu.wait_indirect_dma semaphore(%dma_wait3A_336 : memref<!tpu.dma_semaphore, #tpu.memory_space<semaphore_mem>>) src(%dma_wait3A_334 : memref<10000x128xf32, #tpu.memory_space<hbm>>) dst(%dma_wait3A_328 : memref<32x128xf32, #tpu.memory_space<vmem>>)
        %scan3A_337 = arith.constant 0 : i32
        %scan3A_338 = arith.constant 8 : i32
        %scan3A_339 = arith.addi %scan3A_337, %scan3A_338 : i32
        %scan3A_340 = arith.constant 1 : i32
        scf.for %scan3A_581 = %scan3A_337 to %scan3A_339 step %scan3A_340  : i32 {
          %mul3A_582 = arith.constant 4 : i32
          %mul3A_583 = arith.muli %scan3A_581, %mul3A_582 : i32
          %add3A_584 = arith.constant 0 : i32
          %add3A_585 = arith.addi %mul3A_583, %add3A_584 : i32
          %get3A_586 = arith.constant 0 : i32
          %get3A_587 = arith.index_cast %get3A_586 : i32 to index
          %get3A_588 = arith.index_cast %add3A_585 : i32 to index
          %get3A_589 = arith.constant 0 : index
          %get3A_590 = tpu.vector_load %arg9[%get3A_587, %get3A_588, %get3A_589] {strides = array<i32>} : memref<3x32x128xf32, #tpu.memory_space<vmem>>, vector<16xf32>,
          %get3A_591 = arith.constant 0 : i32
          %get3A_592 = arith.index_cast %get3A_591 : i32 to index
          %get3A_593 = arith.index_cast %add3A_585 : i32 to index
          %get3A_594 = arith.constant 0 : index
          %get3A_595 = tpu.vector_load %arg10[%get3A_592, %get3A_593, %get3A_594] {strides = array<i32>} : memref<3x32x128xf32, #tpu.memory_space<vmem>>, vector<16xf32>,
          %mul3A_596 = arith.mulf %get3A_590, %get3A_595 : vector<16xf32>
          %get3A_597 = arith.constant 0 : i32
          %get3A_598 = arith.index_cast %get3A_597 : i32 to index
          %get3A_599 = arith.index_cast %add3A_585 : i32 to index
          %get3A_600 = arith.constant 16 : index
          %get3A_601 = tpu.vector_load %arg9[%get3A_598, %get3A_599, %get3A_600] {strides = array<i32>} : memref<3x32x128xf32, #tpu.memory_space<vmem>>, vector<16xf32>,
          %get3A_602 = arith.constant 0 : i32
          %get3A_603 = arith.index_cast %get3A_602 : i32 to index
          %get3A_604 = arith.index_cast %add3A_585 : i32 to index
          %get3A_605 = arith.constant 16 : index
          %get3A_606 = tpu.vector_load %arg10[%get3A_603, %get3A_604, %get3A_605] {strides = array<i32>} : memref<3x32x128xf32, #tpu.memory_space<vmem>>, vector<16xf32>,
          %mul3A_607 = arith.mulf %get3A_601, %get3A_606 : vector<16xf32>
          %get3A_608 = arith.constant 0 : i32
          %get3A_609 = arith.index_cast %get3A_608 : i32 to index
          %get3A_610 = arith.index_cast %add3A_585 : i32 to index
          %get3A_611 = arith.constant 32 : index
          %get3A_612 = tpu.vector_load %arg9[%get3A_609, %get3A_610, %get3A_611] {strides = array<i32>} : memref<3x32x128xf32, #tpu.memory_space<vmem>>, vector<16xf32>,
          %get3A_613 = arith.constant 0 : i32
          %get3A_614 = arith.index_cast %get3A_613 : i32 to index
          %get3A_615 = arith.index_cast %add3A_585 : i32 to index
          %get3A_616 = arith.constant 32 : index
          %get3A_617 = tpu.vector_load %arg10[%get3A_614, %get3A_615, %get3A_616] {strides = array<i32>} : memref<3x32x128xf32, #tpu.memory_space<vmem>>, vector<16xf32>,
          %mul3A_618 = arith.mulf %get3A_612, %get3A_617 : vector<16xf32>
          %add3A_619 = arith.addf %mul3A_596, %mul3A_618 : vector<16xf32>
          %get3A_620 = arith.constant 0 : i32
          %get3A_621 = arith.index_cast %get3A_620 : i32 to index
          %get3A_622 = arith.index_cast %add3A_585 : i32 to index
          %get3A_623 = arith.constant 48 : index
          %get3A_624 = tpu.vector_load %arg9[%get3A_621, %get3A_622, %get3A_623] {strides = array<i32>} : memref<3x32x128xf32, #tpu.memory_space<vmem>>, vector<16xf32>,
          %get3A_625 = arith.constant 0 : i32
          %get3A_626 = arith.index_cast %get3A_625 : i32 to index
          %get3A_627 = arith.index_cast %add3A_585 : i32 to index
          %get3A_628 = arith.constant 48 : index
          %get3A_629 = tpu.vector_load %arg10[%get3A_626, %get3A_627, %get3A_628] {strides = array<i32>} : memref<3x32x128xf32, #tpu.memory_space<vmem>>, vector<16xf32>,
          %mul3A_630 = arith.mulf %get3A_624, %get3A_629 : vector<16xf32>
          %add3A_631 = arith.addf %mul3A_607, %mul3A_630 : vector<16xf32>
          %get3A_632 = arith.constant 0 : i32
          %get3A_633 = arith.index_cast %get3A_632 : i32 to index
          %get3A_634 = arith.index_cast %add3A_585 : i32 to index
          %get3A_635 = arith.constant 64 : index
          %get3A_636 = tpu.vector_load %arg9[%get3A_633, %get3A_634, %get3A_635] {strides = array<i32>} : memref<3x32x128xf32, #tpu.memory_space<vmem>>, vector<16xf32>,
          %get3A_637 = arith.constant 0 : i32
          %get3A_638 = arith.index_cast %get3A_637 : i32 to index
          %get3A_639 = arith.index_cast %add3A_585 : i32 to index
          %get3A_640 = arith.constant 64 : index
          %get3A_641 = tpu.vector_load %arg10[%get3A_638, %get3A_639, %get3A_640] {strides = array<i32>} : memref<3x32x128xf32, #tpu.memory_space<vmem>>, vector<16xf32>,
          %mul3A_642 = arith.mulf %get3A_636, %get3A_641 : vector<16xf32>
          %add3A_643 = arith.addf %add3A_619, %mul3A_642 : vector<16xf32>
          %get3A_644 = arith.constant 0 : i32
          %get3A_645 = arith.index_cast %get3A_644 : i32 to index
          %get3A_646 = arith.index_cast %add3A_585 : i32 to index
          %get3A_647 = arith.constant 80 : index
          %get3A_648 = tpu.vector_load %arg9[%get3A_645, %get3A_646, %get3A_647] {strides = array<i32>} : memref<3x32x128xf32, #tpu.memory_space<vmem>>, vector<16xf32>,
          %get3A_649 = arith.constant 0 : i32
          %get3A_650 = arith.index_cast %get3A_649 : i32 to index
          %get3A_651 = arith.index_cast %add3A_585 : i32 to index
          %get3A_652 = arith.constant 80 : index
          %get3A_653 = tpu.vector_load %arg10[%get3A_650, %get3A_651, %get3A_652] {strides = array<i32>} : memref<3x32x128xf32, #tpu.memory_space<vmem>>, vector<16xf32>,
          %mul3A_654 = arith.mulf %get3A_648, %get3A_653 : vector<16xf32>
          %add3A_655 = arith.addf %add3A_631, %mul3A_654 : vector<16xf32>
          %get3A_656 = arith.constant 0 : i32
          %get3A_657 = arith.index_cast %get3A_656 : i32 to index
          %get3A_658 = arith.index_cast %add3A_585 : i32 to index
          %get3A_659 = arith.constant 96 : index
          %get3A_660 = tpu.vector_load %arg9[%get3A_657, %get3A_658, %get3A_659] {strides = array<i32>} : memref<3x32x128xf32, #tpu.memory_space<vmem>>, vector<16xf32>,
          %get3A_661 = arith.constant 0 : i32
          %get3A_662 = arith.index_cast %get3A_661 : i32 to index
          %get3A_663 = arith.index_cast %add3A_585 : i32 to index
          %get3A_664 = arith.constant 96 : index
          %get3A_665 = tpu.vector_load %arg10[%get3A_662, %get3A_663, %get3A_664] {strides = array<i32>} : memref<3x32x128xf32, #tpu.memory_space<vmem>>, vector<16xf32>,
          %mul3A_666 = arith.mulf %get3A_660, %get3A_665 : vector<16xf32>
          %add3A_667 = arith.addf %add3A_643, %mul3A_666 : vector<16xf32>
          %get3A_668 = arith.constant 0 : i32
          %get3A_669 = arith.index_cast %get3A_668 : i32 to index
          %get3A_670 = arith.index_cast %add3A_585 : i32 to index
          %get3A_671 = arith.constant 112 : index
          %get3A_672 = tpu.vector_load %arg9[%get3A_669, %get3A_670, %get3A_671] {strides = array<i32>} : memref<3x32x128xf32, #tpu.memory_space<vmem>>, vector<16xf32>,
          %get3A_673 = arith.constant 0 : i32
          %get3A_674 = arith.index_cast %get3A_673 : i32 to index
          %get3A_675 = arith.index_cast %add3A_585 : i32 to index
          %get3A_676 = arith.constant 112 : index
          %get3A_677 = tpu.vector_load %arg10[%get3A_674, %get3A_675, %get3A_676] {strides = array<i32>} : memref<3x32x128xf32, #tpu.memory_space<vmem>>, vector<16xf32>,
          %mul3A_678 = arith.mulf %get3A_672, %get3A_677 : vector<16xf32>
          %add3A_679 = arith.addf %add3A_655, %mul3A_678 : vector<16xf32>
          %add3A_680 = arith.addf %add3A_667, %add3A_679 : vector<16xf32>
          %broadcast_in_dim3A_681 = arith.constant true
          %broadcast_in_dim3A_682 = vector.broadcast %broadcast_in_dim3A_681 : i1 to vector<16xi1>
          %masked_cumsum3A = tpu.scan <sum>, %add3A_680 masked %broadcast_in_dim3A_682 : vector<16xf32>, vector<16xi1> -> vector<16xf32>
          %add3A_683 = vector.broadcast %add3A_585 : i32 to vector<16xi32>
          %add3A_684 = arith.addi %broadcast_in_dim3A_5, %add3A_683 : vector<16xi32>
          tpu.vector_store_idx %arg14[%add3A_684], %masked_cumsum3A masked %eq3A_3 : memref<32xf32, #tpu.memory_space<vmem>>[vector<16xi32>], vector<16xf32>, vector<16xi1>
          %mul3A_685 = arith.constant 4 : i32
          %mul3A_686 = arith.muli %scan3A_581, %mul3A_685 : i32
          %add3A_687 = arith.constant 1 : i32
          %add3A_688 = arith.addi %mul3A_686, %add3A_687 : i32
          %get3A_689 = arith.constant 0 : i32
          %get3A_690 = arith.index_cast %get3A_689 : i32 to index
          %get3A_691 = arith.index_cast %add3A_688 : i32 to index
          %get3A_692 = arith.constant 0 : index
          %get3A_693 = tpu.vector_load %arg9[%get3A_690, %get3A_691, %get3A_692] {strides = array<i32>} : memref<3x32x128xf32, #tpu.memory_space<vmem>>, vector<16xf32>,
          %get3A_694 = arith.constant 0 : i32
          %get3A_695 = arith.index_cast %get3A_694 : i32 to index
          %get3A_696 = arith.index_cast %add3A_688 : i32 to index
          %get3A_697 = arith.constant 0 : index
          %get3A_698 = tpu.vector_load %arg10[%get3A_695, %get3A_696, %get3A_697] {strides = array<i32>} : memref<3x32x128xf32, #tpu.memory_space<vmem>>, vector<16xf32>,
          %mul3A_699 = arith.mulf %get3A_693, %get3A_698 : vector<16xf32>
          %get3A_700 = arith.constant 0 : i32
          %get3A_701 = arith.index_cast %get3A_700 : i32 to index
          %get3A_702 = arith.index_cast %add3A_688 : i32 to index
          %get3A_703 = arith.constant 16 : index
          %get3A_704 = tpu.vector_load %arg9[%get3A_701, %get3A_702, %get3A_703] {strides = array<i32>} : memref<3x32x128xf32, #tpu.memory_space<vmem>>, vector<16xf32>,
          %get3A_705 = arith.constant 0 : i32
          %get3A_706 = arith.index_cast %get3A_705 : i32 to index
          %get3A_707 = arith.index_cast %add3A_688 : i32 to index
          %get3A_708 = arith.constant 16 : index
          %get3A_709 = tpu.vector_load %arg10[%get3A_706, %get3A_707, %get3A_708] {strides = array<i32>} : memref<3x32x128xf32, #tpu.memory_space<vmem>>, vector<16xf32>,
          %mul3A_710 = arith.mulf %get3A_704, %get3A_709 : vector<16xf32>
          %get3A_711 = arith.constant 0 : i32
          %get3A_712 = arith.index_cast %get3A_711 : i32 to index
          %get3A_713 = arith.index_cast %add3A_688 : i32 to index
          %get3A_714 = arith.constant 32 : index
          %get3A_715 = tpu.vector_load %arg9[%get3A_712, %get3A_713, %get3A_714] {strides = array<i32>} : memref<3x32x128xf32, #tpu.memory_space<vmem>>, vector<16xf32>,
          %get3A_716 = arith.constant 0 : i32
          %get3A_717 = arith.index_cast %get3A_716 : i32 to index
          %get3A_718 = arith.index_cast %add3A_688 : i32 to index
          %get3A_719 = arith.constant 32 : index
          %get3A_720 = tpu.vector_load %arg10[%get3A_717, %get3A_718, %get3A_719] {strides = array<i32>} : memref<3x32x128xf32, #tpu.memory_space<vmem>>, vector<16xf32>,
          %mul3A_721 = arith.mulf %get3A_715, %get3A_720 : vector<16xf32>
          %add3A_722 = arith.addf %mul3A_699, %mul3A_721 : vector<16xf32>
          %get3A_723 = arith.constant 0 : i32
          %get3A_724 = arith.index_cast %get3A_723 : i32 to index
          %get3A_725 = arith.index_cast %add3A_688 : i32 to index
          %get3A_726 = arith.constant 48 : index
          %get3A_727 = tpu.vector_load %arg9[%get3A_724, %get3A_725, %get3A_726] {strides = array<i32>} : memref<3x32x128xf32, #tpu.memory_space<vmem>>, vector<16xf32>,
          %get3A_728 = arith.constant 0 : i32
          %get3A_729 = arith.index_cast %get3A_728 : i32 to index
          %get3A_730 = arith.index_cast %add3A_688 : i32 to index
          %get3A_731 = arith.constant 48 : index
          %get3A_732 = tpu.vector_load %arg10[%get3A_729, %get3A_730, %get3A_731] {strides = array<i32>} : memref<3x32x128xf32, #tpu.memory_space<vmem>>, vector<16xf32>,
          %mul3A_733 = arith.mulf %get3A_727, %get3A_732 : vector<16xf32>
          %add3A_734 = arith.addf %mul3A_710, %mul3A_733 : vector<16xf32>
          %get3A_735 = arith.constant 0 : i32
          %get3A_736 = arith.index_cast %get3A_735 : i32 to index
          %get3A_737 = arith.index_cast %add3A_688 : i32 to index
          %get3A_738 = arith.constant 64 : index
          %get3A_739 = tpu.vector_load %arg9[%get3A_736, %get3A_737, %get3A_738] {strides = array<i32>} : memref<3x32x128xf32, #tpu.memory_space<vmem>>, vector<16xf32>,
          %get3A_740 = arith.constant 0 : i32
          %get3A_741 = arith.index_cast %get3A_740 : i32 to index
          %get3A_742 = arith.index_cast %add3A_688 : i32 to index
          %get3A_743 = arith.constant 64 : index
          %get3A_744 = tpu.vector_load %arg10[%get3A_741, %get3A_742, %get3A_743] {strides = array<i32>} : memref<3x32x128xf32, #tpu.memory_space<vmem>>, vector<16xf32>,
          %mul3A_745 = arith.mulf %get3A_739, %get3A_744 : vector<16xf32>
          %add3A_746 = arith.addf %add3A_722, %mul3A_745 : vector<16xf32>
          %get3A_747 = arith.constant 0 : i32
          %get3A_748 = arith.index_cast %get3A_747 : i32 to index
          %get3A_749 = arith.index_cast %add3A_688 : i32 to index
          %get3A_750 = arith.constant 80 : index
          %get3A_751 = tpu.vector_load %arg9[%get3A_748, %get3A_749, %get3A_750] {strides = array<i32>} : memref<3x32x128xf32, #tpu.memory_space<vmem>>, vector<16xf32>,
          %get3A_752 = arith.constant 0 : i32
          %get3A_753 = arith.index_cast %get3A_752 : i32 to index
          %get3A_754 = arith.index_cast %add3A_688 : i32 to index
          %get3A_755 = arith.constant 80 : index
          %get3A_756 = tpu.vector_load %arg10[%get3A_753, %get3A_754, %get3A_755] {strides = array<i32>} : memref<3x32x128xf32, #tpu.memory_space<vmem>>, vector<16xf32>,
          %mul3A_757 = arith.mulf %get3A_751, %get3A_756 : vector<16xf32>
          %add3A_758 = arith.addf %add3A_734, %mul3A_757 : vector<16xf32>
          %get3A_759 = arith.constant 0 : i32
          %get3A_760 = arith.index_cast %get3A_759 : i32 to index
          %get3A_761 = arith.index_cast %add3A_688 : i32 to index
          %get3A_762 = arith.constant 96 : index
          %get3A_763 = tpu.vector_load %arg9[%get3A_760, %get3A_761, %get3A_762] {strides = array<i32>} : memref<3x32x128xf32, #tpu.memory_space<vmem>>, vector<16xf32>,
          %get3A_764 = arith.constant 0 : i32
          %get3A_765 = arith.index_cast %get3A_764 : i32 to index
          %get3A_766 = arith.index_cast %add3A_688 : i32 to index
          %get3A_767 = arith.constant 96 : index
          %get3A_768 = tpu.vector_load %arg10[%get3A_765, %get3A_766, %get3A_767] {strides = array<i32>} : memref<3x32x128xf32, #tpu.memory_space<vmem>>, vector<16xf32>,
          %mul3A_769 = arith.mulf %get3A_763, %get3A_768 : vector<16xf32>
          %add3A_770 = arith.addf %add3A_746, %mul3A_769 : vector<16xf32>
          %get3A_771 = arith.constant 0 : i32
          %get3A_772 = arith.index_cast %get3A_771 : i32 to index
          %get3A_773 = arith.index_cast %add3A_688 : i32 to index
          %get3A_774 = arith.constant 112 : index
          %get3A_775 = tpu.vector_load %arg9[%get3A_772, %get3A_773, %get3A_774] {strides = array<i32>} : memref<3x32x128xf32, #tpu.memory_space<vmem>>, vector<16xf32>,
          %get3A_776 = arith.constant 0 : i32
          %get3A_777 = arith.index_cast %get3A_776 : i32 to index
          %get3A_778 = arith.index_cast %add3A_688 : i32 to index
          %get3A_779 = arith.constant 112 : index
          %get3A_780 = tpu.vector_load %arg10[%get3A_777, %get3A_778, %get3A_779] {strides = array<i32>} : memref<3x32x128xf32, #tpu.memory_space<vmem>>, vector<16xf32>,
          %mul3A_781 = arith.mulf %get3A_775, %get3A_780 : vector<16xf32>
          %add3A_782 = arith.addf %add3A_758, %mul3A_781 : vector<16xf32>
          %add3A_783 = arith.addf %add3A_770, %add3A_782 : vector<16xf32>
          %broadcast_in_dim3A_784 = arith.constant true
          %broadcast_in_dim3A_785 = vector.broadcast %broadcast_in_dim3A_784 : i1 to vector<16xi1>
          %masked_cumsum3A_786 = tpu.scan <sum>, %add3A_783 masked %broadcast_in_dim3A_785 : vector<16xf32>, vector<16xi1> -> vector<16xf32>
          %add3A_787 = vector.broadcast %add3A_688 : i32 to vector<16xi32>
          %add3A_788 = arith.addi %broadcast_in_dim3A_5, %add3A_787 : vector<16xi32>
          tpu.vector_store_idx %arg14[%add3A_788], %masked_cumsum3A_786 masked %eq3A_3 : memref<32xf32, #tpu.memory_space<vmem>>[vector<16xi32>], vector<16xf32>, vector<16xi1>
          %mul3A_789 = arith.constant 4 : i32
          %mul3A_790 = arith.muli %scan3A_581, %mul3A_789 : i32
          %add3A_791 = arith.constant 2 : i32
          %add3A_792 = arith.addi %mul3A_790, %add3A_791 : i32
          %get3A_793 = arith.constant 0 : i32
          %get3A_794 = arith.index_cast %get3A_793 : i32 to index
          %get3A_795 = arith.index_cast %add3A_792 : i32 to index
          %get3A_796 = arith.constant 0 : index
          %get3A_797 = tpu.vector_load %arg9[%get3A_794, %get3A_795, %get3A_796] {strides = array<i32>} : memref<3x32x128xf32, #tpu.memory_space<vmem>>, vector<16xf32>,
          %get3A_798 = arith.constant 0 : i32
          %get3A_799 = arith.index_cast %get3A_798 : i32 to index
          %get3A_800 = arith.index_cast %add3A_792 : i32 to index
          %get3A_801 = arith.constant 0 : index
          %get3A_802 = tpu.vector_load %arg10[%get3A_799, %get3A_800, %get3A_801] {strides = array<i32>} : memref<3x32x128xf32, #tpu.memory_space<vmem>>, vector<16xf32>,
          %mul3A_803 = arith.mulf %get3A_797, %get3A_802 : vector<16xf32>
          %get3A_804 = arith.constant 0 : i32
          %get3A_805 = arith.index_cast %get3A_804 : i32 to index
          %get3A_806 = arith.index_cast %add3A_792 : i32 to index
          %get3A_807 = arith.constant 16 : index
          %get3A_808 = tpu.vector_load %arg9[%get3A_805, %get3A_806, %get3A_807] {strides = array<i32>} : memref<3x32x128xf32, #tpu.memory_space<vmem>>, vector<16xf32>,
          %get3A_809 = arith.constant 0 : i32
          %get3A_810 = arith.index_cast %get3A_809 : i32 to index
          %get3A_811 = arith.index_cast %add3A_792 : i32 to index
          %get3A_812 = arith.constant 16 : index
          %get3A_813 = tpu.vector_load %arg10[%get3A_810, %get3A_811, %get3A_812] {strides = array<i32>} : memref<3x32x128xf32, #tpu.memory_space<vmem>>, vector<16xf32>,
          %mul3A_814 = arith.mulf %get3A_808, %get3A_813 : vector<16xf32>
          %get3A_815 = arith.constant 0 : i32
          %get3A_816 = arith.index_cast %get3A_815 : i32 to index
          %get3A_817 = arith.index_cast %add3A_792 : i32 to index
          %get3A_818 = arith.constant 32 : index
          %get3A_819 = tpu.vector_load %arg9[%get3A_816, %get3A_817, %get3A_818] {strides = array<i32>} : memref<3x32x128xf32, #tpu.memory_space<vmem>>, vector<16xf32>,
          %get3A_820 = arith.constant 0 : i32
          %get3A_821 = arith.index_cast %get3A_820 : i32 to index
          %get3A_822 = arith.index_cast %add3A_792 : i32 to index
          %get3A_823 = arith.constant 32 : index
          %get3A_824 = tpu.vector_load %arg10[%get3A_821, %get3A_822, %get3A_823] {strides = array<i32>} : memref<3x32x128xf32, #tpu.memory_space<vmem>>, vector<16xf32>,
          %mul3A_825 = arith.mulf %get3A_819, %get3A_824 : vector<16xf32>
          %add3A_826 = arith.addf %mul3A_803, %mul3A_825 : vector<16xf32>
          %get3A_827 = arith.constant 0 : i32
          %get3A_828 = arith.index_cast %get3A_827 : i32 to index
          %get3A_829 = arith.index_cast %add3A_792 : i32 to index
          %get3A_830 = arith.constant 48 : index
          %get3A_831 = tpu.vector_load %arg9[%get3A_828, %get3A_829, %get3A_830] {strides = array<i32>} : memref<3x32x128xf32, #tpu.memory_space<vmem>>, vector<16xf32>,
          %get3A_832 = arith.constant 0 : i32
          %get3A_833 = arith.index_cast %get3A_832 : i32 to index
          %get3A_834 = arith.index_cast %add3A_792 : i32 to index
          %get3A_835 = arith.constant 48 : index
          %get3A_836 = tpu.vector_load %arg10[%get3A_833, %get3A_834, %get3A_835] {strides = array<i32>} : memref<3x32x128xf32, #tpu.memory_space<vmem>>, vector<16xf32>,
          %mul3A_837 = arith.mulf %get3A_831, %get3A_836 : vector<16xf32>
          %add3A_838 = arith.addf %mul3A_814, %mul3A_837 : vector<16xf32>
          %get3A_839 = arith.constant 0 : i32
          %get3A_840 = arith.index_cast %get3A_839 : i32 to index
          %get3A_841 = arith.index_cast %add3A_792 : i32 to index
          %get3A_842 = arith.constant 64 : index
          %get3A_843 = tpu.vector_load %arg9[%get3A_840, %get3A_841, %get3A_842] {strides = array<i32>} : memref<3x32x128xf32, #tpu.memory_space<vmem>>, vector<16xf32>,
          %get3A_844 = arith.constant 0 : i32
          %get3A_845 = arith.index_cast %get3A_844 : i32 to index
          %get3A_846 = arith.index_cast %add3A_792 : i32 to index
          %get3A_847 = arith.constant 64 : index
          %get3A_848 = tpu.vector_load %arg10[%get3A_845, %get3A_846, %get3A_847] {strides = array<i32>} : memref<3x32x128xf32, #tpu.memory_space<vmem>>, vector<16xf32>,
          %mul3A_849 = arith.mulf %get3A_843, %get3A_848 : vector<16xf32>
          %add3A_850 = arith.addf %add3A_826, %mul3A_849 : vector<16xf32>
          %get3A_851 = arith.constant 0 : i32
          %get3A_852 = arith.index_cast %get3A_851 : i32 to index
          %get3A_853 = arith.index_cast %add3A_792 : i32 to index
          %get3A_854 = arith.constant 80 : index
          %get3A_855 = tpu.vector_load %arg9[%get3A_852, %get3A_853, %get3A_854] {strides = array<i32>} : memref<3x32x128xf32, #tpu.memory_space<vmem>>, vector<16xf32>,
          %get3A_856 = arith.constant 0 : i32
          %get3A_857 = arith.index_cast %get3A_856 : i32 to index
          %get3A_858 = arith.index_cast %add3A_792 : i32 to index
          %get3A_859 = arith.constant 80 : index
          %get3A_860 = tpu.vector_load %arg10[%get3A_857, %get3A_858, %get3A_859] {strides = array<i32>} : memref<3x32x128xf32, #tpu.memory_space<vmem>>, vector<16xf32>,
          %mul3A_861 = arith.mulf %get3A_855, %get3A_860 : vector<16xf32>
          %add3A_862 = arith.addf %add3A_838, %mul3A_861 : vector<16xf32>
          %get3A_863 = arith.constant 0 : i32
          %get3A_864 = arith.index_cast %get3A_863 : i32 to index
          %get3A_865 = arith.index_cast %add3A_792 : i32 to index
          %get3A_866 = arith.constant 96 : index
          %get3A_867 = tpu.vector_load %arg9[%get3A_864, %get3A_865, %get3A_866] {strides = array<i32>} : memref<3x32x128xf32, #tpu.memory_space<vmem>>, vector<16xf32>,
          %get3A_868 = arith.constant 0 : i32
          %get3A_869 = arith.index_cast %get3A_868 : i32 to index
          %get3A_870 = arith.index_cast %add3A_792 : i32 to index
          %get3A_871 = arith.constant 96 : index
          %get3A_872 = tpu.vector_load %arg10[%get3A_869, %get3A_870, %get3A_871] {strides = array<i32>} : memref<3x32x128xf32, #tpu.memory_space<vmem>>, vector<16xf32>,
          %mul3A_873 = arith.mulf %get3A_867, %get3A_872 : vector<16xf32>
          %add3A_874 = arith.addf %add3A_850, %mul3A_873 : vector<16xf32>
          %get3A_875 = arith.constant 0 : i32
          %get3A_876 = arith.index_cast %get3A_875 : i32 to index
          %get3A_877 = arith.index_cast %add3A_792 : i32 to index
          %get3A_878 = arith.constant 112 : index
          %get3A_879 = tpu.vector_load %arg9[%get3A_876, %get3A_877, %get3A_878] {strides = array<i32>} : memref<3x32x128xf32, #tpu.memory_space<vmem>>, vector<16xf32>,
          %get3A_880 = arith.constant 0 : i32
          %get3A_881 = arith.index_cast %get3A_880 : i32 to index
          %get3A_882 = arith.index_cast %add3A_792 : i32 to index
          %get3A_883 = arith.constant 112 : index
          %get3A_884 = tpu.vector_load %arg10[%get3A_881, %get3A_882, %get3A_883] {strides = array<i32>} : memref<3x32x128xf32, #tpu.memory_space<vmem>>, vector<16xf32>,
          %mul3A_885 = arith.mulf %get3A_879, %get3A_884 : vector<16xf32>
          %add3A_886 = arith.addf %add3A_862, %mul3A_885 : vector<16xf32>
          %add3A_887 = arith.addf %add3A_874, %add3A_886 : vector<16xf32>
          %broadcast_in_dim3A_888 = arith.constant true
          %broadcast_in_dim3A_889 = vector.broadcast %broadcast_in_dim3A_888 : i1 to vector<16xi1>
          %masked_cumsum3A_890 = tpu.scan <sum>, %add3A_887 masked %broadcast_in_dim3A_889 : vector<16xf32>, vector<16xi1> -> vector<16xf32>
          %add3A_891 = vector.broadcast %add3A_792 : i32 to vector<16xi32>
          %add3A_892 = arith.addi %broadcast_in_dim3A_5, %add3A_891 : vector<16xi32>
          tpu.vector_store_idx %arg14[%add3A_892], %masked_cumsum3A_890 masked %eq3A_3 : memref<32xf32, #tpu.memory_space<vmem>>[vector<16xi32>], vector<16xf32>, vector<16xi1>
          %mul3A_893 = arith.constant 4 : i32
          %mul3A_894 = arith.muli %scan3A_581, %mul3A_893 : i32
          %add3A_895 = arith.constant 3 : i32
          %add3A_896 = arith.addi %mul3A_894, %add3A_895 : i32
          %get3A_897 = arith.constant 0 : i32
          %get3A_898 = arith.index_cast %get3A_897 : i32 to index
          %get3A_899 = arith.index_cast %add3A_896 : i32 to index
          %get3A_900 = arith.constant 0 : index
          %get3A_901 = tpu.vector_load %arg9[%get3A_898, %get3A_899, %get3A_900] {strides = array<i32>} : memref<3x32x128xf32, #tpu.memory_space<vmem>>, vector<16xf32>,
          %get3A_902 = arith.constant 0 : i32
          %get3A_903 = arith.index_cast %get3A_902 : i32 to index
          %get3A_904 = arith.index_cast %add3A_896 : i32 to index
          %get3A_905 = arith.constant 0 : index
          %get3A_906 = tpu.vector_load %arg10[%get3A_903, %get3A_904, %get3A_905] {strides = array<i32>} : memref<3x32x128xf32, #tpu.memory_space<vmem>>, vector<16xf32>,
          %mul3A_907 = arith.mulf %get3A_901, %get3A_906 : vector<16xf32>
          %get3A_908 = arith.constant 0 : i32
          %get3A_909 = arith.index_cast %get3A_908 : i32 to index
          %get3A_910 = arith.index_cast %add3A_896 : i32 to index
          %get3A_911 = arith.constant 16 : index
          %get3A_912 = tpu.vector_load %arg9[%get3A_909, %get3A_910, %get3A_911] {strides = array<i32>} : memref<3x32x128xf32, #tpu.memory_space<vmem>>, vector<16xf32>,
          %get3A_913 = arith.constant 0 : i32
          %get3A_914 = arith.index_cast %get3A_913 : i32 to index
          %get3A_915 = arith.index_cast %add3A_896 : i32 to index
          %get3A_916 = arith.constant 16 : index
          %get3A_917 = tpu.vector_load %arg10[%get3A_914, %get3A_915, %get3A_916] {strides = array<i32>} : memref<3x32x128xf32, #tpu.memory_space<vmem>>, vector<16xf32>,
          %mul3A_918 = arith.mulf %get3A_912, %get3A_917 : vector<16xf32>
          %get3A_919 = arith.constant 0 : i32
          %get3A_920 = arith.index_cast %get3A_919 : i32 to index
          %get3A_921 = arith.index_cast %add3A_896 : i32 to index
          %get3A_922 = arith.constant 32 : index
          %get3A_923 = tpu.vector_load %arg9[%get3A_920, %get3A_921, %get3A_922] {strides = array<i32>} : memref<3x32x128xf32, #tpu.memory_space<vmem>>, vector<16xf32>,
          %get3A_924 = arith.constant 0 : i32
          %get3A_925 = arith.index_cast %get3A_924 : i32 to index
          %get3A_926 = arith.index_cast %add3A_896 : i32 to index
          %get3A_927 = arith.constant 32 : index
          %get3A_928 = tpu.vector_load %arg10[%get3A_925, %get3A_926, %get3A_927] {strides = array<i32>} : memref<3x32x128xf32, #tpu.memory_space<vmem>>, vector<16xf32>,
          %mul3A_929 = arith.mulf %get3A_923, %get3A_928 : vector<16xf32>
          %add3A_930 = arith.addf %mul3A_907, %mul3A_929 : vector<16xf32>
          %get3A_931 = arith.constant 0 : i32
          %get3A_932 = arith.index_cast %get3A_931 : i32 to index
          %get3A_933 = arith.index_cast %add3A_896 : i32 to index
          %get3A_934 = arith.constant 48 : index
          %get3A_935 = tpu.vector_load %arg9[%get3A_932, %get3A_933, %get3A_934] {strides = array<i32>} : memref<3x32x128xf32, #tpu.memory_space<vmem>>, vector<16xf32>,
          %get3A_936 = arith.constant 0 : i32
          %get3A_937 = arith.index_cast %get3A_936 : i32 to index
          %get3A_938 = arith.index_cast %add3A_896 : i32 to index
          %get3A_939 = arith.constant 48 : index
          %get3A_940 = tpu.vector_load %arg10[%get3A_937, %get3A_938, %get3A_939] {strides = array<i32>} : memref<3x32x128xf32, #tpu.memory_space<vmem>>, vector<16xf32>,
          %mul3A_941 = arith.mulf %get3A_935, %get3A_940 : vector<16xf32>
          %add3A_942 = arith.addf %mul3A_918, %mul3A_941 : vector<16xf32>
          %get3A_943 = arith.constant 0 : i32
          %get3A_944 = arith.index_cast %get3A_943 : i32 to index
          %get3A_945 = arith.index_cast %add3A_896 : i32 to index
          %get3A_946 = arith.constant 64 : index
          %get3A_947 = tpu.vector_load %arg9[%get3A_944, %get3A_945, %get3A_946] {strides = array<i32>} : memref<3x32x128xf32, #tpu.memory_space<vmem>>, vector<16xf32>,
          %get3A_948 = arith.constant 0 : i32
          %get3A_949 = arith.index_cast %get3A_948 : i32 to index
          %get3A_950 = arith.index_cast %add3A_896 : i32 to index
          %get3A_951 = arith.constant 64 : index
          %get3A_952 = tpu.vector_load %arg10[%get3A_949, %get3A_950, %get3A_951] {strides = array<i32>} : memref<3x32x128xf32, #tpu.memory_space<vmem>>, vector<16xf32>,
          %mul3A_953 = arith.mulf %get3A_947, %get3A_952 : vector<16xf32>
          %add3A_954 = arith.addf %add3A_930, %mul3A_953 : vector<16xf32>
          %get3A_955 = arith.constant 0 : i32
          %get3A_956 = arith.index_cast %get3A_955 : i32 to index
          %get3A_957 = arith.index_cast %add3A_896 : i32 to index
          %get3A_958 = arith.constant 80 : index
          %get3A_959 = tpu.vector_load %arg9[%get3A_956, %get3A_957, %get3A_958] {strides = array<i32>} : memref<3x32x128xf32, #tpu.memory_space<vmem>>, vector<16xf32>,
          %get3A_960 = arith.constant 0 : i32
          %get3A_961 = arith.index_cast %get3A_960 : i32 to index
          %get3A_962 = arith.index_cast %add3A_896 : i32 to index
          %get3A_963 = arith.constant 80 : index
          %get3A_964 = tpu.vector_load %arg10[%get3A_961, %get3A_962, %get3A_963] {strides = array<i32>} : memref<3x32x128xf32, #tpu.memory_space<vmem>>, vector<16xf32>,
          %mul3A_965 = arith.mulf %get3A_959, %get3A_964 : vector<16xf32>
          %add3A_966 = arith.addf %add3A_942, %mul3A_965 : vector<16xf32>
          %get3A_967 = arith.constant 0 : i32
          %get3A_968 = arith.index_cast %get3A_967 : i32 to index
          %get3A_969 = arith.index_cast %add3A_896 : i32 to index
          %get3A_970 = arith.constant 96 : index
          %get3A_971 = tpu.vector_load %arg9[%get3A_968, %get3A_969, %get3A_970] {strides = array<i32>} : memref<3x32x128xf32, #tpu.memory_space<vmem>>, vector<16xf32>,
          %get3A_972 = arith.constant 0 : i32
          %get3A_973 = arith.index_cast %get3A_972 : i32 to index
          %get3A_974 = arith.index_cast %add3A_896 : i32 to index
          %get3A_975 = arith.constant 96 : index
          %get3A_976 = tpu.vector_load %arg10[%get3A_973, %get3A_974, %get3A_975] {strides = array<i32>} : memref<3x32x128xf32, #tpu.memory_space<vmem>>, vector<16xf32>,
          %mul3A_977 = arith.mulf %get3A_971, %get3A_976 : vector<16xf32>
          %add3A_978 = arith.addf %add3A_954, %mul3A_977 : vector<16xf32>
          %get3A_979 = arith.constant 0 : i32
          %get3A_980 = arith.index_cast %get3A_979 : i32 to index
          %get3A_981 = arith.index_cast %add3A_896 : i32 to index
          %get3A_982 = arith.constant 112 : index
          %get3A_983 = tpu.vector_load %arg9[%get3A_980, %get3A_981, %get3A_982] {strides = array<i32>} : memref<3x32x128xf32, #tpu.memory_space<vmem>>, vector<16xf32>,
          %get3A_984 = arith.constant 0 : i32
          %get3A_985 = arith.index_cast %get3A_984 : i32 to index
          %get3A_986 = arith.index_cast %add3A_896 : i32 to index
          %get3A_987 = arith.constant 112 : index
          %get3A_988 = tpu.vector_load %arg10[%get3A_985, %get3A_986, %get3A_987] {strides = array<i32>} : memref<3x32x128xf32, #tpu.memory_space<vmem>>, vector<16xf32>,
          %mul3A_989 = arith.mulf %get3A_983, %get3A_988 : vector<16xf32>
          %add3A_990 = arith.addf %add3A_966, %mul3A_989 : vector<16xf32>
          %add3A_991 = arith.addf %add3A_978, %add3A_990 : vector<16xf32>
          %broadcast_in_dim3A_992 = arith.constant true
          %broadcast_in_dim3A_993 = vector.broadcast %broadcast_in_dim3A_992 : i1 to vector<16xi1>
          %masked_cumsum3A_994 = tpu.scan <sum>, %add3A_991 masked %broadcast_in_dim3A_993 : vector<16xf32>, vector<16xi1> -> vector<16xf32>
          %add3A_995 = vector.broadcast %add3A_896 : i32 to vector<16xi32>
          %add3A_996 = arith.addi %broadcast_in_dim3A_5, %add3A_995 : vector<16xi32>
          tpu.vector_store_idx %arg14[%add3A_996], %masked_cumsum3A_994 masked %eq3A_3 : memref<32xf32, #tpu.memory_space<vmem>>[vector<16xi32>], vector<16xf32>, vector<16xi1>
        }
        %scan3A_341 = arith.constant 8 : i32
        %get3A = arith.constant 0 : index
        %get3A_342 = tpu.vector_load %arg14[%get3A] {strides = array<i32>} : memref<32xf32, #tpu.memory_space<vmem>>, vector<16xf32>,
        %get3A_343 = arith.constant 0 : i32
        %get3A_344 = arith.index_cast %get3A_343 : i32 to index
        %get3A_345 = arith.constant 0 : index
        %get3A_346 = tpu.vector_load %arg11[%get3A_344, %get3A_345] {strides = array<i32>} : memref<3x96xf32, #tpu.memory_space<vmem>>, vector<16xf32>,
        %get3A_347 = arith.constant 0 : i32
        %get3A_348 = arith.index_cast %get3A_347 : i32 to index
        %get3A_349 = arith.constant 32 : index
        %get3A_350 = tpu.vector_load %arg11[%get3A_348, %get3A_349] {strides = array<i32>} : memref<3x96xf32, #tpu.memory_space<vmem>>, vector<16xf32>,
        %get3A_351 = arith.constant 0 : i32
        %get3A_352 = arith.index_cast %get3A_351 : i32 to index
        %get3A_353 = arith.constant 64 : index
        %get3A_354 = tpu.vector_load %arg11[%get3A_352, %get3A_353] {strides = array<i32>} : memref<3x96xf32, #tpu.memory_space<vmem>>, vector<16xf32>,
        %mul3A_355 = arith.mulf %get3A_346, %get3A_346 : vector<16xf32>
        %mul3A_356 = arith.mulf %get3A_350, %get3A_350 : vector<16xf32>
        %add3A_357 = arith.addf %mul3A_355, %mul3A_356 : vector<16xf32>
        %mul3A_358 = arith.mulf %get3A_354, %get3A_354 : vector<16xf32>
        %add3A_359 = arith.addf %add3A_357, %mul3A_358 : vector<16xf32>
        %bitcast3A = vector.bitcast %add3A_359 : vector<16xf32> to vector<16xi32>
        %shift_right_arithmetic3A = arith.constant 1 : i32
        %shift_right_arithmetic3A_360 = vector.broadcast %shift_right_arithmetic3A : i32 to vector<16xi32>
        %shift_right_arithmetic3A_361 = arith.shrsi %bitcast3A, %shift_right_arithmetic3A_360 : vector<16xi32>
        %sub3A_362 = arith.constant 1597463007 : i32
        %sub3A_363 = vector.broadcast %sub3A_362 : i32 to vector<16xi32>
        %sub3A_364 = arith.subi %sub3A_363, %shift_right_arithmetic3A_361 : vector<16xi32>
        %bitcast3A_365 = vector.bitcast %sub3A_364 : vector<16xi32> to vector<16xf32>
        %mul3A_366 = arith.constant 5.000000e-01 : f32
        %mul3A_367 = vector.broadcast %mul3A_366 : f32 to vector<16xf32>
        %mul3A_368 = arith.mulf %mul3A_367, %add3A_359 : vector<16xf32>
        %mul3A_369 = arith.mulf %mul3A_368, %bitcast3A_365 : vector<16xf32>
        %mul3A_370 = arith.mulf %mul3A_369, %bitcast3A_365 : vector<16xf32>
        %sub3A_371 = arith.constant 1.500000e+00 : f32
        %sub3A_372 = vector.broadcast %sub3A_371 : f32 to vector<16xf32>
        %sub3A_373 = arith.subf %sub3A_372, %mul3A_370 : vector<16xf32>
        %mul3A_374 = arith.mulf %bitcast3A_365, %sub3A_373 : vector<16xf32>
        %mul3A_375 = arith.constant 5.000000e-01 : f32
        %mul3A_376 = vector.broadcast %mul3A_375 : f32 to vector<16xf32>
        %mul3A_377 = arith.mulf %mul3A_376, %add3A_359 : vector<16xf32>
        %mul3A_378 = arith.mulf %mul3A_377, %mul3A_374 : vector<16xf32>
        %mul3A_379 = arith.mulf %mul3A_378, %mul3A_374 : vector<16xf32>
        %sub3A_380 = arith.constant 1.500000e+00 : f32
        %sub3A_381 = vector.broadcast %sub3A_380 : f32 to vector<16xf32>
        %sub3A_382 = arith.subf %sub3A_381, %mul3A_379 : vector<16xf32>
        %mul3A_383 = arith.mulf %mul3A_374, %sub3A_382 : vector<16xf32>
        %mul3A_384 = arith.constant 5.000000e-01 : f32
        %mul3A_385 = vector.broadcast %mul3A_384 : f32 to vector<16xf32>
        %mul3A_386 = arith.mulf %mul3A_385, %add3A_359 : vector<16xf32>
        %mul3A_387 = arith.mulf %mul3A_386, %mul3A_383 : vector<16xf32>
        %mul3A_388 = arith.mulf %mul3A_387, %mul3A_383 : vector<16xf32>
        %sub3A_389 = arith.constant 1.500000e+00 : f32
        %sub3A_390 = vector.broadcast %sub3A_389 : f32 to vector<16xf32>
        %sub3A_391 = arith.subf %sub3A_390, %mul3A_388 : vector<16xf32>
        %mul3A_392 = arith.mulf %mul3A_383, %sub3A_391 : vector<16xf32>
        %mul3A_393 = arith.mulf %get3A_342, %mul3A_392 : vector<16xf32>
        %mul3A_394 = arith.mulf %get3A_346, %mul3A_393 : vector<16xf32>
        %swap3A = arith.constant 0 : i32
        %swap3A_395 = arith.index_cast %swap3A : i32 to index
        %swap3A_396 = arith.constant 0 : index
        %swap3A_397 = tpu.vector_load %arg12[%swap3A_395, %swap3A_396] {strides = array<i32>} : memref<3x96xf32, #tpu.memory_space<vmem>>, vector<16xf32>,
        tpu.vector_store %arg12[%swap3A_395, %swap3A_396], %mul3A_394 {strides = array<i32>} : memref<3x96xf32, #tpu.memory_space<vmem>>, vector<16xf32>,
        %mul3A_398 = arith.mulf %get3A_350, %mul3A_393 : vector<16xf32>
        %swap3A_399 = arith.constant 0 : i32
        %swap3A_400 = arith.index_cast %swap3A_399 : i32 to index
        %swap3A_401 = arith.constant 32 : index
        %swap3A_402 = tpu.vector_load %arg12[%swap3A_400, %swap3A_401] {strides = array<i32>} : memref<3x96xf32, #tpu.memory_space<vmem>>, vector<16xf32>,
        tpu.vector_store %arg12[%swap3A_400, %swap3A_401], %mul3A_398 {strides = array<i32>} : memref<3x96xf32, #tpu.memory_space<vmem>>, vector<16xf32>,
        %mul3A_403 = arith.mulf %get3A_354, %mul3A_393 : vector<16xf32>
        %swap3A_404 = arith.constant 0 : i32
        %swap3A_405 = arith.index_cast %swap3A_404 : i32 to index
        %swap3A_406 = arith.constant 64 : index
        %swap3A_407 = tpu.vector_load %arg12[%swap3A_405, %swap3A_406] {strides = array<i32>} : memref<3x96xf32, #tpu.memory_space<vmem>>, vector<16xf32>,
        tpu.vector_store %arg12[%swap3A_405, %swap3A_406], %mul3A_403 {strides = array<i32>} : memref<3x96xf32, #tpu.memory_space<vmem>>, vector<16xf32>,
        %get3A_408 = arith.constant 0 : i32
        %get3A_409 = arith.index_cast %get3A_408 : i32 to index
        %get3A_410 = arith.constant 0 : index
        %get3A_411 = tpu.vector_load %arg8[%get3A_409, %get3A_410] {strides = array<i32>} : memref<3x32xi32, #tpu.memory_space<vmem>>, vector<16xi32>,
        %add3A_412 = arith.constant 0 : i32
        %add3A_413 = vector.broadcast %add3A_412 : i32 to vector<16xi32>
        %add3A_414 = arith.addi %get3A_411, %add3A_413 : vector<16xi32>
        %swap3A_415 = arith.constant 0 : i32
        %swap3A_416 = arith.index_cast %swap3A_415 : i32 to index
        %swap3A_417 = arith.constant 0 : index
        %swap3A_418 = tpu.vector_load %arg13[%swap3A_416, %swap3A_417] {strides = array<i32>} : memref<9x32xi32, #tpu.memory_space<vmem>>, vector<16xi32>,
        tpu.vector_store %arg13[%swap3A_416, %swap3A_417], %add3A_414 {strides = array<i32>} : memref<9x32xi32, #tpu.memory_space<vmem>>, vector<16xi32>,
        %add3A_419 = arith.constant 10112 : i32
        %add3A_420 = vector.broadcast %add3A_419 : i32 to vector<16xi32>
        %add3A_421 = arith.addi %get3A_411, %add3A_420 : vector<16xi32>
        %swap3A_422 = arith.constant 1 : i32
        %swap3A_423 = arith.index_cast %swap3A_422 : i32 to index
        %swap3A_424 = arith.constant 0 : index
        %swap3A_425 = tpu.vector_load %arg13[%swap3A_423, %swap3A_424] {strides = array<i32>} : memref<9x32xi32, #tpu.memory_space<vmem>>, vector<16xi32>,
        tpu.vector_store %arg13[%swap3A_423, %swap3A_424], %add3A_421 {strides = array<i32>} : memref<9x32xi32, #tpu.memory_space<vmem>>, vector<16xi32>,
        %add3A_426 = arith.constant 20224 : i32
        %add3A_427 = vector.broadcast %add3A_426 : i32 to vector<16xi32>
        %add3A_428 = arith.addi %get3A_411, %add3A_427 : vector<16xi32>
        %swap3A_429 = arith.constant 2 : i32
        %swap3A_430 = arith.index_cast %swap3A_429 : i32 to index
        %swap3A_431 = arith.constant 0 : index
        %swap3A_432 = tpu.vector_load %arg13[%swap3A_430, %swap3A_431] {strides = array<i32>} : memref<9x32xi32, #tpu.memory_space<vmem>>, vector<16xi32>,
        tpu.vector_store %arg13[%swap3A_430, %swap3A_431], %add3A_428 {strides = array<i32>} : memref<9x32xi32, #tpu.memory_space<vmem>>, vector<16xi32>,
        %get3A_433 = arith.constant 16 : index
        %get3A_434 = tpu.vector_load %arg14[%get3A_433] {strides = array<i32>} : memref<32xf32, #tpu.memory_space<vmem>>, vector<16xf32>,
        %get3A_435 = arith.constant 0 : i32
        %get3A_436 = arith.index_cast %get3A_435 : i32 to index
        %get3A_437 = arith.constant 16 : index
        %get3A_438 = tpu.vector_load %arg11[%get3A_436, %get3A_437] {strides = array<i32>} : memref<3x96xf32, #tpu.memory_space<vmem>>, vector<16xf32>,
        %get3A_439 = arith.constant 0 : i32
        %get3A_440 = arith.index_cast %get3A_439 : i32 to index
        %get3A_441 = arith.constant 48 : index
        %get3A_442 = tpu.vector_load %arg11[%get3A_440, %get3A_441] {strides = array<i32>} : memref<3x96xf32, #tpu.memory_space<vmem>>, vector<16xf32>,
        %get3A_443 = arith.constant 0 : i32
        %get3A_444 = arith.index_cast %get3A_443 : i32 to index
        %get3A_445 = arith.constant 80 : index
        %get3A_446 = tpu.vector_load %arg11[%get3A_444, %get3A_445] {strides = array<i32>} : memref<3x96xf32, #tpu.memory_space<vmem>>, vector<16xf32>,
        %mul3A_447 = arith.mulf %get3A_438, %get3A_438 : vector<16xf32>
        %mul3A_448 = arith.mulf %get3A_442, %get3A_442 : vector<16xf32>
        %add3A_449 = arith.addf %mul3A_447, %mul3A_448 : vector<16xf32>
        %mul3A_450 = arith.mulf %get3A_446, %get3A_446 : vector<16xf32>
        %add3A_451 = arith.addf %add3A_449, %mul3A_450 : vector<16xf32>
        %bitcast3A_452 = vector.bitcast %add3A_451 : vector<16xf32> to vector<16xi32>
        %shift_right_arithmetic3A_453 = arith.constant 1 : i32
        %shift_right_arithmetic3A_454 = vector.broadcast %shift_right_arithmetic3A_453 : i32 to vector<16xi32>
        %shift_right_arithmetic3A_455 = arith.shrsi %bitcast3A_452, %shift_right_arithmetic3A_454 : vector<16xi32>
        %sub3A_456 = arith.constant 1597463007 : i32
        %sub3A_457 = vector.broadcast %sub3A_456 : i32 to vector<16xi32>
        %sub3A_458 = arith.subi %sub3A_457, %shift_right_arithmetic3A_455 : vector<16xi32>
        %bitcast3A_459 = vector.bitcast %sub3A_458 : vector<16xi32> to vector<16xf32>
        %mul3A_460 = arith.constant 5.000000e-01 : f32
        %mul3A_461 = vector.broadcast %mul3A_460 : f32 to vector<16xf32>
        %mul3A_462 = arith.mulf %mul3A_461, %add3A_451 : vector<16xf32>
        %mul3A_463 = arith.mulf %mul3A_462, %bitcast3A_459 : vector<16xf32>
        %mul3A_464 = arith.mulf %mul3A_463, %bitcast3A_459 : vector<16xf32>
        %sub3A_465 = arith.constant 1.500000e+00 : f32
        %sub3A_466 = vector.broadcast %sub3A_465 : f32 to vector<16xf32>
        %sub3A_467 = arith.subf %sub3A_466, %mul3A_464 : vector<16xf32>
        %mul3A_468 = arith.mulf %bitcast3A_459, %sub3A_467 : vector<16xf32>
        %mul3A_469 = arith.constant 5.000000e-01 : f32
        %mul3A_470 = vector.broadcast %mul3A_469 : f32 to vector<16xf32>
        %mul3A_471 = arith.mulf %mul3A_470, %add3A_451 : vector<16xf32>
        %mul3A_472 = arith.mulf %mul3A_471, %mul3A_468 : vector<16xf32>
        %mul3A_473 = arith.mulf %mul3A_472, %mul3A_468 : vector<16xf32>
        %sub3A_474 = arith.constant 1.500000e+00 : f32
        %sub3A_475 = vector.broadcast %sub3A_474 : f32 to vector<16xf32>
        %sub3A_476 = arith.subf %sub3A_475, %mul3A_473 : vector<16xf32>
        %mul3A_477 = arith.mulf %mul3A_468, %sub3A_476 : vector<16xf32>
        %mul3A_478 = arith.constant 5.000000e-01 : f32
        %mul3A_479 = vector.broadcast %mul3A_478 : f32 to vector<16xf32>
        %mul3A_480 = arith.mulf %mul3A_479, %add3A_451 : vector<16xf32>
        %mul3A_481 = arith.mulf %mul3A_480, %mul3A_477 : vector<16xf32>
        %mul3A_482 = arith.mulf %mul3A_481, %mul3A_477 : vector<16xf32>
        %sub3A_483 = arith.constant 1.500000e+00 : f32
        %sub3A_484 = vector.broadcast %sub3A_483 : f32 to vector<16xf32>
        %sub3A_485 = arith.subf %sub3A_484, %mul3A_482 : vector<16xf32>
        %mul3A_486 = arith.mulf %mul3A_477, %sub3A_485 : vector<16xf32>
        %mul3A_487 = arith.mulf %get3A_434, %mul3A_486 : vector<16xf32>
        %mul3A_488 = arith.mulf %get3A_438, %mul3A_487 : vector<16xf32>
        %swap3A_489 = arith.constant 0 : i32
        %swap3A_490 = arith.index_cast %swap3A_489 : i32 to index
        %swap3A_491 = arith.constant 16 : index
        %swap3A_492 = tpu.vector_load %arg12[%swap3A_490, %swap3A_491] {strides = array<i32>} : memref<3x96xf32, #tpu.memory_space<vmem>>, vector<16xf32>,
        tpu.vector_store %arg12[%swap3A_490, %swap3A_491], %mul3A_488 {strides = array<i32>} : memref<3x96xf32, #tpu.memory_space<vmem>>, vector<16xf32>,
        %mul3A_493 = arith.mulf %get3A_442, %mul3A_487 : vector<16xf32>
        %swap3A_494 = arith.constant 0 : i32
        %swap3A_495 = arith.index_cast %swap3A_494 : i32 to index
        %swap3A_496 = arith.constant 48 : index
        %swap3A_497 = tpu.vector_load %arg12[%swap3A_495, %swap3A_496] {strides = array<i32>} : memref<3x96xf32, #tpu.memory_space<vmem>>, vector<16xf32>,
        tpu.vector_store %arg12[%swap3A_495, %swap3A_496], %mul3A_493 {strides = array<i32>} : memref<3x96xf32, #tpu.memory_space<vmem>>, vector<16xf32>,
        %mul3A_498 = arith.mulf %get3A_446, %mul3A_487 : vector<16xf32>
        %swap3A_499 = arith.constant 0 : i32
        %swap3A_500 = arith.index_cast %swap3A_499 : i32 to index
        %swap3A_501 = arith.constant 80 : index
        %swap3A_502 = tpu.vector_load %arg12[%swap3A_500, %swap3A_501] {strides = array<i32>} : memref<3x96xf32, #tpu.memory_space<vmem>>, vector<16xf32>,
        tpu.vector_store %arg12[%swap3A_500, %swap3A_501], %mul3A_498 {strides = array<i32>} : memref<3x96xf32, #tpu.memory_space<vmem>>, vector<16xf32>,
        %get3A_503 = arith.constant 0 : i32
        %get3A_504 = arith.index_cast %get3A_503 : i32 to index
        %get3A_505 = arith.constant 16 : index
        %get3A_506 = tpu.vector_load %arg8[%get3A_504, %get3A_505] {strides = array<i32>} : memref<3x32xi32, #tpu.memory_space<vmem>>, vector<16xi32>,
        %add3A_507 = arith.constant 0 : i32
        %add3A_508 = vector.broadcast %add3A_507 : i32 to vector<16xi32>
        %add3A_509 = arith.addi %get3A_506, %add3A_508 : vector<16xi32>
        %swap3A_510 = arith.constant 0 : i32
        %swap3A_511 = arith.index_cast %swap3A_510 : i32 to index
        %swap3A_512 = arith.constant 16 : index
        %swap3A_513 = tpu.vector_load %arg13[%swap3A_511, %swap3A_512] {strides = array<i32>} : memref<9x32xi32, #tpu.memory_space<vmem>>, vector<16xi32>,
        tpu.vector_store %arg13[%swap3A_511, %swap3A_512], %add3A_509 {strides = array<i32>} : memref<9x32xi32, #tpu.memory_space<vmem>>, vector<16xi32>,
        %add3A_514 = arith.constant 10112 : i32
        %add3A_515 = vector.broadcast %add3A_514 : i32 to vector<16xi32>
        %add3A_516 = arith.addi %get3A_506, %add3A_515 : vector<16xi32>
        %swap3A_517 = arith.constant 1 : i32
        %swap3A_518 = arith.index_cast %swap3A_517 : i32 to index
        %swap3A_519 = arith.constant 16 : index
        %swap3A_520 = tpu.vector_load %arg13[%swap3A_518, %swap3A_519] {strides = array<i32>} : memref<9x32xi32, #tpu.memory_space<vmem>>, vector<16xi32>,
        tpu.vector_store %arg13[%swap3A_518, %swap3A_519], %add3A_516 {strides = array<i32>} : memref<9x32xi32, #tpu.memory_space<vmem>>, vector<16xi32>,
        %add3A_521 = arith.constant 20224 : i32
        %add3A_522 = vector.broadcast %add3A_521 : i32 to vector<16xi32>
        %add3A_523 = arith.addi %get3A_506, %add3A_522 : vector<16xi32>
        %swap3A_524 = arith.constant 2 : i32
        %swap3A_525 = arith.index_cast %swap3A_524 : i32 to index
        %swap3A_526 = arith.constant 16 : index
        %swap3A_527 = tpu.vector_load %arg13[%swap3A_525, %swap3A_526] {strides = array<i32>} : memref<9x32xi32, #tpu.memory_space<vmem>>, vector<16xi32>,
        tpu.vector_store %arg13[%swap3A_525, %swap3A_526], %add3A_523 {strides = array<i32>} : memref<9x32xi32, #tpu.memory_space<vmem>>, vector<16xi32>,
        %dma_start3A = arith.constant 0 : i32
        %dma_start3A_528 = arith.constant 0 : i32
        %dma_start3A_529 = arith.constant 0 : i32
        %dma_start3A_530 = arith.constant 0 : i32
        %dma_start3A_531 = arith.constant 0 : i32
        %dma_start3A_532 = tpu.memref_slice %arg9[%dma_start3A, %dma_start3A_530, %dma_start3A_531] : memref<3x32x128xf32, #tpu.memory_space<vmem>> -> memref<1x32x128xf32, #tpu.memory_space<vmem>>
        %dma_start3A_533 = tpu.memref_squeeze %dma_start3A_532 : memref<1x32x128xf32, #tpu.memory_space<vmem>> -> memref<32x128xf32, #tpu.memory_space<vmem>>
        %dma_start3A_534 = arith.constant 0 : i32
        %dma_start3A_535 = tpu.memref_slice %arg8[%dma_start3A_528, %dma_start3A_534] : memref<3x32xi32, #tpu.memory_space<vmem>> -> memref<1x32xi32, #tpu.memory_space<vmem>>
        %dma_start3A_536 = tpu.memref_squeeze %dma_start3A_535 : memref<1x32xi32, #tpu.memory_space<vmem>> -> memref<32xi32, #tpu.memory_space<vmem>>
        %dma_start3A_537 = arith.constant 0 : i32
        %dma_start3A_538 = arith.constant 0 : i32
        %dma_start3A_539 = tpu.memref_slice %arg16[%dma_start3A_537, %dma_start3A_538] : memref<10112x128xf32, #tpu.memory_space<vmem_shared>> -> memref<10112x128xf32, #tpu.memory_space<vmem_shared>>
        %dma_start3A_540 = tpu.memref_slice %arg21[%dma_start3A_529] : memref<3x!tpu.dma_semaphore, #tpu.memory_space<semaphore_mem>> -> memref<1x!tpu.dma_semaphore, #tpu.memory_space<semaphore_mem>>
        %dma_start3A_541 = tpu.memref_squeeze %dma_start3A_540 : memref<1x!tpu.dma_semaphore, #tpu.memory_space<semaphore_mem>> -> memref<!tpu.dma_semaphore, #tpu.memory_space<semaphore_mem>>
        tpu.enqueue_indirect_dma source(%dma_start3A_533 : memref<32x128xf32, #tpu.memory_space<vmem>>) target(%dma_start3A_539 : memref<10112x128xf32, #tpu.memory_space<vmem_shared>>) offsets(%dma_start3A_536 : memref<32xi32, #tpu.memory_space<vmem>>) semaphore(%dma_start3A_541 : memref<!tpu.dma_semaphore, #tpu.memory_space<semaphore_mem>>) {add = true}
        %dma_start3A_542 = arith.constant 0 : i32
        %dma_start3A_543 = arith.constant 0 : i32
        %dma_start3A_544 = arith.constant 0 : i32
        %dma_start3A_545 = arith.constant 0 : i32
        %dma_start3A_546 = tpu.memref_slice %arg12[%dma_start3A_542, %dma_start3A_545] : memref<3x96xf32, #tpu.memory_space<vmem>> -> memref<1x32xf32, #tpu.memory_space<vmem>>
        %dma_start3A_547 = tpu.memref_squeeze %dma_start3A_546 : memref<1x32xf32, #tpu.memory_space<vmem>> -> memref<32xf32, #tpu.memory_space<vmem>>
        %dma_start3A_548 = arith.constant 0 : i32
        %dma_start3A_549 = tpu.memref_slice %arg13[%dma_start3A_543, %dma_start3A_548] : memref<9x32xi32, #tpu.memory_space<vmem>> -> memref<1x32xi32, #tpu.memory_space<vmem>>
        %dma_start3A_550 = tpu.memref_squeeze %dma_start3A_549 : memref<1x32xi32, #tpu.memory_space<vmem>> -> memref<32xi32, #tpu.memory_space<vmem>>
        %dma_start3A_551 = arith.constant 0 : i32
        %dma_start3A_552 = tpu.memref_slice %arg17[%dma_start3A_551] : memref<30720xf32, #tpu.memory_space<vmem_shared>> -> memref<30720xf32, #tpu.memory_space<vmem_shared>>
        %dma_start3A_553 = tpu.memref_slice %arg21[%dma_start3A_544] : memref<3x!tpu.dma_semaphore, #tpu.memory_space<semaphore_mem>> -> memref<1x!tpu.dma_semaphore, #tpu.memory_space<semaphore_mem>>
        %dma_start3A_554 = tpu.memref_squeeze %dma_start3A_553 : memref<1x!tpu.dma_semaphore, #tpu.memory_space<semaphore_mem>> -> memref<!tpu.dma_semaphore, #tpu.memory_space<semaphore_mem>>
        tpu.enqueue_indirect_dma source(%dma_start3A_547 : memref<32xf32, #tpu.memory_space<vmem>>) target(%dma_start3A_552 : memref<30720xf32, #tpu.memory_space<vmem_shared>>) offsets(%dma_start3A_550 : memref<32xi32, #tpu.memory_space<vmem>>) semaphore(%dma_start3A_554 : memref<!tpu.dma_semaphore, #tpu.memory_space<semaphore_mem>>) {add = true}
        %dma_start3A_555 = arith.constant 0 : i32
        %dma_start3A_556 = arith.constant 1 : i32
        %dma_start3A_557 = arith.constant 0 : i32
        %dma_start3A_558 = arith.constant 32 : i32
        %dma_start3A_559 = tpu.memref_slice %arg12[%dma_start3A_555, %dma_start3A_558] : memref<3x96xf32, #tpu.memory_space<vmem>> -> memref<1x32xf32, #tpu.memory_space<vmem>>
        %dma_start3A_560 = tpu.memref_squeeze %dma_start3A_559 : memref<1x32xf32, #tpu.memory_space<vmem>> -> memref<32xf32, #tpu.memory_space<vmem>>
        %dma_start3A_561 = arith.constant 0 : i32
        %dma_start3A_562 = tpu.memref_slice %arg13[%dma_start3A_556, %dma_start3A_561] : memref<9x32xi32, #tpu.memory_space<vmem>> -> memref<1x32xi32, #tpu.memory_space<vmem>>
        %dma_start3A_563 = tpu.memref_squeeze %dma_start3A_562 : memref<1x32xi32, #tpu.memory_space<vmem>> -> memref<32xi32, #tpu.memory_space<vmem>>
        %dma_start3A_564 = arith.constant 0 : i32
        %dma_start3A_565 = tpu.memref_slice %arg17[%dma_start3A_564] : memref<30720xf32, #tpu.memory_space<vmem_shared>> -> memref<30720xf32, #tpu.memory_space<vmem_shared>>
        %dma_start3A_566 = tpu.memref_slice %arg21[%dma_start3A_557] : memref<3x!tpu.dma_semaphore, #tpu.memory_space<semaphore_mem>> -> memref<1x!tpu.dma_semaphore, #tpu.memory_space<semaphore_mem>>
        %dma_start3A_567 = tpu.memref_squeeze %dma_start3A_566 : memref<1x!tpu.dma_semaphore, #tpu.memory_space<semaphore_mem>> -> memref<!tpu.dma_semaphore, #tpu.memory_space<semaphore_mem>>
        tpu.enqueue_indirect_dma source(%dma_start3A_560 : memref<32xf32, #tpu.memory_space<vmem>>) target(%dma_start3A_565 : memref<30720xf32, #tpu.memory_space<vmem_shared>>) offsets(%dma_start3A_563 : memref<32xi32, #tpu.memory_space<vmem>>) semaphore(%dma_start3A_567 : memref<!tpu.dma_semaphore, #tpu.memory_space<semaphore_mem>>) {add = true}
        %dma_start3A_568 = arith.constant 0 : i32
        %dma_start3A_569 = arith.constant 2 : i32
        %dma_start3A_570 = arith.constant 0 : i32
        %dma_start3A_571 = arith.constant 64 : i32
        %dma_start3A_572 = tpu.memref_slice %arg12[%dma_start3A_568, %dma_start3A_571] : memref<3x96xf32, #tpu.memory_space<vmem>> -> memref<1x32xf32, #tpu.memory_space<vmem>>
        %dma_start3A_573 = tpu.memref_squeeze %dma_start3A_572 : memref<1x32xf32, #tpu.memory_space<vmem>> -> memref<32xf32, #tpu.memory_space<vmem>>
        %dma_start3A_574 = arith.constant 0 : i32
        %dma_start3A_575 = tpu.memref_slice %arg13[%dma_start3A_569, %dma_start3A_574] : memref<9x32xi32, #tpu.memory_space<vmem>> -> memref<1x32xi32, #tpu.memory_space<vmem>>
        %dma_start3A_576 = tpu.memref_squeeze %dma_start3A_575 : memref<1x32xi32, #tpu.memory_space<vmem>> -> memref<32xi32, #tpu.memory_space<vmem>>
        %dma_start3A_577 = arith.constant 0 : i32
        %dma_start3A_578 = tpu.memref_slice %arg17[%dma_start3A_577] : memref<30720xf32, #tpu.memory_space<vmem_shared>> -> memref<30720xf32, #tpu.memory_space<vmem_shared>>
        %dma_start3A_579 = tpu.memref_slice %arg21[%dma_start3A_570] : memref<3x!tpu.dma_semaphore, #tpu.memory_space<semaphore_mem>> -> memref<1x!tpu.dma_semaphore, #tpu.memory_space<semaphore_mem>>
        %dma_start3A_580 = tpu.memref_squeeze %dma_start3A_579 : memref<1x!tpu.dma_semaphore, #tpu.memory_space<semaphore_mem>> -> memref<!tpu.dma_semaphore, #tpu.memory_space<semaphore_mem>>
        tpu.enqueue_indirect_dma source(%dma_start3A_573 : memref<32xf32, #tpu.memory_space<vmem>>) target(%dma_start3A_578 : memref<30720xf32, #tpu.memory_space<vmem_shared>>) offsets(%dma_start3A_576 : memref<32xi32, #tpu.memory_space<vmem>>) semaphore(%dma_start3A_580 : memref<!tpu.dma_semaphore, #tpu.memory_space<semaphore_mem>>) {add = true}
      } else {
      }
    }
    %scan3A_88 = arith.constant 53 : i32
    %add3A_89 = arith.constant 4992 : i32
    %add3A_90 = arith.addi %add3A, %add3A_89 : i32
    %lt3A = arith.constant 5000 : i32
    %lt3A_91 = arith.cmpi slt, %add3A_90, %lt3A : i32
    %and3A = arith.constant true
    %and3A_92 = arith.andi %and3A, %lt3A_91 : i1
    %convert_element_type3A = arith.extui %and3A_92 : i1 to i32
    %cond3A = arith.constant 0 : i32
    %cond3A_93 = arith.cmpi ne, %convert_element_type3A, %cond3A : i32
    scf.if %cond3A_93 {
      %dma_wait3A = arith.constant 0 : i32
      %dma_wait3A_98 = arith.constant 0 : i32
      %dma_wait3A_99 = arith.constant 0 : i32
      %dma_wait3A_100 = arith.constant 0 : i32
      %dma_wait3A_101 = arith.constant 0 : i32
      %dma_wait3A_102 = tpu.memref_slice %arg9[%dma_wait3A, %dma_wait3A_100, %dma_wait3A_101] : memref<3x32x128xf32, #tpu.memory_space<vmem>> -> memref<1x32x128xf32, #tpu.memory_space<vmem>>
      %dma_wait3A_103 = tpu.memref_squeeze %dma_wait3A_102 : memref<1x32x128xf32, #tpu.memory_space<vmem>> -> memref<32x128xf32, #tpu.memory_space<vmem>>
      %dma_wait3A_104 = arith.constant 0 : i32
      %dma_wait3A_105 = tpu.memref_slice %arg8[%dma_wait3A_98, %dma_wait3A_104] : memref<3x32xi32, #tpu.memory_space<vmem>> -> memref<1x32xi32, #tpu.memory_space<vmem>>
      %dma_wait3A_106 = tpu.memref_squeeze %dma_wait3A_105 : memref<1x32xi32, #tpu.memory_space<vmem>> -> memref<32xi32, #tpu.memory_space<vmem>>
      %dma_wait3A_107 = arith.constant 0 : i32
      %dma_wait3A_108 = arith.constant 0 : i32
      %dma_wait3A_109 = tpu.memref_slice %arg16[%dma_wait3A_107, %dma_wait3A_108] : memref<10112x128xf32, #tpu.memory_space<vmem_shared>> -> memref<10112x128xf32, #tpu.memory_space<vmem_shared>>
      %dma_wait3A_110 = tpu.memref_slice %arg21[%dma_wait3A_99] : memref<3x!tpu.dma_semaphore, #tpu.memory_space<semaphore_mem>> -> memref<1x!tpu.dma_semaphore, #tpu.memory_space<semaphore_mem>>
      %dma_wait3A_111 = tpu.memref_squeeze %dma_wait3A_110 : memref<1x!tpu.dma_semaphore, #tpu.memory_space<semaphore_mem>> -> memref<!tpu.dma_semaphore, #tpu.memory_space<semaphore_mem>>
      tpu.wait_indirect_dma semaphore(%dma_wait3A_111 : memref<!tpu.dma_semaphore, #tpu.memory_space<semaphore_mem>>) src(%dma_wait3A_103 : memref<32x128xf32, #tpu.memory_space<vmem>>) dst(%dma_wait3A_109 : memref<10112x128xf32, #tpu.memory_space<vmem_shared>>)
      %dma_wait3A_112 = arith.constant 0 : i32
      %dma_wait3A_113 = arith.constant 0 : i32
      %dma_wait3A_114 = arith.constant 0 : i32
      %dma_wait3A_115 = arith.constant 0 : i32
      %dma_wait3A_116 = tpu.memref_slice %arg12[%dma_wait3A_112, %dma_wait3A_115] : memref<3x96xf32, #tpu.memory_space<vmem>> -> memref<1x32xf32, #tpu.memory_space<vmem>>
      %dma_wait3A_117 = tpu.memref_squeeze %dma_wait3A_116 : memref<1x32xf32, #tpu.memory_space<vmem>> -> memref<32xf32, #tpu.memory_space<vmem>>
      %dma_wait3A_118 = arith.constant 0 : i32
      %dma_wait3A_119 = tpu.memref_slice %arg13[%dma_wait3A_113, %dma_wait3A_118] : memref<9x32xi32, #tpu.memory_space<vmem>> -> memref<1x32xi32, #tpu.memory_space<vmem>>
      %dma_wait3A_120 = tpu.memref_squeeze %dma_wait3A_119 : memref<1x32xi32, #tpu.memory_space<vmem>> -> memref<32xi32, #tpu.memory_space<vmem>>
      %dma_wait3A_121 = arith.constant 0 : i32
      %dma_wait3A_122 = tpu.memref_slice %arg17[%dma_wait3A_121] : memref<30720xf32, #tpu.memory_space<vmem_shared>> -> memref<30720xf32, #tpu.memory_space<vmem_shared>>
      %dma_wait3A_123 = tpu.memref_slice %arg21[%dma_wait3A_114] : memref<3x!tpu.dma_semaphore, #tpu.memory_space<semaphore_mem>> -> memref<1x!tpu.dma_semaphore, #tpu.memory_space<semaphore_mem>>
      %dma_wait3A_124 = tpu.memref_squeeze %dma_wait3A_123 : memref<1x!tpu.dma_semaphore, #tpu.memory_space<semaphore_mem>> -> memref<!tpu.dma_semaphore, #tpu.memory_space<semaphore_mem>>
      tpu.wait_indirect_dma semaphore(%dma_wait3A_124 : memref<!tpu.dma_semaphore, #tpu.memory_space<semaphore_mem>>) src(%dma_wait3A_117 : memref<32xf32, #tpu.memory_space<vmem>>) dst(%dma_wait3A_122 : memref<30720xf32, #tpu.memory_space<vmem_shared>>)
      %dma_wait3A_125 = arith.constant 0 : i32
      %dma_wait3A_126 = arith.constant 1 : i32
      %dma_wait3A_127 = arith.constant 0 : i32
      %dma_wait3A_128 = arith.constant 32 : i32
      %dma_wait3A_129 = tpu.memref_slice %arg12[%dma_wait3A_125, %dma_wait3A_128] : memref<3x96xf32, #tpu.memory_space<vmem>> -> memref<1x32xf32, #tpu.memory_space<vmem>>
      %dma_wait3A_130 = tpu.memref_squeeze %dma_wait3A_129 : memref<1x32xf32, #tpu.memory_space<vmem>> -> memref<32xf32, #tpu.memory_space<vmem>>
      %dma_wait3A_131 = arith.constant 0 : i32
      %dma_wait3A_132 = tpu.memref_slice %arg13[%dma_wait3A_126, %dma_wait3A_131] : memref<9x32xi32, #tpu.memory_space<vmem>> -> memref<1x32xi32, #tpu.memory_space<vmem>>
      %dma_wait3A_133 = tpu.memref_squeeze %dma_wait3A_132 : memref<1x32xi32, #tpu.memory_space<vmem>> -> memref<32xi32, #tpu.memory_space<vmem>>
      %dma_wait3A_134 = arith.constant 0 : i32
      %dma_wait3A_135 = tpu.memref_slice %arg17[%dma_wait3A_134] : memref<30720xf32, #tpu.memory_space<vmem_shared>> -> memref<30720xf32, #tpu.memory_space<vmem_shared>>
      %dma_wait3A_136 = tpu.memref_slice %arg21[%dma_wait3A_127] : memref<3x!tpu.dma_semaphore, #tpu.memory_space<semaphore_mem>> -> memref<1x!tpu.dma_semaphore, #tpu.memory_space<semaphore_mem>>
      %dma_wait3A_137 = tpu.memref_squeeze %dma_wait3A_136 : memref<1x!tpu.dma_semaphore, #tpu.memory_space<semaphore_mem>> -> memref<!tpu.dma_semaphore, #tpu.memory_space<semaphore_mem>>
      tpu.wait_indirect_dma semaphore(%dma_wait3A_137 : memref<!tpu.dma_semaphore, #tpu.memory_space<semaphore_mem>>) src(%dma_wait3A_130 : memref<32xf32, #tpu.memory_space<vmem>>) dst(%dma_wait3A_135 : memref<30720xf32, #tpu.memory_space<vmem_shared>>)
      %dma_wait3A_138 = arith.constant 0 : i32
      %dma_wait3A_139 = arith.constant 2 : i32
      %dma_wait3A_140 = arith.constant 0 : i32
      %dma_wait3A_141 = arith.constant 64 : i32
      %dma_wait3A_142 = tpu.memref_slice %arg12[%dma_wait3A_138, %dma_wait3A_141] : memref<3x96xf32, #tpu.memory_space<vmem>> -> memref<1x32xf32, #tpu.memory_space<vmem>>
      %dma_wait3A_143 = tpu.memref_squeeze %dma_wait3A_142 : memref<1x32xf32, #tpu.memory_space<vmem>> -> memref<32xf32, #tpu.memory_space<vmem>>
      %dma_wait3A_144 = arith.constant 0 : i32
      %dma_wait3A_145 = tpu.memref_slice %arg13[%dma_wait3A_139, %dma_wait3A_144] : memref<9x32xi32, #tpu.memory_space<vmem>> -> memref<1x32xi32, #tpu.memory_space<vmem>>
      %dma_wait3A_146 = tpu.memref_squeeze %dma_wait3A_145 : memref<1x32xi32, #tpu.memory_space<vmem>> -> memref<32xi32, #tpu.memory_space<vmem>>
      %dma_wait3A_147 = arith.constant 0 : i32
      %dma_wait3A_148 = tpu.memref_slice %arg17[%dma_wait3A_147] : memref<30720xf32, #tpu.memory_space<vmem_shared>> -> memref<30720xf32, #tpu.memory_space<vmem_shared>>
      %dma_wait3A_149 = tpu.memref_slice %arg21[%dma_wait3A_140] : memref<3x!tpu.dma_semaphore, #tpu.memory_space<semaphore_mem>> -> memref<1x!tpu.dma_semaphore, #tpu.memory_space<semaphore_mem>>
      %dma_wait3A_150 = tpu.memref_squeeze %dma_wait3A_149 : memref<1x!tpu.dma_semaphore, #tpu.memory_space<semaphore_mem>> -> memref<!tpu.dma_semaphore, #tpu.memory_space<semaphore_mem>>
      tpu.wait_indirect_dma semaphore(%dma_wait3A_150 : memref<!tpu.dma_semaphore, #tpu.memory_space<semaphore_mem>>) src(%dma_wait3A_143 : memref<32xf32, #tpu.memory_space<vmem>>) dst(%dma_wait3A_148 : memref<30720xf32, #tpu.memory_space<vmem_shared>>)
    } else {
    }
    %barrier3A_94 = arith.constant 0 : index
    tpu.barrier barrier_id(%barrier3A_94)
    "tpu.region"() ({
      %run_scoped3A_98 = tpu.sem_alloc : memref<!tpu.dma_semaphore, #tpu.memory_space<semaphore_mem>>
      %dma_start3A = arith.constant 0 : i32
      %dma_start3A_99 = tpu.memref_slice %arg6[%arg0, %mul3A_16, %dma_start3A] : memref<2x10112x128xf32, #tpu.memory_space<hbm>> -> memref<1x632x128xf32, #tpu.memory_space<hbm>>
      %dma_start3A_100 = tpu.memref_squeeze %dma_start3A_99 : memref<1x632x128xf32, #tpu.memory_space<hbm>> -> memref<632x128xf32, #tpu.memory_space<hbm>>
      %dma_start3A_101 = arith.constant 0 : i32
      %dma_start3A_102 = tpu.memref_slice %arg16[%mul3A_16, %dma_start3A_101] : memref<10112x128xf32, #tpu.memory_space<vmem_shared>> -> memref<632x128xf32, #tpu.memory_space<vmem_shared>>
      tpu.enqueue_dma source(%dma_start3A_102 : memref<632x128xf32, #tpu.memory_space<vmem_shared>>) target(%dma_start3A_100 : memref<632x128xf32, #tpu.memory_space<hbm>>) target_semaphore(%run_scoped3A_98 : memref<!tpu.dma_semaphore, #tpu.memory_space<semaphore_mem>>)
      %dma_wait3A = arith.constant 0 : i32
      %dma_wait3A_103 = tpu.memref_slice %arg6[%arg0, %mul3A_16, %dma_wait3A] : memref<2x10112x128xf32, #tpu.memory_space<hbm>> -> memref<1x632x128xf32, #tpu.memory_space<hbm>>
      %dma_wait3A_104 = tpu.memref_squeeze %dma_wait3A_103 : memref<1x632x128xf32, #tpu.memory_space<hbm>> -> memref<632x128xf32, #tpu.memory_space<hbm>>
      %dma_wait3A_105 = arith.constant 0 : i32
      %dma_wait3A_106 = tpu.memref_slice %arg16[%mul3A_16, %dma_wait3A_105] : memref<10112x128xf32, #tpu.memory_space<vmem_shared>> -> memref<632x128xf32, #tpu.memory_space<vmem_shared>>
      tpu.wait_dma2 semaphore(%run_scoped3A_98 : memref<!tpu.dma_semaphore, #tpu.memory_space<semaphore_mem>>) src(%dma_wait3A_106 : memref<632x128xf32, #tpu.memory_space<vmem_shared>>) dst(%dma_wait3A_104 : memref<632x128xf32, #tpu.memory_space<hbm>>)
      tpu.yield
    }) : () -> ()
    %mul3A_95 = arith.constant 30720 : i32
    %mul3A_96 = arith.muli %arg0, %mul3A_95 : i32
    %add3A_97 = arith.addi %mul3A_96, %mul3A_77 : i32
    "tpu.region"() ({
      %run_scoped3A_98 = tpu.sem_alloc : memref<!tpu.dma_semaphore, #tpu.memory_space<semaphore_mem>>
      %dma_start3A = tpu.memref_slice %arg7[%add3A_97] : memref<61440xf32, #tpu.memory_space<hbm>> -> memref<1920xf32, #tpu.memory_space<hbm>>
      %dma_start3A_99 = tpu.memref_slice %arg17[%mul3A_77] : memref<30720xf32, #tpu.memory_space<vmem_shared>> -> memref<1920xf32, #tpu.memory_space<vmem_shared>>
      tpu.enqueue_dma source(%dma_start3A_99 : memref<1920xf32, #tpu.memory_space<vmem_shared>>) target(%dma_start3A : memref<1920xf32, #tpu.memory_space<hbm>>) target_semaphore(%run_scoped3A_98 : memref<!tpu.dma_semaphore, #tpu.memory_space<semaphore_mem>>)
      %dma_wait3A = tpu.memref_slice %arg7[%add3A_97] : memref<61440xf32, #tpu.memory_space<hbm>> -> memref<1920xf32, #tpu.memory_space<hbm>>
      %dma_wait3A_100 = tpu.memref_slice %arg17[%mul3A_77] : memref<30720xf32, #tpu.memory_space<vmem_shared>> -> memref<1920xf32, #tpu.memory_space<vmem_shared>>
      tpu.wait_dma2 semaphore(%run_scoped3A_98 : memref<!tpu.dma_semaphore, #tpu.memory_space<semaphore_mem>>) src(%dma_wait3A_100 : memref<1920xf32, #tpu.memory_space<vmem_shared>>) dst(%dma_wait3A : memref<1920xf32, #tpu.memory_space<hbm>>)
      tpu.yield
    }) : () -> ()
    return
  }
}

module attributes {stable_mosaic.version = 14 : i64} {
  func.func @_combine_body(%arg0: i32, %arg1: memref<1000x128xf32, #tpu.memory_space<vmem>>, %arg2: memref<2x1000x128xf32, #tpu.memory_space<vmem>>, %arg3: memref<2x3x1024xf32, #tpu.memory_space<vmem>>, %arg4: memref<1000x128xf32, #tpu.memory_space<vmem>>, %arg5: memref<10x1024xf32, #tpu.memory_space<vmem>>) attributes {dimension_semantics = [#tpu.dimension_semantics<arbitrary>], iteration_bounds = array<i64: 10>, scalar_prefetch = 0 : i64, scratch_operands = 0 : i64, tpu.core_type = #tpu.core_type<tc>, window_params = [{transform_indices = @transform_0, window_bounds = array<i64: 1000, 128>}, {transform_indices = @transform_1, window_bounds = array<i64: 2, 1000, 128>}, {transform_indices = @transform_2, window_bounds = array<i64: 2, 3, 1024>}, {transform_indices = @transform_3, window_bounds = array<i64: 1000, 128>}, {pipeline_mode = #tpu.pipeline_mode<synchronous>, transform_indices = @transform_4, window_bounds = array<i64: 10, 1024>}]} {
    %get3A = arith.constant 0 : index
    %get3A_0 = arith.constant 0 : index
    %get3A_1 = arith.constant 0 : index
    %get3A_2 = vector.load %arg2[%get3A, %get3A_0, %get3A_1] : memref<2x1000x128xf32, #tpu.memory_space<vmem>>, vector<1x1000x128xf32>
    %get3A_3 = vector.shape_cast %get3A_2 : vector<1x1000x128xf32> to vector<1000x128xf32>
    %get3A_4 = arith.constant 1 : index
    %get3A_5 = arith.constant 0 : index
    %get3A_6 = arith.constant 0 : index
    %get3A_7 = vector.load %arg2[%get3A_4, %get3A_5, %get3A_6] : memref<2x1000x128xf32, #tpu.memory_space<vmem>>, vector<1x1000x128xf32>
    %get3A_8 = vector.shape_cast %get3A_7 : vector<1x1000x128xf32> to vector<1000x128xf32>
    %add3A = arith.addf %get3A_3, %get3A_8 : vector<1000x128xf32>
    %get3A_9 = arith.constant 0 : index
    %get3A_10 = arith.constant 0 : index
    %get3A_11 = vector.load %arg1[%get3A_9, %get3A_10] : memref<1000x128xf32, #tpu.memory_space<vmem>>, vector<1000x128xf32>
    %mul3A = arith.mulf %get3A_11, %add3A : vector<1000x128xf32>
    %swap3A = arith.constant 0 : index
    %swap3A_12 = arith.constant 0 : index
    %swap3A_13 = vector.load %arg4[%swap3A, %swap3A_12] : memref<1000x128xf32, #tpu.memory_space<vmem>>, vector<1000x128xf32>
    tpu.vector_store %arg4[%swap3A, %swap3A_12], %mul3A {strides = array<i32>} : memref<1000x128xf32, #tpu.memory_space<vmem>>, vector<1000x128xf32>,
    %get3A_14 = arith.constant 0 : index
    %get3A_15 = arith.constant 0 : index
    %get3A_16 = arith.constant 0 : index
    %get3A_17 = vector.load %arg3[%get3A_14, %get3A_15, %get3A_16] : memref<2x3x1024xf32, #tpu.memory_space<vmem>>, vector<1x3x1024xf32>
    %get3A_18 = vector.shape_cast %get3A_17 : vector<1x3x1024xf32> to vector<3x1024xf32>
    %get3A_19 = arith.constant 1 : index
    %get3A_20 = arith.constant 0 : index
    %get3A_21 = arith.constant 0 : index
    %get3A_22 = vector.load %arg3[%get3A_19, %get3A_20, %get3A_21] : memref<2x3x1024xf32, #tpu.memory_space<vmem>>, vector<1x3x1024xf32>
    %get3A_23 = vector.shape_cast %get3A_22 : vector<1x3x1024xf32> to vector<3x1024xf32>
    %add3A_24 = arith.addf %get3A_18, %get3A_23 : vector<3x1024xf32>
    %slice3A = vector.extract_strided_slice %add3A_24 {offsets = [0, 0], sizes = [1, 1024], strides = [1, 1]} : vector<3x1024xf32> to vector<1x1024xf32>
    %squeeze3A = vector.shape_cast %slice3A : vector<1x1024xf32> to vector<1024xf32>
    %slice3A_25 = vector.extract_strided_slice %add3A_24 {offsets = [0, 0], sizes = [1, 1024], strides = [1, 1]} : vector<3x1024xf32> to vector<1x1024xf32>
    %squeeze3A_26 = vector.shape_cast %slice3A_25 : vector<1x1024xf32> to vector<1024xf32>
    %mul3A_27 = arith.mulf %squeeze3A, %squeeze3A_26 : vector<1024xf32>
    %slice3A_28 = vector.extract_strided_slice %add3A_24 {offsets = [1, 0], sizes = [1, 1024], strides = [1, 1]} : vector<3x1024xf32> to vector<1x1024xf32>
    %squeeze3A_29 = vector.shape_cast %slice3A_28 : vector<1x1024xf32> to vector<1024xf32>
    %slice3A_30 = vector.extract_strided_slice %add3A_24 {offsets = [1, 0], sizes = [1, 1024], strides = [1, 1]} : vector<3x1024xf32> to vector<1x1024xf32>
    %squeeze3A_31 = vector.shape_cast %slice3A_30 : vector<1x1024xf32> to vector<1024xf32>
    %mul3A_32 = arith.mulf %squeeze3A_29, %squeeze3A_31 : vector<1024xf32>
    %add3A_33 = arith.addf %mul3A_27, %mul3A_32 : vector<1024xf32>
    %slice3A_34 = vector.extract_strided_slice %add3A_24 {offsets = [2, 0], sizes = [1, 1024], strides = [1, 1]} : vector<3x1024xf32> to vector<1x1024xf32>
    %squeeze3A_35 = vector.shape_cast %slice3A_34 : vector<1x1024xf32> to vector<1024xf32>
    %slice3A_36 = vector.extract_strided_slice %add3A_24 {offsets = [2, 0], sizes = [1, 1024], strides = [1, 1]} : vector<3x1024xf32> to vector<1x1024xf32>
    %squeeze3A_37 = vector.shape_cast %slice3A_36 : vector<1x1024xf32> to vector<1024xf32>
    %mul3A_38 = arith.mulf %squeeze3A_35, %squeeze3A_37 : vector<1024xf32>
    %add3A_39 = arith.addf %add3A_33, %mul3A_38 : vector<1024xf32>
    %sqrt3A = math.sqrt %add3A_39 : vector<1024xf32>
    %swap3A_40 = arith.index_cast %arg0 : i32 to index
    %swap3A_41 = arith.constant 0 : index
    %swap3A_42 = vector.load %arg5[%swap3A_40, %swap3A_41] : memref<10x1024xf32, #tpu.memory_space<vmem>>, vector<1x1024xf32>
    %swap3A_43 = vector.shape_cast %swap3A_42 : vector<1x1024xf32> to vector<1024xf32>
    %swap3A_44 = vector.shape_cast %sqrt3A : vector<1024xf32> to vector<1x1024xf32>
    tpu.vector_store %arg5[%swap3A_40, %swap3A_41], %swap3A_44 {strides = array<i32>} : memref<10x1024xf32, #tpu.memory_space<vmem>>, vector<1x1024xf32>,
    return
  }
  func.func @transform_0(%arg0: i32) -> (i32, i32) {
    %c0_i32 = arith.constant 0 : i32
    %c0_i32_0 = arith.constant 0 : i32
    return %arg0, %c0_i32 : i32, i32
  }
  func.func @transform_1(%arg0: i32) -> (i32, i32, i32) {
    %c0_i32 = arith.constant 0 : i32
    %c0_i32_0 = arith.constant 0 : i32
    %c0_i32_1 = arith.constant 0 : i32
    return %c0_i32, %arg0, %c0_i32_0 : i32, i32, i32
  }
  func.func @transform_2(%arg0: i32) -> (i32, i32, i32) {
    %c0_i32 = arith.constant 0 : i32
    %c0_i32_0 = arith.constant 0 : i32
    %c0_i32_1 = arith.constant 0 : i32
    return %c0_i32, %c0_i32_0, %arg0 : i32, i32, i32
  }
  func.func @transform_3(%arg0: i32) -> (i32, i32) {
    %c0_i32 = arith.constant 0 : i32
    %c0_i32_0 = arith.constant 0 : i32
    return %arg0, %c0_i32 : i32, i32
  }
  func.func @transform_4(%arg0: i32) -> (i32, i32) {
    %c0_i32 = arith.constant 0 : i32
    %c0_i32_0 = arith.constant 0 : i32
    %c0_i32_1 = arith.constant 0 : i32
    return %c0_i32, %c0_i32_0 : i32, i32
  }
}

</mosaic_0001>

<sc_bundles>
// kernel: kernel.4.cloned.1.call-start
scs
__scs_entry_jumppad:
0x0: {  	(pc) =	sbr.rel $0x88, $3  }
0x1: {  	(tag) =	ssettag $0x0;
	lr =	simm.s32 $0x1  }
0x2: {  	[smem:$0x3F9D] =	sst lr;
	_ =	strace $0xD0000000  }
0x3: {  	_ = 	snop  }
0x4: {  	_ = 	snop  }
0x5: {  	_ = 	snop  }
0x6: {  	_ = 	snop  }
0x7: {  	_ = 	snop  }
__scs_overlays_trampoline_lowered:
0x8: {  	[smem:$0x3FAC] =	sst s0  }
0x9: {  	[smem:$0x3FAD] =	sst s1  }
0xa: {  	[smem:$0x3FAE] =	sst s2  }
0xb: {  	[smem:$0x3FAF] =	sst s3  }
0xc: {  	[smem:$0x3FB0] =	sst s4  }
0xd: {  	[smem:$0x3FB1] =	sst s5  }
0xe: {  	[smem:$0x3FB2] =	sst s6  }
0xf: {  	[smem:$0x3FB3] =	sst s7  }
0x10: {  	[smem:$0x3FB4] =	sst s8  }
0x11: {  	[smem:$0x3FB5] =	sst s9;
	s0 =	simm.s32 @!p0 $0x0  }
0x12: {  	s1 =	sld [smem:$0x3F9B];
	s0 =	simm.s32 @p0 $0x1  }
0x13: {  	[smem:$0x3FB6] =	sst s0;
	s0 =	simm.s32 @!p1 $0x0  }
0x14: {  	s2 =	sld [smem:$0x3F9A];
	s0 =	simm.s32 @p1 $0x1  }
0x15: {  	[smem:$0x3FB7] =	sst s0;
	s0 =	simm.s32 @!p2 $0x0  }
0x16: {  	s3 =	sld [smem:$0x3FDB];
	s0 =	simm.s32 @p2 $0x1  }
0x17: {  	s4 =	simm.s32 $0x1BF5;
	[smem:$0x3FB9] =	sst s0  }
0x18: {  	s0 =	sld [smem:$0x3F9C];
	_ =	swait.ge [sflag:s4], $0x0  }
0x19: {  	s7 =	sld [smem:$0x3F9D]  }
0x1a: {  	s8 =	sadd.s32 $0xFFFFE003, lr  }
0x1b: {  	s9 =	sadd.s32 $0xFFFFFEF7, lr;
	s5 =	simm.s32 $0xFFFFFFFF;
	p2 =	slt.u32 s8, $0xFFFFF086  }
0x1c: {  	p1 =	slt.u32 s9, $0xF7A;
	s5 =	simm.s32 @!p2 $0x0  }
0x1d: {  	s5 =	simm.s32 @p1 $0x1;
	p0 =	seq.s32 s7, s2  }
0x1e: {  	s7 =	smul.u32 @!p0 $0xF7A, s2;
	p2 =	seq.s32 @!p0 s5, $0x0  }
0x1f: {  	s9 =	smul.u32 $0xF7A, s1;
	s8 =	simm.s32 @!p0 $0x1BF5;
	p2 =	por !p2, p0  }
0x20: {  	[sflag:s8] =	ssyncset.s32 @!p0 $0xFFFFF086;
	s6 =	sadd.s32 @!p0 s3, s7;
	s7 =	simm.s32 @!p0 $0x108  }
0x21: {  	s3 =	sadd.s32 s3, s9;
	s6 =	sadd.s32 @!p0 $0x88, s6;
	s7 =	simm.s32 @p2 $0x1082  }
0x22: {  	[simem:s7], [sflag:s8] =	dma.local @!p0 [hbm:s6], $0xF7A  }
0x23: {  	s9 =	sor.u32 $0xD0000000, s2;
	s6 =	simm.s32 $0x108;
	_ =	swait.ge @!p0 [sflag:s8], $0x0  }
0x24: {  	s3 =	sadd.s32 $0x88, s3;
	s6 =	simm.s32 @!p1 $0x1082;
	[sflag:s4] =	ssyncset.s32 $0xFFFFF086  }
0x25: {  	[simem:s6], [sflag:s4] =	dma.local [hbm:s3], $0xF7A  }
0x26: {  	[smem:$0x3F9D] =	sst s1;
	(tag) =	ssettag s2;
	_ =	strace s9  }
0x27: {  	s1 =	sld [smem:$0x3FAD]  }
0x28: {  	s2 =	sld [smem:$0x3FAE]  }
0x29: {  	s4 =	sld [smem:$0x3FB0]  }
0x2a: {  	p0 =	seq.s32 s5, $0x0;
	s5 =	sld [smem:$0x3FB1]  }
0x2b: {  	s6 =	sld [smem:$0x3FB2]  }
0x2c: {  	s7 =	sld [smem:$0x3FB3]  }
0x2d: {  	s3 =	simm.s32 $0x108;
	s8 =	sld [smem:$0x3FB4]  }
0x2e: {  	s3 =	simm.s32 @!p0 $0x1082;
	s9 =	sld [smem:$0x3FB5]  }
0x2f: {  	lr =	sadd.s32 s0, s3;
	s0 =	sld [smem:$0x3FAC]  }
0x30: {  	s3 =	sld [smem:$0x3FAF]  }
0x31: {  	[smem:$0x3FB8] =	sst s10  }
0x32: {  	s10 =	sld [smem:$0x3FB6];
	_ =	sdelay $0x3  }
0x33: {  	p0 =	seq.s32 s10, $0x1;
	s10 =	sld [smem:$0x3FB8];
	_ =	sdelay $0x3  }
0x34: {  	[smem:$0x3FB8] =	sst s10  }
0x35: {  	s10 =	sld [smem:$0x3FB7];
	_ =	sdelay $0x3  }
0x36: {  	p1 =	seq.s32 s10, $0x1;
	s10 =	sld [smem:$0x3FB8];
	_ =	sdelay $0x3  }
0x37: {  	[smem:$0x3FB8] =	sst s10  }
0x38: {  	s10 =	sld [smem:$0x3FB9]  }
0x39: {  	_ = 	snop;
	(pc) =	sbr.ind lr, $3  }
0x3a: {  	_ = 	snop  }
0x3b: {  	_ = 	snop  }
0x3c: {  	p2 =	seq.s32 s10, $0x1;
	s10 =	sld [smem:$0x3FB8]  }
0x3d: {  	_ =	shalt  }
0x3e: {  	_ =	shalt  }
0x3f: {  	_ =	shalt  }
0x40: {  	_ =	shalt  }
0x41: {  	_ =	shalt  }
0x42: {  	_ =	shalt  }
0x43: {  	_ =	shalt  }
0x44: {  	_ =	shalt  }
0x45: {  	_ =	shalt  }
0x46: {  	_ =	shalt  }
0x47: {  	_ =	shalt  }
0x48: {  	_ =	shalt  }
0x49: {  	_ =	shalt  }
0x4a: {  	_ =	shalt  }
0x4b: {  	_ =	shalt  }
0x4c: {  	_ =	shalt  }
0x4d: {  	_ =	shalt  }
0x4e: {  	_ =	shalt  }
0x4f: {  	_ =	shalt  }
0x50: {  	_ =	shalt  }
0x51: {  	_ =	shalt  }
0x52: {  	_ =	shalt  }
0x53: {  	_ =	shalt  }
0x54: {  	_ =	shalt  }
0x55: {  	_ =	shalt  }
0x56: {  	_ =	shalt  }
0x57: {  	_ =	shalt  }
0x58: {  	_ =	shalt  }
0x59: {  	_ =	shalt  }
0x5a: {  	_ =	shalt  }
0x5b: {  	_ =	shalt  }
0x5c: {  	_ =	shalt  }
0x5d: {  	_ =	shalt  }
0x5e: {  	_ =	shalt  }
0x5f: {  	_ =	shalt  }
0x60: {  	_ =	shalt  }
0x61: {  	_ =	shalt  }
0x62: {  	_ =	shalt  }
0x63: {  	_ =	shalt  }
0x64: {  	_ =	shalt  }
0x65: {  	_ =	shalt  }
0x66: {  	_ =	shalt  }
0x67: {  	_ =	shalt  }
0x68: {  	_ =	shalt  }
0x69: {  	_ =	shalt  }
0x6a: {  	_ =	shalt  }
0x6b: {  	_ =	shalt  }
0x6c: {  	_ =	shalt  }
0x6d: {  	_ =	shalt  }
0x6e: {  	_ =	shalt  }
0x6f: {  	_ =	shalt  }
0x70: {  	_ =	shalt  }
0x71: {  	_ =	shalt  }
0x72: {  	_ =	shalt  }
0x73: {  	_ =	shalt  }
0x74: {  	_ =	shalt  }
0x75: {  	_ =	shalt  }
0x76: {  	_ =	shalt  }
0x77: {  	_ =	shalt  }
0x78: {  	_ =	shalt  }
0x79: {  	_ =	shalt  }
0x7a: {  	_ =	shalt  }
0x7b: {  	_ =	shalt  }
0x7c: {  	_ =	shalt  }
0x7d: {  	_ =	shalt  }
0x7e: {  	_ =	shalt  }
0x7f: {  	_ =	shalt  }
0x80: {  	_ =	shalt  }
0x81: {  	_ =	shalt  }
0x82: {  	_ =	shalt  }
0x83: {  	_ =	shalt  }
0x84: {  	_ =	shalt  }
0x85: {  	_ =	shalt  }
0x86: {  	_ =	shalt  }
0x87: {  	_ =	shalt  }
.Lfunc_end0:
.L_simem_size_0:
called_computation_lowered:
.L_overlay_start_0:
0x88: {  	s2 =	sld [smem:$0x3FD9]  }
0x89: {  	s3 =	sld [smem:$0x3FFE];
	_ =	sdelay $0x1  }
0x8a: {  	s1 =	srdreg.scid  }
0x8b: {  	s0 =	sand.u32 $0x1, s1  }
0x8c: {  	s14 =	sshll.u32 s0, $0xA;
	s2 =	sadd.s32 s3, s2  }
0x8d: {  	s2 =	sadd.s32 s2, s14  }
0x8e: {  	[smem:$0x3FC4] =	sst s2  }
0x8f: {  	_ = 	snop  }
0x90: {  	s2 =	sld [smem:$0x3FD0];
	_ =	sdelay $0x1  }
0x91: {  	s15 =	sld [smem:$0x3FC9]  }
0x92: {  	s5 =	simm.s32 $0xA;
	s6 =	simm.s32 $0x10;
	s4 =	sld [smem:$0x3FC7]  }
0x93: {  	[smem:s6], [sflag:s5] =	dma.local [hbm:s2], $0x1  }
0x94: {  	_ =	swait.eq [sflag:s5], $0x1  }
0x95: {  	[sflag:s5] =	ssyncset.done $0x0  }
0x96: {  	[sflag:s5] =	ssyncadd.s32 $0xFFFFFFFF  }
0x97: {  	s16 =	sld [smem:$0x10];
	(tm) =	ssettm $0x1  }
0x98: {  	s17 =	sld [smem:$0x3FFB];
	_ =	sdelay $0x3  }
0x99: {  	_ =	strace s17  }
0x9a: {  	s5 =	sld [smem:$0x3FFC];
	_ =	sdelay $0x3  }
0x9b: {  	_ =	strace s5  }
0x9c: {  	s5 =	sld [smem:$0x3FFD];
	_ =	sdelay $0x3  }
0x9d: {  	_ =	strace s5  }
0x9e: {  	_ =	strace $0x8FFFFFFF  }
0x9f: {  	s18 =	sld [smem:$0x3FDB];
	_ =	sdelay $0x1  }
0xa0: {  	s19 =	simm.s32 $_scs_section_size  }
0xa1: {  	s7 =	simm.s32 $_size__tile_overlayer_lowered;
	s8 =	simm.s32 $_tile_overlayer_lowered  }
0xa2: {  	s22 =	simm.s32 $0x1BFF;
	s21 =	sshll.u32 s8, $0x1;
	s5 =	sadd.s32 s19, s18  }
0xa3: {  	s9 =	simm.s32 $0x0;
	s20 =	sshll.u32 s7, $0x1;
	s7 =	sadd.s32 s21, s5  }
0xa4: {  	[timem:s9], [sflag:s22] =	dma.local [hbm:s7], s20  }
0xa5: {  	_ =	swait.ge [sflag:s22], s20  }
0xa6: {  	s6 =	ssub.s32 $0x0, s20;
	[sflag:s22] =	ssyncset.done $0x0  }
0xa7: {  	[sflag:s22] =	ssyncadd.s32 s6;
	_ =	sdelay $0x1  }
0xa8: {  	s23 =	simm.s32 $0x1B8B  }
0xa9: {  	_ =	swait.ge [sflag:s23], $0x1  }
0xaa: {  	[sflag:s23] =	ssyncset.done $0x0  }
0xab: {  	s25 =	simm.s32 $0x1B8E;
	s24 =	sld [smem:$0x3FFE];
	[sflag:s23] =	ssyncadd.s32 $0xFFFFFFFF  }
0xac: {  	s26 =	simm.s32 $execute0_lowered;
	[smem:$0x3FD2] =	sst s25  }
0xad: {  	s7 =	sshll.u32 s26, $0x1;
	_ =	strace $0x80000046;
	[dreg:$0x1] =	wrdreg $0xFFFFFFFF  }
0xae: {  	s28 =	simm.s32 $_size_execute0_lowered;
	s5 =	sadd.s32 s5, s7;
	[dreg:$0x0] =	wrdreg $0x0  }
0xaf: {  	s7 =	sshll.u32 s28, $0x1;
	[dreg:$0x2] =	wrdreg s5  }
0xb0: {  	[dreg:$0x3] =	wrdreg s7  }
0xb1: {  	[dreg:$0x4] =	wrdreg $0xC0  }
0xb2: {  	_ =	task [dreg:s9], $0x5FFFF  }
0xb3: {  	[dreg:$0x1] =	wrdreg $0xFFFFFFFF  }
0xb4: {  	[dreg:$0x0] =	wrdreg $0x60  }
0xb5: {  	[dreg:$0x2] =	wrdreg s15  }
0xb6: {  	[dreg:$0x3] =	wrdreg s24  }
0xb7: {  	[dreg:$0x4] =	wrdreg s4  }
0xb8: {  	[dreg:$0x5] =	wrdreg s16  }
0xb9: {  	[dreg:$0x6] =	wrdreg $0x71000  }
0xba: {  	[dreg:$0x7] =	wrdreg $0x1AD000  }
0xbb: {  	[dreg:$0x8] =	wrdreg $0x9  }
0xbc: {  	_ =	task.clear_ibuf [dreg:s9], $0x9FFFF;
	_ =	strace $0x90000046  }
0xbd: {  	s29 =	simm.s32 $0x9;
	_ =	strace $0x80000048  }
0xbe: {  	_ =	swait.ge [sflag:s29], $0x1  }
0xbf: {  	[sflag:s29] =	ssyncadd.s32 $0xFFFFFFFF  }
0xc0: {  	_ =	strace $0x90000048  }
0xc1: {  	_ =	sfence  }
0xc2: {  	s30 =	sld [smem:$0x0];
	_ =	sdelay $0x2  }
0xc3: {  	s31 =	sshll.u32 s1, $0xD;
	s1 =	sshrl.u32 s1, $0x2  }
0xc4: {  	s3 =	sand.u32 $0x4000, s31;
	s1 =	sadd.s32 s1, s30  }
0xc5: {  	s0 =	sor.u32 s3, s0;
	s1 =	sshll.u32 s1, $0x11  }
0xc6: {  	s0 =	sor.u32 s1, s0  }
0xc7: {  	s0 =	sadd.s32 $0x8F2B, s0  }
0xc8: {  	[sflag:s0] =	ssyncadd.remote.s32 $0x1  }
0xc9: {  	_ =	sfence.sel $0xFFFF  }
0xca: {  	[dreg:$0x0] =	wrdreg $0xFFFFFFFF;
	(pc) =	sbr.abs _section_cstart, $3  }
0xcb: {  	[dreg:$0x1] =	wrdreg $0xFFFFFFFF  }
0xcc: {  	_ =	task.clear_ibuf [dreg:s9], $0x2FFFF;
	_ =	strace $0x9FFFFFFF  }
0xcd: {  	(tm) =	ssettm $0x7FFFFFFF  }
tec
execute0_lowered:
.L_overlay_start_1:
0x0: {  	(tag) =	ssettag $0x1  }
0x1: {  	s0 =	rddreg [dreg:$0x0]  }
0x2: {  	s2 =	rddreg [dreg:$0x1]  }
0x3: {  	s1 =	rddreg [dreg:$0x2]  }
0x4: {  	s3 =	rddreg [dreg:$0x3]  }
0x5: {  	s4 =	srdreg.scid;
	s13 =	stileid.u32  }
0x6: {  	s5 =	rddreg [dreg:$0x4];
	s15 =	smul.u32 $0x4F000, s13  }
0x7: {  	s6 =	rddreg [dreg:$0x5];
	s9 =	simm.s32 $0x0;
	s28 =	simm.s32 $0xC  }
0x8: {  	s29 =	simm.s32 $0x4;
	[smem:$0x7FF] =	sst s9;
	s9 =	sshrl.u32 s15, $0x2  }
0x9: {  	s30 =	simm.s32 $0x7;
	s4 =	sand.u32 $0x1, s4;
	s15 =	sadd.s32 s9, s5  }
0xa: {  	_ =	strace $0x80000047;
	s17 =	sadd.s32 $0x1000, s15;
	[dreg:$0x7] =	wrdreg s15  }
0xb: {  	s8 =	smul.u32 $0x13C00, s13;
	s18 =	sadd.s32 $0x2000, s15;
	[dreg:$0x8] =	wrdreg s17  }
0xc: {  	s10 =	smul.u32 $0x780, s13;
	s19 =	sadd.s32 $0x3000, s15;
	[dreg:$0x9] =	wrdreg s18  }
0xd: {  	s16 =	sshll.u32 s13, $0x1;
	s20 =	sadd.s32 $0x4000, s15;
	[dreg:$0xa] =	wrdreg s19  }
0xe: {  	p0 =	sgt.u32 s13, $0x3;
	s21 =	sadd.s32 $0x5000, s15;
	[dreg:$0xb] =	wrdreg s20  }
0xf: {  	s7 =	smul.u32 $0x13C000, s4;
	s22 =	sadd.s32 $0x6000, s15;
	[dreg:$0xc] =	wrdreg s21  }
0x10: {  	s12 =	smul.u32 $0x7800, s4;
	s23 =	sadd.s32 $0x7000, s15;
	[dreg:$0xd] =	wrdreg s22  }
0x11: {  	s11 =	ssub.s32 $0x2, s4;
	s24 =	sadd.s32 $0x8000, s15;
	[dreg:$0xe] =	wrdreg s23  }
0x12: {  	s7 =	sadd.s32 s8, s7;
	s25 =	sadd.s32 $0x9000, s15;
	[dreg:$0xf] =	wrdreg s24  }
0x13: {  	s14 =	sadd.s32 s10, s12;
	s26 =	sadd.s32 $0xA000, s15;
	[dreg:$0x10] =	wrdreg s25  }
0x14: {  	s12 =	sshrl.u32 s11, $0x1;
	s31 =	sadd.s32 $0xB000, s15;
	[dreg:$0x11] =	wrdreg s26  }
0x15: {  	s11 =	ssub.s32 s11, s12;
	s12 =	sadd.s32 s10, s6;
	[dreg:$0x12] =	wrdreg s31  }
0x16: {  	s9 =	sor.u32 s4, s16;
	s16 =	smax.u32 s11, $0x1;
	[dreg:$0x13] =	wrdreg s12  }
0x17: {  	s7 =	sshrl.u32 s7, $0x3;
	s17 =	sadd.s32 $0xC000, s15;
	[dreg:$0x16] =	wrdreg s16  }
0x18: {  	s8 =	sshrl.u32 s14, $0x3;
	s18 =	sadd.s32 $0xD000, s15;
	[dreg:$0x17] =	wrdreg s17  }
0x19: {  	s13 =	sor.u32 $0x20, s9;
	s19 =	sadd.s32 $0xE000, s15;
	[dreg:$0x18] =	wrdreg s18  }
0x1a: {  	s7 =	sadd.s32 s7, s2;
	s20 =	sadd.s32 $0xF000, s15;
	[dreg:$0x19] =	wrdreg s19  }
0x1b: {  	s8 =	sadd.s32 s8, s2;
	s21 =	sadd.s32 $0x10000, s15;
	[dreg:$0x1a] =	wrdreg s20  }
0x1c: {  	s22 =	sadd.s32 $0x6420, s2;
	s23 =	sadd.s32 $0x11000, s15;
	[dreg:$0x1b] =	wrdreg s21  }
0x1d: {  	s24 =	sadd.s32 $0x12000, s15;
	s25 =	sadd.s32 $0x13000, s15;
	[dreg:$0x1c] =	wrdreg s23  }
0x1e: {  	s26 =	sadd.s32 $0x280, s12;
	s31 =	sadd.s32 $0x500, s12;
	[dreg:$0x1d] =	wrdreg s24  }
0x1f: {  	s2 =	simm.s32 $0xB;
	s11 =	simm.s32 $0x9;
	[dreg:$0x1e] =	wrdreg s25  }
.Ltmp0:
0x20: {  	s10 =	sadd.s32 $0xD200, s7;
	[dreg:$0x1f] =	wrdreg s26;
	(pc) =	sbr.rel .LBB2_1-.Ltmp0, $4  }
0x21: {  	s14 =	sadd.s32 $0xB400, s8;
	[smem:$0x7FD] =	sst s31;
	s16 =	simm.s32 $0xD  }
0x22: {  	s18 =	simm.s32 $0x5;
	s19 =	simm.s32 $0x8;
	s20 =	simm.s32 $0x6E00  }
0x23: {  	s23 =	simm.s32 $0x20;
	s7 =	simm.s32 $0x0;
	[dreg:$0x14] =	wrdreg s10  }
0x24: {  	v0 =	vimm.f32 $0.0e+00;
	vm0 =	vcmask $0x3F3C;
	[dreg:$0x15] =	wrdreg s14;
	s14 =	sor.u32 $0x40, s9;
	s10 =	simm.s32 $0x6  }
.LBB2_17:
0x25: {  	s4 =	simm.s32 @!p0 $0xA  }
0x26: {  	_ =	swait.ge @!p0 [sflag:s4], $0x1000  }
0x27: {  	[sflag:s4] =	ssyncset.done @!p0 $0x0  }
0x28: {  	[sflag:s4] =	ssyncadd.s32 @!p0 $0xFFFFF000  }
0x29: {  	_ =	swait.ge @!p0 [sflag:s4], $0x20  }
0x2a: {  	[sflag:s4] =	ssyncset.done @!p0 $0x0  }
0x2b: {  	[sflag:s4] =	ssyncadd.s32 @!p0 $0xFFFFFFE0  }
0x2c: {  	_ =	swait.ge @!p0 [sflag:s4], $0x20  }
0x2d: {  	[sflag:s4] =	ssyncset.done @!p0 $0x0  }
0x2e: {  	[sflag:s4] =	ssyncadd.s32 @!p0 $0xFFFFFFE0  }
0x2f: {  	_ =	swait.ge @!p0 [sflag:s4], $0x20  }
0x30: {  	[sflag:s4] =	ssyncset.done @!p0 $0x0  }
0x31: {  	[sflag:s4] =	ssyncadd.s32 @!p0 $0xFFFFFFE0  }
0x32: {  	s21 =	stileid.u32;
	[bflag:$0x0] =	sbarrier.arrive $0xFFFF  }
0x33: {  	s4 =	sshll.u32 s21, $0x6;
	s15 =	rddreg [dreg:$0x7]  }
0x34: {  	s4 =	sor.u32 $0x1C0D, s4;
	s8 =	rddreg [dreg:$0x14];
	s7 =	sshrl.u32 s15, $0x3  }
0x35: {  	[hbm:s8], [sflag:s4] =	dma.local [spmem:s7], $0x2780  }
0x36: {  	_ =	swait.ge [sflag:s16], $0x2780  }
0x37: {  	[sflag:s16] =	ssyncset.done $0x0;
	s12 =	rddreg [dreg:$0x13]  }
0x38: {  	s25 =	rddreg [dreg:$0x15];
	[sflag:s16] =	ssyncadd.s32 $0xFFFFD880;
	s24 =	sshrl.u32 s12, $0x3  }
0x39: {  	[hbm:s25], [sflag:s4] =	dma.local [spmem:s24], $0xF0  }
0x3a: {  	_ =	swait.ge [sflag:s16], $0xF0  }
0x3b: {  	s26 =	sld [smem:$0x7FC];
	_ =	sdelay $0x2  }
0x3c: {  	s31 =	rddreg [dreg:$0x16];
	s7 =	sadd.s32 $0x1, s26  }
0x3d: {  	p1 =	sne.s32 s7, s31  }
.Ltmp1:
0x3e: {  	_ = 	snop;
	(pc) =	sbr.rel @!p1 .LBB2_18-.Ltmp1, $3  }
0x3f: {  	_ =	sdelay $0x1  }
0x40: {  	[sflag:s16] =	ssyncset.done $0x0  }
0x41: {  	[sflag:s16] =	ssyncadd.s32 $0xFFFFFF10  }
.LBB2_1:
0x42: {  	[smem:$0x7FC] =	sst s7;
	s4 =	simm.s32 $0x0;
	s7 =	simm.s32 $0x200  }
.LBB2_2:
0x43: {  	p1 =	sne.s32 s7, $0x3E00;
	[tilespmem:s4+$0x270] =	vst v0  }
0x44: {  	[tilespmem:s4+$0x200] =	vst v0  }
0x45: {  	[tilespmem:s4+$0x210] =	vst v0  }
.Ltmp2:
0x46: {  	[tilespmem:s4+$0x220] =	vst v0;
	(pc) =	sbr.rel @p1 .LBB2_2-.Ltmp2, $4  }
0x47: {  	[tilespmem:s4+$0x230] =	vst v0  }
0x48: {  	[tilespmem:s4+$0x240] =	vst v0  }
0x49: {  	[tilespmem:s4+$0x250] =	vst v0  }
0x4a: {  	[tilespmem:s4+$0x260] =	vst v0;
	s4 =	sshra.s32 s7, $0x2;
	s7 =	sadd.s32 $0x200, s7  }
0x4b: {  	[tilespmem:s4+$0x270] =	vst v0  }
0x4c: {  	[tilespmem:s4+$0x200] =	vst v0  }
0x4d: {  	[tilespmem:s4+$0x210] =	vst v0  }
0x4e: {  	[tilespmem:s4+$0x220] =	vst v0  }
0x4f: {  	[tilespmem:s4+$0x230] =	vst v0  }
0x50: {  	[tilespmem:s4+$0x240] =	vst v0  }
0x51: {  	[tilespmem:s4+$0x250] =	vst v0  }
0x52: {  	[tilespmem:s4+$0x260] =	vst v0  }
0x53: {  	[tilespmem:$0x6E80] =	vst v0  }
0x54: {  	[tilespmem:$0x6E90] =	vst v0  }
0x55: {  	[tilespmem:$0x6EA0] =	vst v0  }
0x56: {  	[tilespmem:$0x6EB0] =	vst v0  }
0x57: {  	[tilespmem:$0x6EC0] =	vst v0  }
0x58: {  	[tilespmem:$0x6ED0] =	vst v0  }
0x59: {  	[tilespmem:$0x6EE0] =	vst v0  }
0x5a: {  	[tilespmem:$0x6EF0] =	vst v0  }
0x5b: {  	[tilespmem:$0x6F00] =	vst v0  }
0x5c: {  	[tilespmem:$0x6F10] =	vst v0  }
0x5d: {  	[tilespmem:$0x6F20] =	vst v0  }
0x5e: {  	[tilespmem:$0x6F30] =	vst v0  }
0x5f: {  	[tilespmem:$0x6F40] =	vst v0  }
0x60: {  	[tilespmem:$0x6F50] =	vst v0  }
0x61: {  	[tilespmem:$0x6F60] =	vst v0  }
0x62: {  	[tilespmem:$0x6F70] =	vst v0  }
0x63: {  	[tilespmem:$0x6F80] =	vst v0  }
0x64: {  	[tilespmem:$0x6F90] =	vst v0  }
0x65: {  	[tilespmem:$0x6FA0] =	vst v0  }
0x66: {  	[tilespmem:$0x6FB0] =	vst v0  }
0x67: {  	[tilespmem:$0x6FC0] =	vst v0  }
0x68: {  	[tilespmem:$0x6FD0] =	vst v0  }
0x69: {  	[tilespmem:$0x6FE0] =	vst v0  }
0x6a: {  	[tilespmem:$0x6FF0] =	vst v0  }
0x6b: {  	[tilespmem:$0x7000] =	vst v0  }
0x6c: {  	[tilespmem:$0x7010] =	vst v0  }
0x6d: {  	[tilespmem:$0x7020] =	vst v0  }
0x6e: {  	[tilespmem:$0x7030] =	vst v0  }
0x6f: {  	[tilespmem:$0x7040] =	vst v0  }
0x70: {  	[tilespmem:$0x7050] =	vst v0  }
0x71: {  	[tilespmem:$0x7060] =	vst v0  }
0x72: {  	[tilespmem:$0x7070] =	vst v0  }
0x73: {  	[tilespmem:$0x7080] =	vst v0  }
0x74: {  	[tilespmem:$0x7090] =	vst v0  }
0x75: {  	[tilespmem:$0x70A0] =	vst v0  }
0x76: {  	[tilespmem:$0x70B0] =	vst v0  }
0x77: {  	[tilespmem:$0x70C0] =	vst v0  }
0x78: {  	[tilespmem:$0x70D0] =	vst v0  }
0x79: {  	[tilespmem:$0x70E0] =	vst v0  }
0x7a: {  	s7 =	simm.s32 $0x200;
	[tilespmem:$0x70F0] =	vst v0  }
0x7b: {  	[spmem:s15] =	stream.linear.scatter [tilespmem:s7], [sflag:$0xD], $0x1000, $0x38;
	[tilespmem:$0x1B480] =	vst v63  }
0x7c: {  	_ =	swait.ge [sflag:s16], $0x1000  }
0x7d: {  	[sflag:s16] =	ssyncset.done $0x0  }
0x7e: {  	s17 =	rddreg [dreg:$0x8];
	[sflag:s16] =	ssyncadd.s32 $0xFFFFF000  }
0x7f: {  	[spmem:s17] =	stream.linear.scatter [tilespmem:s7], [sflag:$0xD], $0x1000, $0x38;
	[tilespmem:$0x1B480] =	vst v63  }
0x80: {  	_ =	swait.ge [sflag:s16], $0x1000  }
0x81: {  	[sflag:s16] =	ssyncset.done $0x0  }
0x82: {  	s21 =	rddreg [dreg:$0x9];
	[sflag:s16] =	ssyncadd.s32 $0xFFFFF000  }
0x83: {  	[spmem:s21] =	stream.linear.scatter [tilespmem:s7], [sflag:$0xD], $0x1000, $0x38;
	[tilespmem:$0x1B480] =	vst v63  }
0x84: {  	_ =	swait.ge [sflag:s16], $0x1000  }
0x85: {  	[sflag:s16] =	ssyncset.done $0x0  }
0x86: {  	s24 =	rddreg [dreg:$0xa];
	[sflag:s16] =	ssyncadd.s32 $0xFFFFF000  }
0x87: {  	[spmem:s24] =	stream.linear.scatter [tilespmem:s7], [sflag:$0xD], $0x1000, $0x38;
	[tilespmem:$0x1B480] =	vst v63  }
0x88: {  	_ =	swait.ge [sflag:s16], $0x1000  }
0x89: {  	[sflag:s16] =	ssyncset.done $0x0  }
0x8a: {  	s25 =	rddreg [dreg:$0xb];
	[sflag:s16] =	ssyncadd.s32 $0xFFFFF000  }
0x8b: {  	[spmem:s25] =	stream.linear.scatter [tilespmem:s7], [sflag:$0xD], $0x1000, $0x38;
	[tilespmem:$0x1B480] =	vst v63  }
0x8c: {  	_ =	swait.ge [sflag:s16], $0x1000  }
0x8d: {  	[sflag:s16] =	ssyncset.done $0x0  }
0x8e: {  	s26 =	rddreg [dreg:$0xc];
	[sflag:s16] =	ssyncadd.s32 $0xFFFFF000  }
0x8f: {  	[spmem:s26] =	stream.linear.scatter [tilespmem:s7], [sflag:$0xD], $0x1000, $0x38;
	[tilespmem:$0x1B480] =	vst v63  }
0x90: {  	_ =	swait.ge [sflag:s16], $0x1000  }
0x91: {  	[sflag:s16] =	ssyncset.done $0x0  }
0x92: {  	s31 =	rddreg [dreg:$0xd];
	[sflag:s16] =	ssyncadd.s32 $0xFFFFF000  }
0x93: {  	[spmem:s31] =	stream.linear.scatter [tilespmem:s7], [sflag:$0xD], $0x1000, $0x38;
	[tilespmem:$0x1B480] =	vst v63  }
0x94: {  	_ =	swait.ge [sflag:s16], $0x1000  }
0x95: {  	[sflag:s16] =	ssyncset.done $0x0  }
0x96: {  	s8 =	rddreg [dreg:$0xe];
	[sflag:s16] =	ssyncadd.s32 $0xFFFFF000  }
0x97: {  	[spmem:s8] =	stream.linear.scatter [tilespmem:s7], [sflag:$0xD], $0x1000, $0x38;
	[tilespmem:$0x1B480] =	vst v63  }
0x98: {  	_ =	swait.ge [sflag:s16], $0x1000  }
0x99: {  	[sflag:s16] =	ssyncset.done $0x0  }
0x9a: {  	s15 =	rddreg [dreg:$0xf];
	[sflag:s16] =	ssyncadd.s32 $0xFFFFF000  }
0x9b: {  	[spmem:s15] =	stream.linear.scatter [tilespmem:s7], [sflag:$0xD], $0x1000, $0x38;
	[tilespmem:$0x1B480] =	vst v63  }
0x9c: {  	_ =	swait.ge [sflag:s16], $0x1000  }
0x9d: {  	[sflag:s16] =	ssyncset.done $0x0  }
0x9e: {  	s17 =	rddreg [dreg:$0x10];
	[sflag:s16] =	ssyncadd.s32 $0xFFFFF000  }
0x9f: {  	[spmem:s17] =	stream.linear.scatter [tilespmem:s7], [sflag:$0xD], $0x1000, $0x38;
	[tilespmem:$0x1B480] =	vst v63  }
0xa0: {  	_ =	swait.ge [sflag:s16], $0x1000  }
0xa1: {  	[sflag:s16] =	ssyncset.done $0x0  }
0xa2: {  	s21 =	rddreg [dreg:$0x11];
	[sflag:s16] =	ssyncadd.s32 $0xFFFFF000  }
0xa3: {  	[spmem:s21] =	stream.linear.scatter [tilespmem:s7], [sflag:$0xD], $0x1000, $0x38;
	[tilespmem:$0x1B480] =	vst v63  }
0xa4: {  	_ =	swait.ge [sflag:s16], $0x1000  }
0xa5: {  	[sflag:s16] =	ssyncset.done $0x0  }
0xa6: {  	s24 =	rddreg [dreg:$0x12];
	[sflag:s16] =	ssyncadd.s32 $0xFFFFF000  }
0xa7: {  	[spmem:s24] =	stream.linear.scatter [tilespmem:s7], [sflag:$0xD], $0x1000, $0x38;
	[tilespmem:$0x1B480] =	vst v63  }
0xa8: {  	_ =	swait.ge [sflag:s16], $0x1000  }
0xa9: {  	[sflag:s16] =	ssyncset.done $0x0  }
0xaa: {  	s25 =	rddreg [dreg:$0x17];
	[sflag:s16] =	ssyncadd.s32 $0xFFFFF000  }
0xab: {  	[spmem:s25] =	stream.linear.scatter [tilespmem:s7], [sflag:$0xD], $0x1000, $0x38;
	[tilespmem:$0x1B480] =	vst v63  }
0xac: {  	_ =	swait.ge [sflag:s16], $0x1000  }
0xad: {  	[sflag:s16] =	ssyncset.done $0x0  }
0xae: {  	s26 =	rddreg [dreg:$0x18];
	[sflag:s16] =	ssyncadd.s32 $0xFFFFF000  }
0xaf: {  	[spmem:s26] =	stream.linear.scatter [tilespmem:s7], [sflag:$0xD], $0x1000, $0x38;
	[tilespmem:$0x1B480] =	vst v63  }
0xb0: {  	_ =	swait.ge [sflag:s16], $0x1000  }
0xb1: {  	[sflag:s16] =	ssyncset.done $0x0  }
0xb2: {  	s31 =	rddreg [dreg:$0x19];
	[sflag:s16] =	ssyncadd.s32 $0xFFFFF000  }
0xb3: {  	[spmem:s31] =	stream.linear.scatter [tilespmem:s7], [sflag:$0xD], $0x1000, $0x38;
	[tilespmem:$0x1B480] =	vst v63  }
0xb4: {  	_ =	swait.ge [sflag:s16], $0x1000  }
0xb5: {  	[sflag:s16] =	ssyncset.done $0x0  }
0xb6: {  	s8 =	rddreg [dreg:$0x1a];
	[sflag:s16] =	ssyncadd.s32 $0xFFFFF000  }
0xb7: {  	[spmem:s8] =	stream.linear.scatter [tilespmem:s7], [sflag:$0xD], $0x1000, $0x38;
	[tilespmem:$0x1B480] =	vst v63  }
0xb8: {  	_ =	swait.ge [sflag:s16], $0x1000  }
0xb9: {  	[sflag:s16] =	ssyncset.done $0x0  }
0xba: {  	s15 =	rddreg [dreg:$0x1b];
	[sflag:s16] =	ssyncadd.s32 $0xFFFFF000  }
0xbb: {  	[spmem:s15] =	stream.linear.scatter [tilespmem:s7], [sflag:$0xD], $0x1000, $0x38;
	[tilespmem:$0x1B480] =	vst v63  }
0xbc: {  	_ =	swait.ge [sflag:s16], $0x1000  }
0xbd: {  	[sflag:s16] =	ssyncset.done $0x0  }
0xbe: {  	s17 =	rddreg [dreg:$0x1c];
	[sflag:s16] =	ssyncadd.s32 $0xFFFFF000  }
0xbf: {  	[spmem:s17] =	stream.linear.scatter [tilespmem:s7], [sflag:$0xD], $0x1000, $0x38;
	[tilespmem:$0x1B480] =	vst v63  }
0xc0: {  	_ =	swait.ge [sflag:s16], $0x1000  }
0xc1: {  	[sflag:s16] =	ssyncset.done $0x0  }
0xc2: {  	s21 =	rddreg [dreg:$0x1d];
	[sflag:s16] =	ssyncadd.s32 $0xFFFFF000  }
0xc3: {  	[spmem:s21] =	stream.linear.scatter [tilespmem:s7], [sflag:$0xD], $0x1000, $0x38;
	[tilespmem:$0x1B480] =	vst v63  }
0xc4: {  	_ =	swait.ge [sflag:s16], $0x1000  }
0xc5: {  	[sflag:s16] =	ssyncset.done $0x0  }
0xc6: {  	s24 =	rddreg [dreg:$0x1e];
	[sflag:s16] =	ssyncadd.s32 $0xFFFFF000  }
0xc7: {  	[spmem:s24] =	stream.linear.scatter [tilespmem:s7], [sflag:$0xD], $0xC00, $0x38;
	[tilespmem:$0x1B480] =	vst v63  }
0xc8: {  	_ =	swait.ge [sflag:s16], $0xC00  }
0xc9: {  	[sflag:s16] =	ssyncset.done $0x0  }
0xca: {  	s25 =	simm.s32 $0x6E80;
	[sflag:s16] =	ssyncadd.s32 $0xFFFFF400  }
0xcb: {  	[spmem:s12] =	stream.linear.scatter [tilespmem:s25], [sflag:$0xD], $0x280, $0x38;
	[tilespmem:$0x1B480] =	vst v63  }
0xcc: {  	_ =	swait.ge [sflag:s16], $0x280  }
0xcd: {  	[sflag:s16] =	ssyncset.done $0x0  }
0xce: {  	s26 =	rddreg [dreg:$0x1f];
	[sflag:s16] =	ssyncadd.s32 $0xFFFFFD80  }
0xcf: {  	[spmem:s26] =	stream.linear.scatter [tilespmem:s25], [sflag:$0xD], $0x280, $0x38;
	[tilespmem:$0x1B480] =	vst v63  }
0xd0: {  	_ =	swait.ge [sflag:s16], $0x280  }
0xd1: {  	s31 =	sld [smem:$0x7FD]  }
0xd2: {  	[sflag:s16] =	ssyncset.done $0x0  }
0xd3: {  	[sflag:s16] =	ssyncadd.s32 $0xFFFFFD80  }
0xd4: {  	[spmem:s31] =	stream.linear.scatter [tilespmem:s25], [sflag:$0xD], $0x280, $0x38;
	[tilespmem:$0x1B480] =	vst v63  }
.Ltmp3:
0xd5: {  	_ =	swait.ge [sflag:s16], $0x280;
	(pc) =	sbr.rel .LBB2_4-.Ltmp3, $4  }
0xd6: {  	[sflag:s16] =	ssyncset.done $0x0  }
0xd7: {  	[sflag:s16] =	ssyncadd.s32 $0xFFFFFD80  }
0xd8: {  	[bflag:$0x0] =	sbarrier.arrive $0xFFFF  }
0xd9: {  	s7 =	simm.s32 $0x0  }
.LBB2_16:
0xda: {  	s7 =	sadd.s32 $0x1, s7  }
0xdb: {  	p1 =	sne.s32 s7, $0x35  }
.Ltmp4:
0xdc: {  	_ = 	snop;
	(pc) =	sbr.rel @!p1 .LBB2_17-.Ltmp4, $1  }
0xdd: {  	_ =	sdelay $0x3  }
.LBB2_4:
0xde: {  	s4 =	smul.u32 $0x3, s7;
	_ =	sdelay $0x1  }
0xdf: {  	s8 =	sadd.s32 $0xFFFFFFFD, s4  }
0xe0: {  	p2 =	sgt.u32 s8, $0x9C  }
0xe1: {  	s8 =	simm.s32 @!p2 $0xA  }
0xe2: {  	_ =	swait.ge @!p2 [sflag:s8], $0x1000  }
0xe3: {  	[sflag:s8] =	ssyncset.done @!p2 $0x0  }
0xe4: {  	[sflag:s8] =	ssyncadd.s32 @!p2 $0xFFFFF000  }
0xe5: {  	_ =	swait.ge @!p2 [sflag:s8], $0x20  }
0xe6: {  	[sflag:s8] =	ssyncset.done @!p2 $0x0  }
0xe7: {  	[sflag:s8] =	ssyncadd.s32 @!p2 $0xFFFFFFE0  }
0xe8: {  	s24 =	smul.u32 $0x60, s7;
	_ =	swait.ge @!p2 [sflag:s8], $0x20  }
0xe9: {  	[sflag:s8] =	ssyncset.done @!p2 $0x0  }
0xea: {  	s12 =	sor.u32 s9, s24;
	[sflag:s8] =	ssyncadd.s32 @!p2 $0xFFFFFFE0  }
0xeb: {  	p1 =	sgt.u32 s12, $0x1387;
	_ =	swait.ge @!p2 [sflag:s8], $0x20  }
0xec: {  	s31 =	sadd.s32 $0xFFFFFFFF, s4;
	s17 =	sshll.u32 @!p1 s12, $0x2;
	[sflag:s8] =	ssyncset.done @!p2 $0x0  }
0xed: {  	s25 =	simm.s32 @!p1 $0x0;
	[sflag:s8] =	ssyncadd.s32 @!p2 $0xFFFFFFE0;
	s8 =	sadd.s32 @!p1 s17, s22  }
0xee: {  	[tilespmem:s25], [sflag:$0x1] =	stream.linear.gather @!p1 [hbm4b:s8+s25], $0x20, $0x38;
	[tilespmem:$0x1B480] =	vst v63  }
0xef: {  	s4 =	sadd.s32 $0xFFFFFFFE, s4;
	p3 =	sgt.u32 s31, $0x9C;
	s8 =	sshll.u32 @!p1 s12, $0x9  }
0xf0: {  	s17 =	simm.s32 @!p1 $0x200;
	s12 =	smul.u32 @!p1 $0xC, s12;
	s8 =	sadd.s32 @!p1 s1, s8  }
0xf1: {  	[tilespmem:s17], [sflag:$0x4] =	stream.linear.gather @!p1 [hbm4b:s8+s25], $0x1000, $0x38;
	[tilespmem:$0x1B480] =	vst v63  }
0xf2: {  	p2 =	sgt.u32 s4, $0x9C;
	s8 =	sadd.s32 @!p1 s3, s12;
	s12 =	simm.s32 @!p1 $0x6200  }
0xf3: {  	[tilespmem:s12], [sflag:$0x4] =	stream.linear.gather @!p1 [hbm4b:s8+s25], $0x60, $0x38;
	[tilespmem:$0x1B480] =	vst v63  }
.Ltmp5:
0xf4: {  	s8 =	simm.s32 @!p3 $0x3;
	(pc) =	sbr.rel @p2 .LBB2_8-.Ltmp5, $4  }
0xf5: {  	_ =	swait.ge @!p3 [sflag:s8], $0x20  }
0xf6: {  	s17 =	simm.s32 @!p3 $0x5200;
	[sflag:s8] =	ssyncset.done @!p3 $0x0  }
0xf7: {  	s12 =	simm.s32 @!p3 $0x100;
	[sflag:s8] =	ssyncadd.s32 @!p3 $0xFFFFFFE0;
	s8 =	simm.s32 @!p3 $0x20  }
0xf8: {  	[tilespmem:s17], [sflag:$0x9] =	stream.indirect.gather @!p3 [hbm4b:s0+s8], $0x80, s12, s8, $0xb8;
	[tilespmem:$0x1B480] =	vst v63  }
0xf9: {  	_ =	swait.ge [sflag:s18], $0x1000  }
0xfa: {  	[sflag:s18] =	ssyncset.done $0x0  }
0xfb: {  	[sflag:s18] =	ssyncadd.s32 $0xFFFFF000  }
0xfc: {  	_ =	swait.ge [sflag:s18], $0x60  }
0xfd: {  	[sflag:s18] =	ssyncset.done $0x0  }
0xfe: {  	[sflag:s18] =	ssyncadd.s32 $0xFFFFFFA0  }
0xff: {  	_ =	swait.ge [sflag:s19], $0x1000  }
0x100: {  	[sflag:s19] =	ssyncset.done $0x0  }
0x101: {  	s26 =	simm.s32 $0x43F0;
	[sflag:s19] =	ssyncadd.s32 $0xFFFFF000  }
0x102: {  	s31 =	simm.s32 $0x13F0;
	v1 =	vld [tilespmem:s26+$0xFFFFFE80]  }
0x103: {  	v2 =	vld [tilespmem:s31+$0xFFFFFE80]  }
0x104: {  	v3 =	vld [tilespmem:s26+$0xFFFFFE60]  }
0x105: {  	v4 =	vld [tilespmem:s31+$0xFFFFFE60]  }
0x106: {  	v5 =	vld [tilespmem:s31+$0xFFFFFE10]  }
0x107: {  	v6 =	vld [tilespmem:s26+$0xFFFFFE40]  }
0x108: {  	v7 =	vld [tilespmem:s31+$0xFFFFFE40]  }
0x109: {  	v8 =	vld [tilespmem:s26+$0xFFFFFE30]  }
0x10a: {  	v9 =	vld [tilespmem:s31+$0xFFFFFE30]  }
0x10b: {  	v10 =	vld [tilespmem:s26+$0xFFFFFE20]  }
0x10c: {  	v11 =	vld [tilespmem:s31+$0xFFFFFE20]  }
0x10d: {  	v12 =	vld [tilespmem:s26+$0xFFFFFE10]  }
0x10e: {  	v13 =	vld [tilespmem:s26+$0xFFFFFE50]  }
0x10f: {  	v14 =	vld [tilespmem:s31+$0xFFFFFE50]  }
0x110: {  	v15 =	vld [tilespmem:s26+$0xFFFFFE70]  }
0x111: {  	v29 =	vld [tilespmem:s31+$0xFFFFFE70];
	v6 =	vmul.f32 v6, v7;
	v28 =	vmul.f32 v8, v9  }
0x112: {  	v30 =	vmul.f32 v10, v11;
	v5 =	vmul.f32 v12, v5  }
0x113: {  	v3 =	vmul.f32 v3, v4  }
0x114: {  	v33 =	vmul.f32 v13, v14;
	v31 =	vadd.f32 v28, v5;
	v32 =	vadd.f32 v6, v30  }
0x115: {  	v1 =	vmul.f32 v1, v2  }
0x116: {  	v34 =	vmul.f32 v15, v29;
	v2 =	vadd.f32 v33, v31;
	v3 =	vadd.f32 v3, v32;
	_ =	sdelay $0x1  }
0x117: {  	v2 =	vadd.f32 v34, v2;
	v1 =	vadd.f32 v1, v3;
	_ =	sdelay $0x1  }
0x118: {  	v1 =	vadd.f32 v1, v2;
	_ =	sdelay $0x1  }
0x119: {  	(xrf2) =	vadd.scan.msk.f32 $0xffff, v1;
	_ =	sdelay $0x1  }
0x11a: {  	s4 =	simm.s32 $0x0  }
0x11b: {  	v1 =	vmov s4  }
0x11c: {  	v1 =	vand.u32 $0xFFFFFFFC, v1  }
0x11d: {  	v1 =	vbroadcast v1, $0x0;
	_ =	sdelay $0x4  }
0x11e: {  	v2, _, _ =	vpop (xrf2)  }
0x11f: {  	[tilespmem:v1+s20+$0x0] =	vst.idx.msk vm0, v2  }
0x120: {  	v1 =	vld [tilespmem:s31+$0xFFFFFEF0]  }
0x121: {  	v2 =	vld [tilespmem:s31+$0xFFFFFF00]  }
0x122: {  	v3 =	vld [tilespmem:s31+$0xFFFFFED0]  }
0x123: {  	v35 =	vld [tilespmem:s31+$0xFFFFFEE0]  }
0x124: {  	v36 =	vld [tilespmem:s26+$0xFFFFFEC0]  }
0x125: {  	v37 =	vld [tilespmem:s26+$0xFFFFFE90]  }
0x126: {  	v38 =	vld [tilespmem:s26+$0xFFFFFEB0]  }
0x127: {  	v39 =	vld [tilespmem:s31+$0xFFFFFEA0]  }
0x128: {  	v40 =	vld [tilespmem:s31+$0xFFFFFEB0]  }
0x129: {  	v41 =	vld [tilespmem:s31+$0xFFFFFEC0]  }
0x12a: {  	v42 =	vld [tilespmem:s26+$0xFFFFFEA0]  }
0x12b: {  	v43 =	vld [tilespmem:s31+$0xFFFFFE90]  }
0x12c: {  	v44 =	vld [tilespmem:s26+$0xFFFFFEE0]  }
0x12d: {  	v45 =	vld [tilespmem:s26+$0xFFFFFED0]  }
0x12e: {  	v46 =	vld [tilespmem:s26+$0xFFFFFEF0]  }
0x12f: {  	v47 =	vld [tilespmem:s26+$0xFFFFFF00];
	v7 =	vmul.f32 v38, v40;
	v5 =	vmul.f32 v36, v41  }
0x130: {  	v8 =	vmul.f32 v42, v39;
	v6 =	vmul.f32 v37, v43  }
0x131: {  	v4 =	vmul.f32 v44, v35  }
0x132: {  	v3 =	vmul.f32 v45, v3;
	v5 =	vadd.f32 v5, v8;
	v6 =	vadd.f32 v7, v6  }
0x133: {  	v1 =	vmul.f32 v46, v1  }
0x134: {  	v2 =	vmul.f32 v47, v2;
	v4 =	vadd.f32 v4, v5;
	v3 =	vadd.f32 v3, v6;
	_ =	sdelay $0x1  }
0x135: {  	v2 =	vadd.f32 v2, v4;
	v1 =	vadd.f32 v1, v3;
	_ =	sdelay $0x1  }
0x136: {  	v1 =	vadd.f32 v2, v1;
	_ =	sdelay $0x1  }
0x137: {  	(xrf2) =	vadd.scan.msk.f32 $0xffff, v1;
	_ =	sdelay $0x1  }
0x138: {  	s8 =	simm.s32 $0x1  }
0x139: {  	v1 =	vmov s8  }
0x13a: {  	v1 =	vand.u32 $0xFFFFFFFD, v1  }
0x13b: {  	v1 =	vbroadcast v1, $0x0;
	_ =	sdelay $0x4  }
0x13c: {  	v2, _, _ =	vpop (xrf2)  }
0x13d: {  	[tilespmem:v1+s20+$0x0] =	vst.idx.msk vm0, v2  }
0x13e: {  	v1 =	vld [tilespmem:s26+$0xFFFFFF60]  }
0x13f: {  	v2 =	vld [tilespmem:s31+$0xFFFFFF50]  }
0x140: {  	v3 =	vld [tilespmem:s31+$0xFFFFFF60]  }
0x141: {  	v48 =	vld [tilespmem:s26+$0xFFFFFF50]  }
0x142: {  	v49 =	vld [tilespmem:s31+$0xFFFFFF40]  }
0x143: {  	v50 =	vld [tilespmem:s26+$0xFFFFFF30]  }
0x144: {  	v51 =	vld [tilespmem:s26+$0xFFFFFF40]  }
0x145: {  	v52 =	vld [tilespmem:s31+$0xFFFFFF10]  }
0x146: {  	v53 =	vld [tilespmem:s26+$0xFFFFFF10]  }
0x147: {  	v54 =	vld [tilespmem:s31+$0xFFFFFF30]  }
0x148: {  	v55 =	vld [tilespmem:s31+$0xFFFFFF20]  }
0x149: {  	v56 =	vld [tilespmem:s26+$0xFFFFFF20]  }
0x14a: {  	v57 =	vld [tilespmem:s26+$0xFFFFFF80]  }
0x14b: {  	v58 =	vld [tilespmem:s31+$0xFFFFFF80]  }
0x14c: {  	v59 =	vld [tilespmem:s26+$0xFFFFFF70]  }
0x14d: {  	v60 =	vld [tilespmem:s31+$0xFFFFFF70];
	v8 =	vmul.f32 v53, v52;
	v6 =	vmul.f32 v50, v54  }
0x14e: {  	v5 =	vmul.f32 v51, v49;
	v61 =	vmul.f32 v56, v55  }
0x14f: {  	v2 =	vmul.f32 v48, v2  }
0x150: {  	v1 =	vmul.f32 v1, v3;
	v62 =	vadd.f32 v6, v8;
	v3 =	vadd.f32 v5, v61  }
0x151: {  	v63 =	vmul.f32 v57, v58  }
0x152: {  	v2 =	vadd.f32 v2, v62;
	v1 =	vadd.f32 v1, v3;
	v3 =	vmul.f32 v59, v60;
	_ =	sdelay $0x1  }
0x153: {  	v2 =	vadd.f32 v3, v2;
	v1 =	vadd.f32 v63, v1;
	_ =	sdelay $0x1  }
0x154: {  	v1 =	vadd.f32 v1, v2;
	_ =	sdelay $0x1  }
0x155: {  	(xrf2) =	vadd.scan.msk.f32 $0xffff, v1;
	_ =	sdelay $0x1  }
0x156: {  	s21 =	simm.s32 $0x2  }
0x157: {  	v1 =	vmov s21  }
0x158: {  	v1 =	vand.u32 $0xFFFFFFFE, v1  }
0x159: {  	v1 =	vbroadcast v1, $0x0;
	_ =	sdelay $0x4  }
0x15a: {  	v2, _, _ =	vpop (xrf2)  }
0x15b: {  	s17 =	simm.s32 $0x4;
	s12 =	simm.s32 $0x13F0;
	s21 =	simm.s32 $0x43F0;
	[tilespmem:v1+s20+$0x0] =	vst.idx.msk vm0, v2  }
.LBB2_6:
0x15c: {  	p2 =	sne.s32 s17, $0x1C;
	v1 =	vld [tilespmem:s26+$0x0];
	s21 =	sadd.s32 $0x200, s21;
	s31 =	sadd.s32 $0x200, s31  }
0x15d: {  	s8 =	smov.u32 s17;
	s17 =	sadd.s32 $0x4, s17;
	v2 =	vld [tilespmem:s12+$0x0]  }
0x15e: {  	v3 =	vld [tilespmem:s26+$0xFFFFFFE0]  }
0x15f: {  	v4 =	vld [tilespmem:s12+$0xFFFFFFE0]  }
0x160: {  	v5 =	vld [tilespmem:s26+$0xFFFFFFB0]  }
0x161: {  	v6 =	vld [tilespmem:s12+$0xFFFFFFB0]  }
0x162: {  	v7 =	vld [tilespmem:s26+$0xFFFFFFC0];
	v1 =	vmul.f32 v1, v2  }
0x163: {  	v2 =	vld [tilespmem:s12+$0xFFFFFFC0]  }
0x164: {  	v8 =	vld [tilespmem:s26+$0xFFFFFFA0];
	v3 =	vmul.f32 v3, v4  }
0x165: {  	v4 =	vld [tilespmem:s12+$0xFFFFFFA0]  }
0x166: {  	v9 =	vld [tilespmem:s26+$0xFFFFFF90];
	v5 =	vmul.f32 v5, v6  }
0x167: {  	v6 =	vld [tilespmem:s12+$0xFFFFFF90]  }
0x168: {  	v2 =	vmul.f32 v7, v2;
	v7 =	vld [tilespmem:s26+$0xFFFFFFD0]  }
0x169: {  	v10 =	vld [tilespmem:s12+$0xFFFFFFD0]  }
0x16a: {  	v4 =	vmul.f32 v8, v4;
	v8 =	vld [tilespmem:s26+$0xFFFFFFF0];
	s26 =	smov.u32 s21  }
0x16b: {  	v11 =	vld [tilespmem:s12+$0xFFFFFFF0];
	s12 =	smov.u32 s31  }
0x16c: {  	v6 =	vmul.f32 v9, v6;
	v2 =	vadd.f32 v2, v4;
	_ =	sdelay $0x1  }
0x16d: {  	v4 =	vadd.f32 v5, v6;
	v5 =	vmul.f32 v7, v10;
	v2 =	vadd.f32 v3, v2;
	_ =	sdelay $0x1  }
0x16e: {  	v3 =	vadd.f32 v5, v4;
	v4 =	vmul.f32 v8, v11;
	v1 =	vadd.f32 v1, v2;
	_ =	sdelay $0x1  }
0x16f: {  	v2 =	vadd.f32 v4, v3;
	_ =	sdelay $0x1  }
0x170: {  	v1 =	vadd.f32 v1, v2;
	_ =	sdelay $0x1  }
0x171: {  	(xrf2) =	vadd.scan.msk.f32 $0xffff, v1;
	_ =	sdelay $0x4  }
0x172: {  	s15 =	sadd.s32 $0x3, s4;
	s4 =	smov.u32 s8  }
0x173: {  	v1 =	vmov s15;
	_ =	sdelay $0x3  }
0x174: {  	v2, _, _ =	vpop (xrf2)  }
0x175: {  	[tilespmem:v1+s20+$0x0] =	vst.idx.msk vm0, v2  }
0x176: {  	v1 =	vld [tilespmem:s21+$0xFFFFFE80]  }
0x177: {  	v2 =	vld [tilespmem:s31+$0xFFFFFE80]  }
0x178: {  	v3 =	vld [tilespmem:s21+$0xFFFFFE60]  }
0x179: {  	v4 =	vld [tilespmem:s31+$0xFFFFFE60]  }
0x17a: {  	v5 =	vld [tilespmem:s31+$0xFFFFFE10]  }
0x17b: {  	v6 =	vld [tilespmem:s21+$0xFFFFFE40]  }
0x17c: {  	v7 =	vld [tilespmem:s31+$0xFFFFFE40]  }
0x17d: {  	v8 =	vld [tilespmem:s21+$0xFFFFFE30]  }
0x17e: {  	v9 =	vld [tilespmem:s31+$0xFFFFFE30];
	v3 =	vmul.f32 v3, v4  }
0x17f: {  	v4 =	vld [tilespmem:s21+$0xFFFFFE20]  }
0x180: {  	v10 =	vld [tilespmem:s31+$0xFFFFFE20]  }
0x181: {  	v11 =	vld [tilespmem:s21+$0xFFFFFE10];
	v6 =	vmul.f32 v6, v7  }
0x182: {  	v7 =	vld [tilespmem:s21+$0xFFFFFE50]  }
0x183: {  	v8 =	vmul.f32 v8, v9;
	v9 =	vld [tilespmem:s31+$0xFFFFFE50]  }
0x184: {  	v12 =	vld [tilespmem:s21+$0xFFFFFE70]  }
0x185: {  	v4 =	vmul.f32 v4, v10;
	v10 =	vld [tilespmem:s31+$0xFFFFFE70]  }
0x186: {  	v5 =	vmul.f32 v11, v5;
	_ =	sdelay $0x1  }
0x187: {  	v4 =	vadd.f32 v6, v4;
	v5 =	vadd.f32 v8, v5;
	v6 =	vmul.f32 v7, v9  }
0x188: {  	v1 =	vmul.f32 v1, v2  }
0x189: {  	v3 =	vadd.f32 v3, v4;
	v2 =	vadd.f32 v6, v5;
	v4 =	vmul.f32 v12, v10;
	_ =	sdelay $0x1  }
0x18a: {  	v1 =	vadd.f32 v1, v3;
	v2 =	vadd.f32 v4, v2;
	_ =	sdelay $0x1  }
0x18b: {  	v1 =	vadd.f32 v1, v2;
	_ =	sdelay $0x1  }
0x18c: {  	(xrf2) =	vadd.scan.msk.f32 $0xffff, v1;
	_ =	sdelay $0x2  }
0x18d: {  	v1 =	vmov s4  }
0x18e: {  	v1 =	vand.u32 $0xFFFFFFFC, v1  }
0x18f: {  	v1 =	vbroadcast v1, $0x0;
	_ =	sdelay $0x4  }
0x190: {  	v2, _, _ =	vpop (xrf2)  }
0x191: {  	[tilespmem:v1+s20+$0x0] =	vst.idx.msk vm0, v2  }
0x192: {  	v1 =	vld [tilespmem:s31+$0xFFFFFEF0]  }
0x193: {  	v2 =	vld [tilespmem:s31+$0xFFFFFF00]  }
0x194: {  	v3 =	vld [tilespmem:s21+$0xFFFFFEF0]  }
0x195: {  	v4 =	vld [tilespmem:s31+$0xFFFFFED0]  }
0x196: {  	v5 =	vld [tilespmem:s21+$0xFFFFFF00]  }
0x197: {  	v6 =	vld [tilespmem:s21+$0xFFFFFED0]  }
0x198: {  	v7 =	vld [tilespmem:s31+$0xFFFFFEE0]  }
0x199: {  	v8 =	vld [tilespmem:s21+$0xFFFFFEE0]  }
0x19a: {  	v9 =	vld [tilespmem:s21+$0xFFFFFEC0]  }
0x19b: {  	v10 =	vld [tilespmem:s21+$0xFFFFFE90]  }
0x19c: {  	v11 =	vld [tilespmem:s21+$0xFFFFFEB0]  }
0x19d: {  	v12 =	vld [tilespmem:s31+$0xFFFFFEA0]  }
0x19e: {  	v13 =	vld [tilespmem:s31+$0xFFFFFEB0]  }
0x19f: {  	v7 =	vmul.f32 v8, v7;
	v14 =	vld [tilespmem:s31+$0xFFFFFEC0]  }
0x1a0: {  	v8 =	vld [tilespmem:s21+$0xFFFFFEA0]  }
0x1a1: {  	v15 =	vld [tilespmem:s31+$0xFFFFFE90]  }
0x1a2: {  	v4 =	vmul.f32 v6, v4  }
0x1a3: {  	v6 =	vmul.f32 v11, v13  }
0x1a4: {  	v1 =	vmul.f32 v3, v1;
	v9 =	vmul.f32 v9, v14  }
0x1a5: {  	v2 =	vmul.f32 v5, v2;
	v3 =	vmul.f32 v8, v12  }
0x1a6: {  	v5 =	vmul.f32 v10, v15  }
0x1a7: {  	v3 =	vadd.f32 v9, v3  }
0x1a8: {  	v5 =	vadd.f32 v6, v5  }
0x1a9: {  	v3 =	vadd.f32 v7, v3  }
0x1aa: {  	v4 =	vadd.f32 v4, v5  }
0x1ab: {  	v2 =	vadd.f32 v2, v3  }
0x1ac: {  	v1 =	vadd.f32 v1, v4;
	_ =	sdelay $0x1  }
0x1ad: {  	v1 =	vadd.f32 v2, v1;
	_ =	sdelay $0x1  }
0x1ae: {  	(xrf2) =	vadd.scan.msk.f32 $0xffff, v1;
	_ =	sdelay $0x1  }
0x1af: {  	s8 =	sadd.s32 $0x1, s4  }
0x1b0: {  	v1 =	vmov s8  }
0x1b1: {  	v1 =	vand.u32 $0xFFFFFFFD, v1  }
0x1b2: {  	v1 =	vbroadcast v1, $0x0;
	_ =	sdelay $0x4  }
0x1b3: {  	v2, _, _ =	vpop (xrf2)  }
0x1b4: {  	[tilespmem:v1+s20+$0x0] =	vst.idx.msk vm0, v2  }
0x1b5: {  	v1 =	vld [tilespmem:s21+$0xFFFFFF60]  }
0x1b6: {  	v2 =	vld [tilespmem:s31+$0xFFFFFF50]  }
0x1b7: {  	v3 =	vld [tilespmem:s31+$0xFFFFFF60]  }
0x1b8: {  	v4 =	vld [tilespmem:s21+$0xFFFFFF50]  }
0x1b9: {  	v5 =	vld [tilespmem:s31+$0xFFFFFF40]  }
0x1ba: {  	v6 =	vld [tilespmem:s21+$0xFFFFFF30]  }
0x1bb: {  	v7 =	vld [tilespmem:s21+$0xFFFFFF40]  }
0x1bc: {  	v8 =	vld [tilespmem:s31+$0xFFFFFF10]  }
0x1bd: {  	v9 =	vld [tilespmem:s21+$0xFFFFFF10]  }
0x1be: {  	v10 =	vld [tilespmem:s31+$0xFFFFFF30]  }
0x1bf: {  	v11 =	vld [tilespmem:s31+$0xFFFFFF20]  }
0x1c0: {  	v12 =	vld [tilespmem:s21+$0xFFFFFF20]  }
0x1c1: {  	v1 =	vmul.f32 v1, v3;
	v3 =	vld [tilespmem:s21+$0xFFFFFF80]  }
0x1c2: {  	v8 =	vmul.f32 v9, v8;
	v9 =	vld [tilespmem:s31+$0xFFFFFF80]  }
0x1c3: {  	v2 =	vmul.f32 v4, v2;
	v6 =	vmul.f32 v6, v10;
	v4 =	vld [tilespmem:s21+$0xFFFFFF70]  }
0x1c4: {  	v5 =	vmul.f32 v7, v5;
	v7 =	vld [tilespmem:s31+$0xFFFFFF70]  }
0x1c5: {  	v10 =	vmul.f32 v12, v11;
	v6 =	vadd.f32 v6, v8;
	_ =	sdelay $0x1  }
0x1c6: {  	v5 =	vadd.f32 v5, v10;
	v2 =	vadd.f32 v2, v6;
	v3 =	vmul.f32 v3, v9;
	_ =	sdelay $0x1  }
0x1c7: {  	v1 =	vadd.f32 v1, v5;
	v4 =	vmul.f32 v4, v7;
	_ =	sdelay $0x1  }
0x1c8: {  	v2 =	vadd.f32 v4, v2;
	v1 =	vadd.f32 v3, v1;
	_ =	sdelay $0x1  }
0x1c9: {  	v1 =	vadd.f32 v1, v2;
	_ =	sdelay $0x1  }
0x1ca: {  	(xrf2) =	vadd.scan.msk.f32 $0xffff, v1;
	_ =	sdelay $0x1  }
0x1cb: {  	s8 =	sadd.s32 $0x2, s4  }
0x1cc: {  	v1 =	vmov s8  }
0x1cd: {  	v1 =	vand.u32 $0xFFFFFFFE, v1  }
0x1ce: {  	v1 =	vbroadcast v1, $0x0;
	_ =	sdelay $0x1  }
.Ltmp6:
0x1cf: {  	(pc) =	sbr.rel @p2 .LBB2_6-.Ltmp6, $3  }
0x1d0: {  	_ =	sdelay $0x1  }
0x1d1: {  	v2, _, _ =	vpop (xrf2)  }
0x1d2: {  	[tilespmem:v1+s20+$0x0] =	vst.idx.msk vm0, v2  }
0x1d3: {  	v1 =	vld [tilespmem:s26+$0x0]  }
0x1d4: {  	v2 =	vld [tilespmem:s12+$0x0]  }
0x1d5: {  	v3 =	vld [tilespmem:s26+$0xFFFFFFE0]  }
0x1d6: {  	v4 =	vld [tilespmem:s12+$0xFFFFFFE0]  }
0x1d7: {  	v5 =	vld [tilespmem:s26+$0xFFFFFFB0]  }
0x1d8: {  	v6 =	vld [tilespmem:s12+$0xFFFFFFB0]  }
0x1d9: {  	v7 =	vld [tilespmem:s26+$0xFFFFFFC0]  }
0x1da: {  	v8 =	vld [tilespmem:s12+$0xFFFFFFC0]  }
0x1db: {  	v9 =	vld [tilespmem:s26+$0xFFFFFFA0]  }
0x1dc: {  	v10 =	vld [tilespmem:s12+$0xFFFFFFA0]  }
0x1dd: {  	v11 =	vld [tilespmem:s26+$0xFFFFFF90]  }
0x1de: {  	v12 =	vld [tilespmem:s12+$0xFFFFFF90]  }
0x1df: {  	v13 =	vld [tilespmem:s26+$0xFFFFFFD0]  }
0x1e0: {  	v14 =	vld [tilespmem:s12+$0xFFFFFFD0]  }
0x1e1: {  	v15 =	vld [tilespmem:s26+$0xFFFFFFF0]  }
0x1e2: {  	v38 =	vld [tilespmem:s12+$0xFFFFFFF0];
	v5 =	vmul.f32 v5, v6;
	v37 =	vmul.f32 v7, v8  }
0x1e3: {  	v39 =	vmul.f32 v9, v10;
	v40 =	vmul.f32 v11, v12  }
0x1e4: {  	v3 =	vmul.f32 v3, v4  }
0x1e5: {  	v42 =	vmul.f32 v13, v14;
	v41 =	vadd.f32 v37, v39;
	v5 =	vadd.f32 v5, v40  }
0x1e6: {  	v1 =	vmul.f32 v1, v2  }
0x1e7: {  	v43 =	vmul.f32 v15, v38;
	v2 =	vadd.f32 v3, v41;
	v3 =	vadd.f32 v42, v5;
	_ =	sdelay $0x1  }
0x1e8: {  	v1 =	vadd.f32 v1, v2;
	v2 =	vadd.f32 v43, v3;
	_ =	sdelay $0x1  }
0x1e9: {  	v1 =	vadd.f32 v1, v2;
	_ =	sdelay $0x1  }
0x1ea: {  	(xrf2) =	vadd.scan.msk.f32 $0xffff, v1;
	_ =	sdelay $0x4  }
0x1eb: {  	s4 =	sadd.s32 $0x3, s4  }
0x1ec: {  	v1 =	vmov s4;
	_ =	sdelay $0x3  }
0x1ed: {  	v2, _, _ =	vpop (xrf2)  }
0x1ee: {  	[tilespmem:v1+s20+$0x0] =	vst.idx.msk vm0, v2  }
0x1ef: {  	v1 =	vld [tilespmem:$0x6280]  }
0x1f0: {  	v2 =	vld [tilespmem:$0x62A0];
	_ =	sdelay $0x1  }
0x1f1: {  	v3 =	vld [tilespmem:$0x62C0];
	_ =	sdelay $0x2  }
0x1f2: {  	v46 =	vld [tilespmem:$0x6290];
	v44 =	vmul.f32 v1, v1;
	v45 =	vmul.f32 v2, v2  }
0x1f3: {  	v48 =	vld [tilespmem:$0x62B0]  }
0x1f4: {  	v47 =	vmul.f32 v3, v3;
	v4 =	vadd.f32 v45, v44  }
0x1f5: {  	v49 =	vld [tilespmem:$0x62D0]  }
0x1f6: {  	v4 =	vadd.f32 v47, v4  }
0x1f7: {  	v51 =	vmul.f32 v46, v46  }
0x1f8: {  	v52 =	vmul.f32 v48, v48;
	v50 =	vmul.f32 $5.000000000e-01, v4;
	v4 =	vshra.s32 v4, $0x1  }
0x1f9: {  	v4 =	vsub.s32 $0x5F3759DF, v4  }
0x1fa: {  	v54 =	vmul.f32 v49, v49;
	v9 =	vadd.f32 v52, v51;
	v53 =	vmul.f32 v4, v50;
	_ =	sdelay $0x1  }
0x1fb: {  	v9 =	vadd.f32 v54, v9;
	v11 =	vmul.f32 v4, v53;
	_ =	sdelay $0x1  }
0x1fc: {  	v56 =	vshra.s32 v9, $0x1;
	v9 =	vmul.f32 $5.000000000e-01, v9;
	v55 =	vsub.f32 $1.500000000e+00, v11  }
0x1fd: {  	v11 =	vsub.s32 $0x5F3759DF, v56  }
0x1fe: {  	v57 =	vmul.f32 v11, v9;
	v4 =	vmul.f32 v4, v55;
	_ =	sdelay $0x1  }
0x1ff: {  	v10 =	vmul.f32 v11, v57;
	v58 =	vmul.f32 v4, v50;
	_ =	sdelay $0x1  }
0x200: {  	v10 =	vsub.f32 $1.500000000e+00, v10;
	v12 =	vmul.f32 v58, v4;
	_ =	sdelay $0x1  }
0x201: {  	v10 =	vmul.f32 v11, v10;
	v12 =	vsub.f32 $1.500000000e+00, v12;
	_ =	sdelay $0x1  }
0x202: {  	v11 =	vmul.f32 v10, v9;
	v4 =	vmul.f32 v12, v4;
	_ =	sdelay $0x1  }
0x203: {  	v11 =	vmul.f32 v11, v10;
	v8 =	vmul.f32 v4, v50;
	_ =	sdelay $0x1  }
0x204: {  	v11 =	vsub.f32 $1.500000000e+00, v11;
	v8 =	vmul.f32 v8, v4  }
0x205: {  	v59 =	vld [tilespmem:$0x6E00]  }
0x206: {  	v10 =	vmul.f32 v11, v10;
	v8 =	vsub.f32 $1.500000000e+00, v8;
	_ =	sdelay $0x1  }
0x207: {  	v62 =	vld [tilespmem:$0x80];
	v60 =	vmul.f32 v10, v9;
	v4 =	vmul.f32 v8, v4;
	_ =	sdelay $0x1  }
0x208: {  	v63 =	vld [tilespmem:$0x90];
	v8 =	vmul.f32 v60, v10;
	v4 =	vmul.f32 v4, v59  }
0x209: {  	v61 =	vld [tilespmem:$0x6E10]  }
0x20a: {  	v8 =	vsub.f32 $1.500000000e+00, v8;
	v1 =	vmul.f32 v4, v1  }
0x20b: {  	[tilespmem:$0x6780] =	vst v62  }
0x20c: {  	[tilespmem:$0x6480] =	vst v1;
	v1 =	vmul.f32 v4, v3;
	v3 =	vmul.f32 v8, v10  }
0x20d: {  	[tilespmem:$0x6790] =	vst v63;
	v2 =	vmul.f32 v4, v2  }
0x20e: {  	[tilespmem:$0x64C0] =	vst v1;
	v1 =	vmul.f32 v3, v61  }
0x20f: {  	[tilespmem:$0x64A0] =	vst v2;
	v2 =	vadd.s32 $0x2780, v62  }
0x210: {  	[tilespmem:$0x6800] =	vst v2;
	v2 =	vadd.s32 $0x4F00, v62;
	v3 =	vmul.f32 v1, v46  }
0x211: {  	[tilespmem:$0x6880] =	vst v2;
	v2 =	vmul.f32 v1, v48  }
0x212: {  	v1 =	vmul.f32 v1, v49;
	[tilespmem:$0x6490] =	vst v3  }
0x213: {  	[tilespmem:$0x64B0] =	vst v2  }
0x214: {  	[tilespmem:$0x64D0] =	vst v1;
	v1 =	vadd.s32 $0x2780, v63  }
0x215: {  	[tilespmem:$0x6810] =	vst v1;
	v1 =	vadd.s32 $0x4F00, v63  }
0x216: {  	s31 =	simm.s32 $0x80;
	s8 =	simm.s32 $0x1200;
	[tilespmem:$0x6890] =	vst v1  }
0x217: {  	[spmem:s5] =	stream.indirect.scatter.add.f32 [tilespmem:s8], [sflag:$0xB], $0x80, s31, s23, $0xb8;
	[tilespmem:$0x1B480] =	vst v63  }
0x218: {  	s12 =	simm.s32 $0x6780;
	s15 =	simm.s32 $0x6480  }
0x219: {  	[spmem:s6] =	stream.indirect.scatter.add.f32 [tilespmem:s15], [sflag:$0xB], $0x1, s12, s23, $0xb8;
	[tilespmem:$0x1B480] =	vst v63  }
0x21a: {  	s17 =	simm.s32 $0x6800;
	s21 =	simm.s32 $0x64A0  }
0x21b: {  	[spmem:s6] =	stream.indirect.scatter.add.f32 [tilespmem:s21], [sflag:$0xB], $0x1, s17, s23, $0xb8;
	[tilespmem:$0x1B480] =	vst v63  }
0x21c: {  	s26 =	simm.s32 $0x6880;
	s31 =	simm.s32 $0x64C0  }
0x21d: {  	[spmem:s6] =	stream.indirect.scatter.add.f32 [tilespmem:s31], [sflag:$0xB], $0x1, s26, s23, $0xb8;
	[tilespmem:$0x1B480] =	vst v63  }
0x21e: {  	_ =	swait.ge [sflag:s2], $0x1000  }
0x21f: {  	[sflag:s2] =	ssyncset.done $0x0  }
0x220: {  	[sflag:s2] =	ssyncadd.s32 $0xFFFFF000  }
0x221: {  	_ =	swait.ge [sflag:s2], $0x20  }
0x222: {  	[sflag:s2] =	ssyncset.done $0x0  }
0x223: {  	[sflag:s2] =	ssyncadd.s32 $0xFFFFFFE0  }
0x224: {  	_ =	swait.ge [sflag:s2], $0x20  }
0x225: {  	[sflag:s2] =	ssyncset.done $0x0  }
0x226: {  	[sflag:s2] =	ssyncadd.s32 $0xFFFFFFE0  }
0x227: {  	_ =	swait.ge [sflag:s2], $0x20  }
0x228: {  	[sflag:s2] =	ssyncset.done $0x0  }
0x229: {  	[sflag:s2] =	ssyncadd.s32 $0xFFFFFFE0  }
.LBB2_8:
0x22a: {  	s4 =	sadd.s32 s13, s24  }
0x22b: {  	p2 =	sgt.u32 s4, $0x1387  }
0x22c: {  	s8 =	sshll.u32 @!p2 s4, $0x2  }
0x22d: {  	s12 =	simm.s32 @!p2 $0x0;
	s26 =	simm.s32 @!p2 $0x80;
	s8 =	sadd.s32 @!p2 s8, s22  }
0x22e: {  	[tilespmem:s26], [sflag:$0x2] =	stream.linear.gather @!p2 [hbm4b:s8+s12], $0x20, $0x38;
	[tilespmem:$0x1B480] =	vst v63  }
0x22f: {  	s8 =	sshll.u32 @!p2 s4, $0x9  }
0x230: {  	s15 =	simm.s32 @!p2 $0x1200;
	s4 =	smul.u32 @!p2 $0xC, s4;
	s8 =	sadd.s32 @!p2 s1, s8  }
0x231: {  	[tilespmem:s15], [sflag:$0x5] =	stream.linear.gather @!p2 [hbm4b:s8+s12], $0x1000, $0x38;
	[tilespmem:$0x1B480] =	vst v63  }
0x232: {  	s4 =	sadd.s32 @!p2 s3, s4;
	s8 =	simm.s32 @!p2 $0x6280  }
0x233: {  	[tilespmem:s8], [sflag:$0x5] =	stream.linear.gather @!p2 [hbm4b:s4+s12], $0x60, $0x38;
	[tilespmem:$0x1B480] =	vst v63  }
.Ltmp7:
0x234: {  	s4 =	simm.s32 @!p1 $0x1;
	(pc) =	sbr.rel @p3 .LBB2_12-.Ltmp7, $4  }
0x235: {  	_ =	swait.ge @!p1 [sflag:s4], $0x20  }
0x236: {  	[sflag:s4] =	ssyncset.done @!p1 $0x0  }
0x237: {  	s8 =	simm.s32 @!p1 $0x3200;
	[sflag:s4] =	ssyncadd.s32 @!p1 $0xFFFFFFE0;
	s4 =	simm.s32 @!p1 $0x20  }
0x238: {  	[tilespmem:s8], [sflag:$0x7] =	stream.indirect.gather @!p1 [hbm4b:s0+s4], $0x80, s25, s4, $0xb8;
	[tilespmem:$0x1B480] =	vst v63  }
0x239: {  	_ =	swait.ge [sflag:s10], $0x1000  }
0x23a: {  	[sflag:s10] =	ssyncset.done $0x0  }
0x23b: {  	[sflag:s10] =	ssyncadd.s32 $0xFFFFF000  }
0x23c: {  	_ =	swait.ge [sflag:s10], $0x60  }
0x23d: {  	[sflag:s10] =	ssyncset.done $0x0  }
0x23e: {  	[sflag:s10] =	ssyncadd.s32 $0xFFFFFFA0  }
0x23f: {  	_ =	swait.ge [sflag:s11], $0x1000  }
0x240: {  	[sflag:s11] =	ssyncset.done $0x0  }
0x241: {  	s25 =	simm.s32 $0x53F0;
	[sflag:s11] =	ssyncadd.s32 $0xFFFFF000  }
0x242: {  	s31 =	simm.s32 $0x23F0;
	v1 =	vld [tilespmem:s25+$0xFFFFFE80]  }
0x243: {  	v2 =	vld [tilespmem:s31+$0xFFFFFE80]  }
0x244: {  	v3 =	vld [tilespmem:s25+$0xFFFFFE60]  }
0x245: {  	v4 =	vld [tilespmem:s31+$0xFFFFFE60]  }
0x246: {  	v5 =	vld [tilespmem:s31+$0xFFFFFE10]  }
0x247: {  	v6 =	vld [tilespmem:s25+$0xFFFFFE40]  }
0x248: {  	v7 =	vld [tilespmem:s31+$0xFFFFFE40]  }
0x249: {  	v8 =	vld [tilespmem:s25+$0xFFFFFE30]  }
0x24a: {  	v9 =	vld [tilespmem:s31+$0xFFFFFE30]  }
0x24b: {  	v10 =	vld [tilespmem:s25+$0xFFFFFE20]  }
0x24c: {  	v11 =	vld [tilespmem:s31+$0xFFFFFE20]  }
0x24d: {  	v12 =	vld [tilespmem:s25+$0xFFFFFE10]  }
0x24e: {  	v13 =	vld [tilespmem:s25+$0xFFFFFE50]  }
0x24f: {  	v14 =	vld [tilespmem:s31+$0xFFFFFE50]  }
0x250: {  	v15 =	vld [tilespmem:s25+$0xFFFFFE70]  }
0x251: {  	v29 =	vld [tilespmem:s31+$0xFFFFFE70];
	v6 =	vmul.f32 v6, v7;
	v28 =	vmul.f32 v8, v9  }
0x252: {  	v30 =	vmul.f32 v10, v11;
	v5 =	vmul.f32 v12, v5  }
0x253: {  	v3 =	vmul.f32 v3, v4  }
0x254: {  	v33 =	vmul.f32 v13, v14;
	v31 =	vadd.f32 v28, v5;
	v32 =	vadd.f32 v6, v30  }
0x255: {  	v1 =	vmul.f32 v1, v2  }
0x256: {  	v34 =	vmul.f32 v15, v29;
	v2 =	vadd.f32 v33, v31;
	v3 =	vadd.f32 v3, v32;
	_ =	sdelay $0x1  }
0x257: {  	v2 =	vadd.f32 v34, v2;
	v1 =	vadd.f32 v1, v3;
	_ =	sdelay $0x1  }
0x258: {  	v1 =	vadd.f32 v1, v2;
	_ =	sdelay $0x1  }
0x259: {  	(xrf2) =	vadd.scan.msk.f32 $0xffff, v1;
	_ =	sdelay $0x1  }
0x25a: {  	s4 =	simm.s32 $0x0  }
0x25b: {  	v1 =	vmov s4  }
0x25c: {  	v1 =	vand.u32 $0xFFFFFFFC, v1  }
0x25d: {  	v1 =	vbroadcast v1, $0x0;
	_ =	sdelay $0x4  }
0x25e: {  	v2, _, _ =	vpop (xrf2)  }
0x25f: {  	[tilespmem:v1+s20+$0x0] =	vst.idx.msk vm0, v2  }
0x260: {  	v1 =	vld [tilespmem:s31+$0xFFFFFEF0]  }
0x261: {  	v2 =	vld [tilespmem:s31+$0xFFFFFF00]  }
0x262: {  	v3 =	vld [tilespmem:s31+$0xFFFFFED0]  }
0x263: {  	v35 =	vld [tilespmem:s31+$0xFFFFFEE0]  }
0x264: {  	v36 =	vld [tilespmem:s25+$0xFFFFFEC0]  }
0x265: {  	v37 =	vld [tilespmem:s25+$0xFFFFFE90]  }
0x266: {  	v38 =	vld [tilespmem:s25+$0xFFFFFEB0]  }
0x267: {  	v39 =	vld [tilespmem:s31+$0xFFFFFEA0]  }
0x268: {  	v40 =	vld [tilespmem:s31+$0xFFFFFEB0]  }
0x269: {  	v41 =	vld [tilespmem:s31+$0xFFFFFEC0]  }
0x26a: {  	v42 =	vld [tilespmem:s25+$0xFFFFFEA0]  }
0x26b: {  	v43 =	vld [tilespmem:s31+$0xFFFFFE90]  }
0x26c: {  	v44 =	vld [tilespmem:s25+$0xFFFFFEE0]  }
0x26d: {  	v45 =	vld [tilespmem:s25+$0xFFFFFED0]  }
0x26e: {  	v46 =	vld [tilespmem:s25+$0xFFFFFEF0]  }
0x26f: {  	v47 =	vld [tilespmem:s25+$0xFFFFFF00];
	v7 =	vmul.f32 v38, v40;
	v5 =	vmul.f32 v36, v41  }
0x270: {  	v8 =	vmul.f32 v42, v39;
	v6 =	vmul.f32 v37, v43  }
0x271: {  	v4 =	vmul.f32 v44, v35  }
0x272: {  	v3 =	vmul.f32 v45, v3;
	v5 =	vadd.f32 v5, v8;
	v6 =	vadd.f32 v7, v6  }
0x273: {  	v1 =	vmul.f32 v46, v1  }
0x274: {  	v2 =	vmul.f32 v47, v2;
	v4 =	vadd.f32 v4, v5;
	v3 =	vadd.f32 v3, v6;
	_ =	sdelay $0x1  }
0x275: {  	v2 =	vadd.f32 v2, v4;
	v1 =	vadd.f32 v1, v3;
	_ =	sdelay $0x1  }
0x276: {  	v1 =	vadd.f32 v2, v1;
	_ =	sdelay $0x1  }
0x277: {  	(xrf2) =	vadd.scan.msk.f32 $0xffff, v1;
	_ =	sdelay $0x1  }
0x278: {  	s8 =	simm.s32 $0x1  }
0x279: {  	v1 =	vmov s8  }
0x27a: {  	v1 =	vand.u32 $0xFFFFFFFD, v1  }
0x27b: {  	v1 =	vbroadcast v1, $0x0;
	_ =	sdelay $0x4  }
0x27c: {  	v2, _, _ =	vpop (xrf2)  }
0x27d: {  	[tilespmem:v1+s20+$0x0] =	vst.idx.msk vm0, v2  }
0x27e: {  	v1 =	vld [tilespmem:s25+$0xFFFFFF60]  }
0x27f: {  	v2 =	vld [tilespmem:s31+$0xFFFFFF50]  }
0x280: {  	v3 =	vld [tilespmem:s31+$0xFFFFFF60]  }
0x281: {  	v48 =	vld [tilespmem:s25+$0xFFFFFF50]  }
0x282: {  	v49 =	vld [tilespmem:s31+$0xFFFFFF40]  }
0x283: {  	v50 =	vld [tilespmem:s25+$0xFFFFFF30]  }
0x284: {  	v51 =	vld [tilespmem:s25+$0xFFFFFF40]  }
0x285: {  	v52 =	vld [tilespmem:s31+$0xFFFFFF10]  }
0x286: {  	v53 =	vld [tilespmem:s25+$0xFFFFFF10]  }
0x287: {  	v54 =	vld [tilespmem:s31+$0xFFFFFF30]  }
0x288: {  	v55 =	vld [tilespmem:s31+$0xFFFFFF20]  }
0x289: {  	v56 =	vld [tilespmem:s25+$0xFFFFFF20]  }
0x28a: {  	v57 =	vld [tilespmem:s25+$0xFFFFFF80]  }
0x28b: {  	v58 =	vld [tilespmem:s31+$0xFFFFFF80]  }
0x28c: {  	v59 =	vld [tilespmem:s25+$0xFFFFFF70]  }
0x28d: {  	v60 =	vld [tilespmem:s31+$0xFFFFFF70];
	v8 =	vmul.f32 v53, v52;
	v6 =	vmul.f32 v50, v54  }
0x28e: {  	v5 =	vmul.f32 v51, v49;
	v61 =	vmul.f32 v56, v55  }
0x28f: {  	v2 =	vmul.f32 v48, v2  }
0x290: {  	v1 =	vmul.f32 v1, v3;
	v62 =	vadd.f32 v6, v8;
	v3 =	vadd.f32 v5, v61  }
0x291: {  	v63 =	vmul.f32 v57, v58  }
0x292: {  	v2 =	vadd.f32 v2, v62;
	v1 =	vadd.f32 v1, v3;
	v3 =	vmul.f32 v59, v60;
	_ =	sdelay $0x1  }
0x293: {  	v2 =	vadd.f32 v3, v2;
	v1 =	vadd.f32 v63, v1;
	_ =	sdelay $0x1  }
0x294: {  	v1 =	vadd.f32 v1, v2;
	_ =	sdelay $0x1  }
0x295: {  	(xrf2) =	vadd.scan.msk.f32 $0xffff, v1;
	_ =	sdelay $0x1  }
0x296: {  	s21 =	simm.s32 $0x2  }
0x297: {  	v1 =	vmov s21  }
0x298: {  	v1 =	vand.u32 $0xFFFFFFFE, v1  }
0x299: {  	v1 =	vbroadcast v1, $0x0;
	_ =	sdelay $0x4  }
0x29a: {  	v2, _, _ =	vpop (xrf2)  }
0x29b: {  	s17 =	simm.s32 $0x4;
	s12 =	simm.s32 $0x23F0;
	s21 =	simm.s32 $0x53F0;
	[tilespmem:v1+s20+$0x0] =	vst.idx.msk vm0, v2  }
.LBB2_10:
0x29c: {  	p3 =	sne.s32 s17, $0x1C;
	v1 =	vld [tilespmem:s25+$0x0];
	s21 =	sadd.s32 $0x200, s21;
	s31 =	sadd.s32 $0x200, s31  }
0x29d: {  	s8 =	smov.u32 s17;
	s17 =	sadd.s32 $0x4, s17;
	v2 =	vld [tilespmem:s12+$0x0]  }
0x29e: {  	v3 =	vld [tilespmem:s25+$0xFFFFFFE0]  }
0x29f: {  	v4 =	vld [tilespmem:s12+$0xFFFFFFE0]  }
0x2a0: {  	v5 =	vld [tilespmem:s25+$0xFFFFFFB0]  }
0x2a1: {  	v6 =	vld [tilespmem:s12+$0xFFFFFFB0]  }
0x2a2: {  	v7 =	vld [tilespmem:s25+$0xFFFFFFC0];
	v1 =	vmul.f32 v1, v2  }
0x2a3: {  	v2 =	vld [tilespmem:s12+$0xFFFFFFC0]  }
0x2a4: {  	v8 =	vld [tilespmem:s25+$0xFFFFFFA0];
	v3 =	vmul.f32 v3, v4  }
0x2a5: {  	v4 =	vld [tilespmem:s12+$0xFFFFFFA0]  }
0x2a6: {  	v9 =	vld [tilespmem:s25+$0xFFFFFF90];
	v5 =	vmul.f32 v5, v6  }
0x2a7: {  	v6 =	vld [tilespmem:s12+$0xFFFFFF90]  }
0x2a8: {  	v2 =	vmul.f32 v7, v2;
	v7 =	vld [tilespmem:s25+$0xFFFFFFD0]  }
0x2a9: {  	v10 =	vld [tilespmem:s12+$0xFFFFFFD0]  }
0x2aa: {  	v4 =	vmul.f32 v8, v4;
	v8 =	vld [tilespmem:s25+$0xFFFFFFF0];
	s25 =	smov.u32 s21  }
0x2ab: {  	v11 =	vld [tilespmem:s12+$0xFFFFFFF0];
	s12 =	smov.u32 s31  }
0x2ac: {  	v6 =	vmul.f32 v9, v6;
	v2 =	vadd.f32 v2, v4;
	_ =	sdelay $0x1  }
0x2ad: {  	v4 =	vadd.f32 v5, v6;
	v5 =	vmul.f32 v7, v10;
	v2 =	vadd.f32 v3, v2;
	_ =	sdelay $0x1  }
0x2ae: {  	v3 =	vadd.f32 v5, v4;
	v4 =	vmul.f32 v8, v11;
	v1 =	vadd.f32 v1, v2;
	_ =	sdelay $0x1  }
0x2af: {  	v2 =	vadd.f32 v4, v3;
	_ =	sdelay $0x1  }
0x2b0: {  	v1 =	vadd.f32 v1, v2;
	_ =	sdelay $0x1  }
0x2b1: {  	(xrf2) =	vadd.scan.msk.f32 $0xffff, v1;
	_ =	sdelay $0x4  }
0x2b2: {  	s15 =	sadd.s32 $0x3, s4;
	s4 =	smov.u32 s8  }
0x2b3: {  	v1 =	vmov s15;
	_ =	sdelay $0x3  }
0x2b4: {  	v2, _, _ =	vpop (xrf2)  }
0x2b5: {  	[tilespmem:v1+s20+$0x0] =	vst.idx.msk vm0, v2  }
0x2b6: {  	v1 =	vld [tilespmem:s21+$0xFFFFFE80]  }
0x2b7: {  	v2 =	vld [tilespmem:s31+$0xFFFFFE80]  }
0x2b8: {  	v3 =	vld [tilespmem:s21+$0xFFFFFE60]  }
0x2b9: {  	v4 =	vld [tilespmem:s31+$0xFFFFFE60]  }
0x2ba: {  	v5 =	vld [tilespmem:s31+$0xFFFFFE10]  }
0x2bb: {  	v6 =	vld [tilespmem:s21+$0xFFFFFE40]  }
0x2bc: {  	v7 =	vld [tilespmem:s31+$0xFFFFFE40]  }
0x2bd: {  	v8 =	vld [tilespmem:s21+$0xFFFFFE30]  }
0x2be: {  	v9 =	vld [tilespmem:s31+$0xFFFFFE30];
	v3 =	vmul.f32 v3, v4  }
0x2bf: {  	v4 =	vld [tilespmem:s21+$0xFFFFFE20]  }
0x2c0: {  	v10 =	vld [tilespmem:s31+$0xFFFFFE20]  }
0x2c1: {  	v11 =	vld [tilespmem:s21+$0xFFFFFE10];
	v6 =	vmul.f32 v6, v7  }
0x2c2: {  	v7 =	vld [tilespmem:s21+$0xFFFFFE50]  }
0x2c3: {  	v8 =	vmul.f32 v8, v9;
	v9 =	vld [tilespmem:s31+$0xFFFFFE50]  }
0x2c4: {  	v12 =	vld [tilespmem:s21+$0xFFFFFE70]  }
0x2c5: {  	v4 =	vmul.f32 v4, v10;
	v10 =	vld [tilespmem:s31+$0xFFFFFE70]  }
0x2c6: {  	v5 =	vmul.f32 v11, v5;
	_ =	sdelay $0x1  }
0x2c7: {  	v4 =	vadd.f32 v6, v4;
	v5 =	vadd.f32 v8, v5;
	v6 =	vmul.f32 v7, v9  }
0x2c8: {  	v1 =	vmul.f32 v1, v2  }
0x2c9: {  	v3 =	vadd.f32 v3, v4;
	v2 =	vadd.f32 v6, v5;
	v4 =	vmul.f32 v12, v10;
	_ =	sdelay $0x1  }
0x2ca: {  	v1 =	vadd.f32 v1, v3;
	v2 =	vadd.f32 v4, v2;
	_ =	sdelay $0x1  }
0x2cb: {  	v1 =	vadd.f32 v1, v2;
	_ =	sdelay $0x1  }
0x2cc: {  	(xrf2) =	vadd.scan.msk.f32 $0xffff, v1;
	_ =	sdelay $0x2  }
0x2cd: {  	v1 =	vmov s4  }
0x2ce: {  	v1 =	vand.u32 $0xFFFFFFFC, v1  }
0x2cf: {  	v1 =	vbroadcast v1, $0x0;
	_ =	sdelay $0x4  }
0x2d0: {  	v2, _, _ =	vpop (xrf2)  }
0x2d1: {  	[tilespmem:v1+s20+$0x0] =	vst.idx.msk vm0, v2  }
0x2d2: {  	v1 =	vld [tilespmem:s31+$0xFFFFFEF0]  }
0x2d3: {  	v2 =	vld [tilespmem:s31+$0xFFFFFF00]  }
0x2d4: {  	v3 =	vld [tilespmem:s21+$0xFFFFFEF0]  }
0x2d5: {  	v4 =	vld [tilespmem:s31+$0xFFFFFED0]  }
0x2d6: {  	v5 =	vld [tilespmem:s21+$0xFFFFFF00]  }
0x2d7: {  	v6 =	vld [tilespmem:s21+$0xFFFFFED0]  }
0x2d8: {  	v7 =	vld [tilespmem:s31+$0xFFFFFEE0]  }
0x2d9: {  	v8 =	vld [tilespmem:s21+$0xFFFFFEE0]  }
0x2da: {  	v9 =	vld [tilespmem:s21+$0xFFFFFEC0]  }
0x2db: {  	v10 =	vld [tilespmem:s21+$0xFFFFFE90]  }
0x2dc: {  	v11 =	vld [tilespmem:s21+$0xFFFFFEB0]  }
0x2dd: {  	v12 =	vld [tilespmem:s31+$0xFFFFFEA0]  }
0x2de: {  	v13 =	vld [tilespmem:s31+$0xFFFFFEB0]  }
0x2df: {  	v7 =	vmul.f32 v8, v7;
	v14 =	vld [tilespmem:s31+$0xFFFFFEC0]  }
0x2e0: {  	v8 =	vld [tilespmem:s21+$0xFFFFFEA0]  }
0x2e1: {  	v15 =	vld [tilespmem:s31+$0xFFFFFE90]  }
0x2e2: {  	v4 =	vmul.f32 v6, v4  }
0x2e3: {  	v6 =	vmul.f32 v11, v13  }
0x2e4: {  	v1 =	vmul.f32 v3, v1;
	v9 =	vmul.f32 v9, v14  }
0x2e5: {  	v2 =	vmul.f32 v5, v2;
	v3 =	vmul.f32 v8, v12  }
0x2e6: {  	v5 =	vmul.f32 v10, v15  }
0x2e7: {  	v3 =	vadd.f32 v9, v3  }
0x2e8: {  	v5 =	vadd.f32 v6, v5  }
0x2e9: {  	v3 =	vadd.f32 v7, v3  }
0x2ea: {  	v4 =	vadd.f32 v4, v5  }
0x2eb: {  	v2 =	vadd.f32 v2, v3  }
0x2ec: {  	v1 =	vadd.f32 v1, v4;
	_ =	sdelay $0x1  }
0x2ed: {  	v1 =	vadd.f32 v2, v1;
	_ =	sdelay $0x1  }
0x2ee: {  	(xrf2) =	vadd.scan.msk.f32 $0xffff, v1;
	_ =	sdelay $0x1  }
0x2ef: {  	s8 =	sadd.s32 $0x1, s4  }
0x2f0: {  	v1 =	vmov s8  }
0x2f1: {  	v1 =	vand.u32 $0xFFFFFFFD, v1  }
0x2f2: {  	v1 =	vbroadcast v1, $0x0;
	_ =	sdelay $0x4  }
0x2f3: {  	v2, _, _ =	vpop (xrf2)  }
0x2f4: {  	[tilespmem:v1+s20+$0x0] =	vst.idx.msk vm0, v2  }
0x2f5: {  	v1 =	vld [tilespmem:s21+$0xFFFFFF60]  }
0x2f6: {  	v2 =	vld [tilespmem:s31+$0xFFFFFF50]  }
0x2f7: {  	v3 =	vld [tilespmem:s31+$0xFFFFFF60]  }
0x2f8: {  	v4 =	vld [tilespmem:s21+$0xFFFFFF50]  }
0x2f9: {  	v5 =	vld [tilespmem:s31+$0xFFFFFF40]  }
0x2fa: {  	v6 =	vld [tilespmem:s21+$0xFFFFFF30]  }
0x2fb: {  	v7 =	vld [tilespmem:s21+$0xFFFFFF40]  }
0x2fc: {  	v8 =	vld [tilespmem:s31+$0xFFFFFF10]  }
0x2fd: {  	v9 =	vld [tilespmem:s21+$0xFFFFFF10]  }
0x2fe: {  	v10 =	vld [tilespmem:s31+$0xFFFFFF30]  }
0x2ff: {  	v11 =	vld [tilespmem:s31+$0xFFFFFF20]  }
0x300: {  	v12 =	vld [tilespmem:s21+$0xFFFFFF20]  }
0x301: {  	v1 =	vmul.f32 v1, v3;
	v3 =	vld [tilespmem:s21+$0xFFFFFF80]  }
0x302: {  	v8 =	vmul.f32 v9, v8;
	v9 =	vld [tilespmem:s31+$0xFFFFFF80]  }
0x303: {  	v2 =	vmul.f32 v4, v2;
	v6 =	vmul.f32 v6, v10;
	v4 =	vld [tilespmem:s21+$0xFFFFFF70]  }
0x304: {  	v5 =	vmul.f32 v7, v5;
	v7 =	vld [tilespmem:s31+$0xFFFFFF70]  }
0x305: {  	v10 =	vmul.f32 v12, v11;
	v6 =	vadd.f32 v6, v8;
	_ =	sdelay $0x1  }
0x306: {  	v5 =	vadd.f32 v5, v10;
	v2 =	vadd.f32 v2, v6;
	v3 =	vmul.f32 v3, v9;
	_ =	sdelay $0x1  }
0x307: {  	v1 =	vadd.f32 v1, v5;
	v4 =	vmul.f32 v4, v7;
	_ =	sdelay $0x1  }
0x308: {  	v2 =	vadd.f32 v4, v2;
	v1 =	vadd.f32 v3, v1;
	_ =	sdelay $0x1  }
0x309: {  	v1 =	vadd.f32 v1, v2;
	_ =	sdelay $0x1  }
0x30a: {  	(xrf2) =	vadd.scan.msk.f32 $0xffff, v1;
	_ =	sdelay $0x1  }
0x30b: {  	s8 =	sadd.s32 $0x2, s4  }
0x30c: {  	v1 =	vmov s8  }
0x30d: {  	v1 =	vand.u32 $0xFFFFFFFE, v1  }
0x30e: {  	v1 =	vbroadcast v1, $0x0;
	_ =	sdelay $0x1  }
.Ltmp8:
0x30f: {  	(pc) =	sbr.rel @p3 .LBB2_10-.Ltmp8, $3  }
0x310: {  	_ =	sdelay $0x1  }
0x311: {  	v2, _, _ =	vpop (xrf2)  }
0x312: {  	[tilespmem:v1+s20+$0x0] =	vst.idx.msk vm0, v2  }
0x313: {  	v1 =	vld [tilespmem:s25+$0x0]  }
0x314: {  	v2 =	vld [tilespmem:s12+$0x0]  }
0x315: {  	v3 =	vld [tilespmem:s25+$0xFFFFFFE0]  }
0x316: {  	v4 =	vld [tilespmem:s12+$0xFFFFFFE0]  }
0x317: {  	v5 =	vld [tilespmem:s25+$0xFFFFFFB0]  }
0x318: {  	v6 =	vld [tilespmem:s12+$0xFFFFFFB0]  }
0x319: {  	v7 =	vld [tilespmem:s25+$0xFFFFFFC0]  }
0x31a: {  	v8 =	vld [tilespmem:s12+$0xFFFFFFC0]  }
0x31b: {  	v9 =	vld [tilespmem:s25+$0xFFFFFFA0]  }
0x31c: {  	v10 =	vld [tilespmem:s12+$0xFFFFFFA0]  }
0x31d: {  	v11 =	vld [tilespmem:s25+$0xFFFFFF90]  }
0x31e: {  	v12 =	vld [tilespmem:s12+$0xFFFFFF90]  }
0x31f: {  	v13 =	vld [tilespmem:s25+$0xFFFFFFD0]  }
0x320: {  	v14 =	vld [tilespmem:s12+$0xFFFFFFD0]  }
0x321: {  	v15 =	vld [tilespmem:s25+$0xFFFFFFF0]  }
0x322: {  	v38 =	vld [tilespmem:s12+$0xFFFFFFF0];
	v5 =	vmul.f32 v5, v6;
	v37 =	vmul.f32 v7, v8  }
0x323: {  	v39 =	vmul.f32 v9, v10;
	v40 =	vmul.f32 v11, v12  }
0x324: {  	v3 =	vmul.f32 v3, v4  }
0x325: {  	v42 =	vmul.f32 v13, v14;
	v41 =	vadd.f32 v37, v39;
	v5 =	vadd.f32 v5, v40  }
0x326: {  	v1 =	vmul.f32 v1, v2  }
0x327: {  	v43 =	vmul.f32 v15, v38;
	v2 =	vadd.f32 v3, v41;
	v3 =	vadd.f32 v42, v5;
	_ =	sdelay $0x1  }
0x328: {  	v1 =	vadd.f32 v1, v2;
	v2 =	vadd.f32 v43, v3;
	_ =	sdelay $0x1  }
0x329: {  	v1 =	vadd.f32 v1, v2;
	_ =	sdelay $0x1  }
0x32a: {  	(xrf2) =	vadd.scan.msk.f32 $0xffff, v1;
	_ =	sdelay $0x4  }
0x32b: {  	s4 =	sadd.s32 $0x3, s4  }
0x32c: {  	v1 =	vmov s4;
	_ =	sdelay $0x3  }
0x32d: {  	v2, _, _ =	vpop (xrf2)  }
0x32e: {  	[tilespmem:v1+s20+$0x0] =	vst.idx.msk vm0, v2  }
0x32f: {  	v1 =	vld [tilespmem:$0x6300]  }
0x330: {  	v2 =	vld [tilespmem:$0x6320];
	_ =	sdelay $0x1  }
0x331: {  	v3 =	vld [tilespmem:$0x6340];
	_ =	sdelay $0x2  }
0x332: {  	v46 =	vld [tilespmem:$0x6310];
	v44 =	vmul.f32 v1, v1;
	v45 =	vmul.f32 v2, v2  }
0x333: {  	v48 =	vld [tilespmem:$0x6330]  }
0x334: {  	v47 =	vmul.f32 v3, v3;
	v4 =	vadd.f32 v45, v44  }
0x335: {  	v49 =	vld [tilespmem:$0x6350]  }
0x336: {  	v4 =	vadd.f32 v47, v4  }
0x337: {  	v51 =	vmul.f32 v46, v46  }
0x338: {  	v52 =	vmul.f32 v48, v48;
	v50 =	vmul.f32 $5.000000000e-01, v4;
	v4 =	vshra.s32 v4, $0x1  }
0x339: {  	v4 =	vsub.s32 $0x5F3759DF, v4  }
0x33a: {  	v54 =	vmul.f32 v49, v49;
	v9 =	vadd.f32 v52, v51;
	v53 =	vmul.f32 v4, v50;
	_ =	sdelay $0x1  }
0x33b: {  	v9 =	vadd.f32 v54, v9;
	v11 =	vmul.f32 v4, v53;
	_ =	sdelay $0x1  }
0x33c: {  	v56 =	vshra.s32 v9, $0x1;
	v9 =	vmul.f32 $5.000000000e-01, v9;
	v55 =	vsub.f32 $1.500000000e+00, v11  }
0x33d: {  	v11 =	vsub.s32 $0x5F3759DF, v56  }
0x33e: {  	v57 =	vmul.f32 v11, v9;
	v4 =	vmul.f32 v4, v55;
	_ =	sdelay $0x1  }
0x33f: {  	v10 =	vmul.f32 v11, v57;
	v58 =	vmul.f32 v4, v50;
	_ =	sdelay $0x1  }
0x340: {  	v10 =	vsub.f32 $1.500000000e+00, v10;
	v12 =	vmul.f32 v58, v4;
	_ =	sdelay $0x1  }
0x341: {  	v10 =	vmul.f32 v11, v10;
	v12 =	vsub.f32 $1.500000000e+00, v12;
	_ =	sdelay $0x1  }
0x342: {  	v11 =	vmul.f32 v10, v9;
	v4 =	vmul.f32 v12, v4;
	_ =	sdelay $0x1  }
0x343: {  	v11 =	vmul.f32 v11, v10;
	v8 =	vmul.f32 v4, v50;
	_ =	sdelay $0x1  }
0x344: {  	v11 =	vsub.f32 $1.500000000e+00, v11;
	v8 =	vmul.f32 v8, v4  }
0x345: {  	v59 =	vld [tilespmem:$0x6E00]  }
0x346: {  	v10 =	vmul.f32 v11, v10;
	v8 =	vsub.f32 $1.500000000e+00, v8;
	_ =	sdelay $0x1  }
0x347: {  	v62 =	vld [tilespmem:$0x100];
	v60 =	vmul.f32 v10, v9;
	v4 =	vmul.f32 v8, v4;
	_ =	sdelay $0x1  }
0x348: {  	v63 =	vld [tilespmem:$0x110];
	v8 =	vmul.f32 v60, v10;
	v4 =	vmul.f32 v4, v59  }
0x349: {  	v61 =	vld [tilespmem:$0x6E10]  }
0x34a: {  	v8 =	vsub.f32 $1.500000000e+00, v8;
	v1 =	vmul.f32 v4, v1  }
0x34b: {  	[tilespmem:$0x6900] =	vst v62  }
0x34c: {  	[tilespmem:$0x6500] =	vst v1;
	v1 =	vmul.f32 v4, v3;
	v3 =	vmul.f32 v8, v10  }
0x34d: {  	[tilespmem:$0x6910] =	vst v63;
	v2 =	vmul.f32 v4, v2  }
0x34e: {  	[tilespmem:$0x6540] =	vst v1;
	v1 =	vmul.f32 v3, v61  }
0x34f: {  	[tilespmem:$0x6520] =	vst v2;
	v2 =	vadd.s32 $0x2780, v62  }
0x350: {  	[tilespmem:$0x6980] =	vst v2;
	v2 =	vadd.s32 $0x4F00, v62;
	v3 =	vmul.f32 v1, v46  }
0x351: {  	[tilespmem:$0x6A00] =	vst v2;
	v2 =	vmul.f32 v1, v48  }
0x352: {  	v1 =	vmul.f32 v1, v49;
	[tilespmem:$0x6510] =	vst v3  }
0x353: {  	[tilespmem:$0x6530] =	vst v2  }
0x354: {  	[tilespmem:$0x6550] =	vst v1;
	v1 =	vadd.s32 $0x2780, v63  }
0x355: {  	[tilespmem:$0x6990] =	vst v1;
	v1 =	vadd.s32 $0x4F00, v63  }
0x356: {  	s31 =	simm.s32 $0x100;
	s8 =	simm.s32 $0x2200;
	[tilespmem:$0x6A10] =	vst v1  }
0x357: {  	[spmem:s5] =	stream.indirect.scatter.add.f32 [tilespmem:s8], [sflag:$0xC], $0x80, s31, s23, $0xb8;
	[tilespmem:$0x1B480] =	vst v63  }
0x358: {  	s12 =	simm.s32 $0x6900;
	s15 =	simm.s32 $0x6500  }
0x359: {  	[spmem:s6] =	stream.indirect.scatter.add.f32 [tilespmem:s15], [sflag:$0xC], $0x1, s12, s23, $0xb8;
	[tilespmem:$0x1B480] =	vst v63  }
0x35a: {  	s17 =	simm.s32 $0x6980;
	s21 =	simm.s32 $0x6520  }
0x35b: {  	[spmem:s6] =	stream.indirect.scatter.add.f32 [tilespmem:s21], [sflag:$0xC], $0x1, s17, s23, $0xb8;
	[tilespmem:$0x1B480] =	vst v63  }
0x35c: {  	s25 =	simm.s32 $0x6A00;
	s31 =	simm.s32 $0x6540  }
0x35d: {  	[spmem:s6] =	stream.indirect.scatter.add.f32 [tilespmem:s31], [sflag:$0xC], $0x1, s25, s23, $0xb8;
	[tilespmem:$0x1B480] =	vst v63  }
0x35e: {  	_ =	swait.ge [sflag:s28], $0x1000  }
0x35f: {  	[sflag:s28] =	ssyncset.done $0x0  }
0x360: {  	[sflag:s28] =	ssyncadd.s32 $0xFFFFF000  }
0x361: {  	_ =	swait.ge [sflag:s28], $0x20  }
0x362: {  	[sflag:s28] =	ssyncset.done $0x0  }
0x363: {  	[sflag:s28] =	ssyncadd.s32 $0xFFFFFFE0  }
0x364: {  	_ =	swait.ge [sflag:s28], $0x20  }
0x365: {  	[sflag:s28] =	ssyncset.done $0x0  }
0x366: {  	[sflag:s28] =	ssyncadd.s32 $0xFFFFFFE0  }
0x367: {  	_ =	swait.ge [sflag:s28], $0x20  }
0x368: {  	[sflag:s28] =	ssyncset.done $0x0  }
0x369: {  	[sflag:s28] =	ssyncadd.s32 $0xFFFFFFE0  }
.LBB2_12:
0x36a: {  	s4 =	sadd.s32 s14, s24  }
0x36b: {  	p3 =	sgt.u32 s4, $0x1387  }
0x36c: {  	s8 =	sshll.u32 @!p3 s4, $0x2  }
0x36d: {  	s12 =	simm.s32 @!p3 $0x0;
	s15 =	simm.s32 @!p3 $0x100;
	s8 =	sadd.s32 @!p3 s8, s22  }
0x36e: {  	[tilespmem:s15], [sflag:$0x3] =	stream.linear.gather @!p3 [hbm4b:s8+s12], $0x20, $0x38;
	[tilespmem:$0x1B480] =	vst v63  }
0x36f: {  	s8 =	sshll.u32 @!p3 s4, $0x9  }
0x370: {  	s15 =	simm.s32 @!p3 $0x2200;
	s4 =	smul.u32 @!p3 $0xC, s4;
	s8 =	sadd.s32 @!p3 s1, s8  }
0x371: {  	[tilespmem:s15], [sflag:$0x6] =	stream.linear.gather @!p3 [hbm4b:s8+s12], $0x1000, $0x38;
	[tilespmem:$0x1B480] =	vst v63  }
0x372: {  	s4 =	sadd.s32 @!p3 s3, s4;
	s8 =	simm.s32 @!p3 $0x6300  }
0x373: {  	[tilespmem:s8], [sflag:$0x6] =	stream.linear.gather @!p3 [hbm4b:s4+s12], $0x60, $0x38;
	[tilespmem:$0x1B480] =	vst v63  }
.Ltmp9:
0x374: {  	s4 =	simm.s32 @!p2 $0x2;
	(pc) =	sbr.rel @p1 .LBB2_16-.Ltmp9, $4  }
0x375: {  	_ =	swait.ge @!p2 [sflag:s4], $0x20  }
0x376: {  	[sflag:s4] =	ssyncset.done @!p2 $0x0  }
0x377: {  	s8 =	simm.s32 @!p2 $0x4200;
	[sflag:s4] =	ssyncadd.s32 @!p2 $0xFFFFFFE0;
	s4 =	simm.s32 @!p2 $0x20  }
0x378: {  	[tilespmem:s8], [sflag:$0x8] =	stream.indirect.gather @!p2 [hbm4b:s0+s4], $0x80, s26, s4, $0xb8;
	[tilespmem:$0x1B480] =	vst v63  }
0x379: {  	_ =	swait.ge [sflag:s29], $0x1000  }
0x37a: {  	[sflag:s29] =	ssyncset.done $0x0  }
0x37b: {  	[sflag:s29] =	ssyncadd.s32 $0xFFFFF000  }
0x37c: {  	_ =	swait.ge [sflag:s29], $0x60  }
0x37d: {  	[sflag:s29] =	ssyncset.done $0x0  }
0x37e: {  	[sflag:s29] =	ssyncadd.s32 $0xFFFFFFA0  }
0x37f: {  	_ =	swait.ge [sflag:s30], $0x1000  }
0x380: {  	[sflag:s30] =	ssyncset.done $0x0  }
0x381: {  	s24 =	simm.s32 $0x3300;
	[sflag:s30] =	ssyncadd.s32 $0xFFFFF000  }
0x382: {  	s25 =	simm.s32 $0x300;
	v1 =	vld [tilespmem:s24+$0xFFFFFF70]  }
0x383: {  	v2 =	vld [tilespmem:s25+$0xFFFFFF70]  }
0x384: {  	v3 =	vld [tilespmem:s24+$0xFFFFFF50]  }
0x385: {  	v4 =	vld [tilespmem:s25+$0xFFFFFF50]  }
0x386: {  	v5 =	vld [tilespmem:s25+$0xFFFFFF00]  }
0x387: {  	v6 =	vld [tilespmem:s24+$0xFFFFFF30]  }
0x388: {  	v7 =	vld [tilespmem:s25+$0xFFFFFF30]  }
0x389: {  	v8 =	vld [tilespmem:s24+$0xFFFFFF20]  }
0x38a: {  	v9 =	vld [tilespmem:s25+$0xFFFFFF20]  }
0x38b: {  	v10 =	vld [tilespmem:s24+$0xFFFFFF10]  }
0x38c: {  	v11 =	vld [tilespmem:s25+$0xFFFFFF10]  }
0x38d: {  	v12 =	vld [tilespmem:s24+$0xFFFFFF00]  }
0x38e: {  	v13 =	vld [tilespmem:s24+$0xFFFFFF40]  }
0x38f: {  	v14 =	vld [tilespmem:s25+$0xFFFFFF40]  }
0x390: {  	v15 =	vld [tilespmem:s24+$0xFFFFFF60]  }
0x391: {  	v29 =	vld [tilespmem:s25+$0xFFFFFF60];
	v6 =	vmul.f32 v6, v7;
	v28 =	vmul.f32 v8, v9  }
0x392: {  	v30 =	vmul.f32 v10, v11;
	v5 =	vmul.f32 v12, v5  }
0x393: {  	v3 =	vmul.f32 v3, v4  }
0x394: {  	v33 =	vmul.f32 v13, v14;
	v31 =	vadd.f32 v28, v5;
	v32 =	vadd.f32 v6, v30  }
0x395: {  	v1 =	vmul.f32 v1, v2  }
0x396: {  	v34 =	vmul.f32 v15, v29;
	v2 =	vadd.f32 v33, v31;
	v3 =	vadd.f32 v3, v32;
	_ =	sdelay $0x1  }
0x397: {  	v2 =	vadd.f32 v34, v2;
	v1 =	vadd.f32 v1, v3;
	_ =	sdelay $0x1  }
0x398: {  	v1 =	vadd.f32 v1, v2;
	_ =	sdelay $0x1  }
0x399: {  	(xrf2) =	vadd.scan.msk.f32 $0xffff, v1;
	_ =	sdelay $0x1  }
0x39a: {  	s4 =	simm.s32 $0x0  }
0x39b: {  	v1 =	vmov s4  }
0x39c: {  	v1 =	vand.u32 $0xFFFFFFFC, v1  }
0x39d: {  	v1 =	vbroadcast v1, $0x0;
	_ =	sdelay $0x4  }
0x39e: {  	v2, _, _ =	vpop (xrf2)  }
0x39f: {  	[tilespmem:v1+s20+$0x0] =	vst.idx.msk vm0, v2  }
0x3a0: {  	v1 =	vld [tilespmem:s25+$0xFFFFFFE0]  }
0x3a1: {  	v2 =	vld [tilespmem:s25+$0xFFFFFFF0]  }
0x3a2: {  	v3 =	vld [tilespmem:s25+$0xFFFFFFC0]  }
0x3a3: {  	v35 =	vld [tilespmem:s25+$0xFFFFFFD0]  }
0x3a4: {  	v36 =	vld [tilespmem:s24+$0xFFFFFFB0]  }
0x3a5: {  	v37 =	vld [tilespmem:s24+$0xFFFFFF80]  }
0x3a6: {  	v38 =	vld [tilespmem:s24+$0xFFFFFFA0]  }
0x3a7: {  	v39 =	vld [tilespmem:s25+$0xFFFFFF90]  }
0x3a8: {  	v40 =	vld [tilespmem:s25+$0xFFFFFFA0]  }
0x3a9: {  	v41 =	vld [tilespmem:s25+$0xFFFFFFB0]  }
0x3aa: {  	v42 =	vld [tilespmem:s24+$0xFFFFFF90]  }
0x3ab: {  	v43 =	vld [tilespmem:s25+$0xFFFFFF80]  }
0x3ac: {  	v44 =	vld [tilespmem:s24+$0xFFFFFFD0]  }
0x3ad: {  	v45 =	vld [tilespmem:s24+$0xFFFFFFC0]  }
0x3ae: {  	v46 =	vld [tilespmem:s24+$0xFFFFFFE0]  }
0x3af: {  	v47 =	vld [tilespmem:s24+$0xFFFFFFF0];
	v7 =	vmul.f32 v38, v40;
	v5 =	vmul.f32 v36, v41  }
0x3b0: {  	v8 =	vmul.f32 v42, v39;
	v6 =	vmul.f32 v37, v43  }
0x3b1: {  	v4 =	vmul.f32 v44, v35  }
0x3b2: {  	v3 =	vmul.f32 v45, v3;
	v5 =	vadd.f32 v5, v8;
	v6 =	vadd.f32 v7, v6  }
0x3b3: {  	v1 =	vmul.f32 v46, v1  }
0x3b4: {  	v2 =	vmul.f32 v47, v2;
	v4 =	vadd.f32 v4, v5;
	v3 =	vadd.f32 v3, v6;
	_ =	sdelay $0x1  }
0x3b5: {  	v2 =	vadd.f32 v2, v4;
	v1 =	vadd.f32 v1, v3;
	_ =	sdelay $0x1  }
0x3b6: {  	v1 =	vadd.f32 v2, v1;
	_ =	sdelay $0x1  }
0x3b7: {  	(xrf2) =	vadd.scan.msk.f32 $0xffff, v1;
	_ =	sdelay $0x1  }
0x3b8: {  	s8 =	simm.s32 $0x1  }
0x3b9: {  	v1 =	vmov s8  }
0x3ba: {  	v1 =	vand.u32 $0xFFFFFFFD, v1  }
0x3bb: {  	v1 =	vbroadcast v1, $0x0;
	_ =	sdelay $0x4  }
0x3bc: {  	v2, _, _ =	vpop (xrf2)  }
0x3bd: {  	[tilespmem:v1+s20+$0x0] =	vst.idx.msk vm0, v2  }
0x3be: {  	v1 =	vld [tilespmem:s24+$0x50]  }
0x3bf: {  	v2 =	vld [tilespmem:s25+$0x40]  }
0x3c0: {  	v3 =	vld [tilespmem:s25+$0x50]  }
0x3c1: {  	v48 =	vld [tilespmem:s24+$0x40]  }
0x3c2: {  	v49 =	vld [tilespmem:s25+$0x30]  }
0x3c3: {  	v50 =	vld [tilespmem:s24+$0x20]  }
0x3c4: {  	v51 =	vld [tilespmem:s24+$0x30]  }
0x3c5: {  	v52 =	vld [tilespmem:s25+$0x0]  }
0x3c6: {  	v53 =	vld [tilespmem:s24+$0x0]  }
0x3c7: {  	v54 =	vld [tilespmem:s25+$0x20]  }
0x3c8: {  	v55 =	vld [tilespmem:s25+$0x10]  }
0x3c9: {  	v56 =	vld [tilespmem:s24+$0x10]  }
0x3ca: {  	v57 =	vld [tilespmem:s24+$0x70]  }
0x3cb: {  	v58 =	vld [tilespmem:s25+$0x70]  }
0x3cc: {  	v59 =	vld [tilespmem:s24+$0x60]  }
0x3cd: {  	v60 =	vld [tilespmem:s25+$0x60];
	v8 =	vmul.f32 v53, v52;
	v6 =	vmul.f32 v50, v54  }
0x3ce: {  	v5 =	vmul.f32 v51, v49;
	v61 =	vmul.f32 v56, v55  }
0x3cf: {  	v2 =	vmul.f32 v48, v2  }
0x3d0: {  	v1 =	vmul.f32 v1, v3;
	v62 =	vadd.f32 v6, v8;
	v3 =	vadd.f32 v5, v61  }
0x3d1: {  	v63 =	vmul.f32 v57, v58  }
0x3d2: {  	v2 =	vadd.f32 v2, v62;
	v1 =	vadd.f32 v1, v3;
	v3 =	vmul.f32 v59, v60;
	_ =	sdelay $0x1  }
0x3d3: {  	v2 =	vadd.f32 v3, v2;
	v1 =	vadd.f32 v63, v1;
	_ =	sdelay $0x1  }
0x3d4: {  	v1 =	vadd.f32 v1, v2;
	_ =	sdelay $0x1  }
0x3d5: {  	(xrf2) =	vadd.scan.msk.f32 $0xffff, v1;
	_ =	sdelay $0x1  }
0x3d6: {  	s31 =	simm.s32 $0x2  }
0x3d7: {  	v1 =	vmov s31  }
0x3d8: {  	v1 =	vand.u32 $0xFFFFFFFE, v1  }
0x3d9: {  	v1 =	vbroadcast v1, $0x0;
	_ =	sdelay $0x4  }
0x3da: {  	v2, _, _ =	vpop (xrf2)  }
0x3db: {  	s17 =	simm.s32 $0x4;
	s21 =	simm.s32 $0x3300;
	s12 =	simm.s32 $0x300;
	[tilespmem:v1+s20+$0x0] =	vst.idx.msk vm0, v2  }
.LBB2_14:
0x3dc: {  	p1 =	sne.s32 s17, $0x1C;
	v1 =	vld [tilespmem:s24+$0xF0];
	s25 =	sadd.s32 $0x200, s25;
	s21 =	sadd.s32 $0x200, s21  }
0x3dd: {  	s8 =	smov.u32 s17;
	s17 =	sadd.s32 $0x4, s17;
	v2 =	vld [tilespmem:s12+$0xF0]  }
0x3de: {  	v3 =	vld [tilespmem:s24+$0xD0]  }
0x3df: {  	v4 =	vld [tilespmem:s12+$0xD0]  }
0x3e0: {  	v5 =	vld [tilespmem:s24+$0xA0]  }
0x3e1: {  	v6 =	vld [tilespmem:s12+$0xA0]  }
0x3e2: {  	v7 =	vld [tilespmem:s24+$0xB0];
	v1 =	vmul.f32 v1, v2  }
0x3e3: {  	v2 =	vld [tilespmem:s12+$0xB0]  }
0x3e4: {  	v8 =	vld [tilespmem:s24+$0x90];
	v3 =	vmul.f32 v3, v4  }
0x3e5: {  	v4 =	vld [tilespmem:s12+$0x90]  }
0x3e6: {  	v9 =	vld [tilespmem:s24+$0x80];
	v5 =	vmul.f32 v5, v6  }
0x3e7: {  	v6 =	vld [tilespmem:s12+$0x80]  }
0x3e8: {  	v2 =	vmul.f32 v7, v2;
	v7 =	vld [tilespmem:s24+$0xC0]  }
0x3e9: {  	v10 =	vld [tilespmem:s12+$0xC0]  }
0x3ea: {  	v4 =	vmul.f32 v8, v4;
	v8 =	vld [tilespmem:s24+$0xE0];
	s24 =	smov.u32 s21  }
0x3eb: {  	v11 =	vld [tilespmem:s12+$0xE0];
	s12 =	smov.u32 s25  }
0x3ec: {  	v6 =	vmul.f32 v9, v6;
	v2 =	vadd.f32 v2, v4;
	_ =	sdelay $0x1  }
0x3ed: {  	v4 =	vadd.f32 v5, v6;
	v5 =	vmul.f32 v7, v10;
	v2 =	vadd.f32 v3, v2;
	_ =	sdelay $0x1  }
0x3ee: {  	v3 =	vadd.f32 v5, v4;
	v4 =	vmul.f32 v8, v11;
	v1 =	vadd.f32 v1, v2;
	_ =	sdelay $0x1  }
0x3ef: {  	v2 =	vadd.f32 v4, v3;
	_ =	sdelay $0x1  }
0x3f0: {  	v1 =	vadd.f32 v1, v2;
	_ =	sdelay $0x1  }
0x3f1: {  	(xrf2) =	vadd.scan.msk.f32 $0xffff, v1;
	_ =	sdelay $0x4  }
0x3f2: {  	s15 =	sadd.s32 $0x3, s4;
	s4 =	smov.u32 s8  }
0x3f3: {  	v1 =	vmov s15;
	_ =	sdelay $0x3  }
0x3f4: {  	v2, _, _ =	vpop (xrf2)  }
0x3f5: {  	[tilespmem:v1+s20+$0x0] =	vst.idx.msk vm0, v2  }
0x3f6: {  	v1 =	vld [tilespmem:s21+$0xFFFFFF70]  }
0x3f7: {  	v2 =	vld [tilespmem:s25+$0xFFFFFF70]  }
0x3f8: {  	v3 =	vld [tilespmem:s21+$0xFFFFFF50]  }
0x3f9: {  	v4 =	vld [tilespmem:s25+$0xFFFFFF50]  }
0x3fa: {  	v5 =	vld [tilespmem:s25+$0xFFFFFF00]  }
0x3fb: {  	v6 =	vld [tilespmem:s21+$0xFFFFFF30]  }
0x3fc: {  	v7 =	vld [tilespmem:s25+$0xFFFFFF30]  }
0x3fd: {  	v8 =	vld [tilespmem:s21+$0xFFFFFF20]  }
0x3fe: {  	v9 =	vld [tilespmem:s25+$0xFFFFFF20];
	v3 =	vmul.f32 v3, v4  }
0x3ff: {  	v4 =	vld [tilespmem:s21+$0xFFFFFF10]  }
0x400: {  	v10 =	vld [tilespmem:s25+$0xFFFFFF10]  }
0x401: {  	v11 =	vld [tilespmem:s21+$0xFFFFFF00];
	v6 =	vmul.f32 v6, v7  }
0x402: {  	v7 =	vld [tilespmem:s21+$0xFFFFFF40]  }
0x403: {  	v8 =	vmul.f32 v8, v9;
	v9 =	vld [tilespmem:s25+$0xFFFFFF40]  }
0x404: {  	v12 =	vld [tilespmem:s21+$0xFFFFFF60]  }
0x405: {  	v4 =	vmul.f32 v4, v10;
	v10 =	vld [tilespmem:s25+$0xFFFFFF60]  }
0x406: {  	v5 =	vmul.f32 v11, v5;
	_ =	sdelay $0x1  }
0x407: {  	v4 =	vadd.f32 v6, v4;
	v5 =	vadd.f32 v8, v5;
	v6 =	vmul.f32 v7, v9  }
0x408: {  	v1 =	vmul.f32 v1, v2  }
0x409: {  	v3 =	vadd.f32 v3, v4;
	v2 =	vadd.f32 v6, v5;
	v4 =	vmul.f32 v12, v10;
	_ =	sdelay $0x1  }
0x40a: {  	v1 =	vadd.f32 v1, v3;
	v2 =	vadd.f32 v4, v2;
	_ =	sdelay $0x1  }
0x40b: {  	v1 =	vadd.f32 v1, v2;
	_ =	sdelay $0x1  }
0x40c: {  	(xrf2) =	vadd.scan.msk.f32 $0xffff, v1;
	_ =	sdelay $0x2  }
0x40d: {  	v1 =	vmov s4  }
0x40e: {  	v1 =	vand.u32 $0xFFFFFFFC, v1  }
0x40f: {  	v1 =	vbroadcast v1, $0x0;
	_ =	sdelay $0x4  }
0x410: {  	v2, _, _ =	vpop (xrf2)  }
0x411: {  	[tilespmem:v1+s20+$0x0] =	vst.idx.msk vm0, v2  }
0x412: {  	v1 =	vld [tilespmem:s25+$0xFFFFFFE0]  }
0x413: {  	v2 =	vld [tilespmem:s25+$0xFFFFFFF0]  }
0x414: {  	v3 =	vld [tilespmem:s21+$0xFFFFFFE0]  }
0x415: {  	v4 =	vld [tilespmem:s25+$0xFFFFFFC0]  }
0x416: {  	v5 =	vld [tilespmem:s21+$0xFFFFFFF0]  }
0x417: {  	v6 =	vld [tilespmem:s21+$0xFFFFFFC0]  }
0x418: {  	v7 =	vld [tilespmem:s25+$0xFFFFFFD0]  }
0x419: {  	v8 =	vld [tilespmem:s21+$0xFFFFFFD0]  }
0x41a: {  	v9 =	vld [tilespmem:s21+$0xFFFFFFB0]  }
0x41b: {  	v10 =	vld [tilespmem:s21+$0xFFFFFF80]  }
0x41c: {  	v11 =	vld [tilespmem:s21+$0xFFFFFFA0]  }
0x41d: {  	v12 =	vld [tilespmem:s25+$0xFFFFFF90]  }
0x41e: {  	v13 =	vld [tilespmem:s25+$0xFFFFFFA0]  }
0x41f: {  	v7 =	vmul.f32 v8, v7;
	v14 =	vld [tilespmem:s25+$0xFFFFFFB0]  }
0x420: {  	v8 =	vld [tilespmem:s21+$0xFFFFFF90]  }
0x421: {  	v15 =	vld [tilespmem:s25+$0xFFFFFF80]  }
0x422: {  	v4 =	vmul.f32 v6, v4  }
0x423: {  	v6 =	vmul.f32 v11, v13  }
0x424: {  	v1 =	vmul.f32 v3, v1;
	v9 =	vmul.f32 v9, v14  }
0x425: {  	v2 =	vmul.f32 v5, v2;
	v3 =	vmul.f32 v8, v12  }
0x426: {  	v5 =	vmul.f32 v10, v15  }
0x427: {  	v3 =	vadd.f32 v9, v3  }
0x428: {  	v5 =	vadd.f32 v6, v5  }
0x429: {  	v3 =	vadd.f32 v7, v3  }
0x42a: {  	v4 =	vadd.f32 v4, v5  }
0x42b: {  	v2 =	vadd.f32 v2, v3  }
0x42c: {  	v1 =	vadd.f32 v1, v4;
	_ =	sdelay $0x1  }
0x42d: {  	v1 =	vadd.f32 v2, v1;
	_ =	sdelay $0x1  }
0x42e: {  	(xrf2) =	vadd.scan.msk.f32 $0xffff, v1;
	_ =	sdelay $0x1  }
0x42f: {  	s8 =	sadd.s32 $0x1, s4  }
0x430: {  	v1 =	vmov s8  }
0x431: {  	v1 =	vand.u32 $0xFFFFFFFD, v1  }
0x432: {  	v1 =	vbroadcast v1, $0x0;
	_ =	sdelay $0x4  }
0x433: {  	v2, _, _ =	vpop (xrf2)  }
0x434: {  	[tilespmem:v1+s20+$0x0] =	vst.idx.msk vm0, v2  }
0x435: {  	v1 =	vld [tilespmem:s21+$0x50]  }
0x436: {  	v2 =	vld [tilespmem:s25+$0x40]  }
0x437: {  	v3 =	vld [tilespmem:s25+$0x50]  }
0x438: {  	v4 =	vld [tilespmem:s21+$0x40]  }
0x439: {  	v5 =	vld [tilespmem:s25+$0x30]  }
0x43a: {  	v6 =	vld [tilespmem:s21+$0x20]  }
0x43b: {  	v7 =	vld [tilespmem:s21+$0x30]  }
0x43c: {  	v8 =	vld [tilespmem:s25+$0x0]  }
0x43d: {  	v9 =	vld [tilespmem:s21+$0x0]  }
0x43e: {  	v10 =	vld [tilespmem:s25+$0x20]  }
0x43f: {  	v11 =	vld [tilespmem:s25+$0x10]  }
0x440: {  	v12 =	vld [tilespmem:s21+$0x10]  }
0x441: {  	v1 =	vmul.f32 v1, v3;
	v3 =	vld [tilespmem:s21+$0x70]  }
0x442: {  	v8 =	vmul.f32 v9, v8;
	v9 =	vld [tilespmem:s25+$0x70]  }
0x443: {  	v2 =	vmul.f32 v4, v2;
	v6 =	vmul.f32 v6, v10;
	v4 =	vld [tilespmem:s21+$0x60]  }
0x444: {  	v5 =	vmul.f32 v7, v5;
	v7 =	vld [tilespmem:s25+$0x60]  }
0x445: {  	v10 =	vmul.f32 v12, v11;
	v6 =	vadd.f32 v6, v8;
	_ =	sdelay $0x1  }
0x446: {  	v5 =	vadd.f32 v5, v10;
	v2 =	vadd.f32 v2, v6;
	v3 =	vmul.f32 v3, v9;
	_ =	sdelay $0x1  }
0x447: {  	v1 =	vadd.f32 v1, v5;
	v4 =	vmul.f32 v4, v7;
	_ =	sdelay $0x1  }
0x448: {  	v2 =	vadd.f32 v4, v2;
	v1 =	vadd.f32 v3, v1;
	_ =	sdelay $0x1  }
0x449: {  	v1 =	vadd.f32 v1, v2;
	_ =	sdelay $0x1  }
0x44a: {  	(xrf2) =	vadd.scan.msk.f32 $0xffff, v1;
	_ =	sdelay $0x1  }
0x44b: {  	s8 =	sadd.s32 $0x2, s4  }
0x44c: {  	v1 =	vmov s8  }
0x44d: {  	v1 =	vand.u32 $0xFFFFFFFE, v1  }
0x44e: {  	v1 =	vbroadcast v1, $0x0;
	_ =	sdelay $0x1  }
.Ltmp10:
0x44f: {  	(pc) =	sbr.rel @p1 .LBB2_14-.Ltmp10, $3  }
0x450: {  	_ =	sdelay $0x1  }
0x451: {  	v2, _, _ =	vpop (xrf2)  }
0x452: {  	[tilespmem:v1+s20+$0x0] =	vst.idx.msk vm0, v2  }
0x453: {  	v1 =	vld [tilespmem:s24+$0xF0]  }
0x454: {  	v2 =	vld [tilespmem:s12+$0xF0]  }
0x455: {  	v3 =	vld [tilespmem:s24+$0xD0]  }
0x456: {  	v4 =	vld [tilespmem:s12+$0xD0]  }
0x457: {  	v5 =	vld [tilespmem:s24+$0xA0]  }
0x458: {  	v6 =	vld [tilespmem:s12+$0xA0]  }
0x459: {  	v7 =	vld [tilespmem:s24+$0xB0]  }
0x45a: {  	v8 =	vld [tilespmem:s12+$0xB0]  }
0x45b: {  	v9 =	vld [tilespmem:s24+$0x90]  }
0x45c: {  	v10 =	vld [tilespmem:s12+$0x90]  }
0x45d: {  	v11 =	vld [tilespmem:s24+$0x80]  }
0x45e: {  	v12 =	vld [tilespmem:s12+$0x80]  }
0x45f: {  	v13 =	vld [tilespmem:s24+$0xC0]  }
0x460: {  	v14 =	vld [tilespmem:s12+$0xC0]  }
0x461: {  	v15 =	vld [tilespmem:s24+$0xE0]  }
0x462: {  	v38 =	vld [tilespmem:s12+$0xE0];
	v5 =	vmul.f32 v5, v6;
	v37 =	vmul.f32 v7, v8  }
0x463: {  	v39 =	vmul.f32 v9, v10;
	v40 =	vmul.f32 v11, v12  }
0x464: {  	v3 =	vmul.f32 v3, v4  }
0x465: {  	v42 =	vmul.f32 v13, v14;
	v41 =	vadd.f32 v37, v39;
	v5 =	vadd.f32 v5, v40  }
0x466: {  	v1 =	vmul.f32 v1, v2  }
0x467: {  	v43 =	vmul.f32 v15, v38;
	v2 =	vadd.f32 v3, v41;
	v3 =	vadd.f32 v42, v5;
	_ =	sdelay $0x1  }
0x468: {  	v1 =	vadd.f32 v1, v2;
	v2 =	vadd.f32 v43, v3;
	_ =	sdelay $0x1  }
0x469: {  	v1 =	vadd.f32 v1, v2;
	_ =	sdelay $0x1  }
0x46a: {  	(xrf2) =	vadd.scan.msk.f32 $0xffff, v1;
	_ =	sdelay $0x4  }
0x46b: {  	s4 =	sadd.s32 $0x3, s4  }
0x46c: {  	v1 =	vmov s4;
	_ =	sdelay $0x3  }
0x46d: {  	v2, _, _ =	vpop (xrf2)  }
0x46e: {  	[tilespmem:v1+s20+$0x0] =	vst.idx.msk vm0, v2  }
0x46f: {  	v1 =	vld [tilespmem:$0x6200]  }
0x470: {  	v2 =	vld [tilespmem:$0x6220];
	_ =	sdelay $0x1  }
0x471: {  	v3 =	vld [tilespmem:$0x6240];
	_ =	sdelay $0x2  }
0x472: {  	v46 =	vld [tilespmem:$0x6210];
	v44 =	vmul.f32 v1, v1;
	v45 =	vmul.f32 v2, v2  }
0x473: {  	v48 =	vld [tilespmem:$0x6230]  }
0x474: {  	v47 =	vmul.f32 v3, v3;
	v4 =	vadd.f32 v45, v44  }
0x475: {  	v49 =	vld [tilespmem:$0x6250]  }
0x476: {  	v4 =	vadd.f32 v47, v4  }
0x477: {  	v51 =	vmul.f32 v46, v46  }
0x478: {  	v52 =	vmul.f32 v48, v48;
	v50 =	vmul.f32 $5.000000000e-01, v4;
	v4 =	vshra.s32 v4, $0x1  }
0x479: {  	v4 =	vsub.s32 $0x5F3759DF, v4  }
0x47a: {  	v54 =	vmul.f32 v49, v49;
	v9 =	vadd.f32 v52, v51;
	v53 =	vmul.f32 v4, v50;
	_ =	sdelay $0x1  }
0x47b: {  	v9 =	vadd.f32 v54, v9;
	v11 =	vmul.f32 v4, v53;
	_ =	sdelay $0x1  }
0x47c: {  	v56 =	vshra.s32 v9, $0x1;
	v9 =	vmul.f32 $5.000000000e-01, v9;
	v55 =	vsub.f32 $1.500000000e+00, v11  }
0x47d: {  	v11 =	vsub.s32 $0x5F3759DF, v56  }
0x47e: {  	v57 =	vmul.f32 v11, v9;
	v4 =	vmul.f32 v4, v55;
	_ =	sdelay $0x1  }
0x47f: {  	v10 =	vmul.f32 v11, v57;
	v58 =	vmul.f32 v4, v50;
	_ =	sdelay $0x1  }
0x480: {  	v10 =	vsub.f32 $1.500000000e+00, v10;
	v12 =	vmul.f32 v58, v4;
	_ =	sdelay $0x1  }
0x481: {  	v10 =	vmul.f32 v11, v10;
	v12 =	vsub.f32 $1.500000000e+00, v12;
	_ =	sdelay $0x1  }
0x482: {  	v11 =	vmul.f32 v10, v9;
	v4 =	vmul.f32 v12, v4;
	_ =	sdelay $0x1  }
0x483: {  	v11 =	vmul.f32 v11, v10;
	v8 =	vmul.f32 v4, v50;
	_ =	sdelay $0x1  }
0x484: {  	v11 =	vsub.f32 $1.500000000e+00, v11;
	v8 =	vmul.f32 v8, v4  }
0x485: {  	v59 =	vld [tilespmem:$0x6E00]  }
0x486: {  	v10 =	vmul.f32 v11, v10;
	v8 =	vsub.f32 $1.500000000e+00, v8;
	_ =	sdelay $0x1  }
0x487: {  	v62 =	vld [tilespmem:$0x0];
	v60 =	vmul.f32 v10, v9;
	v4 =	vmul.f32 v8, v4;
	_ =	sdelay $0x1  }
0x488: {  	v63 =	vld [tilespmem:$0x10];
	v8 =	vmul.f32 v60, v10;
	v4 =	vmul.f32 v4, v59  }
0x489: {  	v61 =	vld [tilespmem:$0x6E10]  }
0x48a: {  	v8 =	vsub.f32 $1.500000000e+00, v8;
	v1 =	vmul.f32 v4, v1  }
0x48b: {  	[tilespmem:$0x6600] =	vst v62  }
0x48c: {  	[tilespmem:$0x6400] =	vst v1;
	v1 =	vmul.f32 v4, v3;
	v3 =	vmul.f32 v8, v10  }
0x48d: {  	[tilespmem:$0x6610] =	vst v63;
	v2 =	vmul.f32 v4, v2  }
0x48e: {  	[tilespmem:$0x6440] =	vst v1;
	v1 =	vmul.f32 v3, v61  }
0x48f: {  	[tilespmem:$0x6420] =	vst v2;
	v2 =	vadd.s32 $0x2780, v62  }
0x490: {  	[tilespmem:$0x6680] =	vst v2;
	v2 =	vadd.s32 $0x4F00, v62;
	v3 =	vmul.f32 v1, v46  }
0x491: {  	[tilespmem:$0x6700] =	vst v2;
	v2 =	vmul.f32 v1, v48  }
0x492: {  	v1 =	vmul.f32 v1, v49;
	[tilespmem:$0x6410] =	vst v3  }
0x493: {  	[tilespmem:$0x6430] =	vst v2  }
0x494: {  	[tilespmem:$0x6450] =	vst v1;
	v1 =	vadd.s32 $0x2780, v63  }
0x495: {  	[tilespmem:$0x6690] =	vst v1;
	v1 =	vadd.s32 $0x4F00, v63  }
0x496: {  	s15 =	simm.s32 $0x0;
	s8 =	simm.s32 $0x200;
	[tilespmem:$0x6710] =	vst v1  }
0x497: {  	[spmem:s5] =	stream.indirect.scatter.add.f32 [tilespmem:s8], [sflag:$0xA], $0x80, s15, s23, $0xb8;
	[tilespmem:$0x1B480] =	vst v63  }
0x498: {  	s17 =	simm.s32 $0x6600;
	s21 =	simm.s32 $0x6400  }
0x499: {  	[spmem:s6] =	stream.indirect.scatter.add.f32 [tilespmem:s21], [sflag:$0xA], $0x1, s17, s23, $0xb8;
	[tilespmem:$0x1B480] =	vst v63  }
.Ltmp11:
0x49a: {  	_ = 	snop;
	(pc) =	sbr.rel .LBB2_16-.Ltmp11, $4  }
0x49b: {  	s24 =	simm.s32 $0x6680;
	s25 =	simm.s32 $0x6420  }
0x49c: {  	[spmem:s6] =	stream.indirect.scatter.add.f32 [tilespmem:s25], [sflag:$0xA], $0x1, s24, s23, $0xb8;
	[tilespmem:$0x1B480] =	vst v63  }
0x49d: {  	s26 =	simm.s32 $0x6700;
	s31 =	simm.s32 $0x6440  }
0x49e: {  	[spmem:s6] =	stream.indirect.scatter.add.f32 [tilespmem:s31], [sflag:$0xA], $0x1, s26, s23, $0xb8;
	[tilespmem:$0x1B480] =	vst v63  }
.LBB2_18:
0x49f: {  	_ =	sfence.sel $0x180000  }
0x4a0: {  	[bflag:$0x0] =	sbarrier.arrive $0xFFFF  }
0x4a1: {  	_ =	strace $0x90000047  }
0x4a2: {  	s0 =	stileid.u32;
	[bflag:$0x2] =	sbarrier.arrive $0xFFFF  }
0x4a3: {  	p0 =	sne.s32 s0, $0x0;
	s0 =	rddreg [dreg:$0x6]  }
0x4a4: {  	s0 =	sadd.s32 @!p0 $0x100000, s0  }
0x4a5: {  	[sflag:s0] =	ssyncadd.tile.s32 @!p0 $0x1;
	_ =	shalt  }
.Lfunc_end2:
_tile_overlayer_lowered:
.L_overlay_start_2:
0x4a6: {  	(tag) =	ssettag $0x2  }
0x4a7: {  	s0 =	rddreg [dreg:$0x0];
	s2 =	stileid.u32  }
0x4a8: {  	s1 =	rddreg [dreg:$0x1];
	p0 =	sne.s32 s2, $0x0  }
0x4a9: {  	s3 =	rddreg [dreg:$0x2];
	[bflag:$0x3] =	sbarrier.arrive $0xFFFF;
	s2 =	simm.s32 @!p0 $0x1C0D  }
0x4aa: {  	[timem:s3], [sflag:s2] =	dma.local @!p0 [hbm:s0], s1  }
0x4ab: {  	s0 =	simm.s32 @!p0 $0xD  }
0x4ac: {  	_ =	swait.ge @!p0 [sflag:s0], s1  }
0x4ad: {  	s1 =	ssub.s32 @!p0 $0x0, s1;
	[sflag:s0] =	ssyncset.done @!p0 $0x0  }
0x4ae: {  	[sflag:s0] =	ssyncadd.s32 @!p0 s1  }
0x4af: {  	[bflag:$0x3] =	sbarrier.arrive $0xFFFF  }
0x4b0: {  	_ =	shalt  }

</sc_bundles>
